<compile_context>
chip_gen: v7x
topology: tpu7x:2x2x1
jax: 0.10.2.dev20260603
libtpu: 0.0.44.dev20260713+nightly
codegen_flags: <defaults>
</compile_context>

<pallas_src>
import functools

import jax
import jax.numpy as jnp
from jax import lax
from jax.experimental import pallas as pl
from jax.experimental.pallas import tpu as pltpu
from jax.experimental.pallas import tpu_sc as plsc

_N = 10000
_D = 128
_F = 4
_G = 128
_C = 10
_BM = 256
_NBLK = 40

_NW = 32
_NP = 10240
_CHUNK = _NP // _NW
_NVEC = _CHUNK // 16
_GP = 136
_BUF = _F * _GP


def _stream(filtre_ref, x_ref, w_ref, b_ref, h_ref, y_scr):
    i = pl.program_id(0)

    @pl.when(i == 0)
    def _init():
        y_scr[...] = jnp.dot(x_ref[...], w_ref[...],
                             preferred_element_type=jnp.float32
                             ).astype(jnp.bfloat16)

    fblk = filtre_ref[...].astype(jnp.bfloat16)
    h = jnp.dot(fblk, y_scr[...],
                preferred_element_type=jnp.float32)
    h = jnp.maximum(h + b_ref[...], 0.0)
    h_ref[...] = h.T


def _lane_shuffle(x, src):
    dnums = lax.GatherDimensionNumbers(
        offset_dims=(), collapsed_slice_dims=(0,), start_index_map=(0,))
    return lax.gather(x, src[:, None], dnums, slice_sizes=(1,),
                      mode=lax.GatherScatterMode.PROMISE_IN_BOUNDS)


_TAILW = _NW - 1
_TAILROWS = _N - _TAILW * _CHUNK
_TAILVEC = _TAILROWS // 16


def _sc_pool(h_hbm, ind_hbm, out_hbm, h_v, ind_v, buf_v, sem0, sem1):
    wid = lax.axis_index("s") * 2 + lax.axis_index("c")
    base = wid * _CHUNK

    zero16 = jnp.zeros((16,), jnp.float32)
    for j in range(_BUF // 16):
        buf_v[pl.ds(j * 16, 16)] = zero16

    lane = lax.iota(jnp.int32, 16)
    nxt = jnp.minimum(lane + 1, 15)
    shift_src = [jnp.maximum(lane - st, 0) for st in (1, 2, 4, 8)]

    def run(nvec):
        for j in range(nvec):
            idx = ind_v[pl.ds(j * 16, 16)]
            conds = [idx == _lane_shuffle(idx, s) for s in shift_src]
            idx_n = _lane_shuffle(idx, nxt)
            last = (idx != idx_n) | (lane == 15)
            for f in range(_F):
                v = h_v[pl.ds(f * _CHUNK + j * 16, 16)]
                for s, cond in zip(shift_src, conds):
                    v_s = _lane_shuffle(v, s)
                    v = jnp.where(cond, jnp.maximum(v, v_s), v)
                flat = idx + f * _GP
                old = plsc.load_gather(buf_v, [flat], mask=last)
                merged = jnp.maximum(v, old)
                plsc.store_scatter(buf_v, [flat], merged, mask=last)

    @pl.when(wid < _TAILW)
    def _full():
        c0 = pltpu.async_copy(ind_hbm.at[pl.ds(base, _CHUNK)], ind_v, sem0)
        hc = [pltpu.async_copy(h_hbm.at[pl.ds(f * _NP + base, _CHUNK)],
                               h_v.at[pl.ds(f * _CHUNK, _CHUNK)], sem1)
              for f in range(_F)]
        c0.wait()
        for c in hc:
            c.wait()
        run(_NVEC)

    @pl.when(wid == _TAILW)
    def _tail():
        tbase = _TAILW * _CHUNK
        c0 = pltpu.async_copy(ind_hbm.at[pl.ds(tbase, _TAILROWS)],
                              ind_v.at[pl.ds(0, _TAILROWS)], sem0)
        hc = [pltpu.async_copy(h_hbm.at[pl.ds(f * _NP + tbase, _TAILROWS)],
                               h_v.at[pl.ds(f * _CHUNK, _TAILROWS)], sem1)
              for f in range(_F)]
        c0.wait()
        for c in hc:
            c.wait()
        run(_TAILVEC)

    pltpu.sync_copy(buf_v, out_hbm.at[wid])


def _finalize(part_ref, wc_ref, bc_ref, out_ref):
    red = jnp.max(part_ref[...], axis=0, keepdims=True)
    pooled = jnp.concatenate(
        [red[:, f * _GP:f * _GP + _G] for f in range(_F)], axis=0)
    logits = jax.lax.dot_general(
        pooled, wc_ref[...], (((0,), (0,)), ((), ())),
        preferred_element_type=jnp.float32) + bc_ref[...]
    m = jnp.max(logits, axis=1, keepdims=True)
    e = jnp.exp(logits - m)
    out_ref[...] = e / jnp.sum(e, axis=1, keepdims=True)


def kernel(filtre, X, node_indicator, W, b, Wc, bc):
    b2d = b.reshape(1, _F)
    bc2d = bc.reshape(1, _C)

    h = pl.pallas_call(
        _stream,
        grid=(_NBLK,),
        in_specs=[
            pl.BlockSpec((_BM, _N), lambda i: (i, 0)),
            pl.BlockSpec((_N, _D), lambda i: (0, 0)),
            pl.BlockSpec((_D, _F), lambda i: (0, 0)),
            pl.BlockSpec((1, _F), lambda i: (0, 0)),
        ],
        out_specs=pl.BlockSpec((_F, _BM), lambda i: (0, i)),
        out_shape=jax.ShapeDtypeStruct((_F, _NP), jnp.float32),
        scratch_shapes=[pltpu.VMEM((_N, _F), jnp.bfloat16)],
        compiler_params=pltpu.CompilerParams(
            dimension_semantics=("arbitrary",),
            vmem_limit_bytes=100 * 1024 * 1024,
        ),
    )(filtre, X, W, b2d)

    h_flat = h.reshape(_F * _NP)
    ind32 = node_indicator.astype(jnp.int32)

    sc_pool = functools.partial(
        pl.kernel,
        mesh=plsc.VectorSubcoreMesh(core_axis_name="c", subcore_axis_name="s"),
        out_type=jax.ShapeDtypeStruct((_NW, _BUF), jnp.float32),
        scratch_types=[
            pltpu.VMEM((_F * _CHUNK,), jnp.float32),
            pltpu.VMEM((_CHUNK,), jnp.int32),
            pltpu.VMEM((_BUF,), jnp.float32),
            pltpu.SemaphoreType.DMA,
            pltpu.SemaphoreType.DMA,
        ],
        compiler_params=pltpu.CompilerParams(needs_layout_passes=False),
    )(_sc_pool)
    part = sc_pool(h_flat, ind32)

    return pl.pallas_call(
        _finalize,
        in_specs=[
            pl.BlockSpec((_NW, _BUF), lambda: (0, 0)),
            pl.BlockSpec((_F, _C), lambda: (0, 0)),
            pl.BlockSpec((1, _C), lambda: (0, 0)),
        ],
        out_specs=pl.BlockSpec((_G, _C), lambda: (0, 0)),
        out_shape=jax.ShapeDtypeStruct((_G, _C), jnp.float32),
    )(part, Wc, bc2d)

# --- scband reference (transcript-rebuilt; emitter-appended) ---
"""Pipeline reference for scband-gcnmax-pool-36163624633101 (READ-ONLY COPY).

The authoritative reference and input builder live on the scoring server;
editing this copy changes nothing except your own understanding.
"""

import jax, jax.numpy as jnp
import numpy as np

N = 10000
D = 128
F = 4
G = 128
C = 10

def setup_inputs(seed: int = 0) -> dict:
    key = jax.random.key(seed)
    k1, k2, k3, k4, k5, k6 = jax.random.split(key, 6)
    filtre = jax.random.uniform(k1, (N, N), dtype=jnp.float32)
    X = jax.random.normal(k2, (N, D), dtype=jnp.float32)
    node_indicator = jnp.sort(jax.random.randint(k3, (N,), 0, G))
    # GCN layer params (features=4)
    W = jax.random.normal(k4, (D, F), dtype=jnp.float32) * 0.1
    b = jnp.zeros((F,), dtype=jnp.float32)
    # classifier Dense(num_classes, softmax)
    Wc = jax.random.normal(k5, (F, C), dtype=jnp.float32) * 0.1
    bc = jnp.zeros((C,), dtype=jnp.float32)
    return {"filtre": filtre, "X": X, "node_indicator": node_indicator,
            "W": W, "b": b, "Wc": Wc, "bc": bc}

def reference(filtre, X, node_indicator, W, b, Wc, bc):
    # GCN: graph filter aggregation then linear projection + ReLU
    # (dropout is inference-mode no-op)
    h = filtre @ (X @ W) + b
    h = jnp.maximum(h, 0.0)
    # SimplePool(mode='max'): segment max over nodes grouped by graph id
    pooled = jax.ops.segment_max(h, node_indicator, num_segments=G)
    pooled = jnp.where(jnp.isfinite(pooled), pooled, 0.0)
    # classifier: Dense(num_classes, activation='softmax')
    logits = pooled @ Wc + bc
    return jax.nn.softmax(logits, axis=-1)

if __name__ == "__main__":
    import jax
    _d = setup_inputs()
    print(jax.jit(kernel)(*tuple(_d.values())))

</pallas_src>

<mosaic_0001>
#map = affine_map<(d0, d1) -> (0)>
#map1 = affine_map<(d0, d1) -> (0, 0)>
module attributes {stable_mosaic.version = 14 : i64} {
  func.func @_sc_pool(%arg0: i32, %arg1: i32, %arg2: memref<40960xf32, #tpu.memory_space<hbm>>, %arg3: memref<10000xi32, #tpu.memory_space<hbm>>, %arg4: memref<32x544xf32, #tpu.memory_space<hbm>>, %arg5: memref<1280xf32, #tpu.memory_space<vmem>>, %arg6: memref<320xi32, #tpu.memory_space<vmem>>, %arg7: memref<544xf32, #tpu.memory_space<vmem>>, %arg8: memref<!tpu.dma_semaphore, #tpu.memory_space<semaphore_mem>>, %arg9: memref<!tpu.dma_semaphore, #tpu.memory_space<semaphore_mem>>) attributes {dimension_semantics = [#tpu.dimension_semantics<core_parallel>, #tpu.dimension_semantics<subcore_parallel>], iteration_bounds = array<i64: 2, 16>, scalar_prefetch = 0 : i64, scratch_operands = 5 : i64, tpu.core_type = #tpu.core_type<sc_vector_subcore>, window_params = [{transform_indices = #map}, {transform_indices = #map}, {transform_indices = #map1}]} {
    %mul3A = arith.constant 2 : i32
    %mul3A_0 = arith.muli %arg1, %mul3A : i32
    %add3A = arith.addi %mul3A_0, %arg0 : i32
    %mul3A_1 = arith.constant 320 : i32
    %mul3A_2 = arith.muli %add3A, %mul3A_1 : i32
    %broadcast_in_dim3A = arith.constant 0.000000e+00 : f32
    %broadcast_in_dim3A_3 = vector.broadcast %broadcast_in_dim3A : f32 to vector<16xf32>
    %swap3A = arith.constant 0 : index
    %swap3A_4 = tpu.vector_load %arg7[%swap3A] {strides = array<i32>} : memref<544xf32, #tpu.memory_space<vmem>>, vector<16xf32>,
    tpu.vector_store %arg7[%swap3A], %broadcast_in_dim3A_3 {strides = array<i32>} : memref<544xf32, #tpu.memory_space<vmem>>, vector<16xf32>,
    %swap3A_5 = arith.constant 16 : index
    %swap3A_6 = tpu.vector_load %arg7[%swap3A_5] {strides = array<i32>} : memref<544xf32, #tpu.memory_space<vmem>>, vector<16xf32>,
    tpu.vector_store %arg7[%swap3A_5], %broadcast_in_dim3A_3 {strides = array<i32>} : memref<544xf32, #tpu.memory_space<vmem>>, vector<16xf32>,
    %swap3A_7 = arith.constant 32 : index
    %swap3A_8 = tpu.vector_load %arg7[%swap3A_7] {strides = array<i32>} : memref<544xf32, #tpu.memory_space<vmem>>, vector<16xf32>,
    tpu.vector_store %arg7[%swap3A_7], %broadcast_in_dim3A_3 {strides = array<i32>} : memref<544xf32, #tpu.memory_space<vmem>>, vector<16xf32>,
    %swap3A_9 = arith.constant 48 : index
    %swap3A_10 = tpu.vector_load %arg7[%swap3A_9] {strides = array<i32>} : memref<544xf32, #tpu.memory_space<vmem>>, vector<16xf32>,
    tpu.vector_store %arg7[%swap3A_9], %broadcast_in_dim3A_3 {strides = array<i32>} : memref<544xf32, #tpu.memory_space<vmem>>, vector<16xf32>,
    %swap3A_11 = arith.constant 64 : index
    %swap3A_12 = tpu.vector_load %arg7[%swap3A_11] {strides = array<i32>} : memref<544xf32, #tpu.memory_space<vmem>>, vector<16xf32>,
    tpu.vector_store %arg7[%swap3A_11], %broadcast_in_dim3A_3 {strides = array<i32>} : memref<544xf32, #tpu.memory_space<vmem>>, vector<16xf32>,
    %swap3A_13 = arith.constant 80 : index
    %swap3A_14 = tpu.vector_load %arg7[%swap3A_13] {strides = array<i32>} : memref<544xf32, #tpu.memory_space<vmem>>, vector<16xf32>,
    tpu.vector_store %arg7[%swap3A_13], %broadcast_in_dim3A_3 {strides = array<i32>} : memref<544xf32, #tpu.memory_space<vmem>>, vector<16xf32>,
    %swap3A_15 = arith.constant 96 : index
    %swap3A_16 = tpu.vector_load %arg7[%swap3A_15] {strides = array<i32>} : memref<544xf32, #tpu.memory_space<vmem>>, vector<16xf32>,
    tpu.vector_store %arg7[%swap3A_15], %broadcast_in_dim3A_3 {strides = array<i32>} : memref<544xf32, #tpu.memory_space<vmem>>, vector<16xf32>,
    %swap3A_17 = arith.constant 112 : index
    %swap3A_18 = tpu.vector_load %arg7[%swap3A_17] {strides = array<i32>} : memref<544xf32, #tpu.memory_space<vmem>>, vector<16xf32>,
    tpu.vector_store %arg7[%swap3A_17], %broadcast_in_dim3A_3 {strides = array<i32>} : memref<544xf32, #tpu.memory_space<vmem>>, vector<16xf32>,
    %swap3A_19 = arith.constant 128 : index
    %swap3A_20 = tpu.vector_load %arg7[%swap3A_19] {strides = array<i32>} : memref<544xf32, #tpu.memory_space<vmem>>, vector<16xf32>,
    tpu.vector_store %arg7[%swap3A_19], %broadcast_in_dim3A_3 {strides = array<i32>} : memref<544xf32, #tpu.memory_space<vmem>>, vector<16xf32>,
    %swap3A_21 = arith.constant 144 : index
    %swap3A_22 = tpu.vector_load %arg7[%swap3A_21] {strides = array<i32>} : memref<544xf32, #tpu.memory_space<vmem>>, vector<16xf32>,
    tpu.vector_store %arg7[%swap3A_21], %broadcast_in_dim3A_3 {strides = array<i32>} : memref<544xf32, #tpu.memory_space<vmem>>, vector<16xf32>,
    %swap3A_23 = arith.constant 160 : index
    %swap3A_24 = tpu.vector_load %arg7[%swap3A_23] {strides = array<i32>} : memref<544xf32, #tpu.memory_space<vmem>>, vector<16xf32>,
    tpu.vector_store %arg7[%swap3A_23], %broadcast_in_dim3A_3 {strides = array<i32>} : memref<544xf32, #tpu.memory_space<vmem>>, vector<16xf32>,
    %swap3A_25 = arith.constant 176 : index
    %swap3A_26 = tpu.vector_load %arg7[%swap3A_25] {strides = array<i32>} : memref<544xf32, #tpu.memory_space<vmem>>, vector<16xf32>,
    tpu.vector_store %arg7[%swap3A_25], %broadcast_in_dim3A_3 {strides = array<i32>} : memref<544xf32, #tpu.memory_space<vmem>>, vector<16xf32>,
    %swap3A_27 = arith.constant 192 : index
    %swap3A_28 = tpu.vector_load %arg7[%swap3A_27] {strides = array<i32>} : memref<544xf32, #tpu.memory_space<vmem>>, vector<16xf32>,
    tpu.vector_store %arg7[%swap3A_27], %broadcast_in_dim3A_3 {strides = array<i32>} : memref<544xf32, #tpu.memory_space<vmem>>, vector<16xf32>,
    %swap3A_29 = arith.constant 208 : index
    %swap3A_30 = tpu.vector_load %arg7[%swap3A_29] {strides = array<i32>} : memref<544xf32, #tpu.memory_space<vmem>>, vector<16xf32>,
    tpu.vector_store %arg7[%swap3A_29], %broadcast_in_dim3A_3 {strides = array<i32>} : memref<544xf32, #tpu.memory_space<vmem>>, vector<16xf32>,
    %swap3A_31 = arith.constant 224 : index
    %swap3A_32 = tpu.vector_load %arg7[%swap3A_31] {strides = array<i32>} : memref<544xf32, #tpu.memory_space<vmem>>, vector<16xf32>,
    tpu.vector_store %arg7[%swap3A_31], %broadcast_in_dim3A_3 {strides = array<i32>} : memref<544xf32, #tpu.memory_space<vmem>>, vector<16xf32>,
    %swap3A_33 = arith.constant 240 : index
    %swap3A_34 = tpu.vector_load %arg7[%swap3A_33] {strides = array<i32>} : memref<544xf32, #tpu.memory_space<vmem>>, vector<16xf32>,
    tpu.vector_store %arg7[%swap3A_33], %broadcast_in_dim3A_3 {strides = array<i32>} : memref<544xf32, #tpu.memory_space<vmem>>, vector<16xf32>,
    %swap3A_35 = arith.constant 256 : index
    %swap3A_36 = tpu.vector_load %arg7[%swap3A_35] {strides = array<i32>} : memref<544xf32, #tpu.memory_space<vmem>>, vector<16xf32>,
    tpu.vector_store %arg7[%swap3A_35], %broadcast_in_dim3A_3 {strides = array<i32>} : memref<544xf32, #tpu.memory_space<vmem>>, vector<16xf32>,
    %swap3A_37 = arith.constant 272 : index
    %swap3A_38 = tpu.vector_load %arg7[%swap3A_37] {strides = array<i32>} : memref<544xf32, #tpu.memory_space<vmem>>, vector<16xf32>,
    tpu.vector_store %arg7[%swap3A_37], %broadcast_in_dim3A_3 {strides = array<i32>} : memref<544xf32, #tpu.memory_space<vmem>>, vector<16xf32>,
    %swap3A_39 = arith.constant 288 : index
    %swap3A_40 = tpu.vector_load %arg7[%swap3A_39] {strides = array<i32>} : memref<544xf32, #tpu.memory_space<vmem>>, vector<16xf32>,
    tpu.vector_store %arg7[%swap3A_39], %broadcast_in_dim3A_3 {strides = array<i32>} : memref<544xf32, #tpu.memory_space<vmem>>, vector<16xf32>,
    %swap3A_41 = arith.constant 304 : index
    %swap3A_42 = tpu.vector_load %arg7[%swap3A_41] {strides = array<i32>} : memref<544xf32, #tpu.memory_space<vmem>>, vector<16xf32>,
    tpu.vector_store %arg7[%swap3A_41], %broadcast_in_dim3A_3 {strides = array<i32>} : memref<544xf32, #tpu.memory_space<vmem>>, vector<16xf32>,
    %swap3A_43 = arith.constant 320 : index
    %swap3A_44 = tpu.vector_load %arg7[%swap3A_43] {strides = array<i32>} : memref<544xf32, #tpu.memory_space<vmem>>, vector<16xf32>,
    tpu.vector_store %arg7[%swap3A_43], %broadcast_in_dim3A_3 {strides = array<i32>} : memref<544xf32, #tpu.memory_space<vmem>>, vector<16xf32>,
    %swap3A_45 = arith.constant 336 : index
    %swap3A_46 = tpu.vector_load %arg7[%swap3A_45] {strides = array<i32>} : memref<544xf32, #tpu.memory_space<vmem>>, vector<16xf32>,
    tpu.vector_store %arg7[%swap3A_45], %broadcast_in_dim3A_3 {strides = array<i32>} : memref<544xf32, #tpu.memory_space<vmem>>, vector<16xf32>,
    %swap3A_47 = arith.constant 352 : index
    %swap3A_48 = tpu.vector_load %arg7[%swap3A_47] {strides = array<i32>} : memref<544xf32, #tpu.memory_space<vmem>>, vector<16xf32>,
    tpu.vector_store %arg7[%swap3A_47], %broadcast_in_dim3A_3 {strides = array<i32>} : memref<544xf32, #tpu.memory_space<vmem>>, vector<16xf32>,
    %swap3A_49 = arith.constant 368 : index
    %swap3A_50 = tpu.vector_load %arg7[%swap3A_49] {strides = array<i32>} : memref<544xf32, #tpu.memory_space<vmem>>, vector<16xf32>,
    tpu.vector_store %arg7[%swap3A_49], %broadcast_in_dim3A_3 {strides = array<i32>} : memref<544xf32, #tpu.memory_space<vmem>>, vector<16xf32>,
    %swap3A_51 = arith.constant 384 : index
    %swap3A_52 = tpu.vector_load %arg7[%swap3A_51] {strides = array<i32>} : memref<544xf32, #tpu.memory_space<vmem>>, vector<16xf32>,
    tpu.vector_store %arg7[%swap3A_51], %broadcast_in_dim3A_3 {strides = array<i32>} : memref<544xf32, #tpu.memory_space<vmem>>, vector<16xf32>,
    %swap3A_53 = arith.constant 400 : index
    %swap3A_54 = tpu.vector_load %arg7[%swap3A_53] {strides = array<i32>} : memref<544xf32, #tpu.memory_space<vmem>>, vector<16xf32>,
    tpu.vector_store %arg7[%swap3A_53], %broadcast_in_dim3A_3 {strides = array<i32>} : memref<544xf32, #tpu.memory_space<vmem>>, vector<16xf32>,
    %swap3A_55 = arith.constant 416 : index
    %swap3A_56 = tpu.vector_load %arg7[%swap3A_55] {strides = array<i32>} : memref<544xf32, #tpu.memory_space<vmem>>, vector<16xf32>,
    tpu.vector_store %arg7[%swap3A_55], %broadcast_in_dim3A_3 {strides = array<i32>} : memref<544xf32, #tpu.memory_space<vmem>>, vector<16xf32>,
    %swap3A_57 = arith.constant 432 : index
    %swap3A_58 = tpu.vector_load %arg7[%swap3A_57] {strides = array<i32>} : memref<544xf32, #tpu.memory_space<vmem>>, vector<16xf32>,
    tpu.vector_store %arg7[%swap3A_57], %broadcast_in_dim3A_3 {strides = array<i32>} : memref<544xf32, #tpu.memory_space<vmem>>, vector<16xf32>,
    %swap3A_59 = arith.constant 448 : index
    %swap3A_60 = tpu.vector_load %arg7[%swap3A_59] {strides = array<i32>} : memref<544xf32, #tpu.memory_space<vmem>>, vector<16xf32>,
    tpu.vector_store %arg7[%swap3A_59], %broadcast_in_dim3A_3 {strides = array<i32>} : memref<544xf32, #tpu.memory_space<vmem>>, vector<16xf32>,
    %swap3A_61 = arith.constant 464 : index
    %swap3A_62 = tpu.vector_load %arg7[%swap3A_61] {strides = array<i32>} : memref<544xf32, #tpu.memory_space<vmem>>, vector<16xf32>,
    tpu.vector_store %arg7[%swap3A_61], %broadcast_in_dim3A_3 {strides = array<i32>} : memref<544xf32, #tpu.memory_space<vmem>>, vector<16xf32>,
    %swap3A_63 = arith.constant 480 : index
    %swap3A_64 = tpu.vector_load %arg7[%swap3A_63] {strides = array<i32>} : memref<544xf32, #tpu.memory_space<vmem>>, vector<16xf32>,
    tpu.vector_store %arg7[%swap3A_63], %broadcast_in_dim3A_3 {strides = array<i32>} : memref<544xf32, #tpu.memory_space<vmem>>, vector<16xf32>,
    %swap3A_65 = arith.constant 496 : index
    %swap3A_66 = tpu.vector_load %arg7[%swap3A_65] {strides = array<i32>} : memref<544xf32, #tpu.memory_space<vmem>>, vector<16xf32>,
    tpu.vector_store %arg7[%swap3A_65], %broadcast_in_dim3A_3 {strides = array<i32>} : memref<544xf32, #tpu.memory_space<vmem>>, vector<16xf32>,
    %swap3A_67 = arith.constant 512 : index
    %swap3A_68 = tpu.vector_load %arg7[%swap3A_67] {strides = array<i32>} : memref<544xf32, #tpu.memory_space<vmem>>, vector<16xf32>,
    tpu.vector_store %arg7[%swap3A_67], %broadcast_in_dim3A_3 {strides = array<i32>} : memref<544xf32, #tpu.memory_space<vmem>>, vector<16xf32>,
    %swap3A_69 = arith.constant 528 : index
    %swap3A_70 = tpu.vector_load %arg7[%swap3A_69] {strides = array<i32>} : memref<544xf32, #tpu.memory_space<vmem>>, vector<16xf32>,
    tpu.vector_store %arg7[%swap3A_69], %broadcast_in_dim3A_3 {strides = array<i32>} : memref<544xf32, #tpu.memory_space<vmem>>, vector<16xf32>,
    %iota3A = tpu.iota {dimensions = array<i32: 0>} : vector<16xi32>
    %add3A_71 = arith.constant 1 : i32
    %add3A_72 = vector.broadcast %add3A_71 : i32 to vector<16xi32>
    %add3A_73 = arith.addi %iota3A, %add3A_72 : vector<16xi32>
    %min3A = arith.constant 15 : i32
    %min3A_74 = vector.broadcast %min3A : i32 to vector<16xi32>
    %min3A_75 = arith.minsi %add3A_73, %min3A_74 : vector<16xi32>
    %sub3A = arith.constant 1 : i32
    %sub3A_76 = vector.broadcast %sub3A : i32 to vector<16xi32>
    %sub3A_77 = arith.subi %iota3A, %sub3A_76 : vector<16xi32>
    %max3A = arith.constant 0 : i32
    %max3A_78 = vector.broadcast %max3A : i32 to vector<16xi32>
    %max3A_79 = arith.maxsi %sub3A_77, %max3A_78 : vector<16xi32>
    %sub3A_80 = arith.constant 2 : i32
    %sub3A_81 = vector.broadcast %sub3A_80 : i32 to vector<16xi32>
    %sub3A_82 = arith.subi %iota3A, %sub3A_81 : vector<16xi32>
    %max3A_83 = arith.constant 0 : i32
    %max3A_84 = vector.broadcast %max3A_83 : i32 to vector<16xi32>
    %max3A_85 = arith.maxsi %sub3A_82, %max3A_84 : vector<16xi32>
    %sub3A_86 = arith.constant 4 : i32
    %sub3A_87 = vector.broadcast %sub3A_86 : i32 to vector<16xi32>
    %sub3A_88 = arith.subi %iota3A, %sub3A_87 : vector<16xi32>
    %max3A_89 = arith.constant 0 : i32
    %max3A_90 = vector.broadcast %max3A_89 : i32 to vector<16xi32>
    %max3A_91 = arith.maxsi %sub3A_88, %max3A_90 : vector<16xi32>
    %sub3A_92 = arith.constant 8 : i32
    %sub3A_93 = vector.broadcast %sub3A_92 : i32 to vector<16xi32>
    %sub3A_94 = arith.subi %iota3A, %sub3A_93 : vector<16xi32>
    %max3A_95 = arith.constant 0 : i32
    %max3A_96 = vector.broadcast %max3A_95 : i32 to vector<16xi32>
    %max3A_97 = arith.maxsi %sub3A_94, %max3A_96 : vector<16xi32>
    %lt3A = arith.constant 31 : i32
    %lt3A_98 = arith.cmpi slt, %add3A, %lt3A : i32
    %convert_element_type3A = arith.extui %lt3A_98 : i1 to i32
    %cond3A = arith.constant 0 : i32
    %cond3A_99 = arith.cmpi ne, %convert_element_type3A, %cond3A : i32
    scf.if %cond3A_99 {
      %dma_start3A = tpu.memref_slice %arg3[%mul3A_2] : memref<10000xi32, #tpu.memory_space<hbm>> -> memref<320xi32, #tpu.memory_space<hbm>>
      %dma_start3A_104 = tpu.memref_slice %arg3[%mul3A_2] : memref<10000xi32, #tpu.memory_space<hbm>> -> memref<320xi32, #tpu.memory_space<hbm>>
      tpu.enqueue_dma source(%dma_start3A_104 : memref<320xi32, #tpu.memory_space<hbm>>) target(%arg6 : memref<320xi32, #tpu.memory_space<vmem>>) target_semaphore(%arg8 : memref<!tpu.dma_semaphore, #tpu.memory_space<semaphore_mem>>)
      %add3A_105 = arith.constant 0 : i32
      %add3A_106 = arith.addi %add3A_105, %mul3A_2 : i32
      %dma_start3A_107 = arith.constant 0 : i32
      %dma_start3A_108 = tpu.memref_slice %arg5[%dma_start3A_107] : memref<1280xf32, #tpu.memory_space<vmem>> -> memref<320xf32, #tpu.memory_space<vmem>>
      %dma_start3A_109 = tpu.memref_slice %arg2[%add3A_106] : memref<40960xf32, #tpu.memory_space<hbm>> -> memref<320xf32, #tpu.memory_space<hbm>>
      %dma_start3A_110 = arith.constant 0 : i32
      %dma_start3A_111 = tpu.memref_slice %arg5[%dma_start3A_110] : memref<1280xf32, #tpu.memory_space<vmem>> -> memref<320xf32, #tpu.memory_space<vmem>>
      %dma_start3A_112 = tpu.memref_slice %arg2[%add3A_106] : memref<40960xf32, #tpu.memory_space<hbm>> -> memref<320xf32, #tpu.memory_space<hbm>>
      tpu.enqueue_dma source(%dma_start3A_112 : memref<320xf32, #tpu.memory_space<hbm>>) target(%dma_start3A_111 : memref<320xf32, #tpu.memory_space<vmem>>) target_semaphore(%arg9 : memref<!tpu.dma_semaphore, #tpu.memory_space<semaphore_mem>>)
      %add3A_113 = arith.constant 10240 : i32
      %add3A_114 = arith.addi %add3A_113, %mul3A_2 : i32
      %dma_start3A_115 = arith.constant 320 : i32
      %dma_start3A_116 = tpu.memref_slice %arg5[%dma_start3A_115] : memref<1280xf32, #tpu.memory_space<vmem>> -> memref<320xf32, #tpu.memory_space<vmem>>
      %dma_start3A_117 = tpu.memref_slice %arg2[%add3A_114] : memref<40960xf32, #tpu.memory_space<hbm>> -> memref<320xf32, #tpu.memory_space<hbm>>
      %dma_start3A_118 = arith.constant 320 : i32
      %dma_start3A_119 = tpu.memref_slice %arg5[%dma_start3A_118] : memref<1280xf32, #tpu.memory_space<vmem>> -> memref<320xf32, #tpu.memory_space<vmem>>
      %dma_start3A_120 = tpu.memref_slice %arg2[%add3A_114] : memref<40960xf32, #tpu.memory_space<hbm>> -> memref<320xf32, #tpu.memory_space<hbm>>
      tpu.enqueue_dma source(%dma_start3A_120 : memref<320xf32, #tpu.memory_space<hbm>>) target(%dma_start3A_119 : memref<320xf32, #tpu.memory_space<vmem>>) target_semaphore(%arg9 : memref<!tpu.dma_semaphore, #tpu.memory_space<semaphore_mem>>)
      %add3A_121 = arith.constant 20480 : i32
      %add3A_122 = arith.addi %add3A_121, %mul3A_2 : i32
      %dma_start3A_123 = arith.constant 640 : i32
      %dma_start3A_124 = tpu.memref_slice %arg5[%dma_start3A_123] : memref<1280xf32, #tpu.memory_space<vmem>> -> memref<320xf32, #tpu.memory_space<vmem>>
      %dma_start3A_125 = tpu.memref_slice %arg2[%add3A_122] : memref<40960xf32, #tpu.memory_space<hbm>> -> memref<320xf32, #tpu.memory_space<hbm>>
      %dma_start3A_126 = arith.constant 640 : i32
      %dma_start3A_127 = tpu.memref_slice %arg5[%dma_start3A_126] : memref<1280xf32, #tpu.memory_space<vmem>> -> memref<320xf32, #tpu.memory_space<vmem>>
      %dma_start3A_128 = tpu.memref_slice %arg2[%add3A_122] : memref<40960xf32, #tpu.memory_space<hbm>> -> memref<320xf32, #tpu.memory_space<hbm>>
      tpu.enqueue_dma source(%dma_start3A_128 : memref<320xf32, #tpu.memory_space<hbm>>) target(%dma_start3A_127 : memref<320xf32, #tpu.memory_space<vmem>>) target_semaphore(%arg9 : memref<!tpu.dma_semaphore, #tpu.memory_space<semaphore_mem>>)
      %add3A_129 = arith.constant 30720 : i32
      %add3A_130 = arith.addi %add3A_129, %mul3A_2 : i32
      %dma_start3A_131 = arith.constant 960 : i32
      %dma_start3A_132 = tpu.memref_slice %arg5[%dma_start3A_131] : memref<1280xf32, #tpu.memory_space<vmem>> -> memref<320xf32, #tpu.memory_space<vmem>>
      %dma_start3A_133 = tpu.memref_slice %arg2[%add3A_130] : memref<40960xf32, #tpu.memory_space<hbm>> -> memref<320xf32, #tpu.memory_space<hbm>>
      %dma_start3A_134 = arith.constant 960 : i32
      %dma_start3A_135 = tpu.memref_slice %arg5[%dma_start3A_134] : memref<1280xf32, #tpu.memory_space<vmem>> -> memref<320xf32, #tpu.memory_space<vmem>>
      %dma_start3A_136 = tpu.memref_slice %arg2[%add3A_130] : memref<40960xf32, #tpu.memory_space<hbm>> -> memref<320xf32, #tpu.memory_space<hbm>>
      tpu.enqueue_dma source(%dma_start3A_136 : memref<320xf32, #tpu.memory_space<hbm>>) target(%dma_start3A_135 : memref<320xf32, #tpu.memory_space<vmem>>) target_semaphore(%arg9 : memref<!tpu.dma_semaphore, #tpu.memory_space<semaphore_mem>>)
      %dma_wait3A = tpu.memref_slice %arg3[%mul3A_2] : memref<10000xi32, #tpu.memory_space<hbm>> -> memref<320xi32, #tpu.memory_space<hbm>>
      %dma_wait3A_137 = tpu.memref_slice %arg3[%mul3A_2] : memref<10000xi32, #tpu.memory_space<hbm>> -> memref<320xi32, #tpu.memory_space<hbm>>
      tpu.wait_dma2 semaphore(%arg8 : memref<!tpu.dma_semaphore, #tpu.memory_space<semaphore_mem>>) src(%dma_wait3A_137 : memref<320xi32, #tpu.memory_space<hbm>>) dst(%arg6 : memref<320xi32, #tpu.memory_space<vmem>>)
      %dma_wait3A_138 = arith.constant 0 : i32
      %dma_wait3A_139 = tpu.memref_slice %arg5[%dma_wait3A_138] : memref<1280xf32, #tpu.memory_space<vmem>> -> memref<320xf32, #tpu.memory_space<vmem>>
      %dma_wait3A_140 = tpu.memref_slice %arg2[%add3A_106] : memref<40960xf32, #tpu.memory_space<hbm>> -> memref<320xf32, #tpu.memory_space<hbm>>
      %dma_wait3A_141 = arith.constant 0 : i32
      %dma_wait3A_142 = tpu.memref_slice %arg5[%dma_wait3A_141] : memref<1280xf32, #tpu.memory_space<vmem>> -> memref<320xf32, #tpu.memory_space<vmem>>
      %dma_wait3A_143 = tpu.memref_slice %arg2[%add3A_106] : memref<40960xf32, #tpu.memory_space<hbm>> -> memref<320xf32, #tpu.memory_space<hbm>>
      tpu.wait_dma2 semaphore(%arg9 : memref<!tpu.dma_semaphore, #tpu.memory_space<semaphore_mem>>) src(%dma_wait3A_143 : memref<320xf32, #tpu.memory_space<hbm>>) dst(%dma_wait3A_142 : memref<320xf32, #tpu.memory_space<vmem>>)
      %dma_wait3A_144 = arith.constant 320 : i32
      %dma_wait3A_145 = tpu.memref_slice %arg5[%dma_wait3A_144] : memref<1280xf32, #tpu.memory_space<vmem>> -> memref<320xf32, #tpu.memory_space<vmem>>
      %dma_wait3A_146 = tpu.memref_slice %arg2[%add3A_114] : memref<40960xf32, #tpu.memory_space<hbm>> -> memref<320xf32, #tpu.memory_space<hbm>>
      %dma_wait3A_147 = arith.constant 320 : i32
      %dma_wait3A_148 = tpu.memref_slice %arg5[%dma_wait3A_147] : memref<1280xf32, #tpu.memory_space<vmem>> -> memref<320xf32, #tpu.memory_space<vmem>>
      %dma_wait3A_149 = tpu.memref_slice %arg2[%add3A_114] : memref<40960xf32, #tpu.memory_space<hbm>> -> memref<320xf32, #tpu.memory_space<hbm>>
      tpu.wait_dma2 semaphore(%arg9 : memref<!tpu.dma_semaphore, #tpu.memory_space<semaphore_mem>>) src(%dma_wait3A_149 : memref<320xf32, #tpu.memory_space<hbm>>) dst(%dma_wait3A_148 : memref<320xf32, #tpu.memory_space<vmem>>)
      %dma_wait3A_150 = arith.constant 640 : i32
      %dma_wait3A_151 = tpu.memref_slice %arg5[%dma_wait3A_150] : memref<1280xf32, #tpu.memory_space<vmem>> -> memref<320xf32, #tpu.memory_space<vmem>>
      %dma_wait3A_152 = tpu.memref_slice %arg2[%add3A_122] : memref<40960xf32, #tpu.memory_space<hbm>> -> memref<320xf32, #tpu.memory_space<hbm>>
      %dma_wait3A_153 = arith.constant 640 : i32
      %dma_wait3A_154 = tpu.memref_slice %arg5[%dma_wait3A_153] : memref<1280xf32, #tpu.memory_space<vmem>> -> memref<320xf32, #tpu.memory_space<vmem>>
      %dma_wait3A_155 = tpu.memref_slice %arg2[%add3A_122] : memref<40960xf32, #tpu.memory_space<hbm>> -> memref<320xf32, #tpu.memory_space<hbm>>
      tpu.wait_dma2 semaphore(%arg9 : memref<!tpu.dma_semaphore, #tpu.memory_space<semaphore_mem>>) src(%dma_wait3A_155 : memref<320xf32, #tpu.memory_space<hbm>>) dst(%dma_wait3A_154 : memref<320xf32, #tpu.memory_space<vmem>>)
      %dma_wait3A_156 = arith.constant 960 : i32
      %dma_wait3A_157 = tpu.memref_slice %arg5[%dma_wait3A_156] : memref<1280xf32, #tpu.memory_space<vmem>> -> memref<320xf32, #tpu.memory_space<vmem>>
      %dma_wait3A_158 = tpu.memref_slice %arg2[%add3A_130] : memref<40960xf32, #tpu.memory_space<hbm>> -> memref<320xf32, #tpu.memory_space<hbm>>
      %dma_wait3A_159 = arith.constant 960 : i32
      %dma_wait3A_160 = tpu.memref_slice %arg5[%dma_wait3A_159] : memref<1280xf32, #tpu.memory_space<vmem>> -> memref<320xf32, #tpu.memory_space<vmem>>
      %dma_wait3A_161 = tpu.memref_slice %arg2[%add3A_130] : memref<40960xf32, #tpu.memory_space<hbm>> -> memref<320xf32, #tpu.memory_space<hbm>>
      tpu.wait_dma2 semaphore(%arg9 : memref<!tpu.dma_semaphore, #tpu.memory_space<semaphore_mem>>) src(%dma_wait3A_161 : memref<320xf32, #tpu.memory_space<hbm>>) dst(%dma_wait3A_160 : memref<320xf32, #tpu.memory_space<vmem>>)
      %get3A = arith.constant 0 : index
      %get3A_162 = tpu.vector_load %arg6[%get3A] {strides = array<i32>} : memref<320xi32, #tpu.memory_space<vmem>>, vector<16xi32>,
      %broadcast_in_dim3A_163 = vector.shape_cast %max3A_79 : vector<16xi32> to vector<16x1xi32>
      %gather3A = vector.shape_cast %broadcast_in_dim3A_163 : vector<16x1xi32> to vector<16xi32>
      %gather3A_164 = tpu.dynamic_gather %get3A_162[%gather3A] in [0] : vector<16xi32>, vector<16xi32> -> vector<16xi32>
      %eq3A_165 = arith.cmpi eq, %get3A_162, %gather3A_164 : vector<16xi32>
      %broadcast_in_dim3A_166 = vector.shape_cast %max3A_85 : vector<16xi32> to vector<16x1xi32>
      %gather3A_167 = vector.shape_cast %broadcast_in_dim3A_166 : vector<16x1xi32> to vector<16xi32>
      %gather3A_168 = tpu.dynamic_gather %get3A_162[%gather3A_167] in [0] : vector<16xi32>, vector<16xi32> -> vector<16xi32>
      %eq3A_169 = arith.cmpi eq, %get3A_162, %gather3A_168 : vector<16xi32>
      %broadcast_in_dim3A_170 = vector.shape_cast %max3A_91 : vector<16xi32> to vector<16x1xi32>
      %gather3A_171 = vector.shape_cast %broadcast_in_dim3A_170 : vector<16x1xi32> to vector<16xi32>
      %gather3A_172 = tpu.dynamic_gather %get3A_162[%gather3A_171] in [0] : vector<16xi32>, vector<16xi32> -> vector<16xi32>
      %eq3A_173 = arith.cmpi eq, %get3A_162, %gather3A_172 : vector<16xi32>
      %broadcast_in_dim3A_174 = vector.shape_cast %max3A_97 : vector<16xi32> to vector<16x1xi32>
      %gather3A_175 = vector.shape_cast %broadcast_in_dim3A_174 : vector<16x1xi32> to vector<16xi32>
      %gather3A_176 = tpu.dynamic_gather %get3A_162[%gather3A_175] in [0] : vector<16xi32>, vector<16xi32> -> vector<16xi32>
      %eq3A_177 = arith.cmpi eq, %get3A_162, %gather3A_176 : vector<16xi32>
      %broadcast_in_dim3A_178 = vector.shape_cast %min3A_75 : vector<16xi32> to vector<16x1xi32>
      %gather3A_179 = vector.shape_cast %broadcast_in_dim3A_178 : vector<16x1xi32> to vector<16xi32>
      %gather3A_180 = tpu.dynamic_gather %get3A_162[%gather3A_179] in [0] : vector<16xi32>, vector<16xi32> -> vector<16xi32>
      %ne3A = arith.cmpi ne, %get3A_162, %gather3A_180 : vector<16xi32>
      %eq3A_181 = arith.constant 15 : i32
      %eq3A_182 = vector.broadcast %eq3A_181 : i32 to vector<16xi32>
      %eq3A_183 = arith.cmpi eq, %iota3A, %eq3A_182 : vector<16xi32>
      %or3A = arith.ori %ne3A, %eq3A_183 : vector<16xi1>
      %get3A_184 = arith.constant 0 : index
      %get3A_185 = tpu.vector_load %arg5[%get3A_184] {strides = array<i32>} : memref<1280xf32, #tpu.memory_space<vmem>>, vector<16xf32>,
      %broadcast_in_dim3A_186 = vector.shape_cast %max3A_79 : vector<16xi32> to vector<16x1xi32>
      %gather3A_187 = vector.shape_cast %broadcast_in_dim3A_186 : vector<16x1xi32> to vector<16xi32>
      %gather3A_188 = tpu.dynamic_gather %get3A_185[%gather3A_187] in [0] : vector<16xf32>, vector<16xi32> -> vector<16xf32>
      %max3A_189 = arith.maximumf %get3A_185, %gather3A_188 : vector<16xf32>
      %select_n3A = arith.select %eq3A_165, %max3A_189, %get3A_185 : vector<16xi1>, vector<16xf32>
      %broadcast_in_dim3A_190 = vector.shape_cast %max3A_85 : vector<16xi32> to vector<16x1xi32>
      %gather3A_191 = vector.shape_cast %broadcast_in_dim3A_190 : vector<16x1xi32> to vector<16xi32>
      %gather3A_192 = tpu.dynamic_gather %select_n3A[%gather3A_191] in [0] : vector<16xf32>, vector<16xi32> -> vector<16xf32>
      %max3A_193 = arith.maximumf %select_n3A, %gather3A_192 : vector<16xf32>
      %select_n3A_194 = arith.select %eq3A_169, %max3A_193, %select_n3A : vector<16xi1>, vector<16xf32>
      %broadcast_in_dim3A_195 = vector.shape_cast %max3A_91 : vector<16xi32> to vector<16x1xi32>
      %gather3A_196 = vector.shape_cast %broadcast_in_dim3A_195 : vector<16x1xi32> to vector<16xi32>
      %gather3A_197 = tpu.dynamic_gather %select_n3A_194[%gather3A_196] in [0] : vector<16xf32>, vector<16xi32> -> vector<16xf32>
      %max3A_198 = arith.maximumf %select_n3A_194, %gather3A_197 : vector<16xf32>
      %select_n3A_199 = arith.select %eq3A_173, %max3A_198, %select_n3A_194 : vector<16xi1>, vector<16xf32>
      %broadcast_in_dim3A_200 = vector.shape_cast %max3A_97 : vector<16xi32> to vector<16x1xi32>
      %gather3A_201 = vector.shape_cast %broadcast_in_dim3A_200 : vector<16x1xi32> to vector<16xi32>
      %gather3A_202 = tpu.dynamic_gather %select_n3A_199[%gather3A_201] in [0] : vector<16xf32>, vector<16xi32> -> vector<16xf32>
      %max3A_203 = arith.maximumf %select_n3A_199, %gather3A_202 : vector<16xf32>
      %select_n3A_204 = arith.select %eq3A_177, %max3A_203, %select_n3A_199 : vector<16xi1>, vector<16xf32>
      %add3A_205 = arith.constant 0 : i32
      %add3A_206 = vector.broadcast %add3A_205 : i32 to vector<16xi32>
      %add3A_207 = arith.addi %get3A_162, %add3A_206 : vector<16xi32>
      %gather3A_208 = tpu.vector_load_idx %arg7[%add3A_207] masked %or3A : memref<544xf32, #tpu.memory_space<vmem>>[vector<16xi32>], vector<16xf32>, vector<16xi1>
      %max3A_209 = arith.maximumf %select_n3A_204, %gather3A_208 : vector<16xf32>
      tpu.vector_store_idx %arg7[%add3A_207], %max3A_209 masked %or3A : memref<544xf32, #tpu.memory_space<vmem>>[vector<16xi32>], vector<16xf32>, vector<16xi1>
      %get3A_210 = arith.constant 320 : index
      %get3A_211 = tpu.vector_load %arg5[%get3A_210] {strides = array<i32>} : memref<1280xf32, #tpu.memory_space<vmem>>, vector<16xf32>,
      %broadcast_in_dim3A_212 = vector.shape_cast %max3A_79 : vector<16xi32> to vector<16x1xi32>
      %gather3A_213 = vector.shape_cast %broadcast_in_dim3A_212 : vector<16x1xi32> to vector<16xi32>
      %gather3A_214 = tpu.dynamic_gather %get3A_211[%gather3A_213] in [0] : vector<16xf32>, vector<16xi32> -> vector<16xf32>
      %max3A_215 = arith.maximumf %get3A_211, %gather3A_214 : vector<16xf32>
      %select_n3A_216 = arith.select %eq3A_165, %max3A_215, %get3A_211 : vector<16xi1>, vector<16xf32>
      %broadcast_in_dim3A_217 = vector.shape_cast %max3A_85 : vector<16xi32> to vector<16x1xi32>
      %gather3A_218 = vector.shape_cast %broadcast_in_dim3A_217 : vector<16x1xi32> to vector<16xi32>
      %gather3A_219 = tpu.dynamic_gather %select_n3A_216[%gather3A_218] in [0] : vector<16xf32>, vector<16xi32> -> vector<16xf32>
      %max3A_220 = arith.maximumf %select_n3A_216, %gather3A_219 : vector<16xf32>
      %select_n3A_221 = arith.select %eq3A_169, %max3A_220, %select_n3A_216 : vector<16xi1>, vector<16xf32>
      %broadcast_in_dim3A_222 = vector.shape_cast %max3A_91 : vector<16xi32> to vector<16x1xi32>
      %gather3A_223 = vector.shape_cast %broadcast_in_dim3A_222 : vector<16x1xi32> to vector<16xi32>
      %gather3A_224 = tpu.dynamic_gather %select_n3A_221[%gather3A_223] in [0] : vector<16xf32>, vector<16xi32> -> vector<16xf32>
      %max3A_225 = arith.maximumf %select_n3A_221, %gather3A_224 : vector<16xf32>
      %select_n3A_226 = arith.select %eq3A_173, %max3A_225, %select_n3A_221 : vector<16xi1>, vector<16xf32>
      %broadcast_in_dim3A_227 = vector.shape_cast %max3A_97 : vector<16xi32> to vector<16x1xi32>
      %gather3A_228 = vector.shape_cast %broadcast_in_dim3A_227 : vector<16x1xi32> to vector<16xi32>
      %gather3A_229 = tpu.dynamic_gather %select_n3A_226[%gather3A_228] in [0] : vector<16xf32>, vector<16xi32> -> vector<16xf32>
      %max3A_230 = arith.maximumf %select_n3A_226, %gather3A_229 : vector<16xf32>
      %select_n3A_231 = arith.select %eq3A_177, %max3A_230, %select_n3A_226 : vector<16xi1>, vector<16xf32>
      %add3A_232 = arith.constant 136 : i32
      %add3A_233 = vector.broadcast %add3A_232 : i32 to vector<16xi32>
      %add3A_234 = arith.addi %get3A_162, %add3A_233 : vector<16xi32>
      %gather3A_235 = tpu.vector_load_idx %arg7[%add3A_234] masked %or3A : memref<544xf32, #tpu.memory_space<vmem>>[vector<16xi32>], vector<16xf32>, vector<16xi1>
      %max3A_236 = arith.maximumf %select_n3A_231, %gather3A_235 : vector<16xf32>
      tpu.vector_store_idx %arg7[%add3A_234], %max3A_236 masked %or3A : memref<544xf32, #tpu.memory_space<vmem>>[vector<16xi32>], vector<16xf32>, vector<16xi1>
      %get3A_237 = arith.constant 640 : index
      %get3A_238 = tpu.vector_load %arg5[%get3A_237] {strides = array<i32>} : memref<1280xf32, #tpu.memory_space<vmem>>, vector<16xf32>,
      %broadcast_in_dim3A_239 = vector.shape_cast %max3A_79 : vector<16xi32> to vector<16x1xi32>
      %gather3A_240 = vector.shape_cast %broadcast_in_dim3A_239 : vector<16x1xi32> to vector<16xi32>
      %gather3A_241 = tpu.dynamic_gather %get3A_238[%gather3A_240] in [0] : vector<16xf32>, vector<16xi32> -> vector<16xf32>
      %max3A_242 = arith.maximumf %get3A_238, %gather3A_241 : vector<16xf32>
      %select_n3A_243 = arith.select %eq3A_165, %max3A_242, %get3A_238 : vector<16xi1>, vector<16xf32>
      %broadcast_in_dim3A_244 = vector.shape_cast %max3A_85 : vector<16xi32> to vector<16x1xi32>
      %gather3A_245 = vector.shape_cast %broadcast_in_dim3A_244 : vector<16x1xi32> to vector<16xi32>
      %gather3A_246 = tpu.dynamic_gather %select_n3A_243[%gather3A_245] in [0] : vector<16xf32>, vector<16xi32> -> vector<16xf32>
      %max3A_247 = arith.maximumf %select_n3A_243, %gather3A_246 : vector<16xf32>
      %select_n3A_248 = arith.select %eq3A_169, %max3A_247, %select_n3A_243 : vector<16xi1>, vector<16xf32>
      %broadcast_in_dim3A_249 = vector.shape_cast %max3A_91 : vector<16xi32> to vector<16x1xi32>
      %gather3A_250 = vector.shape_cast %broadcast_in_dim3A_249 : vector<16x1xi32> to vector<16xi32>
      %gather3A_251 = tpu.dynamic_gather %select_n3A_248[%gather3A_250] in [0] : vector<16xf32>, vector<16xi32> -> vector<16xf32>
      %max3A_252 = arith.maximumf %select_n3A_248, %gather3A_251 : vector<16xf32>
      %select_n3A_253 = arith.select %eq3A_173, %max3A_252, %select_n3A_248 : vector<16xi1>, vector<16xf32>
      %broadcast_in_dim3A_254 = vector.shape_cast %max3A_97 : vector<16xi32> to vector<16x1xi32>
      %gather3A_255 = vector.shape_cast %broadcast_in_dim3A_254 : vector<16x1xi32> to vector<16xi32>
      %gather3A_256 = tpu.dynamic_gather %select_n3A_253[%gather3A_255] in [0] : vector<16xf32>, vector<16xi32> -> vector<16xf32>
      %max3A_257 = arith.maximumf %select_n3A_253, %gather3A_256 : vector<16xf32>
      %select_n3A_258 = arith.select %eq3A_177, %max3A_257, %select_n3A_253 : vector<16xi1>, vector<16xf32>
      %add3A_259 = arith.constant 272 : i32
      %add3A_260 = vector.broadcast %add3A_259 : i32 to vector<16xi32>
      %add3A_261 = arith.addi %get3A_162, %add3A_260 : vector<16xi32>
      %gather3A_262 = tpu.vector_load_idx %arg7[%add3A_261] masked %or3A : memref<544xf32, #tpu.memory_space<vmem>>[vector<16xi32>], vector<16xf32>, vector<16xi1>
      %max3A_263 = arith.maximumf %select_n3A_258, %gather3A_262 : vector<16xf32>
      tpu.vector_store_idx %arg7[%add3A_261], %max3A_263 masked %or3A : memref<544xf32, #tpu.memory_space<vmem>>[vector<16xi32>], vector<16xf32>, vector<16xi1>
      %get3A_264 = arith.constant 960 : index
      %get3A_265 = tpu.vector_load %arg5[%get3A_264] {strides = array<i32>} : memref<1280xf32, #tpu.memory_space<vmem>>, vector<16xf32>,
      %broadcast_in_dim3A_266 = vector.shape_cast %max3A_79 : vector<16xi32> to vector<16x1xi32>
      %gather3A_267 = vector.shape_cast %broadcast_in_dim3A_266 : vector<16x1xi32> to vector<16xi32>
      %gather3A_268 = tpu.dynamic_gather %get3A_265[%gather3A_267] in [0] : vector<16xf32>, vector<16xi32> -> vector<16xf32>
      %max3A_269 = arith.maximumf %get3A_265, %gather3A_268 : vector<16xf32>
      %select_n3A_270 = arith.select %eq3A_165, %max3A_269, %get3A_265 : vector<16xi1>, vector<16xf32>
      %broadcast_in_dim3A_271 = vector.shape_cast %max3A_85 : vector<16xi32> to vector<16x1xi32>
      %gather3A_272 = vector.shape_cast %broadcast_in_dim3A_271 : vector<16x1xi32> to vector<16xi32>
      %gather3A_273 = tpu.dynamic_gather %select_n3A_270[%gather3A_272] in [0] : vector<16xf32>, vector<16xi32> -> vector<16xf32>
      %max3A_274 = arith.maximumf %select_n3A_270, %gather3A_273 : vector<16xf32>
      %select_n3A_275 = arith.select %eq3A_169, %max3A_274, %select_n3A_270 : vector<16xi1>, vector<16xf32>
      %broadcast_in_dim3A_276 = vector.shape_cast %max3A_91 : vector<16xi32> to vector<16x1xi32>
      %gather3A_277 = vector.shape_cast %broadcast_in_dim3A_276 : vector<16x1xi32> to vector<16xi32>
      %gather3A_278 = tpu.dynamic_gather %select_n3A_275[%gather3A_277] in [0] : vector<16xf32>, vector<16xi32> -> vector<16xf32>
      %max3A_279 = arith.maximumf %select_n3A_275, %gather3A_278 : vector<16xf32>
      %select_n3A_280 = arith.select %eq3A_173, %max3A_279, %select_n3A_275 : vector<16xi1>, vector<16xf32>
      %broadcast_in_dim3A_281 = vector.shape_cast %max3A_97 : vector<16xi32> to vector<16x1xi32>
      %gather3A_282 = vector.shape_cast %broadcast_in_dim3A_281 : vector<16x1xi32> to vector<16xi32>
      %gather3A_283 = tpu.dynamic_gather %select_n3A_280[%gather3A_282] in [0] : vector<16xf32>, vector<16xi32> -> vector<16xf32>
      %max3A_284 = arith.maximumf %select_n3A_280, %gather3A_283 : vector<16xf32>
      %select_n3A_285 = arith.select %eq3A_177, %max3A_284, %select_n3A_280 : vector<16xi1>, vector<16xf32>
      %add3A_286 = arith.constant 408 : i32
      %add3A_287 = vector.broadcast %add3A_286 : i32 to vector<16xi32>
      %add3A_288 = arith.addi %get3A_162, %add3A_287 : vector<16xi32>
      %gather3A_289 = tpu.vector_load_idx %arg7[%add3A_288] masked %or3A : memref<544xf32, #tpu.memory_space<vmem>>[vector<16xi32>], vector<16xf32>, vector<16xi1>
      %max3A_290 = arith.maximumf %select_n3A_285, %gather3A_289 : vector<16xf32>
      tpu.vector_store_idx %arg7[%add3A_288], %max3A_290 masked %or3A : memref<544xf32, #tpu.memory_space<vmem>>[vector<16xi32>], vector<16xf32>, vector<16xi1>
      %get3A_291 = arith.constant 16 : index
      %get3A_292 = tpu.vector_load %arg6[%get3A_291] {strides = array<i32>} : memref<320xi32, #tpu.memory_space<vmem>>, vector<16xi32>,
      %broadcast_in_dim3A_293 = vector.shape_cast %max3A_79 : vector<16xi32> to vector<16x1xi32>
      %gather3A_294 = vector.shape_cast %broadcast_in_dim3A_293 : vector<16x1xi32> to vector<16xi32>
      %gather3A_295 = tpu.dynamic_gather %get3A_292[%gather3A_294] in [0] : vector<16xi32>, vector<16xi32> -> vector<16xi32>
      %eq3A_296 = arith.cmpi eq, %get3A_292, %gather3A_295 : vector<16xi32>
      %broadcast_in_dim3A_297 = vector.shape_cast %max3A_85 : vector<16xi32> to vector<16x1xi32>
      %gather3A_298 = vector.shape_cast %broadcast_in_dim3A_297 : vector<16x1xi32> to vector<16xi32>
      %gather3A_299 = tpu.dynamic_gather %get3A_292[%gather3A_298] in [0] : vector<16xi32>, vector<16xi32> -> vector<16xi32>
      %eq3A_300 = arith.cmpi eq, %get3A_292, %gather3A_299 : vector<16xi32>
      %broadcast_in_dim3A_301 = vector.shape_cast %max3A_91 : vector<16xi32> to vector<16x1xi32>
      %gather3A_302 = vector.shape_cast %broadcast_in_dim3A_301 : vector<16x1xi32> to vector<16xi32>
      %gather3A_303 = tpu.dynamic_gather %get3A_292[%gather3A_302] in [0] : vector<16xi32>, vector<16xi32> -> vector<16xi32>
      %eq3A_304 = arith.cmpi eq, %get3A_292, %gather3A_303 : vector<16xi32>
      %broadcast_in_dim3A_305 = vector.shape_cast %max3A_97 : vector<16xi32> to vector<16x1xi32>
      %gather3A_306 = vector.shape_cast %broadcast_in_dim3A_305 : vector<16x1xi32> to vector<16xi32>
      %gather3A_307 = tpu.dynamic_gather %get3A_292[%gather3A_306] in [0] : vector<16xi32>, vector<16xi32> -> vector<16xi32>
      %eq3A_308 = arith.cmpi eq, %get3A_292, %gather3A_307 : vector<16xi32>
      %broadcast_in_dim3A_309 = vector.shape_cast %min3A_75 : vector<16xi32> to vector<16x1xi32>
      %gather3A_310 = vector.shape_cast %broadcast_in_dim3A_309 : vector<16x1xi32> to vector<16xi32>
      %gather3A_311 = tpu.dynamic_gather %get3A_292[%gather3A_310] in [0] : vector<16xi32>, vector<16xi32> -> vector<16xi32>
      %ne3A_312 = arith.cmpi ne, %get3A_292, %gather3A_311 : vector<16xi32>
      %eq3A_313 = arith.constant 15 : i32
      %eq3A_314 = vector.broadcast %eq3A_313 : i32 to vector<16xi32>
      %eq3A_315 = arith.cmpi eq, %iota3A, %eq3A_314 : vector<16xi32>
      %or3A_316 = arith.ori %ne3A_312, %eq3A_315 : vector<16xi1>
      %get3A_317 = arith.constant 16 : index
      %get3A_318 = tpu.vector_load %arg5[%get3A_317] {strides = array<i32>} : memref<1280xf32, #tpu.memory_space<vmem>>, vector<16xf32>,
      %broadcast_in_dim3A_319 = vector.shape_cast %max3A_79 : vector<16xi32> to vector<16x1xi32>
      %gather3A_320 = vector.shape_cast %broadcast_in_dim3A_319 : vector<16x1xi32> to vector<16xi32>
      %gather3A_321 = tpu.dynamic_gather %get3A_318[%gather3A_320] in [0] : vector<16xf32>, vector<16xi32> -> vector<16xf32>
      %max3A_322 = arith.maximumf %get3A_318, %gather3A_321 : vector<16xf32>
      %select_n3A_323 = arith.select %eq3A_296, %max3A_322, %get3A_318 : vector<16xi1>, vector<16xf32>
      %broadcast_in_dim3A_324 = vector.shape_cast %max3A_85 : vector<16xi32> to vector<16x1xi32>
      %gather3A_325 = vector.shape_cast %broadcast_in_dim3A_324 : vector<16x1xi32> to vector<16xi32>
      %gather3A_326 = tpu.dynamic_gather %select_n3A_323[%gather3A_325] in [0] : vector<16xf32>, vector<16xi32> -> vector<16xf32>
      %max3A_327 = arith.maximumf %select_n3A_323, %gather3A_326 : vector<16xf32>
      %select_n3A_328 = arith.select %eq3A_300, %max3A_327, %select_n3A_323 : vector<16xi1>, vector<16xf32>
      %broadcast_in_dim3A_329 = vector.shape_cast %max3A_91 : vector<16xi32> to vector<16x1xi32>
      %gather3A_330 = vector.shape_cast %broadcast_in_dim3A_329 : vector<16x1xi32> to vector<16xi32>
      %gather3A_331 = tpu.dynamic_gather %select_n3A_328[%gather3A_330] in [0] : vector<16xf32>, vector<16xi32> -> vector<16xf32>
      %max3A_332 = arith.maximumf %select_n3A_328, %gather3A_331 : vector<16xf32>
      %select_n3A_333 = arith.select %eq3A_304, %max3A_332, %select_n3A_328 : vector<16xi1>, vector<16xf32>
      %broadcast_in_dim3A_334 = vector.shape_cast %max3A_97 : vector<16xi32> to vector<16x1xi32>
      %gather3A_335 = vector.shape_cast %broadcast_in_dim3A_334 : vector<16x1xi32> to vector<16xi32>
      %gather3A_336 = tpu.dynamic_gather %select_n3A_333[%gather3A_335] in [0] : vector<16xf32>, vector<16xi32> -> vector<16xf32>
      %max3A_337 = arith.maximumf %select_n3A_333, %gather3A_336 : vector<16xf32>
      %select_n3A_338 = arith.select %eq3A_308, %max3A_337, %select_n3A_333 : vector<16xi1>, vector<16xf32>
      %add3A_339 = arith.constant 0 : i32
      %add3A_340 = vector.broadcast %add3A_339 : i32 to vector<16xi32>
      %add3A_341 = arith.addi %get3A_292, %add3A_340 : vector<16xi32>
      %gather3A_342 = tpu.vector_load_idx %arg7[%add3A_341] masked %or3A_316 : memref<544xf32, #tpu.memory_space<vmem>>[vector<16xi32>], vector<16xf32>, vector<16xi1>
      %max3A_343 = arith.maximumf %select_n3A_338, %gather3A_342 : vector<16xf32>
      tpu.vector_store_idx %arg7[%add3A_341], %max3A_343 masked %or3A_316 : memref<544xf32, #tpu.memory_space<vmem>>[vector<16xi32>], vector<16xf32>, vector<16xi1>
      %get3A_344 = arith.constant 336 : index
      %get3A_345 = tpu.vector_load %arg5[%get3A_344] {strides = array<i32>} : memref<1280xf32, #tpu.memory_space<vmem>>, vector<16xf32>,
      %broadcast_in_dim3A_346 = vector.shape_cast %max3A_79 : vector<16xi32> to vector<16x1xi32>
      %gather3A_347 = vector.shape_cast %broadcast_in_dim3A_346 : vector<16x1xi32> to vector<16xi32>
      %gather3A_348 = tpu.dynamic_gather %get3A_345[%gather3A_347] in [0] : vector<16xf32>, vector<16xi32> -> vector<16xf32>
      %max3A_349 = arith.maximumf %get3A_345, %gather3A_348 : vector<16xf32>
      %select_n3A_350 = arith.select %eq3A_296, %max3A_349, %get3A_345 : vector<16xi1>, vector<16xf32>
      %broadcast_in_dim3A_351 = vector.shape_cast %max3A_85 : vector<16xi32> to vector<16x1xi32>
      %gather3A_352 = vector.shape_cast %broadcast_in_dim3A_351 : vector<16x1xi32> to vector<16xi32>
      %gather3A_353 = tpu.dynamic_gather %select_n3A_350[%gather3A_352] in [0] : vector<16xf32>, vector<16xi32> -> vector<16xf32>
      %max3A_354 = arith.maximumf %select_n3A_350, %gather3A_353 : vector<16xf32>
      %select_n3A_355 = arith.select %eq3A_300, %max3A_354, %select_n3A_350 : vector<16xi1>, vector<16xf32>
      %broadcast_in_dim3A_356 = vector.shape_cast %max3A_91 : vector<16xi32> to vector<16x1xi32>
      %gather3A_357 = vector.shape_cast %broadcast_in_dim3A_356 : vector<16x1xi32> to vector<16xi32>
      %gather3A_358 = tpu.dynamic_gather %select_n3A_355[%gather3A_357] in [0] : vector<16xf32>, vector<16xi32> -> vector<16xf32>
      %max3A_359 = arith.maximumf %select_n3A_355, %gather3A_358 : vector<16xf32>
      %select_n3A_360 = arith.select %eq3A_304, %max3A_359, %select_n3A_355 : vector<16xi1>, vector<16xf32>
      %broadcast_in_dim3A_361 = vector.shape_cast %max3A_97 : vector<16xi32> to vector<16x1xi32>
      %gather3A_362 = vector.shape_cast %broadcast_in_dim3A_361 : vector<16x1xi32> to vector<16xi32>
      %gather3A_363 = tpu.dynamic_gather %select_n3A_360[%gather3A_362] in [0] : vector<16xf32>, vector<16xi32> -> vector<16xf32>
      %max3A_364 = arith.maximumf %select_n3A_360, %gather3A_363 : vector<16xf32>
      %select_n3A_365 = arith.select %eq3A_308, %max3A_364, %select_n3A_360 : vector<16xi1>, vector<16xf32>
      %add3A_366 = arith.constant 136 : i32
      %add3A_367 = vector.broadcast %add3A_366 : i32 to vector<16xi32>
      %add3A_368 = arith.addi %get3A_292, %add3A_367 : vector<16xi32>
      %gather3A_369 = tpu.vector_load_idx %arg7[%add3A_368] masked %or3A_316 : memref<544xf32, #tpu.memory_space<vmem>>[vector<16xi32>], vector<16xf32>, vector<16xi1>
      %max3A_370 = arith.maximumf %select_n3A_365, %gather3A_369 : vector<16xf32>
      tpu.vector_store_idx %arg7[%add3A_368], %max3A_370 masked %or3A_316 : memref<544xf32, #tpu.memory_space<vmem>>[vector<16xi32>], vector<16xf32>, vector<16xi1>
      %get3A_371 = arith.constant 656 : index
      %get3A_372 = tpu.vector_load %arg5[%get3A_371] {strides = array<i32>} : memref<1280xf32, #tpu.memory_space<vmem>>, vector<16xf32>,
      %broadcast_in_dim3A_373 = vector.shape_cast %max3A_79 : vector<16xi32> to vector<16x1xi32>
      %gather3A_374 = vector.shape_cast %broadcast_in_dim3A_373 : vector<16x1xi32> to vector<16xi32>
      %gather3A_375 = tpu.dynamic_gather %get3A_372[%gather3A_374] in [0] : vector<16xf32>, vector<16xi32> -> vector<16xf32>
      %max3A_376 = arith.maximumf %get3A_372, %gather3A_375 : vector<16xf32>
      %select_n3A_377 = arith.select %eq3A_296, %max3A_376, %get3A_372 : vector<16xi1>, vector<16xf32>
      %broadcast_in_dim3A_378 = vector.shape_cast %max3A_85 : vector<16xi32> to vector<16x1xi32>
      %gather3A_379 = vector.shape_cast %broadcast_in_dim3A_378 : vector<16x1xi32> to vector<16xi32>
      %gather3A_380 = tpu.dynamic_gather %select_n3A_377[%gather3A_379] in [0] : vector<16xf32>, vector<16xi32> -> vector<16xf32>
      %max3A_381 = arith.maximumf %select_n3A_377, %gather3A_380 : vector<16xf32>
      %select_n3A_382 = arith.select %eq3A_300, %max3A_381, %select_n3A_377 : vector<16xi1>, vector<16xf32>
      %broadcast_in_dim3A_383 = vector.shape_cast %max3A_91 : vector<16xi32> to vector<16x1xi32>
      %gather3A_384 = vector.shape_cast %broadcast_in_dim3A_383 : vector<16x1xi32> to vector<16xi32>
      %gather3A_385 = tpu.dynamic_gather %select_n3A_382[%gather3A_384] in [0] : vector<16xf32>, vector<16xi32> -> vector<16xf32>
      %max3A_386 = arith.maximumf %select_n3A_382, %gather3A_385 : vector<16xf32>
      %select_n3A_387 = arith.select %eq3A_304, %max3A_386, %select_n3A_382 : vector<16xi1>, vector<16xf32>
      %broadcast_in_dim3A_388 = vector.shape_cast %max3A_97 : vector<16xi32> to vector<16x1xi32>
      %gather3A_389 = vector.shape_cast %broadcast_in_dim3A_388 : vector<16x1xi32> to vector<16xi32>
      %gather3A_390 = tpu.dynamic_gather %select_n3A_387[%gather3A_389] in [0] : vector<16xf32>, vector<16xi32> -> vector<16xf32>
      %max3A_391 = arith.maximumf %select_n3A_387, %gather3A_390 : vector<16xf32>
      %select_n3A_392 = arith.select %eq3A_308, %max3A_391, %select_n3A_387 : vector<16xi1>, vector<16xf32>
      %add3A_393 = arith.constant 272 : i32
      %add3A_394 = vector.broadcast %add3A_393 : i32 to vector<16xi32>
      %add3A_395 = arith.addi %get3A_292, %add3A_394 : vector<16xi32>
      %gather3A_396 = tpu.vector_load_idx %arg7[%add3A_395] masked %or3A_316 : memref<544xf32, #tpu.memory_space<vmem>>[vector<16xi32>], vector<16xf32>, vector<16xi1>
      %max3A_397 = arith.maximumf %select_n3A_392, %gather3A_396 : vector<16xf32>
      tpu.vector_store_idx %arg7[%add3A_395], %max3A_397 masked %or3A_316 : memref<544xf32, #tpu.memory_space<vmem>>[vector<16xi32>], vector<16xf32>, vector<16xi1>
      %get3A_398 = arith.constant 976 : index
      %get3A_399 = tpu.vector_load %arg5[%get3A_398] {strides = array<i32>} : memref<1280xf32, #tpu.memory_space<vmem>>, vector<16xf32>,
      %broadcast_in_dim3A_400 = vector.shape_cast %max3A_79 : vector<16xi32> to vector<16x1xi32>
      %gather3A_401 = vector.shape_cast %broadcast_in_dim3A_400 : vector<16x1xi32> to vector<16xi32>
      %gather3A_402 = tpu.dynamic_gather %get3A_399[%gather3A_401] in [0] : vector<16xf32>, vector<16xi32> -> vector<16xf32>
      %max3A_403 = arith.maximumf %get3A_399, %gather3A_402 : vector<16xf32>
      %select_n3A_404 = arith.select %eq3A_296, %max3A_403, %get3A_399 : vector<16xi1>, vector<16xf32>
      %broadcast_in_dim3A_405 = vector.shape_cast %max3A_85 : vector<16xi32> to vector<16x1xi32>
      %gather3A_406 = vector.shape_cast %broadcast_in_dim3A_405 : vector<16x1xi32> to vector<16xi32>
      %gather3A_407 = tpu.dynamic_gather %select_n3A_404[%gather3A_406] in [0] : vector<16xf32>, vector<16xi32> -> vector<16xf32>
      %max3A_408 = arith.maximumf %select_n3A_404, %gather3A_407 : vector<16xf32>
      %select_n3A_409 = arith.select %eq3A_300, %max3A_408, %select_n3A_404 : vector<16xi1>, vector<16xf32>
      %broadcast_in_dim3A_410 = vector.shape_cast %max3A_91 : vector<16xi32> to vector<16x1xi32>
      %gather3A_411 = vector.shape_cast %broadcast_in_dim3A_410 : vector<16x1xi32> to vector<16xi32>
      %gather3A_412 = tpu.dynamic_gather %select_n3A_409[%gather3A_411] in [0] : vector<16xf32>, vector<16xi32> -> vector<16xf32>
      %max3A_413 = arith.maximumf %select_n3A_409, %gather3A_412 : vector<16xf32>
      %select_n3A_414 = arith.select %eq3A_304, %max3A_413, %select_n3A_409 : vector<16xi1>, vector<16xf32>
      %broadcast_in_dim3A_415 = vector.shape_cast %max3A_97 : vector<16xi32> to vector<16x1xi32>
      %gather3A_416 = vector.shape_cast %broadcast_in_dim3A_415 : vector<16x1xi32> to vector<16xi32>
      %gather3A_417 = tpu.dynamic_gather %select_n3A_414[%gather3A_416] in [0] : vector<16xf32>, vector<16xi32> -> vector<16xf32>
      %max3A_418 = arith.maximumf %select_n3A_414, %gather3A_417 : vector<16xf32>
      %select_n3A_419 = arith.select %eq3A_308, %max3A_418, %select_n3A_414 : vector<16xi1>, vector<16xf32>
      %add3A_420 = arith.constant 408 : i32
      %add3A_421 = vector.broadcast %add3A_420 : i32 to vector<16xi32>
      %add3A_422 = arith.addi %get3A_292, %add3A_421 : vector<16xi32>
      %gather3A_423 = tpu.vector_load_idx %arg7[%add3A_422] masked %or3A_316 : memref<544xf32, #tpu.memory_space<vmem>>[vector<16xi32>], vector<16xf32>, vector<16xi1>
      %max3A_424 = arith.maximumf %select_n3A_419, %gather3A_423 : vector<16xf32>
      tpu.vector_store_idx %arg7[%add3A_422], %max3A_424 masked %or3A_316 : memref<544xf32, #tpu.memory_space<vmem>>[vector<16xi32>], vector<16xf32>, vector<16xi1>
      %get3A_425 = arith.constant 32 : index
      %get3A_426 = tpu.vector_load %arg6[%get3A_425] {strides = array<i32>} : memref<320xi32, #tpu.memory_space<vmem>>, vector<16xi32>,
      %broadcast_in_dim3A_427 = vector.shape_cast %max3A_79 : vector<16xi32> to vector<16x1xi32>
      %gather3A_428 = vector.shape_cast %broadcast_in_dim3A_427 : vector<16x1xi32> to vector<16xi32>
      %gather3A_429 = tpu.dynamic_gather %get3A_426[%gather3A_428] in [0] : vector<16xi32>, vector<16xi32> -> vector<16xi32>
      %eq3A_430 = arith.cmpi eq, %get3A_426, %gather3A_429 : vector<16xi32>
      %broadcast_in_dim3A_431 = vector.shape_cast %max3A_85 : vector<16xi32> to vector<16x1xi32>
      %gather3A_432 = vector.shape_cast %broadcast_in_dim3A_431 : vector<16x1xi32> to vector<16xi32>
      %gather3A_433 = tpu.dynamic_gather %get3A_426[%gather3A_432] in [0] : vector<16xi32>, vector<16xi32> -> vector<16xi32>
      %eq3A_434 = arith.cmpi eq, %get3A_426, %gather3A_433 : vector<16xi32>
      %broadcast_in_dim3A_435 = vector.shape_cast %max3A_91 : vector<16xi32> to vector<16x1xi32>
      %gather3A_436 = vector.shape_cast %broadcast_in_dim3A_435 : vector<16x1xi32> to vector<16xi32>
      %gather3A_437 = tpu.dynamic_gather %get3A_426[%gather3A_436] in [0] : vector<16xi32>, vector<16xi32> -> vector<16xi32>
      %eq3A_438 = arith.cmpi eq, %get3A_426, %gather3A_437 : vector<16xi32>
      %broadcast_in_dim3A_439 = vector.shape_cast %max3A_97 : vector<16xi32> to vector<16x1xi32>
      %gather3A_440 = vector.shape_cast %broadcast_in_dim3A_439 : vector<16x1xi32> to vector<16xi32>
      %gather3A_441 = tpu.dynamic_gather %get3A_426[%gather3A_440] in [0] : vector<16xi32>, vector<16xi32> -> vector<16xi32>
      %eq3A_442 = arith.cmpi eq, %get3A_426, %gather3A_441 : vector<16xi32>
      %broadcast_in_dim3A_443 = vector.shape_cast %min3A_75 : vector<16xi32> to vector<16x1xi32>
      %gather3A_444 = vector.shape_cast %broadcast_in_dim3A_443 : vector<16x1xi32> to vector<16xi32>
      %gather3A_445 = tpu.dynamic_gather %get3A_426[%gather3A_444] in [0] : vector<16xi32>, vector<16xi32> -> vector<16xi32>
      %ne3A_446 = arith.cmpi ne, %get3A_426, %gather3A_445 : vector<16xi32>
      %eq3A_447 = arith.constant 15 : i32
      %eq3A_448 = vector.broadcast %eq3A_447 : i32 to vector<16xi32>
      %eq3A_449 = arith.cmpi eq, %iota3A, %eq3A_448 : vector<16xi32>
      %or3A_450 = arith.ori %ne3A_446, %eq3A_449 : vector<16xi1>
      %get3A_451 = arith.constant 32 : index
      %get3A_452 = tpu.vector_load %arg5[%get3A_451] {strides = array<i32>} : memref<1280xf32, #tpu.memory_space<vmem>>, vector<16xf32>,
      %broadcast_in_dim3A_453 = vector.shape_cast %max3A_79 : vector<16xi32> to vector<16x1xi32>
      %gather3A_454 = vector.shape_cast %broadcast_in_dim3A_453 : vector<16x1xi32> to vector<16xi32>
      %gather3A_455 = tpu.dynamic_gather %get3A_452[%gather3A_454] in [0] : vector<16xf32>, vector<16xi32> -> vector<16xf32>
      %max3A_456 = arith.maximumf %get3A_452, %gather3A_455 : vector<16xf32>
      %select_n3A_457 = arith.select %eq3A_430, %max3A_456, %get3A_452 : vector<16xi1>, vector<16xf32>
      %broadcast_in_dim3A_458 = vector.shape_cast %max3A_85 : vector<16xi32> to vector<16x1xi32>
      %gather3A_459 = vector.shape_cast %broadcast_in_dim3A_458 : vector<16x1xi32> to vector<16xi32>
      %gather3A_460 = tpu.dynamic_gather %select_n3A_457[%gather3A_459] in [0] : vector<16xf32>, vector<16xi32> -> vector<16xf32>
      %max3A_461 = arith.maximumf %select_n3A_457, %gather3A_460 : vector<16xf32>
      %select_n3A_462 = arith.select %eq3A_434, %max3A_461, %select_n3A_457 : vector<16xi1>, vector<16xf32>
      %broadcast_in_dim3A_463 = vector.shape_cast %max3A_91 : vector<16xi32> to vector<16x1xi32>
      %gather3A_464 = vector.shape_cast %broadcast_in_dim3A_463 : vector<16x1xi32> to vector<16xi32>
      %gather3A_465 = tpu.dynamic_gather %select_n3A_462[%gather3A_464] in [0] : vector<16xf32>, vector<16xi32> -> vector<16xf32>
      %max3A_466 = arith.maximumf %select_n3A_462, %gather3A_465 : vector<16xf32>
      %select_n3A_467 = arith.select %eq3A_438, %max3A_466, %select_n3A_462 : vector<16xi1>, vector<16xf32>
      %broadcast_in_dim3A_468 = vector.shape_cast %max3A_97 : vector<16xi32> to vector<16x1xi32>
      %gather3A_469 = vector.shape_cast %broadcast_in_dim3A_468 : vector<16x1xi32> to vector<16xi32>
      %gather3A_470 = tpu.dynamic_gather %select_n3A_467[%gather3A_469] in [0] : vector<16xf32>, vector<16xi32> -> vector<16xf32>
      %max3A_471 = arith.maximumf %select_n3A_467, %gather3A_470 : vector<16xf32>
      %select_n3A_472 = arith.select %eq3A_442, %max3A_471, %select_n3A_467 : vector<16xi1>, vector<16xf32>
      %add3A_473 = arith.constant 0 : i32
      %add3A_474 = vector.broadcast %add3A_473 : i32 to vector<16xi32>
      %add3A_475 = arith.addi %get3A_426, %add3A_474 : vector<16xi32>
      %gather3A_476 = tpu.vector_load_idx %arg7[%add3A_475] masked %or3A_450 : memref<544xf32, #tpu.memory_space<vmem>>[vector<16xi32>], vector<16xf32>, vector<16xi1>
      %max3A_477 = arith.maximumf %select_n3A_472, %gather3A_476 : vector<16xf32>
      tpu.vector_store_idx %arg7[%add3A_475], %max3A_477 masked %or3A_450 : memref<544xf32, #tpu.memory_space<vmem>>[vector<16xi32>], vector<16xf32>, vector<16xi1>
      %get3A_478 = arith.constant 352 : index
      %get3A_479 = tpu.vector_load %arg5[%get3A_478] {strides = array<i32>} : memref<1280xf32, #tpu.memory_space<vmem>>, vector<16xf32>,
      %broadcast_in_dim3A_480 = vector.shape_cast %max3A_79 : vector<16xi32> to vector<16x1xi32>
      %gather3A_481 = vector.shape_cast %broadcast_in_dim3A_480 : vector<16x1xi32> to vector<16xi32>
      %gather3A_482 = tpu.dynamic_gather %get3A_479[%gather3A_481] in [0] : vector<16xf32>, vector<16xi32> -> vector<16xf32>
      %max3A_483 = arith.maximumf %get3A_479, %gather3A_482 : vector<16xf32>
      %select_n3A_484 = arith.select %eq3A_430, %max3A_483, %get3A_479 : vector<16xi1>, vector<16xf32>
      %broadcast_in_dim3A_485 = vector.shape_cast %max3A_85 : vector<16xi32> to vector<16x1xi32>
      %gather3A_486 = vector.shape_cast %broadcast_in_dim3A_485 : vector<16x1xi32> to vector<16xi32>
      %gather3A_487 = tpu.dynamic_gather %select_n3A_484[%gather3A_486] in [0] : vector<16xf32>, vector<16xi32> -> vector<16xf32>
      %max3A_488 = arith.maximumf %select_n3A_484, %gather3A_487 : vector<16xf32>
      %select_n3A_489 = arith.select %eq3A_434, %max3A_488, %select_n3A_484 : vector<16xi1>, vector<16xf32>
      %broadcast_in_dim3A_490 = vector.shape_cast %max3A_91 : vector<16xi32> to vector<16x1xi32>
      %gather3A_491 = vector.shape_cast %broadcast_in_dim3A_490 : vector<16x1xi32> to vector<16xi32>
      %gather3A_492 = tpu.dynamic_gather %select_n3A_489[%gather3A_491] in [0] : vector<16xf32>, vector<16xi32> -> vector<16xf32>
      %max3A_493 = arith.maximumf %select_n3A_489, %gather3A_492 : vector<16xf32>
      %select_n3A_494 = arith.select %eq3A_438, %max3A_493, %select_n3A_489 : vector<16xi1>, vector<16xf32>
      %broadcast_in_dim3A_495 = vector.shape_cast %max3A_97 : vector<16xi32> to vector<16x1xi32>
      %gather3A_496 = vector.shape_cast %broadcast_in_dim3A_495 : vector<16x1xi32> to vector<16xi32>
      %gather3A_497 = tpu.dynamic_gather %select_n3A_494[%gather3A_496] in [0] : vector<16xf32>, vector<16xi32> -> vector<16xf32>
      %max3A_498 = arith.maximumf %select_n3A_494, %gather3A_497 : vector<16xf32>
      %select_n3A_499 = arith.select %eq3A_442, %max3A_498, %select_n3A_494 : vector<16xi1>, vector<16xf32>
      %add3A_500 = arith.constant 136 : i32
      %add3A_501 = vector.broadcast %add3A_500 : i32 to vector<16xi32>
      %add3A_502 = arith.addi %get3A_426, %add3A_501 : vector<16xi32>
      %gather3A_503 = tpu.vector_load_idx %arg7[%add3A_502] masked %or3A_450 : memref<544xf32, #tpu.memory_space<vmem>>[vector<16xi32>], vector<16xf32>, vector<16xi1>
      %max3A_504 = arith.maximumf %select_n3A_499, %gather3A_503 : vector<16xf32>
      tpu.vector_store_idx %arg7[%add3A_502], %max3A_504 masked %or3A_450 : memref<544xf32, #tpu.memory_space<vmem>>[vector<16xi32>], vector<16xf32>, vector<16xi1>
      %get3A_505 = arith.constant 672 : index
      %get3A_506 = tpu.vector_load %arg5[%get3A_505] {strides = array<i32>} : memref<1280xf32, #tpu.memory_space<vmem>>, vector<16xf32>,
      %broadcast_in_dim3A_507 = vector.shape_cast %max3A_79 : vector<16xi32> to vector<16x1xi32>
      %gather3A_508 = vector.shape_cast %broadcast_in_dim3A_507 : vector<16x1xi32> to vector<16xi32>
      %gather3A_509 = tpu.dynamic_gather %get3A_506[%gather3A_508] in [0] : vector<16xf32>, vector<16xi32> -> vector<16xf32>
      %max3A_510 = arith.maximumf %get3A_506, %gather3A_509 : vector<16xf32>
      %select_n3A_511 = arith.select %eq3A_430, %max3A_510, %get3A_506 : vector<16xi1>, vector<16xf32>
      %broadcast_in_dim3A_512 = vector.shape_cast %max3A_85 : vector<16xi32> to vector<16x1xi32>
      %gather3A_513 = vector.shape_cast %broadcast_in_dim3A_512 : vector<16x1xi32> to vector<16xi32>
      %gather3A_514 = tpu.dynamic_gather %select_n3A_511[%gather3A_513] in [0] : vector<16xf32>, vector<16xi32> -> vector<16xf32>
      %max3A_515 = arith.maximumf %select_n3A_511, %gather3A_514 : vector<16xf32>
      %select_n3A_516 = arith.select %eq3A_434, %max3A_515, %select_n3A_511 : vector<16xi1>, vector<16xf32>
      %broadcast_in_dim3A_517 = vector.shape_cast %max3A_91 : vector<16xi32> to vector<16x1xi32>
      %gather3A_518 = vector.shape_cast %broadcast_in_dim3A_517 : vector<16x1xi32> to vector<16xi32>
      %gather3A_519 = tpu.dynamic_gather %select_n3A_516[%gather3A_518] in [0] : vector<16xf32>, vector<16xi32> -> vector<16xf32>
      %max3A_520 = arith.maximumf %select_n3A_516, %gather3A_519 : vector<16xf32>
      %select_n3A_521 = arith.select %eq3A_438, %max3A_520, %select_n3A_516 : vector<16xi1>, vector<16xf32>
      %broadcast_in_dim3A_522 = vector.shape_cast %max3A_97 : vector<16xi32> to vector<16x1xi32>
      %gather3A_523 = vector.shape_cast %broadcast_in_dim3A_522 : vector<16x1xi32> to vector<16xi32>
      %gather3A_524 = tpu.dynamic_gather %select_n3A_521[%gather3A_523] in [0] : vector<16xf32>, vector<16xi32> -> vector<16xf32>
      %max3A_525 = arith.maximumf %select_n3A_521, %gather3A_524 : vector<16xf32>
      %select_n3A_526 = arith.select %eq3A_442, %max3A_525, %select_n3A_521 : vector<16xi1>, vector<16xf32>
      %add3A_527 = arith.constant 272 : i32
      %add3A_528 = vector.broadcast %add3A_527 : i32 to vector<16xi32>
      %add3A_529 = arith.addi %get3A_426, %add3A_528 : vector<16xi32>
      %gather3A_530 = tpu.vector_load_idx %arg7[%add3A_529] masked %or3A_450 : memref<544xf32, #tpu.memory_space<vmem>>[vector<16xi32>], vector<16xf32>, vector<16xi1>
      %max3A_531 = arith.maximumf %select_n3A_526, %gather3A_530 : vector<16xf32>
      tpu.vector_store_idx %arg7[%add3A_529], %max3A_531 masked %or3A_450 : memref<544xf32, #tpu.memory_space<vmem>>[vector<16xi32>], vector<16xf32>, vector<16xi1>
      %get3A_532 = arith.constant 992 : index
      %get3A_533 = tpu.vector_load %arg5[%get3A_532] {strides = array<i32>} : memref<1280xf32, #tpu.memory_space<vmem>>, vector<16xf32>,
      %broadcast_in_dim3A_534 = vector.shape_cast %max3A_79 : vector<16xi32> to vector<16x1xi32>
      %gather3A_535 = vector.shape_cast %broadcast_in_dim3A_534 : vector<16x1xi32> to vector<16xi32>
      %gather3A_536 = tpu.dynamic_gather %get3A_533[%gather3A_535] in [0] : vector<16xf32>, vector<16xi32> -> vector<16xf32>
      %max3A_537 = arith.maximumf %get3A_533, %gather3A_536 : vector<16xf32>
      %select_n3A_538 = arith.select %eq3A_430, %max3A_537, %get3A_533 : vector<16xi1>, vector<16xf32>
      %broadcast_in_dim3A_539 = vector.shape_cast %max3A_85 : vector<16xi32> to vector<16x1xi32>
      %gather3A_540 = vector.shape_cast %broadcast_in_dim3A_539 : vector<16x1xi32> to vector<16xi32>
      %gather3A_541 = tpu.dynamic_gather %select_n3A_538[%gather3A_540] in [0] : vector<16xf32>, vector<16xi32> -> vector<16xf32>
      %max3A_542 = arith.maximumf %select_n3A_538, %gather3A_541 : vector<16xf32>
      %select_n3A_543 = arith.select %eq3A_434, %max3A_542, %select_n3A_538 : vector<16xi1>, vector<16xf32>
      %broadcast_in_dim3A_544 = vector.shape_cast %max3A_91 : vector<16xi32> to vector<16x1xi32>
      %gather3A_545 = vector.shape_cast %broadcast_in_dim3A_544 : vector<16x1xi32> to vector<16xi32>
      %gather3A_546 = tpu.dynamic_gather %select_n3A_543[%gather3A_545] in [0] : vector<16xf32>, vector<16xi32> -> vector<16xf32>
      %max3A_547 = arith.maximumf %select_n3A_543, %gather3A_546 : vector<16xf32>
      %select_n3A_548 = arith.select %eq3A_438, %max3A_547, %select_n3A_543 : vector<16xi1>, vector<16xf32>
      %broadcast_in_dim3A_549 = vector.shape_cast %max3A_97 : vector<16xi32> to vector<16x1xi32>
      %gather3A_550 = vector.shape_cast %broadcast_in_dim3A_549 : vector<16x1xi32> to vector<16xi32>
      %gather3A_551 = tpu.dynamic_gather %select_n3A_548[%gather3A_550] in [0] : vector<16xf32>, vector<16xi32> -> vector<16xf32>
      %max3A_552 = arith.maximumf %select_n3A_548, %gather3A_551 : vector<16xf32>
      %select_n3A_553 = arith.select %eq3A_442, %max3A_552, %select_n3A_548 : vector<16xi1>, vector<16xf32>
      %add3A_554 = arith.constant 408 : i32
      %add3A_555 = vector.broadcast %add3A_554 : i32 to vector<16xi32>
      %add3A_556 = arith.addi %get3A_426, %add3A_555 : vector<16xi32>
      %gather3A_557 = tpu.vector_load_idx %arg7[%add3A_556] masked %or3A_450 : memref<544xf32, #tpu.memory_space<vmem>>[vector<16xi32>], vector<16xf32>, vector<16xi1>
      %max3A_558 = arith.maximumf %select_n3A_553, %gather3A_557 : vector<16xf32>
      tpu.vector_store_idx %arg7[%add3A_556], %max3A_558 masked %or3A_450 : memref<544xf32, #tpu.memory_space<vmem>>[vector<16xi32>], vector<16xf32>, vector<16xi1>
      %get3A_559 = arith.constant 48 : index
      %get3A_560 = tpu.vector_load %arg6[%get3A_559] {strides = array<i32>} : memref<320xi32, #tpu.memory_space<vmem>>, vector<16xi32>,
      %broadcast_in_dim3A_561 = vector.shape_cast %max3A_79 : vector<16xi32> to vector<16x1xi32>
      %gather3A_562 = vector.shape_cast %broadcast_in_dim3A_561 : vector<16x1xi32> to vector<16xi32>
      %gather3A_563 = tpu.dynamic_gather %get3A_560[%gather3A_562] in [0] : vector<16xi32>, vector<16xi32> -> vector<16xi32>
      %eq3A_564 = arith.cmpi eq, %get3A_560, %gather3A_563 : vector<16xi32>
      %broadcast_in_dim3A_565 = vector.shape_cast %max3A_85 : vector<16xi32> to vector<16x1xi32>
      %gather3A_566 = vector.shape_cast %broadcast_in_dim3A_565 : vector<16x1xi32> to vector<16xi32>
      %gather3A_567 = tpu.dynamic_gather %get3A_560[%gather3A_566] in [0] : vector<16xi32>, vector<16xi32> -> vector<16xi32>
      %eq3A_568 = arith.cmpi eq, %get3A_560, %gather3A_567 : vector<16xi32>
      %broadcast_in_dim3A_569 = vector.shape_cast %max3A_91 : vector<16xi32> to vector<16x1xi32>
      %gather3A_570 = vector.shape_cast %broadcast_in_dim3A_569 : vector<16x1xi32> to vector<16xi32>
      %gather3A_571 = tpu.dynamic_gather %get3A_560[%gather3A_570] in [0] : vector<16xi32>, vector<16xi32> -> vector<16xi32>
      %eq3A_572 = arith.cmpi eq, %get3A_560, %gather3A_571 : vector<16xi32>
      %broadcast_in_dim3A_573 = vector.shape_cast %max3A_97 : vector<16xi32> to vector<16x1xi32>
      %gather3A_574 = vector.shape_cast %broadcast_in_dim3A_573 : vector<16x1xi32> to vector<16xi32>
      %gather3A_575 = tpu.dynamic_gather %get3A_560[%gather3A_574] in [0] : vector<16xi32>, vector<16xi32> -> vector<16xi32>
      %eq3A_576 = arith.cmpi eq, %get3A_560, %gather3A_575 : vector<16xi32>
      %broadcast_in_dim3A_577 = vector.shape_cast %min3A_75 : vector<16xi32> to vector<16x1xi32>
      %gather3A_578 = vector.shape_cast %broadcast_in_dim3A_577 : vector<16x1xi32> to vector<16xi32>
      %gather3A_579 = tpu.dynamic_gather %get3A_560[%gather3A_578] in [0] : vector<16xi32>, vector<16xi32> -> vector<16xi32>
      %ne3A_580 = arith.cmpi ne, %get3A_560, %gather3A_579 : vector<16xi32>
      %eq3A_581 = arith.constant 15 : i32
      %eq3A_582 = vector.broadcast %eq3A_581 : i32 to vector<16xi32>
      %eq3A_583 = arith.cmpi eq, %iota3A, %eq3A_582 : vector<16xi32>
      %or3A_584 = arith.ori %ne3A_580, %eq3A_583 : vector<16xi1>
      %get3A_585 = arith.constant 48 : index
      %get3A_586 = tpu.vector_load %arg5[%get3A_585] {strides = array<i32>} : memref<1280xf32, #tpu.memory_space<vmem>>, vector<16xf32>,
      %broadcast_in_dim3A_587 = vector.shape_cast %max3A_79 : vector<16xi32> to vector<16x1xi32>
      %gather3A_588 = vector.shape_cast %broadcast_in_dim3A_587 : vector<16x1xi32> to vector<16xi32>
      %gather3A_589 = tpu.dynamic_gather %get3A_586[%gather3A_588] in [0] : vector<16xf32>, vector<16xi32> -> vector<16xf32>
      %max3A_590 = arith.maximumf %get3A_586, %gather3A_589 : vector<16xf32>
      %select_n3A_591 = arith.select %eq3A_564, %max3A_590, %get3A_586 : vector<16xi1>, vector<16xf32>
      %broadcast_in_dim3A_592 = vector.shape_cast %max3A_85 : vector<16xi32> to vector<16x1xi32>
      %gather3A_593 = vector.shape_cast %broadcast_in_dim3A_592 : vector<16x1xi32> to vector<16xi32>
      %gather3A_594 = tpu.dynamic_gather %select_n3A_591[%gather3A_593] in [0] : vector<16xf32>, vector<16xi32> -> vector<16xf32>
      %max3A_595 = arith.maximumf %select_n3A_591, %gather3A_594 : vector<16xf32>
      %select_n3A_596 = arith.select %eq3A_568, %max3A_595, %select_n3A_591 : vector<16xi1>, vector<16xf32>
      %broadcast_in_dim3A_597 = vector.shape_cast %max3A_91 : vector<16xi32> to vector<16x1xi32>
      %gather3A_598 = vector.shape_cast %broadcast_in_dim3A_597 : vector<16x1xi32> to vector<16xi32>
      %gather3A_599 = tpu.dynamic_gather %select_n3A_596[%gather3A_598] in [0] : vector<16xf32>, vector<16xi32> -> vector<16xf32>
      %max3A_600 = arith.maximumf %select_n3A_596, %gather3A_599 : vector<16xf32>
      %select_n3A_601 = arith.select %eq3A_572, %max3A_600, %select_n3A_596 : vector<16xi1>, vector<16xf32>
      %broadcast_in_dim3A_602 = vector.shape_cast %max3A_97 : vector<16xi32> to vector<16x1xi32>
      %gather3A_603 = vector.shape_cast %broadcast_in_dim3A_602 : vector<16x1xi32> to vector<16xi32>
      %gather3A_604 = tpu.dynamic_gather %select_n3A_601[%gather3A_603] in [0] : vector<16xf32>, vector<16xi32> -> vector<16xf32>
      %max3A_605 = arith.maximumf %select_n3A_601, %gather3A_604 : vector<16xf32>
      %select_n3A_606 = arith.select %eq3A_576, %max3A_605, %select_n3A_601 : vector<16xi1>, vector<16xf32>
      %add3A_607 = arith.constant 0 : i32
      %add3A_608 = vector.broadcast %add3A_607 : i32 to vector<16xi32>
      %add3A_609 = arith.addi %get3A_560, %add3A_608 : vector<16xi32>
      %gather3A_610 = tpu.vector_load_idx %arg7[%add3A_609] masked %or3A_584 : memref<544xf32, #tpu.memory_space<vmem>>[vector<16xi32>], vector<16xf32>, vector<16xi1>
      %max3A_611 = arith.maximumf %select_n3A_606, %gather3A_610 : vector<16xf32>
      tpu.vector_store_idx %arg7[%add3A_609], %max3A_611 masked %or3A_584 : memref<544xf32, #tpu.memory_space<vmem>>[vector<16xi32>], vector<16xf32>, vector<16xi1>
      %get3A_612 = arith.constant 368 : index
      %get3A_613 = tpu.vector_load %arg5[%get3A_612] {strides = array<i32>} : memref<1280xf32, #tpu.memory_space<vmem>>, vector<16xf32>,
      %broadcast_in_dim3A_614 = vector.shape_cast %max3A_79 : vector<16xi32> to vector<16x1xi32>
      %gather3A_615 = vector.shape_cast %broadcast_in_dim3A_614 : vector<16x1xi32> to vector<16xi32>
      %gather3A_616 = tpu.dynamic_gather %get3A_613[%gather3A_615] in [0] : vector<16xf32>, vector<16xi32> -> vector<16xf32>
      %max3A_617 = arith.maximumf %get3A_613, %gather3A_616 : vector<16xf32>
      %select_n3A_618 = arith.select %eq3A_564, %max3A_617, %get3A_613 : vector<16xi1>, vector<16xf32>
      %broadcast_in_dim3A_619 = vector.shape_cast %max3A_85 : vector<16xi32> to vector<16x1xi32>
      %gather3A_620 = vector.shape_cast %broadcast_in_dim3A_619 : vector<16x1xi32> to vector<16xi32>
      %gather3A_621 = tpu.dynamic_gather %select_n3A_618[%gather3A_620] in [0] : vector<16xf32>, vector<16xi32> -> vector<16xf32>
      %max3A_622 = arith.maximumf %select_n3A_618, %gather3A_621 : vector<16xf32>
      %select_n3A_623 = arith.select %eq3A_568, %max3A_622, %select_n3A_618 : vector<16xi1>, vector<16xf32>
      %broadcast_in_dim3A_624 = vector.shape_cast %max3A_91 : vector<16xi32> to vector<16x1xi32>
      %gather3A_625 = vector.shape_cast %broadcast_in_dim3A_624 : vector<16x1xi32> to vector<16xi32>
      %gather3A_626 = tpu.dynamic_gather %select_n3A_623[%gather3A_625] in [0] : vector<16xf32>, vector<16xi32> -> vector<16xf32>
      %max3A_627 = arith.maximumf %select_n3A_623, %gather3A_626 : vector<16xf32>
      %select_n3A_628 = arith.select %eq3A_572, %max3A_627, %select_n3A_623 : vector<16xi1>, vector<16xf32>
      %broadcast_in_dim3A_629 = vector.shape_cast %max3A_97 : vector<16xi32> to vector<16x1xi32>
      %gather3A_630 = vector.shape_cast %broadcast_in_dim3A_629 : vector<16x1xi32> to vector<16xi32>
      %gather3A_631 = tpu.dynamic_gather %select_n3A_628[%gather3A_630] in [0] : vector<16xf32>, vector<16xi32> -> vector<16xf32>
      %max3A_632 = arith.maximumf %select_n3A_628, %gather3A_631 : vector<16xf32>
      %select_n3A_633 = arith.select %eq3A_576, %max3A_632, %select_n3A_628 : vector<16xi1>, vector<16xf32>
      %add3A_634 = arith.constant 136 : i32
      %add3A_635 = vector.broadcast %add3A_634 : i32 to vector<16xi32>
      %add3A_636 = arith.addi %get3A_560, %add3A_635 : vector<16xi32>
      %gather3A_637 = tpu.vector_load_idx %arg7[%add3A_636] masked %or3A_584 : memref<544xf32, #tpu.memory_space<vmem>>[vector<16xi32>], vector<16xf32>, vector<16xi1>
      %max3A_638 = arith.maximumf %select_n3A_633, %gather3A_637 : vector<16xf32>
      tpu.vector_store_idx %arg7[%add3A_636], %max3A_638 masked %or3A_584 : memref<544xf32, #tpu.memory_space<vmem>>[vector<16xi32>], vector<16xf32>, vector<16xi1>
      %get3A_639 = arith.constant 688 : index
      %get3A_640 = tpu.vector_load %arg5[%get3A_639] {strides = array<i32>} : memref<1280xf32, #tpu.memory_space<vmem>>, vector<16xf32>,
      %broadcast_in_dim3A_641 = vector.shape_cast %max3A_79 : vector<16xi32> to vector<16x1xi32>
      %gather3A_642 = vector.shape_cast %broadcast_in_dim3A_641 : vector<16x1xi32> to vector<16xi32>
      %gather3A_643 = tpu.dynamic_gather %get3A_640[%gather3A_642] in [0] : vector<16xf32>, vector<16xi32> -> vector<16xf32>
      %max3A_644 = arith.maximumf %get3A_640, %gather3A_643 : vector<16xf32>
      %select_n3A_645 = arith.select %eq3A_564, %max3A_644, %get3A_640 : vector<16xi1>, vector<16xf32>
      %broadcast_in_dim3A_646 = vector.shape_cast %max3A_85 : vector<16xi32> to vector<16x1xi32>
      %gather3A_647 = vector.shape_cast %broadcast_in_dim3A_646 : vector<16x1xi32> to vector<16xi32>
      %gather3A_648 = tpu.dynamic_gather %select_n3A_645[%gather3A_647] in [0] : vector<16xf32>, vector<16xi32> -> vector<16xf32>
      %max3A_649 = arith.maximumf %select_n3A_645, %gather3A_648 : vector<16xf32>
      %select_n3A_650 = arith.select %eq3A_568, %max3A_649, %select_n3A_645 : vector<16xi1>, vector<16xf32>
      %broadcast_in_dim3A_651 = vector.shape_cast %max3A_91 : vector<16xi32> to vector<16x1xi32>
      %gather3A_652 = vector.shape_cast %broadcast_in_dim3A_651 : vector<16x1xi32> to vector<16xi32>
      %gather3A_653 = tpu.dynamic_gather %select_n3A_650[%gather3A_652] in [0] : vector<16xf32>, vector<16xi32> -> vector<16xf32>
      %max3A_654 = arith.maximumf %select_n3A_650, %gather3A_653 : vector<16xf32>
      %select_n3A_655 = arith.select %eq3A_572, %max3A_654, %select_n3A_650 : vector<16xi1>, vector<16xf32>
      %broadcast_in_dim3A_656 = vector.shape_cast %max3A_97 : vector<16xi32> to vector<16x1xi32>
      %gather3A_657 = vector.shape_cast %broadcast_in_dim3A_656 : vector<16x1xi32> to vector<16xi32>
      %gather3A_658 = tpu.dynamic_gather %select_n3A_655[%gather3A_657] in [0] : vector<16xf32>, vector<16xi32> -> vector<16xf32>
      %max3A_659 = arith.maximumf %select_n3A_655, %gather3A_658 : vector<16xf32>
      %select_n3A_660 = arith.select %eq3A_576, %max3A_659, %select_n3A_655 : vector<16xi1>, vector<16xf32>
      %add3A_661 = arith.constant 272 : i32
      %add3A_662 = vector.broadcast %add3A_661 : i32 to vector<16xi32>
      %add3A_663 = arith.addi %get3A_560, %add3A_662 : vector<16xi32>
      %gather3A_664 = tpu.vector_load_idx %arg7[%add3A_663] masked %or3A_584 : memref<544xf32, #tpu.memory_space<vmem>>[vector<16xi32>], vector<16xf32>, vector<16xi1>
      %max3A_665 = arith.maximumf %select_n3A_660, %gather3A_664 : vector<16xf32>
      tpu.vector_store_idx %arg7[%add3A_663], %max3A_665 masked %or3A_584 : memref<544xf32, #tpu.memory_space<vmem>>[vector<16xi32>], vector<16xf32>, vector<16xi1>
      %get3A_666 = arith.constant 1008 : index
      %get3A_667 = tpu.vector_load %arg5[%get3A_666] {strides = array<i32>} : memref<1280xf32, #tpu.memory_space<vmem>>, vector<16xf32>,
      %broadcast_in_dim3A_668 = vector.shape_cast %max3A_79 : vector<16xi32> to vector<16x1xi32>
      %gather3A_669 = vector.shape_cast %broadcast_in_dim3A_668 : vector<16x1xi32> to vector<16xi32>
      %gather3A_670 = tpu.dynamic_gather %get3A_667[%gather3A_669] in [0] : vector<16xf32>, vector<16xi32> -> vector<16xf32>
      %max3A_671 = arith.maximumf %get3A_667, %gather3A_670 : vector<16xf32>
      %select_n3A_672 = arith.select %eq3A_564, %max3A_671, %get3A_667 : vector<16xi1>, vector<16xf32>
      %broadcast_in_dim3A_673 = vector.shape_cast %max3A_85 : vector<16xi32> to vector<16x1xi32>
      %gather3A_674 = vector.shape_cast %broadcast_in_dim3A_673 : vector<16x1xi32> to vector<16xi32>
      %gather3A_675 = tpu.dynamic_gather %select_n3A_672[%gather3A_674] in [0] : vector<16xf32>, vector<16xi32> -> vector<16xf32>
      %max3A_676 = arith.maximumf %select_n3A_672, %gather3A_675 : vector<16xf32>
      %select_n3A_677 = arith.select %eq3A_568, %max3A_676, %select_n3A_672 : vector<16xi1>, vector<16xf32>
      %broadcast_in_dim3A_678 = vector.shape_cast %max3A_91 : vector<16xi32> to vector<16x1xi32>
      %gather3A_679 = vector.shape_cast %broadcast_in_dim3A_678 : vector<16x1xi32> to vector<16xi32>
      %gather3A_680 = tpu.dynamic_gather %select_n3A_677[%gather3A_679] in [0] : vector<16xf32>, vector<16xi32> -> vector<16xf32>
      %max3A_681 = arith.maximumf %select_n3A_677, %gather3A_680 : vector<16xf32>
      %select_n3A_682 = arith.select %eq3A_572, %max3A_681, %select_n3A_677 : vector<16xi1>, vector<16xf32>
      %broadcast_in_dim3A_683 = vector.shape_cast %max3A_97 : vector<16xi32> to vector<16x1xi32>
      %gather3A_684 = vector.shape_cast %broadcast_in_dim3A_683 : vector<16x1xi32> to vector<16xi32>
      %gather3A_685 = tpu.dynamic_gather %select_n3A_682[%gather3A_684] in [0] : vector<16xf32>, vector<16xi32> -> vector<16xf32>
      %max3A_686 = arith.maximumf %select_n3A_682, %gather3A_685 : vector<16xf32>
      %select_n3A_687 = arith.select %eq3A_576, %max3A_686, %select_n3A_682 : vector<16xi1>, vector<16xf32>
      %add3A_688 = arith.constant 408 : i32
      %add3A_689 = vector.broadcast %add3A_688 : i32 to vector<16xi32>
      %add3A_690 = arith.addi %get3A_560, %add3A_689 : vector<16xi32>
      %gather3A_691 = tpu.vector_load_idx %arg7[%add3A_690] masked %or3A_584 : memref<544xf32, #tpu.memory_space<vmem>>[vector<16xi32>], vector<16xf32>, vector<16xi1>
      %max3A_692 = arith.maximumf %select_n3A_687, %gather3A_691 : vector<16xf32>
      tpu.vector_store_idx %arg7[%add3A_690], %max3A_692 masked %or3A_584 : memref<544xf32, #tpu.memory_space<vmem>>[vector<16xi32>], vector<16xf32>, vector<16xi1>
      %get3A_693 = arith.constant 64 : index
      %get3A_694 = tpu.vector_load %arg6[%get3A_693] {strides = array<i32>} : memref<320xi32, #tpu.memory_space<vmem>>, vector<16xi32>,
      %broadcast_in_dim3A_695 = vector.shape_cast %max3A_79 : vector<16xi32> to vector<16x1xi32>
      %gather3A_696 = vector.shape_cast %broadcast_in_dim3A_695 : vector<16x1xi32> to vector<16xi32>
      %gather3A_697 = tpu.dynamic_gather %get3A_694[%gather3A_696] in [0] : vector<16xi32>, vector<16xi32> -> vector<16xi32>
      %eq3A_698 = arith.cmpi eq, %get3A_694, %gather3A_697 : vector<16xi32>
      %broadcast_in_dim3A_699 = vector.shape_cast %max3A_85 : vector<16xi32> to vector<16x1xi32>
      %gather3A_700 = vector.shape_cast %broadcast_in_dim3A_699 : vector<16x1xi32> to vector<16xi32>
      %gather3A_701 = tpu.dynamic_gather %get3A_694[%gather3A_700] in [0] : vector<16xi32>, vector<16xi32> -> vector<16xi32>
      %eq3A_702 = arith.cmpi eq, %get3A_694, %gather3A_701 : vector<16xi32>
      %broadcast_in_dim3A_703 = vector.shape_cast %max3A_91 : vector<16xi32> to vector<16x1xi32>
      %gather3A_704 = vector.shape_cast %broadcast_in_dim3A_703 : vector<16x1xi32> to vector<16xi32>
      %gather3A_705 = tpu.dynamic_gather %get3A_694[%gather3A_704] in [0] : vector<16xi32>, vector<16xi32> -> vector<16xi32>
      %eq3A_706 = arith.cmpi eq, %get3A_694, %gather3A_705 : vector<16xi32>
      %broadcast_in_dim3A_707 = vector.shape_cast %max3A_97 : vector<16xi32> to vector<16x1xi32>
      %gather3A_708 = vector.shape_cast %broadcast_in_dim3A_707 : vector<16x1xi32> to vector<16xi32>
      %gather3A_709 = tpu.dynamic_gather %get3A_694[%gather3A_708] in [0] : vector<16xi32>, vector<16xi32> -> vector<16xi32>
      %eq3A_710 = arith.cmpi eq, %get3A_694, %gather3A_709 : vector<16xi32>
      %broadcast_in_dim3A_711 = vector.shape_cast %min3A_75 : vector<16xi32> to vector<16x1xi32>
      %gather3A_712 = vector.shape_cast %broadcast_in_dim3A_711 : vector<16x1xi32> to vector<16xi32>
      %gather3A_713 = tpu.dynamic_gather %get3A_694[%gather3A_712] in [0] : vector<16xi32>, vector<16xi32> -> vector<16xi32>
      %ne3A_714 = arith.cmpi ne, %get3A_694, %gather3A_713 : vector<16xi32>
      %eq3A_715 = arith.constant 15 : i32
      %eq3A_716 = vector.broadcast %eq3A_715 : i32 to vector<16xi32>
      %eq3A_717 = arith.cmpi eq, %iota3A, %eq3A_716 : vector<16xi32>
      %or3A_718 = arith.ori %ne3A_714, %eq3A_717 : vector<16xi1>
      %get3A_719 = arith.constant 64 : index
      %get3A_720 = tpu.vector_load %arg5[%get3A_719] {strides = array<i32>} : memref<1280xf32, #tpu.memory_space<vmem>>, vector<16xf32>,
      %broadcast_in_dim3A_721 = vector.shape_cast %max3A_79 : vector<16xi32> to vector<16x1xi32>
      %gather3A_722 = vector.shape_cast %broadcast_in_dim3A_721 : vector<16x1xi32> to vector<16xi32>
      %gather3A_723 = tpu.dynamic_gather %get3A_720[%gather3A_722] in [0] : vector<16xf32>, vector<16xi32> -> vector<16xf32>
      %max3A_724 = arith.maximumf %get3A_720, %gather3A_723 : vector<16xf32>
      %select_n3A_725 = arith.select %eq3A_698, %max3A_724, %get3A_720 : vector<16xi1>, vector<16xf32>
      %broadcast_in_dim3A_726 = vector.shape_cast %max3A_85 : vector<16xi32> to vector<16x1xi32>
      %gather3A_727 = vector.shape_cast %broadcast_in_dim3A_726 : vector<16x1xi32> to vector<16xi32>
      %gather3A_728 = tpu.dynamic_gather %select_n3A_725[%gather3A_727] in [0] : vector<16xf32>, vector<16xi32> -> vector<16xf32>
      %max3A_729 = arith.maximumf %select_n3A_725, %gather3A_728 : vector<16xf32>
      %select_n3A_730 = arith.select %eq3A_702, %max3A_729, %select_n3A_725 : vector<16xi1>, vector<16xf32>
      %broadcast_in_dim3A_731 = vector.shape_cast %max3A_91 : vector<16xi32> to vector<16x1xi32>
      %gather3A_732 = vector.shape_cast %broadcast_in_dim3A_731 : vector<16x1xi32> to vector<16xi32>
      %gather3A_733 = tpu.dynamic_gather %select_n3A_730[%gather3A_732] in [0] : vector<16xf32>, vector<16xi32> -> vector<16xf32>
      %max3A_734 = arith.maximumf %select_n3A_730, %gather3A_733 : vector<16xf32>
      %select_n3A_735 = arith.select %eq3A_706, %max3A_734, %select_n3A_730 : vector<16xi1>, vector<16xf32>
      %broadcast_in_dim3A_736 = vector.shape_cast %max3A_97 : vector<16xi32> to vector<16x1xi32>
      %gather3A_737 = vector.shape_cast %broadcast_in_dim3A_736 : vector<16x1xi32> to vector<16xi32>
      %gather3A_738 = tpu.dynamic_gather %select_n3A_735[%gather3A_737] in [0] : vector<16xf32>, vector<16xi32> -> vector<16xf32>
      %max3A_739 = arith.maximumf %select_n3A_735, %gather3A_738 : vector<16xf32>
      %select_n3A_740 = arith.select %eq3A_710, %max3A_739, %select_n3A_735 : vector<16xi1>, vector<16xf32>
      %add3A_741 = arith.constant 0 : i32
      %add3A_742 = vector.broadcast %add3A_741 : i32 to vector<16xi32>
      %add3A_743 = arith.addi %get3A_694, %add3A_742 : vector<16xi32>
      %gather3A_744 = tpu.vector_load_idx %arg7[%add3A_743] masked %or3A_718 : memref<544xf32, #tpu.memory_space<vmem>>[vector<16xi32>], vector<16xf32>, vector<16xi1>
      %max3A_745 = arith.maximumf %select_n3A_740, %gather3A_744 : vector<16xf32>
      tpu.vector_store_idx %arg7[%add3A_743], %max3A_745 masked %or3A_718 : memref<544xf32, #tpu.memory_space<vmem>>[vector<16xi32>], vector<16xf32>, vector<16xi1>
      %get3A_746 = arith.constant 384 : index
      %get3A_747 = tpu.vector_load %arg5[%get3A_746] {strides = array<i32>} : memref<1280xf32, #tpu.memory_space<vmem>>, vector<16xf32>,
      %broadcast_in_dim3A_748 = vector.shape_cast %max3A_79 : vector<16xi32> to vector<16x1xi32>
      %gather3A_749 = vector.shape_cast %broadcast_in_dim3A_748 : vector<16x1xi32> to vector<16xi32>
      %gather3A_750 = tpu.dynamic_gather %get3A_747[%gather3A_749] in [0] : vector<16xf32>, vector<16xi32> -> vector<16xf32>
      %max3A_751 = arith.maximumf %get3A_747, %gather3A_750 : vector<16xf32>
      %select_n3A_752 = arith.select %eq3A_698, %max3A_751, %get3A_747 : vector<16xi1>, vector<16xf32>
      %broadcast_in_dim3A_753 = vector.shape_cast %max3A_85 : vector<16xi32> to vector<16x1xi32>
      %gather3A_754 = vector.shape_cast %broadcast_in_dim3A_753 : vector<16x1xi32> to vector<16xi32>
      %gather3A_755 = tpu.dynamic_gather %select_n3A_752[%gather3A_754] in [0] : vector<16xf32>, vector<16xi32> -> vector<16xf32>
      %max3A_756 = arith.maximumf %select_n3A_752, %gather3A_755 : vector<16xf32>
      %select_n3A_757 = arith.select %eq3A_702, %max3A_756, %select_n3A_752 : vector<16xi1>, vector<16xf32>
      %broadcast_in_dim3A_758 = vector.shape_cast %max3A_91 : vector<16xi32> to vector<16x1xi32>
      %gather3A_759 = vector.shape_cast %broadcast_in_dim3A_758 : vector<16x1xi32> to vector<16xi32>
      %gather3A_760 = tpu.dynamic_gather %select_n3A_757[%gather3A_759] in [0] : vector<16xf32>, vector<16xi32> -> vector<16xf32>
      %max3A_761 = arith.maximumf %select_n3A_757, %gather3A_760 : vector<16xf32>
      %select_n3A_762 = arith.select %eq3A_706, %max3A_761, %select_n3A_757 : vector<16xi1>, vector<16xf32>
      %broadcast_in_dim3A_763 = vector.shape_cast %max3A_97 : vector<16xi32> to vector<16x1xi32>
      %gather3A_764 = vector.shape_cast %broadcast_in_dim3A_763 : vector<16x1xi32> to vector<16xi32>
      %gather3A_765 = tpu.dynamic_gather %select_n3A_762[%gather3A_764] in [0] : vector<16xf32>, vector<16xi32> -> vector<16xf32>
      %max3A_766 = arith.maximumf %select_n3A_762, %gather3A_765 : vector<16xf32>
      %select_n3A_767 = arith.select %eq3A_710, %max3A_766, %select_n3A_762 : vector<16xi1>, vector<16xf32>
      %add3A_768 = arith.constant 136 : i32
      %add3A_769 = vector.broadcast %add3A_768 : i32 to vector<16xi32>
      %add3A_770 = arith.addi %get3A_694, %add3A_769 : vector<16xi32>
      %gather3A_771 = tpu.vector_load_idx %arg7[%add3A_770] masked %or3A_718 : memref<544xf32, #tpu.memory_space<vmem>>[vector<16xi32>], vector<16xf32>, vector<16xi1>
      %max3A_772 = arith.maximumf %select_n3A_767, %gather3A_771 : vector<16xf32>
      tpu.vector_store_idx %arg7[%add3A_770], %max3A_772 masked %or3A_718 : memref<544xf32, #tpu.memory_space<vmem>>[vector<16xi32>], vector<16xf32>, vector<16xi1>
      %get3A_773 = arith.constant 704 : index
      %get3A_774 = tpu.vector_load %arg5[%get3A_773] {strides = array<i32>} : memref<1280xf32, #tpu.memory_space<vmem>>, vector<16xf32>,
      %broadcast_in_dim3A_775 = vector.shape_cast %max3A_79 : vector<16xi32> to vector<16x1xi32>
      %gather3A_776 = vector.shape_cast %broadcast_in_dim3A_775 : vector<16x1xi32> to vector<16xi32>
      %gather3A_777 = tpu.dynamic_gather %get3A_774[%gather3A_776] in [0] : vector<16xf32>, vector<16xi32> -> vector<16xf32>
      %max3A_778 = arith.maximumf %get3A_774, %gather3A_777 : vector<16xf32>
      %select_n3A_779 = arith.select %eq3A_698, %max3A_778, %get3A_774 : vector<16xi1>, vector<16xf32>
      %broadcast_in_dim3A_780 = vector.shape_cast %max3A_85 : vector<16xi32> to vector<16x1xi32>
      %gather3A_781 = vector.shape_cast %broadcast_in_dim3A_780 : vector<16x1xi32> to vector<16xi32>
      %gather3A_782 = tpu.dynamic_gather %select_n3A_779[%gather3A_781] in [0] : vector<16xf32>, vector<16xi32> -> vector<16xf32>
      %max3A_783 = arith.maximumf %select_n3A_779, %gather3A_782 : vector<16xf32>
      %select_n3A_784 = arith.select %eq3A_702, %max3A_783, %select_n3A_779 : vector<16xi1>, vector<16xf32>
      %broadcast_in_dim3A_785 = vector.shape_cast %max3A_91 : vector<16xi32> to vector<16x1xi32>
      %gather3A_786 = vector.shape_cast %broadcast_in_dim3A_785 : vector<16x1xi32> to vector<16xi32>
      %gather3A_787 = tpu.dynamic_gather %select_n3A_784[%gather3A_786] in [0] : vector<16xf32>, vector<16xi32> -> vector<16xf32>
      %max3A_788 = arith.maximumf %select_n3A_784, %gather3A_787 : vector<16xf32>
      %select_n3A_789 = arith.select %eq3A_706, %max3A_788, %select_n3A_784 : vector<16xi1>, vector<16xf32>
      %broadcast_in_dim3A_790 = vector.shape_cast %max3A_97 : vector<16xi32> to vector<16x1xi32>
      %gather3A_791 = vector.shape_cast %broadcast_in_dim3A_790 : vector<16x1xi32> to vector<16xi32>
      %gather3A_792 = tpu.dynamic_gather %select_n3A_789[%gather3A_791] in [0] : vector<16xf32>, vector<16xi32> -> vector<16xf32>
      %max3A_793 = arith.maximumf %select_n3A_789, %gather3A_792 : vector<16xf32>
      %select_n3A_794 = arith.select %eq3A_710, %max3A_793, %select_n3A_789 : vector<16xi1>, vector<16xf32>
      %add3A_795 = arith.constant 272 : i32
      %add3A_796 = vector.broadcast %add3A_795 : i32 to vector<16xi32>
      %add3A_797 = arith.addi %get3A_694, %add3A_796 : vector<16xi32>
      %gather3A_798 = tpu.vector_load_idx %arg7[%add3A_797] masked %or3A_718 : memref<544xf32, #tpu.memory_space<vmem>>[vector<16xi32>], vector<16xf32>, vector<16xi1>
      %max3A_799 = arith.maximumf %select_n3A_794, %gather3A_798 : vector<16xf32>
      tpu.vector_store_idx %arg7[%add3A_797], %max3A_799 masked %or3A_718 : memref<544xf32, #tpu.memory_space<vmem>>[vector<16xi32>], vector<16xf32>, vector<16xi1>
      %get3A_800 = arith.constant 1024 : index
      %get3A_801 = tpu.vector_load %arg5[%get3A_800] {strides = array<i32>} : memref<1280xf32, #tpu.memory_space<vmem>>, vector<16xf32>,
      %broadcast_in_dim3A_802 = vector.shape_cast %max3A_79 : vector<16xi32> to vector<16x1xi32>
      %gather3A_803 = vector.shape_cast %broadcast_in_dim3A_802 : vector<16x1xi32> to vector<16xi32>
      %gather3A_804 = tpu.dynamic_gather %get3A_801[%gather3A_803] in [0] : vector<16xf32>, vector<16xi32> -> vector<16xf32>
      %max3A_805 = arith.maximumf %get3A_801, %gather3A_804 : vector<16xf32>
      %select_n3A_806 = arith.select %eq3A_698, %max3A_805, %get3A_801 : vector<16xi1>, vector<16xf32>
      %broadcast_in_dim3A_807 = vector.shape_cast %max3A_85 : vector<16xi32> to vector<16x1xi32>
      %gather3A_808 = vector.shape_cast %broadcast_in_dim3A_807 : vector<16x1xi32> to vector<16xi32>
      %gather3A_809 = tpu.dynamic_gather %select_n3A_806[%gather3A_808] in [0] : vector<16xf32>, vector<16xi32> -> vector<16xf32>
      %max3A_810 = arith.maximumf %select_n3A_806, %gather3A_809 : vector<16xf32>
      %select_n3A_811 = arith.select %eq3A_702, %max3A_810, %select_n3A_806 : vector<16xi1>, vector<16xf32>
      %broadcast_in_dim3A_812 = vector.shape_cast %max3A_91 : vector<16xi32> to vector<16x1xi32>
      %gather3A_813 = vector.shape_cast %broadcast_in_dim3A_812 : vector<16x1xi32> to vector<16xi32>
      %gather3A_814 = tpu.dynamic_gather %select_n3A_811[%gather3A_813] in [0] : vector<16xf32>, vector<16xi32> -> vector<16xf32>
      %max3A_815 = arith.maximumf %select_n3A_811, %gather3A_814 : vector<16xf32>
      %select_n3A_816 = arith.select %eq3A_706, %max3A_815, %select_n3A_811 : vector<16xi1>, vector<16xf32>
      %broadcast_in_dim3A_817 = vector.shape_cast %max3A_97 : vector<16xi32> to vector<16x1xi32>
      %gather3A_818 = vector.shape_cast %broadcast_in_dim3A_817 : vector<16x1xi32> to vector<16xi32>
      %gather3A_819 = tpu.dynamic_gather %select_n3A_816[%gather3A_818] in [0] : vector<16xf32>, vector<16xi32> -> vector<16xf32>
      %max3A_820 = arith.maximumf %select_n3A_816, %gather3A_819 : vector<16xf32>
      %select_n3A_821 = arith.select %eq3A_710, %max3A_820, %select_n3A_816 : vector<16xi1>, vector<16xf32>
      %add3A_822 = arith.constant 408 : i32
      %add3A_823 = vector.broadcast %add3A_822 : i32 to vector<16xi32>
      %add3A_824 = arith.addi %get3A_694, %add3A_823 : vector<16xi32>
      %gather3A_825 = tpu.vector_load_idx %arg7[%add3A_824] masked %or3A_718 : memref<544xf32, #tpu.memory_space<vmem>>[vector<16xi32>], vector<16xf32>, vector<16xi1>
      %max3A_826 = arith.maximumf %select_n3A_821, %gather3A_825 : vector<16xf32>
      tpu.vector_store_idx %arg7[%add3A_824], %max3A_826 masked %or3A_718 : memref<544xf32, #tpu.memory_space<vmem>>[vector<16xi32>], vector<16xf32>, vector<16xi1>
      %get3A_827 = arith.constant 80 : index
      %get3A_828 = tpu.vector_load %arg6[%get3A_827] {strides = array<i32>} : memref<320xi32, #tpu.memory_space<vmem>>, vector<16xi32>,
      %broadcast_in_dim3A_829 = vector.shape_cast %max3A_79 : vector<16xi32> to vector<16x1xi32>
      %gather3A_830 = vector.shape_cast %broadcast_in_dim3A_829 : vector<16x1xi32> to vector<16xi32>
      %gather3A_831 = tpu.dynamic_gather %get3A_828[%gather3A_830] in [0] : vector<16xi32>, vector<16xi32> -> vector<16xi32>
      %eq3A_832 = arith.cmpi eq, %get3A_828, %gather3A_831 : vector<16xi32>
      %broadcast_in_dim3A_833 = vector.shape_cast %max3A_85 : vector<16xi32> to vector<16x1xi32>
      %gather3A_834 = vector.shape_cast %broadcast_in_dim3A_833 : vector<16x1xi32> to vector<16xi32>
      %gather3A_835 = tpu.dynamic_gather %get3A_828[%gather3A_834] in [0] : vector<16xi32>, vector<16xi32> -> vector<16xi32>
      %eq3A_836 = arith.cmpi eq, %get3A_828, %gather3A_835 : vector<16xi32>
      %broadcast_in_dim3A_837 = vector.shape_cast %max3A_91 : vector<16xi32> to vector<16x1xi32>
      %gather3A_838 = vector.shape_cast %broadcast_in_dim3A_837 : vector<16x1xi32> to vector<16xi32>
      %gather3A_839 = tpu.dynamic_gather %get3A_828[%gather3A_838] in [0] : vector<16xi32>, vector<16xi32> -> vector<16xi32>
      %eq3A_840 = arith.cmpi eq, %get3A_828, %gather3A_839 : vector<16xi32>
      %broadcast_in_dim3A_841 = vector.shape_cast %max3A_97 : vector<16xi32> to vector<16x1xi32>
      %gather3A_842 = vector.shape_cast %broadcast_in_dim3A_841 : vector<16x1xi32> to vector<16xi32>
      %gather3A_843 = tpu.dynamic_gather %get3A_828[%gather3A_842] in [0] : vector<16xi32>, vector<16xi32> -> vector<16xi32>
      %eq3A_844 = arith.cmpi eq, %get3A_828, %gather3A_843 : vector<16xi32>
      %broadcast_in_dim3A_845 = vector.shape_cast %min3A_75 : vector<16xi32> to vector<16x1xi32>
      %gather3A_846 = vector.shape_cast %broadcast_in_dim3A_845 : vector<16x1xi32> to vector<16xi32>
      %gather3A_847 = tpu.dynamic_gather %get3A_828[%gather3A_846] in [0] : vector<16xi32>, vector<16xi32> -> vector<16xi32>
      %ne3A_848 = arith.cmpi ne, %get3A_828, %gather3A_847 : vector<16xi32>
      %eq3A_849 = arith.constant 15 : i32
      %eq3A_850 = vector.broadcast %eq3A_849 : i32 to vector<16xi32>
      %eq3A_851 = arith.cmpi eq, %iota3A, %eq3A_850 : vector<16xi32>
      %or3A_852 = arith.ori %ne3A_848, %eq3A_851 : vector<16xi1>
      %get3A_853 = arith.constant 80 : index
      %get3A_854 = tpu.vector_load %arg5[%get3A_853] {strides = array<i32>} : memref<1280xf32, #tpu.memory_space<vmem>>, vector<16xf32>,
      %broadcast_in_dim3A_855 = vector.shape_cast %max3A_79 : vector<16xi32> to vector<16x1xi32>
      %gather3A_856 = vector.shape_cast %broadcast_in_dim3A_855 : vector<16x1xi32> to vector<16xi32>
      %gather3A_857 = tpu.dynamic_gather %get3A_854[%gather3A_856] in [0] : vector<16xf32>, vector<16xi32> -> vector<16xf32>
      %max3A_858 = arith.maximumf %get3A_854, %gather3A_857 : vector<16xf32>
      %select_n3A_859 = arith.select %eq3A_832, %max3A_858, %get3A_854 : vector<16xi1>, vector<16xf32>
      %broadcast_in_dim3A_860 = vector.shape_cast %max3A_85 : vector<16xi32> to vector<16x1xi32>
      %gather3A_861 = vector.shape_cast %broadcast_in_dim3A_860 : vector<16x1xi32> to vector<16xi32>
      %gather3A_862 = tpu.dynamic_gather %select_n3A_859[%gather3A_861] in [0] : vector<16xf32>, vector<16xi32> -> vector<16xf32>
      %max3A_863 = arith.maximumf %select_n3A_859, %gather3A_862 : vector<16xf32>
      %select_n3A_864 = arith.select %eq3A_836, %max3A_863, %select_n3A_859 : vector<16xi1>, vector<16xf32>
      %broadcast_in_dim3A_865 = vector.shape_cast %max3A_91 : vector<16xi32> to vector<16x1xi32>
      %gather3A_866 = vector.shape_cast %broadcast_in_dim3A_865 : vector<16x1xi32> to vector<16xi32>
      %gather3A_867 = tpu.dynamic_gather %select_n3A_864[%gather3A_866] in [0] : vector<16xf32>, vector<16xi32> -> vector<16xf32>
      %max3A_868 = arith.maximumf %select_n3A_864, %gather3A_867 : vector<16xf32>
      %select_n3A_869 = arith.select %eq3A_840, %max3A_868, %select_n3A_864 : vector<16xi1>, vector<16xf32>
      %broadcast_in_dim3A_870 = vector.shape_cast %max3A_97 : vector<16xi32> to vector<16x1xi32>
      %gather3A_871 = vector.shape_cast %broadcast_in_dim3A_870 : vector<16x1xi32> to vector<16xi32>
      %gather3A_872 = tpu.dynamic_gather %select_n3A_869[%gather3A_871] in [0] : vector<16xf32>, vector<16xi32> -> vector<16xf32>
      %max3A_873 = arith.maximumf %select_n3A_869, %gather3A_872 : vector<16xf32>
      %select_n3A_874 = arith.select %eq3A_844, %max3A_873, %select_n3A_869 : vector<16xi1>, vector<16xf32>
      %add3A_875 = arith.constant 0 : i32
      %add3A_876 = vector.broadcast %add3A_875 : i32 to vector<16xi32>
      %add3A_877 = arith.addi %get3A_828, %add3A_876 : vector<16xi32>
      %gather3A_878 = tpu.vector_load_idx %arg7[%add3A_877] masked %or3A_852 : memref<544xf32, #tpu.memory_space<vmem>>[vector<16xi32>], vector<16xf32>, vector<16xi1>
      %max3A_879 = arith.maximumf %select_n3A_874, %gather3A_878 : vector<16xf32>
      tpu.vector_store_idx %arg7[%add3A_877], %max3A_879 masked %or3A_852 : memref<544xf32, #tpu.memory_space<vmem>>[vector<16xi32>], vector<16xf32>, vector<16xi1>
      %get3A_880 = arith.constant 400 : index
      %get3A_881 = tpu.vector_load %arg5[%get3A_880] {strides = array<i32>} : memref<1280xf32, #tpu.memory_space<vmem>>, vector<16xf32>,
      %broadcast_in_dim3A_882 = vector.shape_cast %max3A_79 : vector<16xi32> to vector<16x1xi32>
      %gather3A_883 = vector.shape_cast %broadcast_in_dim3A_882 : vector<16x1xi32> to vector<16xi32>
      %gather3A_884 = tpu.dynamic_gather %get3A_881[%gather3A_883] in [0] : vector<16xf32>, vector<16xi32> -> vector<16xf32>
      %max3A_885 = arith.maximumf %get3A_881, %gather3A_884 : vector<16xf32>
      %select_n3A_886 = arith.select %eq3A_832, %max3A_885, %get3A_881 : vector<16xi1>, vector<16xf32>
      %broadcast_in_dim3A_887 = vector.shape_cast %max3A_85 : vector<16xi32> to vector<16x1xi32>
      %gather3A_888 = vector.shape_cast %broadcast_in_dim3A_887 : vector<16x1xi32> to vector<16xi32>
      %gather3A_889 = tpu.dynamic_gather %select_n3A_886[%gather3A_888] in [0] : vector<16xf32>, vector<16xi32> -> vector<16xf32>
      %max3A_890 = arith.maximumf %select_n3A_886, %gather3A_889 : vector<16xf32>
      %select_n3A_891 = arith.select %eq3A_836, %max3A_890, %select_n3A_886 : vector<16xi1>, vector<16xf32>
      %broadcast_in_dim3A_892 = vector.shape_cast %max3A_91 : vector<16xi32> to vector<16x1xi32>
      %gather3A_893 = vector.shape_cast %broadcast_in_dim3A_892 : vector<16x1xi32> to vector<16xi32>
      %gather3A_894 = tpu.dynamic_gather %select_n3A_891[%gather3A_893] in [0] : vector<16xf32>, vector<16xi32> -> vector<16xf32>
      %max3A_895 = arith.maximumf %select_n3A_891, %gather3A_894 : vector<16xf32>
      %select_n3A_896 = arith.select %eq3A_840, %max3A_895, %select_n3A_891 : vector<16xi1>, vector<16xf32>
      %broadcast_in_dim3A_897 = vector.shape_cast %max3A_97 : vector<16xi32> to vector<16x1xi32>
      %gather3A_898 = vector.shape_cast %broadcast_in_dim3A_897 : vector<16x1xi32> to vector<16xi32>
      %gather3A_899 = tpu.dynamic_gather %select_n3A_896[%gather3A_898] in [0] : vector<16xf32>, vector<16xi32> -> vector<16xf32>
      %max3A_900 = arith.maximumf %select_n3A_896, %gather3A_899 : vector<16xf32>
      %select_n3A_901 = arith.select %eq3A_844, %max3A_900, %select_n3A_896 : vector<16xi1>, vector<16xf32>
      %add3A_902 = arith.constant 136 : i32
      %add3A_903 = vector.broadcast %add3A_902 : i32 to vector<16xi32>
      %add3A_904 = arith.addi %get3A_828, %add3A_903 : vector<16xi32>
      %gather3A_905 = tpu.vector_load_idx %arg7[%add3A_904] masked %or3A_852 : memref<544xf32, #tpu.memory_space<vmem>>[vector<16xi32>], vector<16xf32>, vector<16xi1>
      %max3A_906 = arith.maximumf %select_n3A_901, %gather3A_905 : vector<16xf32>
      tpu.vector_store_idx %arg7[%add3A_904], %max3A_906 masked %or3A_852 : memref<544xf32, #tpu.memory_space<vmem>>[vector<16xi32>], vector<16xf32>, vector<16xi1>
      %get3A_907 = arith.constant 720 : index
      %get3A_908 = tpu.vector_load %arg5[%get3A_907] {strides = array<i32>} : memref<1280xf32, #tpu.memory_space<vmem>>, vector<16xf32>,
      %broadcast_in_dim3A_909 = vector.shape_cast %max3A_79 : vector<16xi32> to vector<16x1xi32>
      %gather3A_910 = vector.shape_cast %broadcast_in_dim3A_909 : vector<16x1xi32> to vector<16xi32>
      %gather3A_911 = tpu.dynamic_gather %get3A_908[%gather3A_910] in [0] : vector<16xf32>, vector<16xi32> -> vector<16xf32>
      %max3A_912 = arith.maximumf %get3A_908, %gather3A_911 : vector<16xf32>
      %select_n3A_913 = arith.select %eq3A_832, %max3A_912, %get3A_908 : vector<16xi1>, vector<16xf32>
      %broadcast_in_dim3A_914 = vector.shape_cast %max3A_85 : vector<16xi32> to vector<16x1xi32>
      %gather3A_915 = vector.shape_cast %broadcast_in_dim3A_914 : vector<16x1xi32> to vector<16xi32>
      %gather3A_916 = tpu.dynamic_gather %select_n3A_913[%gather3A_915] in [0] : vector<16xf32>, vector<16xi32> -> vector<16xf32>
      %max3A_917 = arith.maximumf %select_n3A_913, %gather3A_916 : vector<16xf32>
      %select_n3A_918 = arith.select %eq3A_836, %max3A_917, %select_n3A_913 : vector<16xi1>, vector<16xf32>
      %broadcast_in_dim3A_919 = vector.shape_cast %max3A_91 : vector<16xi32> to vector<16x1xi32>
      %gather3A_920 = vector.shape_cast %broadcast_in_dim3A_919 : vector<16x1xi32> to vector<16xi32>
      %gather3A_921 = tpu.dynamic_gather %select_n3A_918[%gather3A_920] in [0] : vector<16xf32>, vector<16xi32> -> vector<16xf32>
      %max3A_922 = arith.maximumf %select_n3A_918, %gather3A_921 : vector<16xf32>
      %select_n3A_923 = arith.select %eq3A_840, %max3A_922, %select_n3A_918 : vector<16xi1>, vector<16xf32>
      %broadcast_in_dim3A_924 = vector.shape_cast %max3A_97 : vector<16xi32> to vector<16x1xi32>
      %gather3A_925 = vector.shape_cast %broadcast_in_dim3A_924 : vector<16x1xi32> to vector<16xi32>
      %gather3A_926 = tpu.dynamic_gather %select_n3A_923[%gather3A_925] in [0] : vector<16xf32>, vector<16xi32> -> vector<16xf32>
      %max3A_927 = arith.maximumf %select_n3A_923, %gather3A_926 : vector<16xf32>
      %select_n3A_928 = arith.select %eq3A_844, %max3A_927, %select_n3A_923 : vector<16xi1>, vector<16xf32>
      %add3A_929 = arith.constant 272 : i32
      %add3A_930 = vector.broadcast %add3A_929 : i32 to vector<16xi32>
      %add3A_931 = arith.addi %get3A_828, %add3A_930 : vector<16xi32>
      %gather3A_932 = tpu.vector_load_idx %arg7[%add3A_931] masked %or3A_852 : memref<544xf32, #tpu.memory_space<vmem>>[vector<16xi32>], vector<16xf32>, vector<16xi1>
      %max3A_933 = arith.maximumf %select_n3A_928, %gather3A_932 : vector<16xf32>
      tpu.vector_store_idx %arg7[%add3A_931], %max3A_933 masked %or3A_852 : memref<544xf32, #tpu.memory_space<vmem>>[vector<16xi32>], vector<16xf32>, vector<16xi1>
      %get3A_934 = arith.constant 1040 : index
      %get3A_935 = tpu.vector_load %arg5[%get3A_934] {strides = array<i32>} : memref<1280xf32, #tpu.memory_space<vmem>>, vector<16xf32>,
      %broadcast_in_dim3A_936 = vector.shape_cast %max3A_79 : vector<16xi32> to vector<16x1xi32>
      %gather3A_937 = vector.shape_cast %broadcast_in_dim3A_936 : vector<16x1xi32> to vector<16xi32>
      %gather3A_938 = tpu.dynamic_gather %get3A_935[%gather3A_937] in [0] : vector<16xf32>, vector<16xi32> -> vector<16xf32>
      %max3A_939 = arith.maximumf %get3A_935, %gather3A_938 : vector<16xf32>
      %select_n3A_940 = arith.select %eq3A_832, %max3A_939, %get3A_935 : vector<16xi1>, vector<16xf32>
      %broadcast_in_dim3A_941 = vector.shape_cast %max3A_85 : vector<16xi32> to vector<16x1xi32>
      %gather3A_942 = vector.shape_cast %broadcast_in_dim3A_941 : vector<16x1xi32> to vector<16xi32>
      %gather3A_943 = tpu.dynamic_gather %select_n3A_940[%gather3A_942] in [0] : vector<16xf32>, vector<16xi32> -> vector<16xf32>
      %max3A_944 = arith.maximumf %select_n3A_940, %gather3A_943 : vector<16xf32>
      %select_n3A_945 = arith.select %eq3A_836, %max3A_944, %select_n3A_940 : vector<16xi1>, vector<16xf32>
      %broadcast_in_dim3A_946 = vector.shape_cast %max3A_91 : vector<16xi32> to vector<16x1xi32>
      %gather3A_947 = vector.shape_cast %broadcast_in_dim3A_946 : vector<16x1xi32> to vector<16xi32>
      %gather3A_948 = tpu.dynamic_gather %select_n3A_945[%gather3A_947] in [0] : vector<16xf32>, vector<16xi32> -> vector<16xf32>
      %max3A_949 = arith.maximumf %select_n3A_945, %gather3A_948 : vector<16xf32>
      %select_n3A_950 = arith.select %eq3A_840, %max3A_949, %select_n3A_945 : vector<16xi1>, vector<16xf32>
      %broadcast_in_dim3A_951 = vector.shape_cast %max3A_97 : vector<16xi32> to vector<16x1xi32>
      %gather3A_952 = vector.shape_cast %broadcast_in_dim3A_951 : vector<16x1xi32> to vector<16xi32>
      %gather3A_953 = tpu.dynamic_gather %select_n3A_950[%gather3A_952] in [0] : vector<16xf32>, vector<16xi32> -> vector<16xf32>
      %max3A_954 = arith.maximumf %select_n3A_950, %gather3A_953 : vector<16xf32>
      %select_n3A_955 = arith.select %eq3A_844, %max3A_954, %select_n3A_950 : vector<16xi1>, vector<16xf32>
      %add3A_956 = arith.constant 408 : i32
      %add3A_957 = vector.broadcast %add3A_956 : i32 to vector<16xi32>
      %add3A_958 = arith.addi %get3A_828, %add3A_957 : vector<16xi32>
      %gather3A_959 = tpu.vector_load_idx %arg7[%add3A_958] masked %or3A_852 : memref<544xf32, #tpu.memory_space<vmem>>[vector<16xi32>], vector<16xf32>, vector<16xi1>
      %max3A_960 = arith.maximumf %select_n3A_955, %gather3A_959 : vector<16xf32>
      tpu.vector_store_idx %arg7[%add3A_958], %max3A_960 masked %or3A_852 : memref<544xf32, #tpu.memory_space<vmem>>[vector<16xi32>], vector<16xf32>, vector<16xi1>
      %get3A_961 = arith.constant 96 : index
      %get3A_962 = tpu.vector_load %arg6[%get3A_961] {strides = array<i32>} : memref<320xi32, #tpu.memory_space<vmem>>, vector<16xi32>,
      %broadcast_in_dim3A_963 = vector.shape_cast %max3A_79 : vector<16xi32> to vector<16x1xi32>
      %gather3A_964 = vector.shape_cast %broadcast_in_dim3A_963 : vector<16x1xi32> to vector<16xi32>
      %gather3A_965 = tpu.dynamic_gather %get3A_962[%gather3A_964] in [0] : vector<16xi32>, vector<16xi32> -> vector<16xi32>
      %eq3A_966 = arith.cmpi eq, %get3A_962, %gather3A_965 : vector<16xi32>
      %broadcast_in_dim3A_967 = vector.shape_cast %max3A_85 : vector<16xi32> to vector<16x1xi32>
      %gather3A_968 = vector.shape_cast %broadcast_in_dim3A_967 : vector<16x1xi32> to vector<16xi32>
      %gather3A_969 = tpu.dynamic_gather %get3A_962[%gather3A_968] in [0] : vector<16xi32>, vector<16xi32> -> vector<16xi32>
      %eq3A_970 = arith.cmpi eq, %get3A_962, %gather3A_969 : vector<16xi32>
      %broadcast_in_dim3A_971 = vector.shape_cast %max3A_91 : vector<16xi32> to vector<16x1xi32>
      %gather3A_972 = vector.shape_cast %broadcast_in_dim3A_971 : vector<16x1xi32> to vector<16xi32>
      %gather3A_973 = tpu.dynamic_gather %get3A_962[%gather3A_972] in [0] : vector<16xi32>, vector<16xi32> -> vector<16xi32>
      %eq3A_974 = arith.cmpi eq, %get3A_962, %gather3A_973 : vector<16xi32>
      %broadcast_in_dim3A_975 = vector.shape_cast %max3A_97 : vector<16xi32> to vector<16x1xi32>
      %gather3A_976 = vector.shape_cast %broadcast_in_dim3A_975 : vector<16x1xi32> to vector<16xi32>
      %gather3A_977 = tpu.dynamic_gather %get3A_962[%gather3A_976] in [0] : vector<16xi32>, vector<16xi32> -> vector<16xi32>
      %eq3A_978 = arith.cmpi eq, %get3A_962, %gather3A_977 : vector<16xi32>
      %broadcast_in_dim3A_979 = vector.shape_cast %min3A_75 : vector<16xi32> to vector<16x1xi32>
      %gather3A_980 = vector.shape_cast %broadcast_in_dim3A_979 : vector<16x1xi32> to vector<16xi32>
      %gather3A_981 = tpu.dynamic_gather %get3A_962[%gather3A_980] in [0] : vector<16xi32>, vector<16xi32> -> vector<16xi32>
      %ne3A_982 = arith.cmpi ne, %get3A_962, %gather3A_981 : vector<16xi32>
      %eq3A_983 = arith.constant 15 : i32
      %eq3A_984 = vector.broadcast %eq3A_983 : i32 to vector<16xi32>
      %eq3A_985 = arith.cmpi eq, %iota3A, %eq3A_984 : vector<16xi32>
      %or3A_986 = arith.ori %ne3A_982, %eq3A_985 : vector<16xi1>
      %get3A_987 = arith.constant 96 : index
      %get3A_988 = tpu.vector_load %arg5[%get3A_987] {strides = array<i32>} : memref<1280xf32, #tpu.memory_space<vmem>>, vector<16xf32>,
      %broadcast_in_dim3A_989 = vector.shape_cast %max3A_79 : vector<16xi32> to vector<16x1xi32>
      %gather3A_990 = vector.shape_cast %broadcast_in_dim3A_989 : vector<16x1xi32> to vector<16xi32>
      %gather3A_991 = tpu.dynamic_gather %get3A_988[%gather3A_990] in [0] : vector<16xf32>, vector<16xi32> -> vector<16xf32>
      %max3A_992 = arith.maximumf %get3A_988, %gather3A_991 : vector<16xf32>
      %select_n3A_993 = arith.select %eq3A_966, %max3A_992, %get3A_988 : vector<16xi1>, vector<16xf32>
      %broadcast_in_dim3A_994 = vector.shape_cast %max3A_85 : vector<16xi32> to vector<16x1xi32>
      %gather3A_995 = vector.shape_cast %broadcast_in_dim3A_994 : vector<16x1xi32> to vector<16xi32>
      %gather3A_996 = tpu.dynamic_gather %select_n3A_993[%gather3A_995] in [0] : vector<16xf32>, vector<16xi32> -> vector<16xf32>
      %max3A_997 = arith.maximumf %select_n3A_993, %gather3A_996 : vector<16xf32>
      %select_n3A_998 = arith.select %eq3A_970, %max3A_997, %select_n3A_993 : vector<16xi1>, vector<16xf32>
      %broadcast_in_dim3A_999 = vector.shape_cast %max3A_91 : vector<16xi32> to vector<16x1xi32>
      %gather3A_1000 = vector.shape_cast %broadcast_in_dim3A_999 : vector<16x1xi32> to vector<16xi32>
      %gather3A_1001 = tpu.dynamic_gather %select_n3A_998[%gather3A_1000] in [0] : vector<16xf32>, vector<16xi32> -> vector<16xf32>
      %max3A_1002 = arith.maximumf %select_n3A_998, %gather3A_1001 : vector<16xf32>
      %select_n3A_1003 = arith.select %eq3A_974, %max3A_1002, %select_n3A_998 : vector<16xi1>, vector<16xf32>
      %broadcast_in_dim3A_1004 = vector.shape_cast %max3A_97 : vector<16xi32> to vector<16x1xi32>
      %gather3A_1005 = vector.shape_cast %broadcast_in_dim3A_1004 : vector<16x1xi32> to vector<16xi32>
      %gather3A_1006 = tpu.dynamic_gather %select_n3A_1003[%gather3A_1005] in [0] : vector<16xf32>, vector<16xi32> -> vector<16xf32>
      %max3A_1007 = arith.maximumf %select_n3A_1003, %gather3A_1006 : vector<16xf32>
      %select_n3A_1008 = arith.select %eq3A_978, %max3A_1007, %select_n3A_1003 : vector<16xi1>, vector<16xf32>
      %add3A_1009 = arith.constant 0 : i32
      %add3A_1010 = vector.broadcast %add3A_1009 : i32 to vector<16xi32>
      %add3A_1011 = arith.addi %get3A_962, %add3A_1010 : vector<16xi32>
      %gather3A_1012 = tpu.vector_load_idx %arg7[%add3A_1011] masked %or3A_986 : memref<544xf32, #tpu.memory_space<vmem>>[vector<16xi32>], vector<16xf32>, vector<16xi1>
      %max3A_1013 = arith.maximumf %select_n3A_1008, %gather3A_1012 : vector<16xf32>
      tpu.vector_store_idx %arg7[%add3A_1011], %max3A_1013 masked %or3A_986 : memref<544xf32, #tpu.memory_space<vmem>>[vector<16xi32>], vector<16xf32>, vector<16xi1>
      %get3A_1014 = arith.constant 416 : index
      %get3A_1015 = tpu.vector_load %arg5[%get3A_1014] {strides = array<i32>} : memref<1280xf32, #tpu.memory_space<vmem>>, vector<16xf32>,
      %broadcast_in_dim3A_1016 = vector.shape_cast %max3A_79 : vector<16xi32> to vector<16x1xi32>
      %gather3A_1017 = vector.shape_cast %broadcast_in_dim3A_1016 : vector<16x1xi32> to vector<16xi32>
      %gather3A_1018 = tpu.dynamic_gather %get3A_1015[%gather3A_1017] in [0] : vector<16xf32>, vector<16xi32> -> vector<16xf32>
      %max3A_1019 = arith.maximumf %get3A_1015, %gather3A_1018 : vector<16xf32>
      %select_n3A_1020 = arith.select %eq3A_966, %max3A_1019, %get3A_1015 : vector<16xi1>, vector<16xf32>
      %broadcast_in_dim3A_1021 = vector.shape_cast %max3A_85 : vector<16xi32> to vector<16x1xi32>
      %gather3A_1022 = vector.shape_cast %broadcast_in_dim3A_1021 : vector<16x1xi32> to vector<16xi32>
      %gather3A_1023 = tpu.dynamic_gather %select_n3A_1020[%gather3A_1022] in [0] : vector<16xf32>, vector<16xi32> -> vector<16xf32>
      %max3A_1024 = arith.maximumf %select_n3A_1020, %gather3A_1023 : vector<16xf32>
      %select_n3A_1025 = arith.select %eq3A_970, %max3A_1024, %select_n3A_1020 : vector<16xi1>, vector<16xf32>
      %broadcast_in_dim3A_1026 = vector.shape_cast %max3A_91 : vector<16xi32> to vector<16x1xi32>
      %gather3A_1027 = vector.shape_cast %broadcast_in_dim3A_1026 : vector<16x1xi32> to vector<16xi32>
      %gather3A_1028 = tpu.dynamic_gather %select_n3A_1025[%gather3A_1027] in [0] : vector<16xf32>, vector<16xi32> -> vector<16xf32>
      %max3A_1029 = arith.maximumf %select_n3A_1025, %gather3A_1028 : vector<16xf32>
      %select_n3A_1030 = arith.select %eq3A_974, %max3A_1029, %select_n3A_1025 : vector<16xi1>, vector<16xf32>
      %broadcast_in_dim3A_1031 = vector.shape_cast %max3A_97 : vector<16xi32> to vector<16x1xi32>
      %gather3A_1032 = vector.shape_cast %broadcast_in_dim3A_1031 : vector<16x1xi32> to vector<16xi32>
      %gather3A_1033 = tpu.dynamic_gather %select_n3A_1030[%gather3A_1032] in [0] : vector<16xf32>, vector<16xi32> -> vector<16xf32>
      %max3A_1034 = arith.maximumf %select_n3A_1030, %gather3A_1033 : vector<16xf32>
      %select_n3A_1035 = arith.select %eq3A_978, %max3A_1034, %select_n3A_1030 : vector<16xi1>, vector<16xf32>
      %add3A_1036 = arith.constant 136 : i32
      %add3A_1037 = vector.broadcast %add3A_1036 : i32 to vector<16xi32>
      %add3A_1038 = arith.addi %get3A_962, %add3A_1037 : vector<16xi32>
      %gather3A_1039 = tpu.vector_load_idx %arg7[%add3A_1038] masked %or3A_986 : memref<544xf32, #tpu.memory_space<vmem>>[vector<16xi32>], vector<16xf32>, vector<16xi1>
      %max3A_1040 = arith.maximumf %select_n3A_1035, %gather3A_1039 : vector<16xf32>
      tpu.vector_store_idx %arg7[%add3A_1038], %max3A_1040 masked %or3A_986 : memref<544xf32, #tpu.memory_space<vmem>>[vector<16xi32>], vector<16xf32>, vector<16xi1>
      %get3A_1041 = arith.constant 736 : index
      %get3A_1042 = tpu.vector_load %arg5[%get3A_1041] {strides = array<i32>} : memref<1280xf32, #tpu.memory_space<vmem>>, vector<16xf32>,
      %broadcast_in_dim3A_1043 = vector.shape_cast %max3A_79 : vector<16xi32> to vector<16x1xi32>
      %gather3A_1044 = vector.shape_cast %broadcast_in_dim3A_1043 : vector<16x1xi32> to vector<16xi32>
      %gather3A_1045 = tpu.dynamic_gather %get3A_1042[%gather3A_1044] in [0] : vector<16xf32>, vector<16xi32> -> vector<16xf32>
      %max3A_1046 = arith.maximumf %get3A_1042, %gather3A_1045 : vector<16xf32>
      %select_n3A_1047 = arith.select %eq3A_966, %max3A_1046, %get3A_1042 : vector<16xi1>, vector<16xf32>
      %broadcast_in_dim3A_1048 = vector.shape_cast %max3A_85 : vector<16xi32> to vector<16x1xi32>
      %gather3A_1049 = vector.shape_cast %broadcast_in_dim3A_1048 : vector<16x1xi32> to vector<16xi32>
      %gather3A_1050 = tpu.dynamic_gather %select_n3A_1047[%gather3A_1049] in [0] : vector<16xf32>, vector<16xi32> -> vector<16xf32>
      %max3A_1051 = arith.maximumf %select_n3A_1047, %gather3A_1050 : vector<16xf32>
      %select_n3A_1052 = arith.select %eq3A_970, %max3A_1051, %select_n3A_1047 : vector<16xi1>, vector<16xf32>
      %broadcast_in_dim3A_1053 = vector.shape_cast %max3A_91 : vector<16xi32> to vector<16x1xi32>
      %gather3A_1054 = vector.shape_cast %broadcast_in_dim3A_1053 : vector<16x1xi32> to vector<16xi32>
      %gather3A_1055 = tpu.dynamic_gather %select_n3A_1052[%gather3A_1054] in [0] : vector<16xf32>, vector<16xi32> -> vector<16xf32>
      %max3A_1056 = arith.maximumf %select_n3A_1052, %gather3A_1055 : vector<16xf32>
      %select_n3A_1057 = arith.select %eq3A_974, %max3A_1056, %select_n3A_1052 : vector<16xi1>, vector<16xf32>
      %broadcast_in_dim3A_1058 = vector.shape_cast %max3A_97 : vector<16xi32> to vector<16x1xi32>
      %gather3A_1059 = vector.shape_cast %broadcast_in_dim3A_1058 : vector<16x1xi32> to vector<16xi32>
      %gather3A_1060 = tpu.dynamic_gather %select_n3A_1057[%gather3A_1059] in [0] : vector<16xf32>, vector<16xi32> -> vector<16xf32>
      %max3A_1061 = arith.maximumf %select_n3A_1057, %gather3A_1060 : vector<16xf32>
      %select_n3A_1062 = arith.select %eq3A_978, %max3A_1061, %select_n3A_1057 : vector<16xi1>, vector<16xf32>
      %add3A_1063 = arith.constant 272 : i32
      %add3A_1064 = vector.broadcast %add3A_1063 : i32 to vector<16xi32>
      %add3A_1065 = arith.addi %get3A_962, %add3A_1064 : vector<16xi32>
      %gather3A_1066 = tpu.vector_load_idx %arg7[%add3A_1065] masked %or3A_986 : memref<544xf32, #tpu.memory_space<vmem>>[vector<16xi32>], vector<16xf32>, vector<16xi1>
      %max3A_1067 = arith.maximumf %select_n3A_1062, %gather3A_1066 : vector<16xf32>
      tpu.vector_store_idx %arg7[%add3A_1065], %max3A_1067 masked %or3A_986 : memref<544xf32, #tpu.memory_space<vmem>>[vector<16xi32>], vector<16xf32>, vector<16xi1>
      %get3A_1068 = arith.constant 1056 : index
      %get3A_1069 = tpu.vector_load %arg5[%get3A_1068] {strides = array<i32>} : memref<1280xf32, #tpu.memory_space<vmem>>, vector<16xf32>,
      %broadcast_in_dim3A_1070 = vector.shape_cast %max3A_79 : vector<16xi32> to vector<16x1xi32>
      %gather3A_1071 = vector.shape_cast %broadcast_in_dim3A_1070 : vector<16x1xi32> to vector<16xi32>
      %gather3A_1072 = tpu.dynamic_gather %get3A_1069[%gather3A_1071] in [0] : vector<16xf32>, vector<16xi32> -> vector<16xf32>
      %max3A_1073 = arith.maximumf %get3A_1069, %gather3A_1072 : vector<16xf32>
      %select_n3A_1074 = arith.select %eq3A_966, %max3A_1073, %get3A_1069 : vector<16xi1>, vector<16xf32>
      %broadcast_in_dim3A_1075 = vector.shape_cast %max3A_85 : vector<16xi32> to vector<16x1xi32>
      %gather3A_1076 = vector.shape_cast %broadcast_in_dim3A_1075 : vector<16x1xi32> to vector<16xi32>
      %gather3A_1077 = tpu.dynamic_gather %select_n3A_1074[%gather3A_1076] in [0] : vector<16xf32>, vector<16xi32> -> vector<16xf32>
      %max3A_1078 = arith.maximumf %select_n3A_1074, %gather3A_1077 : vector<16xf32>
      %select_n3A_1079 = arith.select %eq3A_970, %max3A_1078, %select_n3A_1074 : vector<16xi1>, vector<16xf32>
      %broadcast_in_dim3A_1080 = vector.shape_cast %max3A_91 : vector<16xi32> to vector<16x1xi32>
      %gather3A_1081 = vector.shape_cast %broadcast_in_dim3A_1080 : vector<16x1xi32> to vector<16xi32>
      %gather3A_1082 = tpu.dynamic_gather %select_n3A_1079[%gather3A_1081] in [0] : vector<16xf32>, vector<16xi32> -> vector<16xf32>
      %max3A_1083 = arith.maximumf %select_n3A_1079, %gather3A_1082 : vector<16xf32>
      %select_n3A_1084 = arith.select %eq3A_974, %max3A_1083, %select_n3A_1079 : vector<16xi1>, vector<16xf32>
      %broadcast_in_dim3A_1085 = vector.shape_cast %max3A_97 : vector<16xi32> to vector<16x1xi32>
      %gather3A_1086 = vector.shape_cast %broadcast_in_dim3A_1085 : vector<16x1xi32> to vector<16xi32>
      %gather3A_1087 = tpu.dynamic_gather %select_n3A_1084[%gather3A_1086] in [0] : vector<16xf32>, vector<16xi32> -> vector<16xf32>
      %max3A_1088 = arith.maximumf %select_n3A_1084, %gather3A_1087 : vector<16xf32>
      %select_n3A_1089 = arith.select %eq3A_978, %max3A_1088, %select_n3A_1084 : vector<16xi1>, vector<16xf32>
      %add3A_1090 = arith.constant 408 : i32
      %add3A_1091 = vector.broadcast %add3A_1090 : i32 to vector<16xi32>
      %add3A_1092 = arith.addi %get3A_962, %add3A_1091 : vector<16xi32>
      %gather3A_1093 = tpu.vector_load_idx %arg7[%add3A_1092] masked %or3A_986 : memref<544xf32, #tpu.memory_space<vmem>>[vector<16xi32>], vector<16xf32>, vector<16xi1>
      %max3A_1094 = arith.maximumf %select_n3A_1089, %gather3A_1093 : vector<16xf32>
      tpu.vector_store_idx %arg7[%add3A_1092], %max3A_1094 masked %or3A_986 : memref<544xf32, #tpu.memory_space<vmem>>[vector<16xi32>], vector<16xf32>, vector<16xi1>
      %get3A_1095 = arith.constant 112 : index
      %get3A_1096 = tpu.vector_load %arg6[%get3A_1095] {strides = array<i32>} : memref<320xi32, #tpu.memory_space<vmem>>, vector<16xi32>,
      %broadcast_in_dim3A_1097 = vector.shape_cast %max3A_79 : vector<16xi32> to vector<16x1xi32>
      %gather3A_1098 = vector.shape_cast %broadcast_in_dim3A_1097 : vector<16x1xi32> to vector<16xi32>
      %gather3A_1099 = tpu.dynamic_gather %get3A_1096[%gather3A_1098] in [0] : vector<16xi32>, vector<16xi32> -> vector<16xi32>
      %eq3A_1100 = arith.cmpi eq, %get3A_1096, %gather3A_1099 : vector<16xi32>
      %broadcast_in_dim3A_1101 = vector.shape_cast %max3A_85 : vector<16xi32> to vector<16x1xi32>
      %gather3A_1102 = vector.shape_cast %broadcast_in_dim3A_1101 : vector<16x1xi32> to vector<16xi32>
      %gather3A_1103 = tpu.dynamic_gather %get3A_1096[%gather3A_1102] in [0] : vector<16xi32>, vector<16xi32> -> vector<16xi32>
      %eq3A_1104 = arith.cmpi eq, %get3A_1096, %gather3A_1103 : vector<16xi32>
      %broadcast_in_dim3A_1105 = vector.shape_cast %max3A_91 : vector<16xi32> to vector<16x1xi32>
      %gather3A_1106 = vector.shape_cast %broadcast_in_dim3A_1105 : vector<16x1xi32> to vector<16xi32>
      %gather3A_1107 = tpu.dynamic_gather %get3A_1096[%gather3A_1106] in [0] : vector<16xi32>, vector<16xi32> -> vector<16xi32>
      %eq3A_1108 = arith.cmpi eq, %get3A_1096, %gather3A_1107 : vector<16xi32>
      %broadcast_in_dim3A_1109 = vector.shape_cast %max3A_97 : vector<16xi32> to vector<16x1xi32>
      %gather3A_1110 = vector.shape_cast %broadcast_in_dim3A_1109 : vector<16x1xi32> to vector<16xi32>
      %gather3A_1111 = tpu.dynamic_gather %get3A_1096[%gather3A_1110] in [0] : vector<16xi32>, vector<16xi32> -> vector<16xi32>
      %eq3A_1112 = arith.cmpi eq, %get3A_1096, %gather3A_1111 : vector<16xi32>
      %broadcast_in_dim3A_1113 = vector.shape_cast %min3A_75 : vector<16xi32> to vector<16x1xi32>
      %gather3A_1114 = vector.shape_cast %broadcast_in_dim3A_1113 : vector<16x1xi32> to vector<16xi32>
      %gather3A_1115 = tpu.dynamic_gather %get3A_1096[%gather3A_1114] in [0] : vector<16xi32>, vector<16xi32> -> vector<16xi32>
      %ne3A_1116 = arith.cmpi ne, %get3A_1096, %gather3A_1115 : vector<16xi32>
      %eq3A_1117 = arith.constant 15 : i32
      %eq3A_1118 = vector.broadcast %eq3A_1117 : i32 to vector<16xi32>
      %eq3A_1119 = arith.cmpi eq, %iota3A, %eq3A_1118 : vector<16xi32>
      %or3A_1120 = arith.ori %ne3A_1116, %eq3A_1119 : vector<16xi1>
      %get3A_1121 = arith.constant 112 : index
      %get3A_1122 = tpu.vector_load %arg5[%get3A_1121] {strides = array<i32>} : memref<1280xf32, #tpu.memory_space<vmem>>, vector<16xf32>,
      %broadcast_in_dim3A_1123 = vector.shape_cast %max3A_79 : vector<16xi32> to vector<16x1xi32>
      %gather3A_1124 = vector.shape_cast %broadcast_in_dim3A_1123 : vector<16x1xi32> to vector<16xi32>
      %gather3A_1125 = tpu.dynamic_gather %get3A_1122[%gather3A_1124] in [0] : vector<16xf32>, vector<16xi32> -> vector<16xf32>
      %max3A_1126 = arith.maximumf %get3A_1122, %gather3A_1125 : vector<16xf32>
      %select_n3A_1127 = arith.select %eq3A_1100, %max3A_1126, %get3A_1122 : vector<16xi1>, vector<16xf32>
      %broadcast_in_dim3A_1128 = vector.shape_cast %max3A_85 : vector<16xi32> to vector<16x1xi32>
      %gather3A_1129 = vector.shape_cast %broadcast_in_dim3A_1128 : vector<16x1xi32> to vector<16xi32>
      %gather3A_1130 = tpu.dynamic_gather %select_n3A_1127[%gather3A_1129] in [0] : vector<16xf32>, vector<16xi32> -> vector<16xf32>
      %max3A_1131 = arith.maximumf %select_n3A_1127, %gather3A_1130 : vector<16xf32>
      %select_n3A_1132 = arith.select %eq3A_1104, %max3A_1131, %select_n3A_1127 : vector<16xi1>, vector<16xf32>
      %broadcast_in_dim3A_1133 = vector.shape_cast %max3A_91 : vector<16xi32> to vector<16x1xi32>
      %gather3A_1134 = vector.shape_cast %broadcast_in_dim3A_1133 : vector<16x1xi32> to vector<16xi32>
      %gather3A_1135 = tpu.dynamic_gather %select_n3A_1132[%gather3A_1134] in [0] : vector<16xf32>, vector<16xi32> -> vector<16xf32>
      %max3A_1136 = arith.maximumf %select_n3A_1132, %gather3A_1135 : vector<16xf32>
      %select_n3A_1137 = arith.select %eq3A_1108, %max3A_1136, %select_n3A_1132 : vector<16xi1>, vector<16xf32>
      %broadcast_in_dim3A_1138 = vector.shape_cast %max3A_97 : vector<16xi32> to vector<16x1xi32>
      %gather3A_1139 = vector.shape_cast %broadcast_in_dim3A_1138 : vector<16x1xi32> to vector<16xi32>
      %gather3A_1140 = tpu.dynamic_gather %select_n3A_1137[%gather3A_1139] in [0] : vector<16xf32>, vector<16xi32> -> vector<16xf32>
      %max3A_1141 = arith.maximumf %select_n3A_1137, %gather3A_1140 : vector<16xf32>
      %select_n3A_1142 = arith.select %eq3A_1112, %max3A_1141, %select_n3A_1137 : vector<16xi1>, vector<16xf32>
      %add3A_1143 = arith.constant 0 : i32
      %add3A_1144 = vector.broadcast %add3A_1143 : i32 to vector<16xi32>
      %add3A_1145 = arith.addi %get3A_1096, %add3A_1144 : vector<16xi32>
      %gather3A_1146 = tpu.vector_load_idx %arg7[%add3A_1145] masked %or3A_1120 : memref<544xf32, #tpu.memory_space<vmem>>[vector<16xi32>], vector<16xf32>, vector<16xi1>
      %max3A_1147 = arith.maximumf %select_n3A_1142, %gather3A_1146 : vector<16xf32>
      tpu.vector_store_idx %arg7[%add3A_1145], %max3A_1147 masked %or3A_1120 : memref<544xf32, #tpu.memory_space<vmem>>[vector<16xi32>], vector<16xf32>, vector<16xi1>
      %get3A_1148 = arith.constant 432 : index
      %get3A_1149 = tpu.vector_load %arg5[%get3A_1148] {strides = array<i32>} : memref<1280xf32, #tpu.memory_space<vmem>>, vector<16xf32>,
      %broadcast_in_dim3A_1150 = vector.shape_cast %max3A_79 : vector<16xi32> to vector<16x1xi32>
      %gather3A_1151 = vector.shape_cast %broadcast_in_dim3A_1150 : vector<16x1xi32> to vector<16xi32>
      %gather3A_1152 = tpu.dynamic_gather %get3A_1149[%gather3A_1151] in [0] : vector<16xf32>, vector<16xi32> -> vector<16xf32>
      %max3A_1153 = arith.maximumf %get3A_1149, %gather3A_1152 : vector<16xf32>
      %select_n3A_1154 = arith.select %eq3A_1100, %max3A_1153, %get3A_1149 : vector<16xi1>, vector<16xf32>
      %broadcast_in_dim3A_1155 = vector.shape_cast %max3A_85 : vector<16xi32> to vector<16x1xi32>
      %gather3A_1156 = vector.shape_cast %broadcast_in_dim3A_1155 : vector<16x1xi32> to vector<16xi32>
      %gather3A_1157 = tpu.dynamic_gather %select_n3A_1154[%gather3A_1156] in [0] : vector<16xf32>, vector<16xi32> -> vector<16xf32>
      %max3A_1158 = arith.maximumf %select_n3A_1154, %gather3A_1157 : vector<16xf32>
      %select_n3A_1159 = arith.select %eq3A_1104, %max3A_1158, %select_n3A_1154 : vector<16xi1>, vector<16xf32>
      %broadcast_in_dim3A_1160 = vector.shape_cast %max3A_91 : vector<16xi32> to vector<16x1xi32>
      %gather3A_1161 = vector.shape_cast %broadcast_in_dim3A_1160 : vector<16x1xi32> to vector<16xi32>
      %gather3A_1162 = tpu.dynamic_gather %select_n3A_1159[%gather3A_1161] in [0] : vector<16xf32>, vector<16xi32> -> vector<16xf32>
      %max3A_1163 = arith.maximumf %select_n3A_1159, %gather3A_1162 : vector<16xf32>
      %select_n3A_1164 = arith.select %eq3A_1108, %max3A_1163, %select_n3A_1159 : vector<16xi1>, vector<16xf32>
      %broadcast_in_dim3A_1165 = vector.shape_cast %max3A_97 : vector<16xi32> to vector<16x1xi32>
      %gather3A_1166 = vector.shape_cast %broadcast_in_dim3A_1165 : vector<16x1xi32> to vector<16xi32>
      %gather3A_1167 = tpu.dynamic_gather %select_n3A_1164[%gather3A_1166] in [0] : vector<16xf32>, vector<16xi32> -> vector<16xf32>
      %max3A_1168 = arith.maximumf %select_n3A_1164, %gather3A_1167 : vector<16xf32>
      %select_n3A_1169 = arith.select %eq3A_1112, %max3A_1168, %select_n3A_1164 : vector<16xi1>, vector<16xf32>
      %add3A_1170 = arith.constant 136 : i32
      %add3A_1171 = vector.broadcast %add3A_1170 : i32 to vector<16xi32>
      %add3A_1172 = arith.addi %get3A_1096, %add3A_1171 : vector<16xi32>
      %gather3A_1173 = tpu.vector_load_idx %arg7[%add3A_1172] masked %or3A_1120 : memref<544xf32, #tpu.memory_space<vmem>>[vector<16xi32>], vector<16xf32>, vector<16xi1>
      %max3A_1174 = arith.maximumf %select_n3A_1169, %gather3A_1173 : vector<16xf32>
      tpu.vector_store_idx %arg7[%add3A_1172], %max3A_1174 masked %or3A_1120 : memref<544xf32, #tpu.memory_space<vmem>>[vector<16xi32>], vector<16xf32>, vector<16xi1>
      %get3A_1175 = arith.constant 752 : index
      %get3A_1176 = tpu.vector_load %arg5[%get3A_1175] {strides = array<i32>} : memref<1280xf32, #tpu.memory_space<vmem>>, vector<16xf32>,
      %broadcast_in_dim3A_1177 = vector.shape_cast %max3A_79 : vector<16xi32> to vector<16x1xi32>
      %gather3A_1178 = vector.shape_cast %broadcast_in_dim3A_1177 : vector<16x1xi32> to vector<16xi32>
      %gather3A_1179 = tpu.dynamic_gather %get3A_1176[%gather3A_1178] in [0] : vector<16xf32>, vector<16xi32> -> vector<16xf32>
      %max3A_1180 = arith.maximumf %get3A_1176, %gather3A_1179 : vector<16xf32>
      %select_n3A_1181 = arith.select %eq3A_1100, %max3A_1180, %get3A_1176 : vector<16xi1>, vector<16xf32>
      %broadcast_in_dim3A_1182 = vector.shape_cast %max3A_85 : vector<16xi32> to vector<16x1xi32>
      %gather3A_1183 = vector.shape_cast %broadcast_in_dim3A_1182 : vector<16x1xi32> to vector<16xi32>
      %gather3A_1184 = tpu.dynamic_gather %select_n3A_1181[%gather3A_1183] in [0] : vector<16xf32>, vector<16xi32> -> vector<16xf32>
      %max3A_1185 = arith.maximumf %select_n3A_1181, %gather3A_1184 : vector<16xf32>
      %select_n3A_1186 = arith.select %eq3A_1104, %max3A_1185, %select_n3A_1181 : vector<16xi1>, vector<16xf32>
      %broadcast_in_dim3A_1187 = vector.shape_cast %max3A_91 : vector<16xi32> to vector<16x1xi32>
      %gather3A_1188 = vector.shape_cast %broadcast_in_dim3A_1187 : vector<16x1xi32> to vector<16xi32>
      %gather3A_1189 = tpu.dynamic_gather %select_n3A_1186[%gather3A_1188] in [0] : vector<16xf32>, vector<16xi32> -> vector<16xf32>
      %max3A_1190 = arith.maximumf %select_n3A_1186, %gather3A_1189 : vector<16xf32>
      %select_n3A_1191 = arith.select %eq3A_1108, %max3A_1190, %select_n3A_1186 : vector<16xi1>, vector<16xf32>
      %broadcast_in_dim3A_1192 = vector.shape_cast %max3A_97 : vector<16xi32> to vector<16x1xi32>
      %gather3A_1193 = vector.shape_cast %broadcast_in_dim3A_1192 : vector<16x1xi32> to vector<16xi32>
      %gather3A_1194 = tpu.dynamic_gather %select_n3A_1191[%gather3A_1193] in [0] : vector<16xf32>, vector<16xi32> -> vector<16xf32>
      %max3A_1195 = arith.maximumf %select_n3A_1191, %gather3A_1194 : vector<16xf32>
      %select_n3A_1196 = arith.select %eq3A_1112, %max3A_1195, %select_n3A_1191 : vector<16xi1>, vector<16xf32>
      %add3A_1197 = arith.constant 272 : i32
      %add3A_1198 = vector.broadcast %add3A_1197 : i32 to vector<16xi32>
      %add3A_1199 = arith.addi %get3A_1096, %add3A_1198 : vector<16xi32>
      %gather3A_1200 = tpu.vector_load_idx %arg7[%add3A_1199] masked %or3A_1120 : memref<544xf32, #tpu.memory_space<vmem>>[vector<16xi32>], vector<16xf32>, vector<16xi1>
      %max3A_1201 = arith.maximumf %select_n3A_1196, %gather3A_1200 : vector<16xf32>
      tpu.vector_store_idx %arg7[%add3A_1199], %max3A_1201 masked %or3A_1120 : memref<544xf32, #tpu.memory_space<vmem>>[vector<16xi32>], vector<16xf32>, vector<16xi1>
      %get3A_1202 = arith.constant 1072 : index
      %get3A_1203 = tpu.vector_load %arg5[%get3A_1202] {strides = array<i32>} : memref<1280xf32, #tpu.memory_space<vmem>>, vector<16xf32>,
      %broadcast_in_dim3A_1204 = vector.shape_cast %max3A_79 : vector<16xi32> to vector<16x1xi32>
      %gather3A_1205 = vector.shape_cast %broadcast_in_dim3A_1204 : vector<16x1xi32> to vector<16xi32>
      %gather3A_1206 = tpu.dynamic_gather %get3A_1203[%gather3A_1205] in [0] : vector<16xf32>, vector<16xi32> -> vector<16xf32>
      %max3A_1207 = arith.maximumf %get3A_1203, %gather3A_1206 : vector<16xf32>
      %select_n3A_1208 = arith.select %eq3A_1100, %max3A_1207, %get3A_1203 : vector<16xi1>, vector<16xf32>
      %broadcast_in_dim3A_1209 = vector.shape_cast %max3A_85 : vector<16xi32> to vector<16x1xi32>
      %gather3A_1210 = vector.shape_cast %broadcast_in_dim3A_1209 : vector<16x1xi32> to vector<16xi32>
      %gather3A_1211 = tpu.dynamic_gather %select_n3A_1208[%gather3A_1210] in [0] : vector<16xf32>, vector<16xi32> -> vector<16xf32>
      %max3A_1212 = arith.maximumf %select_n3A_1208, %gather3A_1211 : vector<16xf32>
      %select_n3A_1213 = arith.select %eq3A_1104, %max3A_1212, %select_n3A_1208 : vector<16xi1>, vector<16xf32>
      %broadcast_in_dim3A_1214 = vector.shape_cast %max3A_91 : vector<16xi32> to vector<16x1xi32>
      %gather3A_1215 = vector.shape_cast %broadcast_in_dim3A_1214 : vector<16x1xi32> to vector<16xi32>
      %gather3A_1216 = tpu.dynamic_gather %select_n3A_1213[%gather3A_1215] in [0] : vector<16xf32>, vector<16xi32> -> vector<16xf32>
      %max3A_1217 = arith.maximumf %select_n3A_1213, %gather3A_1216 : vector<16xf32>
      %select_n3A_1218 = arith.select %eq3A_1108, %max3A_1217, %select_n3A_1213 : vector<16xi1>, vector<16xf32>
      %broadcast_in_dim3A_1219 = vector.shape_cast %max3A_97 : vector<16xi32> to vector<16x1xi32>
      %gather3A_1220 = vector.shape_cast %broadcast_in_dim3A_1219 : vector<16x1xi32> to vector<16xi32>
      %gather3A_1221 = tpu.dynamic_gather %select_n3A_1218[%gather3A_1220] in [0] : vector<16xf32>, vector<16xi32> -> vector<16xf32>
      %max3A_1222 = arith.maximumf %select_n3A_1218, %gather3A_1221 : vector<16xf32>
      %select_n3A_1223 = arith.select %eq3A_1112, %max3A_1222, %select_n3A_1218 : vector<16xi1>, vector<16xf32>
      %add3A_1224 = arith.constant 408 : i32
      %add3A_1225 = vector.broadcast %add3A_1224 : i32 to vector<16xi32>
      %add3A_1226 = arith.addi %get3A_1096, %add3A_1225 : vector<16xi32>
      %gather3A_1227 = tpu.vector_load_idx %arg7[%add3A_1226] masked %or3A_1120 : memref<544xf32, #tpu.memory_space<vmem>>[vector<16xi32>], vector<16xf32>, vector<16xi1>
      %max3A_1228 = arith.maximumf %select_n3A_1223, %gather3A_1227 : vector<16xf32>
      tpu.vector_store_idx %arg7[%add3A_1226], %max3A_1228 masked %or3A_1120 : memref<544xf32, #tpu.memory_space<vmem>>[vector<16xi32>], vector<16xf32>, vector<16xi1>
      %get3A_1229 = arith.constant 128 : index
      %get3A_1230 = tpu.vector_load %arg6[%get3A_1229] {strides = array<i32>} : memref<320xi32, #tpu.memory_space<vmem>>, vector<16xi32>,
      %broadcast_in_dim3A_1231 = vector.shape_cast %max3A_79 : vector<16xi32> to vector<16x1xi32>
      %gather3A_1232 = vector.shape_cast %broadcast_in_dim3A_1231 : vector<16x1xi32> to vector<16xi32>
      %gather3A_1233 = tpu.dynamic_gather %get3A_1230[%gather3A_1232] in [0] : vector<16xi32>, vector<16xi32> -> vector<16xi32>
      %eq3A_1234 = arith.cmpi eq, %get3A_1230, %gather3A_1233 : vector<16xi32>
      %broadcast_in_dim3A_1235 = vector.shape_cast %max3A_85 : vector<16xi32> to vector<16x1xi32>
      %gather3A_1236 = vector.shape_cast %broadcast_in_dim3A_1235 : vector<16x1xi32> to vector<16xi32>
      %gather3A_1237 = tpu.dynamic_gather %get3A_1230[%gather3A_1236] in [0] : vector<16xi32>, vector<16xi32> -> vector<16xi32>
      %eq3A_1238 = arith.cmpi eq, %get3A_1230, %gather3A_1237 : vector<16xi32>
      %broadcast_in_dim3A_1239 = vector.shape_cast %max3A_91 : vector<16xi32> to vector<16x1xi32>
      %gather3A_1240 = vector.shape_cast %broadcast_in_dim3A_1239 : vector<16x1xi32> to vector<16xi32>
      %gather3A_1241 = tpu.dynamic_gather %get3A_1230[%gather3A_1240] in [0] : vector<16xi32>, vector<16xi32> -> vector<16xi32>
      %eq3A_1242 = arith.cmpi eq, %get3A_1230, %gather3A_1241 : vector<16xi32>
      %broadcast_in_dim3A_1243 = vector.shape_cast %max3A_97 : vector<16xi32> to vector<16x1xi32>
      %gather3A_1244 = vector.shape_cast %broadcast_in_dim3A_1243 : vector<16x1xi32> to vector<16xi32>
      %gather3A_1245 = tpu.dynamic_gather %get3A_1230[%gather3A_1244] in [0] : vector<16xi32>, vector<16xi32> -> vector<16xi32>
      %eq3A_1246 = arith.cmpi eq, %get3A_1230, %gather3A_1245 : vector<16xi32>
      %broadcast_in_dim3A_1247 = vector.shape_cast %min3A_75 : vector<16xi32> to vector<16x1xi32>
      %gather3A_1248 = vector.shape_cast %broadcast_in_dim3A_1247 : vector<16x1xi32> to vector<16xi32>
      %gather3A_1249 = tpu.dynamic_gather %get3A_1230[%gather3A_1248] in [0] : vector<16xi32>, vector<16xi32> -> vector<16xi32>
      %ne3A_1250 = arith.cmpi ne, %get3A_1230, %gather3A_1249 : vector<16xi32>
      %eq3A_1251 = arith.constant 15 : i32
      %eq3A_1252 = vector.broadcast %eq3A_1251 : i32 to vector<16xi32>
      %eq3A_1253 = arith.cmpi eq, %iota3A, %eq3A_1252 : vector<16xi32>
      %or3A_1254 = arith.ori %ne3A_1250, %eq3A_1253 : vector<16xi1>
      %get3A_1255 = arith.constant 128 : index
      %get3A_1256 = tpu.vector_load %arg5[%get3A_1255] {strides = array<i32>} : memref<1280xf32, #tpu.memory_space<vmem>>, vector<16xf32>,
      %broadcast_in_dim3A_1257 = vector.shape_cast %max3A_79 : vector<16xi32> to vector<16x1xi32>
      %gather3A_1258 = vector.shape_cast %broadcast_in_dim3A_1257 : vector<16x1xi32> to vector<16xi32>
      %gather3A_1259 = tpu.dynamic_gather %get3A_1256[%gather3A_1258] in [0] : vector<16xf32>, vector<16xi32> -> vector<16xf32>
      %max3A_1260 = arith.maximumf %get3A_1256, %gather3A_1259 : vector<16xf32>
      %select_n3A_1261 = arith.select %eq3A_1234, %max3A_1260, %get3A_1256 : vector<16xi1>, vector<16xf32>
      %broadcast_in_dim3A_1262 = vector.shape_cast %max3A_85 : vector<16xi32> to vector<16x1xi32>
      %gather3A_1263 = vector.shape_cast %broadcast_in_dim3A_1262 : vector<16x1xi32> to vector<16xi32>
      %gather3A_1264 = tpu.dynamic_gather %select_n3A_1261[%gather3A_1263] in [0] : vector<16xf32>, vector<16xi32> -> vector<16xf32>
      %max3A_1265 = arith.maximumf %select_n3A_1261, %gather3A_1264 : vector<16xf32>
      %select_n3A_1266 = arith.select %eq3A_1238, %max3A_1265, %select_n3A_1261 : vector<16xi1>, vector<16xf32>
      %broadcast_in_dim3A_1267 = vector.shape_cast %max3A_91 : vector<16xi32> to vector<16x1xi32>
      %gather3A_1268 = vector.shape_cast %broadcast_in_dim3A_1267 : vector<16x1xi32> to vector<16xi32>
      %gather3A_1269 = tpu.dynamic_gather %select_n3A_1266[%gather3A_1268] in [0] : vector<16xf32>, vector<16xi32> -> vector<16xf32>
      %max3A_1270 = arith.maximumf %select_n3A_1266, %gather3A_1269 : vector<16xf32>
      %select_n3A_1271 = arith.select %eq3A_1242, %max3A_1270, %select_n3A_1266 : vector<16xi1>, vector<16xf32>
      %broadcast_in_dim3A_1272 = vector.shape_cast %max3A_97 : vector<16xi32> to vector<16x1xi32>
      %gather3A_1273 = vector.shape_cast %broadcast_in_dim3A_1272 : vector<16x1xi32> to vector<16xi32>
      %gather3A_1274 = tpu.dynamic_gather %select_n3A_1271[%gather3A_1273] in [0] : vector<16xf32>, vector<16xi32> -> vector<16xf32>
      %max3A_1275 = arith.maximumf %select_n3A_1271, %gather3A_1274 : vector<16xf32>
      %select_n3A_1276 = arith.select %eq3A_1246, %max3A_1275, %select_n3A_1271 : vector<16xi1>, vector<16xf32>
      %add3A_1277 = arith.constant 0 : i32
      %add3A_1278 = vector.broadcast %add3A_1277 : i32 to vector<16xi32>
      %add3A_1279 = arith.addi %get3A_1230, %add3A_1278 : vector<16xi32>
      %gather3A_1280 = tpu.vector_load_idx %arg7[%add3A_1279] masked %or3A_1254 : memref<544xf32, #tpu.memory_space<vmem>>[vector<16xi32>], vector<16xf32>, vector<16xi1>
      %max3A_1281 = arith.maximumf %select_n3A_1276, %gather3A_1280 : vector<16xf32>
      tpu.vector_store_idx %arg7[%add3A_1279], %max3A_1281 masked %or3A_1254 : memref<544xf32, #tpu.memory_space<vmem>>[vector<16xi32>], vector<16xf32>, vector<16xi1>
      %get3A_1282 = arith.constant 448 : index
      %get3A_1283 = tpu.vector_load %arg5[%get3A_1282] {strides = array<i32>} : memref<1280xf32, #tpu.memory_space<vmem>>, vector<16xf32>,
      %broadcast_in_dim3A_1284 = vector.shape_cast %max3A_79 : vector<16xi32> to vector<16x1xi32>
      %gather3A_1285 = vector.shape_cast %broadcast_in_dim3A_1284 : vector<16x1xi32> to vector<16xi32>
      %gather3A_1286 = tpu.dynamic_gather %get3A_1283[%gather3A_1285] in [0] : vector<16xf32>, vector<16xi32> -> vector<16xf32>
      %max3A_1287 = arith.maximumf %get3A_1283, %gather3A_1286 : vector<16xf32>
      %select_n3A_1288 = arith.select %eq3A_1234, %max3A_1287, %get3A_1283 : vector<16xi1>, vector<16xf32>
      %broadcast_in_dim3A_1289 = vector.shape_cast %max3A_85 : vector<16xi32> to vector<16x1xi32>
      %gather3A_1290 = vector.shape_cast %broadcast_in_dim3A_1289 : vector<16x1xi32> to vector<16xi32>
      %gather3A_1291 = tpu.dynamic_gather %select_n3A_1288[%gather3A_1290] in [0] : vector<16xf32>, vector<16xi32> -> vector<16xf32>
      %max3A_1292 = arith.maximumf %select_n3A_1288, %gather3A_1291 : vector<16xf32>
      %select_n3A_1293 = arith.select %eq3A_1238, %max3A_1292, %select_n3A_1288 : vector<16xi1>, vector<16xf32>
      %broadcast_in_dim3A_1294 = vector.shape_cast %max3A_91 : vector<16xi32> to vector<16x1xi32>
      %gather3A_1295 = vector.shape_cast %broadcast_in_dim3A_1294 : vector<16x1xi32> to vector<16xi32>
      %gather3A_1296 = tpu.dynamic_gather %select_n3A_1293[%gather3A_1295] in [0] : vector<16xf32>, vector<16xi32> -> vector<16xf32>
      %max3A_1297 = arith.maximumf %select_n3A_1293, %gather3A_1296 : vector<16xf32>
      %select_n3A_1298 = arith.select %eq3A_1242, %max3A_1297, %select_n3A_1293 : vector<16xi1>, vector<16xf32>
      %broadcast_in_dim3A_1299 = vector.shape_cast %max3A_97 : vector<16xi32> to vector<16x1xi32>
      %gather3A_1300 = vector.shape_cast %broadcast_in_dim3A_1299 : vector<16x1xi32> to vector<16xi32>
      %gather3A_1301 = tpu.dynamic_gather %select_n3A_1298[%gather3A_1300] in [0] : vector<16xf32>, vector<16xi32> -> vector<16xf32>
      %max3A_1302 = arith.maximumf %select_n3A_1298, %gather3A_1301 : vector<16xf32>
      %select_n3A_1303 = arith.select %eq3A_1246, %max3A_1302, %select_n3A_1298 : vector<16xi1>, vector<16xf32>
      %add3A_1304 = arith.constant 136 : i32
      %add3A_1305 = vector.broadcast %add3A_1304 : i32 to vector<16xi32>
      %add3A_1306 = arith.addi %get3A_1230, %add3A_1305 : vector<16xi32>
      %gather3A_1307 = tpu.vector_load_idx %arg7[%add3A_1306] masked %or3A_1254 : memref<544xf32, #tpu.memory_space<vmem>>[vector<16xi32>], vector<16xf32>, vector<16xi1>
      %max3A_1308 = arith.maximumf %select_n3A_1303, %gather3A_1307 : vector<16xf32>
      tpu.vector_store_idx %arg7[%add3A_1306], %max3A_1308 masked %or3A_1254 : memref<544xf32, #tpu.memory_space<vmem>>[vector<16xi32>], vector<16xf32>, vector<16xi1>
      %get3A_1309 = arith.constant 768 : index
      %get3A_1310 = tpu.vector_load %arg5[%get3A_1309] {strides = array<i32>} : memref<1280xf32, #tpu.memory_space<vmem>>, vector<16xf32>,
      %broadcast_in_dim3A_1311 = vector.shape_cast %max3A_79 : vector<16xi32> to vector<16x1xi32>
      %gather3A_1312 = vector.shape_cast %broadcast_in_dim3A_1311 : vector<16x1xi32> to vector<16xi32>
      %gather3A_1313 = tpu.dynamic_gather %get3A_1310[%gather3A_1312] in [0] : vector<16xf32>, vector<16xi32> -> vector<16xf32>
      %max3A_1314 = arith.maximumf %get3A_1310, %gather3A_1313 : vector<16xf32>
      %select_n3A_1315 = arith.select %eq3A_1234, %max3A_1314, %get3A_1310 : vector<16xi1>, vector<16xf32>
      %broadcast_in_dim3A_1316 = vector.shape_cast %max3A_85 : vector<16xi32> to vector<16x1xi32>
      %gather3A_1317 = vector.shape_cast %broadcast_in_dim3A_1316 : vector<16x1xi32> to vector<16xi32>
      %gather3A_1318 = tpu.dynamic_gather %select_n3A_1315[%gather3A_1317] in [0] : vector<16xf32>, vector<16xi32> -> vector<16xf32>
      %max3A_1319 = arith.maximumf %select_n3A_1315, %gather3A_1318 : vector<16xf32>
      %select_n3A_1320 = arith.select %eq3A_1238, %max3A_1319, %select_n3A_1315 : vector<16xi1>, vector<16xf32>
      %broadcast_in_dim3A_1321 = vector.shape_cast %max3A_91 : vector<16xi32> to vector<16x1xi32>
      %gather3A_1322 = vector.shape_cast %broadcast_in_dim3A_1321 : vector<16x1xi32> to vector<16xi32>
      %gather3A_1323 = tpu.dynamic_gather %select_n3A_1320[%gather3A_1322] in [0] : vector<16xf32>, vector<16xi32> -> vector<16xf32>
      %max3A_1324 = arith.maximumf %select_n3A_1320, %gather3A_1323 : vector<16xf32>
      %select_n3A_1325 = arith.select %eq3A_1242, %max3A_1324, %select_n3A_1320 : vector<16xi1>, vector<16xf32>
      %broadcast_in_dim3A_1326 = vector.shape_cast %max3A_97 : vector<16xi32> to vector<16x1xi32>
      %gather3A_1327 = vector.shape_cast %broadcast_in_dim3A_1326 : vector<16x1xi32> to vector<16xi32>
      %gather3A_1328 = tpu.dynamic_gather %select_n3A_1325[%gather3A_1327] in [0] : vector<16xf32>, vector<16xi32> -> vector<16xf32>
      %max3A_1329 = arith.maximumf %select_n3A_1325, %gather3A_1328 : vector<16xf32>
      %select_n3A_1330 = arith.select %eq3A_1246, %max3A_1329, %select_n3A_1325 : vector<16xi1>, vector<16xf32>
      %add3A_1331 = arith.constant 272 : i32
      %add3A_1332 = vector.broadcast %add3A_1331 : i32 to vector<16xi32>
      %add3A_1333 = arith.addi %get3A_1230, %add3A_1332 : vector<16xi32>
      %gather3A_1334 = tpu.vector_load_idx %arg7[%add3A_1333] masked %or3A_1254 : memref<544xf32, #tpu.memory_space<vmem>>[vector<16xi32>], vector<16xf32>, vector<16xi1>
      %max3A_1335 = arith.maximumf %select_n3A_1330, %gather3A_1334 : vector<16xf32>
      tpu.vector_store_idx %arg7[%add3A_1333], %max3A_1335 masked %or3A_1254 : memref<544xf32, #tpu.memory_space<vmem>>[vector<16xi32>], vector<16xf32>, vector<16xi1>
      %get3A_1336 = arith.constant 1088 : index
      %get3A_1337 = tpu.vector_load %arg5[%get3A_1336] {strides = array<i32>} : memref<1280xf32, #tpu.memory_space<vmem>>, vector<16xf32>,
      %broadcast_in_dim3A_1338 = vector.shape_cast %max3A_79 : vector<16xi32> to vector<16x1xi32>
      %gather3A_1339 = vector.shape_cast %broadcast_in_dim3A_1338 : vector<16x1xi32> to vector<16xi32>
      %gather3A_1340 = tpu.dynamic_gather %get3A_1337[%gather3A_1339] in [0] : vector<16xf32>, vector<16xi32> -> vector<16xf32>
      %max3A_1341 = arith.maximumf %get3A_1337, %gather3A_1340 : vector<16xf32>
      %select_n3A_1342 = arith.select %eq3A_1234, %max3A_1341, %get3A_1337 : vector<16xi1>, vector<16xf32>
      %broadcast_in_dim3A_1343 = vector.shape_cast %max3A_85 : vector<16xi32> to vector<16x1xi32>
      %gather3A_1344 = vector.shape_cast %broadcast_in_dim3A_1343 : vector<16x1xi32> to vector<16xi32>
      %gather3A_1345 = tpu.dynamic_gather %select_n3A_1342[%gather3A_1344] in [0] : vector<16xf32>, vector<16xi32> -> vector<16xf32>
      %max3A_1346 = arith.maximumf %select_n3A_1342, %gather3A_1345 : vector<16xf32>
      %select_n3A_1347 = arith.select %eq3A_1238, %max3A_1346, %select_n3A_1342 : vector<16xi1>, vector<16xf32>
      %broadcast_in_dim3A_1348 = vector.shape_cast %max3A_91 : vector<16xi32> to vector<16x1xi32>
      %gather3A_1349 = vector.shape_cast %broadcast_in_dim3A_1348 : vector<16x1xi32> to vector<16xi32>
      %gather3A_1350 = tpu.dynamic_gather %select_n3A_1347[%gather3A_1349] in [0] : vector<16xf32>, vector<16xi32> -> vector<16xf32>
      %max3A_1351 = arith.maximumf %select_n3A_1347, %gather3A_1350 : vector<16xf32>
      %select_n3A_1352 = arith.select %eq3A_1242, %max3A_1351, %select_n3A_1347 : vector<16xi1>, vector<16xf32>
      %broadcast_in_dim3A_1353 = vector.shape_cast %max3A_97 : vector<16xi32> to vector<16x1xi32>
      %gather3A_1354 = vector.shape_cast %broadcast_in_dim3A_1353 : vector<16x1xi32> to vector<16xi32>
      %gather3A_1355 = tpu.dynamic_gather %select_n3A_1352[%gather3A_1354] in [0] : vector<16xf32>, vector<16xi32> -> vector<16xf32>
      %max3A_1356 = arith.maximumf %select_n3A_1352, %gather3A_1355 : vector<16xf32>
      %select_n3A_1357 = arith.select %eq3A_1246, %max3A_1356, %select_n3A_1352 : vector<16xi1>, vector<16xf32>
      %add3A_1358 = arith.constant 408 : i32
      %add3A_1359 = vector.broadcast %add3A_1358 : i32 to vector<16xi32>
      %add3A_1360 = arith.addi %get3A_1230, %add3A_1359 : vector<16xi32>
      %gather3A_1361 = tpu.vector_load_idx %arg7[%add3A_1360] masked %or3A_1254 : memref<544xf32, #tpu.memory_space<vmem>>[vector<16xi32>], vector<16xf32>, vector<16xi1>
      %max3A_1362 = arith.maximumf %select_n3A_1357, %gather3A_1361 : vector<16xf32>
      tpu.vector_store_idx %arg7[%add3A_1360], %max3A_1362 masked %or3A_1254 : memref<544xf32, #tpu.memory_space<vmem>>[vector<16xi32>], vector<16xf32>, vector<16xi1>
      %get3A_1363 = arith.constant 144 : index
      %get3A_1364 = tpu.vector_load %arg6[%get3A_1363] {strides = array<i32>} : memref<320xi32, #tpu.memory_space<vmem>>, vector<16xi32>,
      %broadcast_in_dim3A_1365 = vector.shape_cast %max3A_79 : vector<16xi32> to vector<16x1xi32>
      %gather3A_1366 = vector.shape_cast %broadcast_in_dim3A_1365 : vector<16x1xi32> to vector<16xi32>
      %gather3A_1367 = tpu.dynamic_gather %get3A_1364[%gather3A_1366] in [0] : vector<16xi32>, vector<16xi32> -> vector<16xi32>
      %eq3A_1368 = arith.cmpi eq, %get3A_1364, %gather3A_1367 : vector<16xi32>
      %broadcast_in_dim3A_1369 = vector.shape_cast %max3A_85 : vector<16xi32> to vector<16x1xi32>
      %gather3A_1370 = vector.shape_cast %broadcast_in_dim3A_1369 : vector<16x1xi32> to vector<16xi32>
      %gather3A_1371 = tpu.dynamic_gather %get3A_1364[%gather3A_1370] in [0] : vector<16xi32>, vector<16xi32> -> vector<16xi32>
      %eq3A_1372 = arith.cmpi eq, %get3A_1364, %gather3A_1371 : vector<16xi32>
      %broadcast_in_dim3A_1373 = vector.shape_cast %max3A_91 : vector<16xi32> to vector<16x1xi32>
      %gather3A_1374 = vector.shape_cast %broadcast_in_dim3A_1373 : vector<16x1xi32> to vector<16xi32>
      %gather3A_1375 = tpu.dynamic_gather %get3A_1364[%gather3A_1374] in [0] : vector<16xi32>, vector<16xi32> -> vector<16xi32>
      %eq3A_1376 = arith.cmpi eq, %get3A_1364, %gather3A_1375 : vector<16xi32>
      %broadcast_in_dim3A_1377 = vector.shape_cast %max3A_97 : vector<16xi32> to vector<16x1xi32>
      %gather3A_1378 = vector.shape_cast %broadcast_in_dim3A_1377 : vector<16x1xi32> to vector<16xi32>
      %gather3A_1379 = tpu.dynamic_gather %get3A_1364[%gather3A_1378] in [0] : vector<16xi32>, vector<16xi32> -> vector<16xi32>
      %eq3A_1380 = arith.cmpi eq, %get3A_1364, %gather3A_1379 : vector<16xi32>
      %broadcast_in_dim3A_1381 = vector.shape_cast %min3A_75 : vector<16xi32> to vector<16x1xi32>
      %gather3A_1382 = vector.shape_cast %broadcast_in_dim3A_1381 : vector<16x1xi32> to vector<16xi32>
      %gather3A_1383 = tpu.dynamic_gather %get3A_1364[%gather3A_1382] in [0] : vector<16xi32>, vector<16xi32> -> vector<16xi32>
      %ne3A_1384 = arith.cmpi ne, %get3A_1364, %gather3A_1383 : vector<16xi32>
      %eq3A_1385 = arith.constant 15 : i32
      %eq3A_1386 = vector.broadcast %eq3A_1385 : i32 to vector<16xi32>
      %eq3A_1387 = arith.cmpi eq, %iota3A, %eq3A_1386 : vector<16xi32>
      %or3A_1388 = arith.ori %ne3A_1384, %eq3A_1387 : vector<16xi1>
      %get3A_1389 = arith.constant 144 : index
      %get3A_1390 = tpu.vector_load %arg5[%get3A_1389] {strides = array<i32>} : memref<1280xf32, #tpu.memory_space<vmem>>, vector<16xf32>,
      %broadcast_in_dim3A_1391 = vector.shape_cast %max3A_79 : vector<16xi32> to vector<16x1xi32>
      %gather3A_1392 = vector.shape_cast %broadcast_in_dim3A_1391 : vector<16x1xi32> to vector<16xi32>
      %gather3A_1393 = tpu.dynamic_gather %get3A_1390[%gather3A_1392] in [0] : vector<16xf32>, vector<16xi32> -> vector<16xf32>
      %max3A_1394 = arith.maximumf %get3A_1390, %gather3A_1393 : vector<16xf32>
      %select_n3A_1395 = arith.select %eq3A_1368, %max3A_1394, %get3A_1390 : vector<16xi1>, vector<16xf32>
      %broadcast_in_dim3A_1396 = vector.shape_cast %max3A_85 : vector<16xi32> to vector<16x1xi32>
      %gather3A_1397 = vector.shape_cast %broadcast_in_dim3A_1396 : vector<16x1xi32> to vector<16xi32>
      %gather3A_1398 = tpu.dynamic_gather %select_n3A_1395[%gather3A_1397] in [0] : vector<16xf32>, vector<16xi32> -> vector<16xf32>
      %max3A_1399 = arith.maximumf %select_n3A_1395, %gather3A_1398 : vector<16xf32>
      %select_n3A_1400 = arith.select %eq3A_1372, %max3A_1399, %select_n3A_1395 : vector<16xi1>, vector<16xf32>
      %broadcast_in_dim3A_1401 = vector.shape_cast %max3A_91 : vector<16xi32> to vector<16x1xi32>
      %gather3A_1402 = vector.shape_cast %broadcast_in_dim3A_1401 : vector<16x1xi32> to vector<16xi32>
      %gather3A_1403 = tpu.dynamic_gather %select_n3A_1400[%gather3A_1402] in [0] : vector<16xf32>, vector<16xi32> -> vector<16xf32>
      %max3A_1404 = arith.maximumf %select_n3A_1400, %gather3A_1403 : vector<16xf32>
      %select_n3A_1405 = arith.select %eq3A_1376, %max3A_1404, %select_n3A_1400 : vector<16xi1>, vector<16xf32>
      %broadcast_in_dim3A_1406 = vector.shape_cast %max3A_97 : vector<16xi32> to vector<16x1xi32>
      %gather3A_1407 = vector.shape_cast %broadcast_in_dim3A_1406 : vector<16x1xi32> to vector<16xi32>
      %gather3A_1408 = tpu.dynamic_gather %select_n3A_1405[%gather3A_1407] in [0] : vector<16xf32>, vector<16xi32> -> vector<16xf32>
      %max3A_1409 = arith.maximumf %select_n3A_1405, %gather3A_1408 : vector<16xf32>
      %select_n3A_1410 = arith.select %eq3A_1380, %max3A_1409, %select_n3A_1405 : vector<16xi1>, vector<16xf32>
      %add3A_1411 = arith.constant 0 : i32
      %add3A_1412 = vector.broadcast %add3A_1411 : i32 to vector<16xi32>
      %add3A_1413 = arith.addi %get3A_1364, %add3A_1412 : vector<16xi32>
      %gather3A_1414 = tpu.vector_load_idx %arg7[%add3A_1413] masked %or3A_1388 : memref<544xf32, #tpu.memory_space<vmem>>[vector<16xi32>], vector<16xf32>, vector<16xi1>
      %max3A_1415 = arith.maximumf %select_n3A_1410, %gather3A_1414 : vector<16xf32>
      tpu.vector_store_idx %arg7[%add3A_1413], %max3A_1415 masked %or3A_1388 : memref<544xf32, #tpu.memory_space<vmem>>[vector<16xi32>], vector<16xf32>, vector<16xi1>
      %get3A_1416 = arith.constant 464 : index
      %get3A_1417 = tpu.vector_load %arg5[%get3A_1416] {strides = array<i32>} : memref<1280xf32, #tpu.memory_space<vmem>>, vector<16xf32>,
      %broadcast_in_dim3A_1418 = vector.shape_cast %max3A_79 : vector<16xi32> to vector<16x1xi32>
      %gather3A_1419 = vector.shape_cast %broadcast_in_dim3A_1418 : vector<16x1xi32> to vector<16xi32>
      %gather3A_1420 = tpu.dynamic_gather %get3A_1417[%gather3A_1419] in [0] : vector<16xf32>, vector<16xi32> -> vector<16xf32>
      %max3A_1421 = arith.maximumf %get3A_1417, %gather3A_1420 : vector<16xf32>
      %select_n3A_1422 = arith.select %eq3A_1368, %max3A_1421, %get3A_1417 : vector<16xi1>, vector<16xf32>
      %broadcast_in_dim3A_1423 = vector.shape_cast %max3A_85 : vector<16xi32> to vector<16x1xi32>
      %gather3A_1424 = vector.shape_cast %broadcast_in_dim3A_1423 : vector<16x1xi32> to vector<16xi32>
      %gather3A_1425 = tpu.dynamic_gather %select_n3A_1422[%gather3A_1424] in [0] : vector<16xf32>, vector<16xi32> -> vector<16xf32>
      %max3A_1426 = arith.maximumf %select_n3A_1422, %gather3A_1425 : vector<16xf32>
      %select_n3A_1427 = arith.select %eq3A_1372, %max3A_1426, %select_n3A_1422 : vector<16xi1>, vector<16xf32>
      %broadcast_in_dim3A_1428 = vector.shape_cast %max3A_91 : vector<16xi32> to vector<16x1xi32>
      %gather3A_1429 = vector.shape_cast %broadcast_in_dim3A_1428 : vector<16x1xi32> to vector<16xi32>
      %gather3A_1430 = tpu.dynamic_gather %select_n3A_1427[%gather3A_1429] in [0] : vector<16xf32>, vector<16xi32> -> vector<16xf32>
      %max3A_1431 = arith.maximumf %select_n3A_1427, %gather3A_1430 : vector<16xf32>
      %select_n3A_1432 = arith.select %eq3A_1376, %max3A_1431, %select_n3A_1427 : vector<16xi1>, vector<16xf32>
      %broadcast_in_dim3A_1433 = vector.shape_cast %max3A_97 : vector<16xi32> to vector<16x1xi32>
      %gather3A_1434 = vector.shape_cast %broadcast_in_dim3A_1433 : vector<16x1xi32> to vector<16xi32>
      %gather3A_1435 = tpu.dynamic_gather %select_n3A_1432[%gather3A_1434] in [0] : vector<16xf32>, vector<16xi32> -> vector<16xf32>
      %max3A_1436 = arith.maximumf %select_n3A_1432, %gather3A_1435 : vector<16xf32>
      %select_n3A_1437 = arith.select %eq3A_1380, %max3A_1436, %select_n3A_1432 : vector<16xi1>, vector<16xf32>
      %add3A_1438 = arith.constant 136 : i32
      %add3A_1439 = vector.broadcast %add3A_1438 : i32 to vector<16xi32>
      %add3A_1440 = arith.addi %get3A_1364, %add3A_1439 : vector<16xi32>
      %gather3A_1441 = tpu.vector_load_idx %arg7[%add3A_1440] masked %or3A_1388 : memref<544xf32, #tpu.memory_space<vmem>>[vector<16xi32>], vector<16xf32>, vector<16xi1>
      %max3A_1442 = arith.maximumf %select_n3A_1437, %gather3A_1441 : vector<16xf32>
      tpu.vector_store_idx %arg7[%add3A_1440], %max3A_1442 masked %or3A_1388 : memref<544xf32, #tpu.memory_space<vmem>>[vector<16xi32>], vector<16xf32>, vector<16xi1>
      %get3A_1443 = arith.constant 784 : index
      %get3A_1444 = tpu.vector_load %arg5[%get3A_1443] {strides = array<i32>} : memref<1280xf32, #tpu.memory_space<vmem>>, vector<16xf32>,
      %broadcast_in_dim3A_1445 = vector.shape_cast %max3A_79 : vector<16xi32> to vector<16x1xi32>
      %gather3A_1446 = vector.shape_cast %broadcast_in_dim3A_1445 : vector<16x1xi32> to vector<16xi32>
      %gather3A_1447 = tpu.dynamic_gather %get3A_1444[%gather3A_1446] in [0] : vector<16xf32>, vector<16xi32> -> vector<16xf32>
      %max3A_1448 = arith.maximumf %get3A_1444, %gather3A_1447 : vector<16xf32>
      %select_n3A_1449 = arith.select %eq3A_1368, %max3A_1448, %get3A_1444 : vector<16xi1>, vector<16xf32>
      %broadcast_in_dim3A_1450 = vector.shape_cast %max3A_85 : vector<16xi32> to vector<16x1xi32>
      %gather3A_1451 = vector.shape_cast %broadcast_in_dim3A_1450 : vector<16x1xi32> to vector<16xi32>
      %gather3A_1452 = tpu.dynamic_gather %select_n3A_1449[%gather3A_1451] in [0] : vector<16xf32>, vector<16xi32> -> vector<16xf32>
      %max3A_1453 = arith.maximumf %select_n3A_1449, %gather3A_1452 : vector<16xf32>
      %select_n3A_1454 = arith.select %eq3A_1372, %max3A_1453, %select_n3A_1449 : vector<16xi1>, vector<16xf32>
      %broadcast_in_dim3A_1455 = vector.shape_cast %max3A_91 : vector<16xi32> to vector<16x1xi32>
      %gather3A_1456 = vector.shape_cast %broadcast_in_dim3A_1455 : vector<16x1xi32> to vector<16xi32>
      %gather3A_1457 = tpu.dynamic_gather %select_n3A_1454[%gather3A_1456] in [0] : vector<16xf32>, vector<16xi32> -> vector<16xf32>
      %max3A_1458 = arith.maximumf %select_n3A_1454, %gather3A_1457 : vector<16xf32>
      %select_n3A_1459 = arith.select %eq3A_1376, %max3A_1458, %select_n3A_1454 : vector<16xi1>, vector<16xf32>
      %broadcast_in_dim3A_1460 = vector.shape_cast %max3A_97 : vector<16xi32> to vector<16x1xi32>
      %gather3A_1461 = vector.shape_cast %broadcast_in_dim3A_1460 : vector<16x1xi32> to vector<16xi32>
      %gather3A_1462 = tpu.dynamic_gather %select_n3A_1459[%gather3A_1461] in [0] : vector<16xf32>, vector<16xi32> -> vector<16xf32>
      %max3A_1463 = arith.maximumf %select_n3A_1459, %gather3A_1462 : vector<16xf32>
      %select_n3A_1464 = arith.select %eq3A_1380, %max3A_1463, %select_n3A_1459 : vector<16xi1>, vector<16xf32>
      %add3A_1465 = arith.constant 272 : i32
      %add3A_1466 = vector.broadcast %add3A_1465 : i32 to vector<16xi32>
      %add3A_1467 = arith.addi %get3A_1364, %add3A_1466 : vector<16xi32>
      %gather3A_1468 = tpu.vector_load_idx %arg7[%add3A_1467] masked %or3A_1388 : memref<544xf32, #tpu.memory_space<vmem>>[vector<16xi32>], vector<16xf32>, vector<16xi1>
      %max3A_1469 = arith.maximumf %select_n3A_1464, %gather3A_1468 : vector<16xf32>
      tpu.vector_store_idx %arg7[%add3A_1467], %max3A_1469 masked %or3A_1388 : memref<544xf32, #tpu.memory_space<vmem>>[vector<16xi32>], vector<16xf32>, vector<16xi1>
      %get3A_1470 = arith.constant 1104 : index
      %get3A_1471 = tpu.vector_load %arg5[%get3A_1470] {strides = array<i32>} : memref<1280xf32, #tpu.memory_space<vmem>>, vector<16xf32>,
      %broadcast_in_dim3A_1472 = vector.shape_cast %max3A_79 : vector<16xi32> to vector<16x1xi32>
      %gather3A_1473 = vector.shape_cast %broadcast_in_dim3A_1472 : vector<16x1xi32> to vector<16xi32>
      %gather3A_1474 = tpu.dynamic_gather %get3A_1471[%gather3A_1473] in [0] : vector<16xf32>, vector<16xi32> -> vector<16xf32>
      %max3A_1475 = arith.maximumf %get3A_1471, %gather3A_1474 : vector<16xf32>
      %select_n3A_1476 = arith.select %eq3A_1368, %max3A_1475, %get3A_1471 : vector<16xi1>, vector<16xf32>
      %broadcast_in_dim3A_1477 = vector.shape_cast %max3A_85 : vector<16xi32> to vector<16x1xi32>
      %gather3A_1478 = vector.shape_cast %broadcast_in_dim3A_1477 : vector<16x1xi32> to vector<16xi32>
      %gather3A_1479 = tpu.dynamic_gather %select_n3A_1476[%gather3A_1478] in [0] : vector<16xf32>, vector<16xi32> -> vector<16xf32>
      %max3A_1480 = arith.maximumf %select_n3A_1476, %gather3A_1479 : vector<16xf32>
      %select_n3A_1481 = arith.select %eq3A_1372, %max3A_1480, %select_n3A_1476 : vector<16xi1>, vector<16xf32>
      %broadcast_in_dim3A_1482 = vector.shape_cast %max3A_91 : vector<16xi32> to vector<16x1xi32>
      %gather3A_1483 = vector.shape_cast %broadcast_in_dim3A_1482 : vector<16x1xi32> to vector<16xi32>
      %gather3A_1484 = tpu.dynamic_gather %select_n3A_1481[%gather3A_1483] in [0] : vector<16xf32>, vector<16xi32> -> vector<16xf32>
      %max3A_1485 = arith.maximumf %select_n3A_1481, %gather3A_1484 : vector<16xf32>
      %select_n3A_1486 = arith.select %eq3A_1376, %max3A_1485, %select_n3A_1481 : vector<16xi1>, vector<16xf32>
      %broadcast_in_dim3A_1487 = vector.shape_cast %max3A_97 : vector<16xi32> to vector<16x1xi32>
      %gather3A_1488 = vector.shape_cast %broadcast_in_dim3A_1487 : vector<16x1xi32> to vector<16xi32>
      %gather3A_1489 = tpu.dynamic_gather %select_n3A_1486[%gather3A_1488] in [0] : vector<16xf32>, vector<16xi32> -> vector<16xf32>
      %max3A_1490 = arith.maximumf %select_n3A_1486, %gather3A_1489 : vector<16xf32>
      %select_n3A_1491 = arith.select %eq3A_1380, %max3A_1490, %select_n3A_1486 : vector<16xi1>, vector<16xf32>
      %add3A_1492 = arith.constant 408 : i32
      %add3A_1493 = vector.broadcast %add3A_1492 : i32 to vector<16xi32>
      %add3A_1494 = arith.addi %get3A_1364, %add3A_1493 : vector<16xi32>
      %gather3A_1495 = tpu.vector_load_idx %arg7[%add3A_1494] masked %or3A_1388 : memref<544xf32, #tpu.memory_space<vmem>>[vector<16xi32>], vector<16xf32>, vector<16xi1>
      %max3A_1496 = arith.maximumf %select_n3A_1491, %gather3A_1495 : vector<16xf32>
      tpu.vector_store_idx %arg7[%add3A_1494], %max3A_1496 masked %or3A_1388 : memref<544xf32, #tpu.memory_space<vmem>>[vector<16xi32>], vector<16xf32>, vector<16xi1>
      %get3A_1497 = arith.constant 160 : index
      %get3A_1498 = tpu.vector_load %arg6[%get3A_1497] {strides = array<i32>} : memref<320xi32, #tpu.memory_space<vmem>>, vector<16xi32>,
      %broadcast_in_dim3A_1499 = vector.shape_cast %max3A_79 : vector<16xi32> to vector<16x1xi32>
      %gather3A_1500 = vector.shape_cast %broadcast_in_dim3A_1499 : vector<16x1xi32> to vector<16xi32>
      %gather3A_1501 = tpu.dynamic_gather %get3A_1498[%gather3A_1500] in [0] : vector<16xi32>, vector<16xi32> -> vector<16xi32>
      %eq3A_1502 = arith.cmpi eq, %get3A_1498, %gather3A_1501 : vector<16xi32>
      %broadcast_in_dim3A_1503 = vector.shape_cast %max3A_85 : vector<16xi32> to vector<16x1xi32>
      %gather3A_1504 = vector.shape_cast %broadcast_in_dim3A_1503 : vector<16x1xi32> to vector<16xi32>
      %gather3A_1505 = tpu.dynamic_gather %get3A_1498[%gather3A_1504] in [0] : vector<16xi32>, vector<16xi32> -> vector<16xi32>
      %eq3A_1506 = arith.cmpi eq, %get3A_1498, %gather3A_1505 : vector<16xi32>
      %broadcast_in_dim3A_1507 = vector.shape_cast %max3A_91 : vector<16xi32> to vector<16x1xi32>
      %gather3A_1508 = vector.shape_cast %broadcast_in_dim3A_1507 : vector<16x1xi32> to vector<16xi32>
      %gather3A_1509 = tpu.dynamic_gather %get3A_1498[%gather3A_1508] in [0] : vector<16xi32>, vector<16xi32> -> vector<16xi32>
      %eq3A_1510 = arith.cmpi eq, %get3A_1498, %gather3A_1509 : vector<16xi32>
      %broadcast_in_dim3A_1511 = vector.shape_cast %max3A_97 : vector<16xi32> to vector<16x1xi32>
      %gather3A_1512 = vector.shape_cast %broadcast_in_dim3A_1511 : vector<16x1xi32> to vector<16xi32>
      %gather3A_1513 = tpu.dynamic_gather %get3A_1498[%gather3A_1512] in [0] : vector<16xi32>, vector<16xi32> -> vector<16xi32>
      %eq3A_1514 = arith.cmpi eq, %get3A_1498, %gather3A_1513 : vector<16xi32>
      %broadcast_in_dim3A_1515 = vector.shape_cast %min3A_75 : vector<16xi32> to vector<16x1xi32>
      %gather3A_1516 = vector.shape_cast %broadcast_in_dim3A_1515 : vector<16x1xi32> to vector<16xi32>
      %gather3A_1517 = tpu.dynamic_gather %get3A_1498[%gather3A_1516] in [0] : vector<16xi32>, vector<16xi32> -> vector<16xi32>
      %ne3A_1518 = arith.cmpi ne, %get3A_1498, %gather3A_1517 : vector<16xi32>
      %eq3A_1519 = arith.constant 15 : i32
      %eq3A_1520 = vector.broadcast %eq3A_1519 : i32 to vector<16xi32>
      %eq3A_1521 = arith.cmpi eq, %iota3A, %eq3A_1520 : vector<16xi32>
      %or3A_1522 = arith.ori %ne3A_1518, %eq3A_1521 : vector<16xi1>
      %get3A_1523 = arith.constant 160 : index
      %get3A_1524 = tpu.vector_load %arg5[%get3A_1523] {strides = array<i32>} : memref<1280xf32, #tpu.memory_space<vmem>>, vector<16xf32>,
      %broadcast_in_dim3A_1525 = vector.shape_cast %max3A_79 : vector<16xi32> to vector<16x1xi32>
      %gather3A_1526 = vector.shape_cast %broadcast_in_dim3A_1525 : vector<16x1xi32> to vector<16xi32>
      %gather3A_1527 = tpu.dynamic_gather %get3A_1524[%gather3A_1526] in [0] : vector<16xf32>, vector<16xi32> -> vector<16xf32>
      %max3A_1528 = arith.maximumf %get3A_1524, %gather3A_1527 : vector<16xf32>
      %select_n3A_1529 = arith.select %eq3A_1502, %max3A_1528, %get3A_1524 : vector<16xi1>, vector<16xf32>
      %broadcast_in_dim3A_1530 = vector.shape_cast %max3A_85 : vector<16xi32> to vector<16x1xi32>
      %gather3A_1531 = vector.shape_cast %broadcast_in_dim3A_1530 : vector<16x1xi32> to vector<16xi32>
      %gather3A_1532 = tpu.dynamic_gather %select_n3A_1529[%gather3A_1531] in [0] : vector<16xf32>, vector<16xi32> -> vector<16xf32>
      %max3A_1533 = arith.maximumf %select_n3A_1529, %gather3A_1532 : vector<16xf32>
      %select_n3A_1534 = arith.select %eq3A_1506, %max3A_1533, %select_n3A_1529 : vector<16xi1>, vector<16xf32>
      %broadcast_in_dim3A_1535 = vector.shape_cast %max3A_91 : vector<16xi32> to vector<16x1xi32>
      %gather3A_1536 = vector.shape_cast %broadcast_in_dim3A_1535 : vector<16x1xi32> to vector<16xi32>
      %gather3A_1537 = tpu.dynamic_gather %select_n3A_1534[%gather3A_1536] in [0] : vector<16xf32>, vector<16xi32> -> vector<16xf32>
      %max3A_1538 = arith.maximumf %select_n3A_1534, %gather3A_1537 : vector<16xf32>
      %select_n3A_1539 = arith.select %eq3A_1510, %max3A_1538, %select_n3A_1534 : vector<16xi1>, vector<16xf32>
      %broadcast_in_dim3A_1540 = vector.shape_cast %max3A_97 : vector<16xi32> to vector<16x1xi32>
      %gather3A_1541 = vector.shape_cast %broadcast_in_dim3A_1540 : vector<16x1xi32> to vector<16xi32>
      %gather3A_1542 = tpu.dynamic_gather %select_n3A_1539[%gather3A_1541] in [0] : vector<16xf32>, vector<16xi32> -> vector<16xf32>
      %max3A_1543 = arith.maximumf %select_n3A_1539, %gather3A_1542 : vector<16xf32>
      %select_n3A_1544 = arith.select %eq3A_1514, %max3A_1543, %select_n3A_1539 : vector<16xi1>, vector<16xf32>
      %add3A_1545 = arith.constant 0 : i32
      %add3A_1546 = vector.broadcast %add3A_1545 : i32 to vector<16xi32>
      %add3A_1547 = arith.addi %get3A_1498, %add3A_1546 : vector<16xi32>
      %gather3A_1548 = tpu.vector_load_idx %arg7[%add3A_1547] masked %or3A_1522 : memref<544xf32, #tpu.memory_space<vmem>>[vector<16xi32>], vector<16xf32>, vector<16xi1>
      %max3A_1549 = arith.maximumf %select_n3A_1544, %gather3A_1548 : vector<16xf32>
      tpu.vector_store_idx %arg7[%add3A_1547], %max3A_1549 masked %or3A_1522 : memref<544xf32, #tpu.memory_space<vmem>>[vector<16xi32>], vector<16xf32>, vector<16xi1>
      %get3A_1550 = arith.constant 480 : index
      %get3A_1551 = tpu.vector_load %arg5[%get3A_1550] {strides = array<i32>} : memref<1280xf32, #tpu.memory_space<vmem>>, vector<16xf32>,
      %broadcast_in_dim3A_1552 = vector.shape_cast %max3A_79 : vector<16xi32> to vector<16x1xi32>
      %gather3A_1553 = vector.shape_cast %broadcast_in_dim3A_1552 : vector<16x1xi32> to vector<16xi32>
      %gather3A_1554 = tpu.dynamic_gather %get3A_1551[%gather3A_1553] in [0] : vector<16xf32>, vector<16xi32> -> vector<16xf32>
      %max3A_1555 = arith.maximumf %get3A_1551, %gather3A_1554 : vector<16xf32>
      %select_n3A_1556 = arith.select %eq3A_1502, %max3A_1555, %get3A_1551 : vector<16xi1>, vector<16xf32>
      %broadcast_in_dim3A_1557 = vector.shape_cast %max3A_85 : vector<16xi32> to vector<16x1xi32>
      %gather3A_1558 = vector.shape_cast %broadcast_in_dim3A_1557 : vector<16x1xi32> to vector<16xi32>
      %gather3A_1559 = tpu.dynamic_gather %select_n3A_1556[%gather3A_1558] in [0] : vector<16xf32>, vector<16xi32> -> vector<16xf32>
      %max3A_1560 = arith.maximumf %select_n3A_1556, %gather3A_1559 : vector<16xf32>
      %select_n3A_1561 = arith.select %eq3A_1506, %max3A_1560, %select_n3A_1556 : vector<16xi1>, vector<16xf32>
      %broadcast_in_dim3A_1562 = vector.shape_cast %max3A_91 : vector<16xi32> to vector<16x1xi32>
      %gather3A_1563 = vector.shape_cast %broadcast_in_dim3A_1562 : vector<16x1xi32> to vector<16xi32>
      %gather3A_1564 = tpu.dynamic_gather %select_n3A_1561[%gather3A_1563] in [0] : vector<16xf32>, vector<16xi32> -> vector<16xf32>
      %max3A_1565 = arith.maximumf %select_n3A_1561, %gather3A_1564 : vector<16xf32>
      %select_n3A_1566 = arith.select %eq3A_1510, %max3A_1565, %select_n3A_1561 : vector<16xi1>, vector<16xf32>
      %broadcast_in_dim3A_1567 = vector.shape_cast %max3A_97 : vector<16xi32> to vector<16x1xi32>
      %gather3A_1568 = vector.shape_cast %broadcast_in_dim3A_1567 : vector<16x1xi32> to vector<16xi32>
      %gather3A_1569 = tpu.dynamic_gather %select_n3A_1566[%gather3A_1568] in [0] : vector<16xf32>, vector<16xi32> -> vector<16xf32>
      %max3A_1570 = arith.maximumf %select_n3A_1566, %gather3A_1569 : vector<16xf32>
      %select_n3A_1571 = arith.select %eq3A_1514, %max3A_1570, %select_n3A_1566 : vector<16xi1>, vector<16xf32>
      %add3A_1572 = arith.constant 136 : i32
      %add3A_1573 = vector.broadcast %add3A_1572 : i32 to vector<16xi32>
      %add3A_1574 = arith.addi %get3A_1498, %add3A_1573 : vector<16xi32>
      %gather3A_1575 = tpu.vector_load_idx %arg7[%add3A_1574] masked %or3A_1522 : memref<544xf32, #tpu.memory_space<vmem>>[vector<16xi32>], vector<16xf32>, vector<16xi1>
      %max3A_1576 = arith.maximumf %select_n3A_1571, %gather3A_1575 : vector<16xf32>
      tpu.vector_store_idx %arg7[%add3A_1574], %max3A_1576 masked %or3A_1522 : memref<544xf32, #tpu.memory_space<vmem>>[vector<16xi32>], vector<16xf32>, vector<16xi1>
      %get3A_1577 = arith.constant 800 : index
      %get3A_1578 = tpu.vector_load %arg5[%get3A_1577] {strides = array<i32>} : memref<1280xf32, #tpu.memory_space<vmem>>, vector<16xf32>,
      %broadcast_in_dim3A_1579 = vector.shape_cast %max3A_79 : vector<16xi32> to vector<16x1xi32>
      %gather3A_1580 = vector.shape_cast %broadcast_in_dim3A_1579 : vector<16x1xi32> to vector<16xi32>
      %gather3A_1581 = tpu.dynamic_gather %get3A_1578[%gather3A_1580] in [0] : vector<16xf32>, vector<16xi32> -> vector<16xf32>
      %max3A_1582 = arith.maximumf %get3A_1578, %gather3A_1581 : vector<16xf32>
      %select_n3A_1583 = arith.select %eq3A_1502, %max3A_1582, %get3A_1578 : vector<16xi1>, vector<16xf32>
      %broadcast_in_dim3A_1584 = vector.shape_cast %max3A_85 : vector<16xi32> to vector<16x1xi32>
      %gather3A_1585 = vector.shape_cast %broadcast_in_dim3A_1584 : vector<16x1xi32> to vector<16xi32>
      %gather3A_1586 = tpu.dynamic_gather %select_n3A_1583[%gather3A_1585] in [0] : vector<16xf32>, vector<16xi32> -> vector<16xf32>
      %max3A_1587 = arith.maximumf %select_n3A_1583, %gather3A_1586 : vector<16xf32>
      %select_n3A_1588 = arith.select %eq3A_1506, %max3A_1587, %select_n3A_1583 : vector<16xi1>, vector<16xf32>
      %broadcast_in_dim3A_1589 = vector.shape_cast %max3A_91 : vector<16xi32> to vector<16x1xi32>
      %gather3A_1590 = vector.shape_cast %broadcast_in_dim3A_1589 : vector<16x1xi32> to vector<16xi32>
      %gather3A_1591 = tpu.dynamic_gather %select_n3A_1588[%gather3A_1590] in [0] : vector<16xf32>, vector<16xi32> -> vector<16xf32>
      %max3A_1592 = arith.maximumf %select_n3A_1588, %gather3A_1591 : vector<16xf32>
      %select_n3A_1593 = arith.select %eq3A_1510, %max3A_1592, %select_n3A_1588 : vector<16xi1>, vector<16xf32>
      %broadcast_in_dim3A_1594 = vector.shape_cast %max3A_97 : vector<16xi32> to vector<16x1xi32>
      %gather3A_1595 = vector.shape_cast %broadcast_in_dim3A_1594 : vector<16x1xi32> to vector<16xi32>
      %gather3A_1596 = tpu.dynamic_gather %select_n3A_1593[%gather3A_1595] in [0] : vector<16xf32>, vector<16xi32> -> vector<16xf32>
      %max3A_1597 = arith.maximumf %select_n3A_1593, %gather3A_1596 : vector<16xf32>
      %select_n3A_1598 = arith.select %eq3A_1514, %max3A_1597, %select_n3A_1593 : vector<16xi1>, vector<16xf32>
      %add3A_1599 = arith.constant 272 : i32
      %add3A_1600 = vector.broadcast %add3A_1599 : i32 to vector<16xi32>
      %add3A_1601 = arith.addi %get3A_1498, %add3A_1600 : vector<16xi32>
      %gather3A_1602 = tpu.vector_load_idx %arg7[%add3A_1601] masked %or3A_1522 : memref<544xf32, #tpu.memory_space<vmem>>[vector<16xi32>], vector<16xf32>, vector<16xi1>
      %max3A_1603 = arith.maximumf %select_n3A_1598, %gather3A_1602 : vector<16xf32>
      tpu.vector_store_idx %arg7[%add3A_1601], %max3A_1603 masked %or3A_1522 : memref<544xf32, #tpu.memory_space<vmem>>[vector<16xi32>], vector<16xf32>, vector<16xi1>
      %get3A_1604 = arith.constant 1120 : index
      %get3A_1605 = tpu.vector_load %arg5[%get3A_1604] {strides = array<i32>} : memref<1280xf32, #tpu.memory_space<vmem>>, vector<16xf32>,
      %broadcast_in_dim3A_1606 = vector.shape_cast %max3A_79 : vector<16xi32> to vector<16x1xi32>
      %gather3A_1607 = vector.shape_cast %broadcast_in_dim3A_1606 : vector<16x1xi32> to vector<16xi32>
      %gather3A_1608 = tpu.dynamic_gather %get3A_1605[%gather3A_1607] in [0] : vector<16xf32>, vector<16xi32> -> vector<16xf32>
      %max3A_1609 = arith.maximumf %get3A_1605, %gather3A_1608 : vector<16xf32>
      %select_n3A_1610 = arith.select %eq3A_1502, %max3A_1609, %get3A_1605 : vector<16xi1>, vector<16xf32>
      %broadcast_in_dim3A_1611 = vector.shape_cast %max3A_85 : vector<16xi32> to vector<16x1xi32>
      %gather3A_1612 = vector.shape_cast %broadcast_in_dim3A_1611 : vector<16x1xi32> to vector<16xi32>
      %gather3A_1613 = tpu.dynamic_gather %select_n3A_1610[%gather3A_1612] in [0] : vector<16xf32>, vector<16xi32> -> vector<16xf32>
      %max3A_1614 = arith.maximumf %select_n3A_1610, %gather3A_1613 : vector<16xf32>
      %select_n3A_1615 = arith.select %eq3A_1506, %max3A_1614, %select_n3A_1610 : vector<16xi1>, vector<16xf32>
      %broadcast_in_dim3A_1616 = vector.shape_cast %max3A_91 : vector<16xi32> to vector<16x1xi32>
      %gather3A_1617 = vector.shape_cast %broadcast_in_dim3A_1616 : vector<16x1xi32> to vector<16xi32>
      %gather3A_1618 = tpu.dynamic_gather %select_n3A_1615[%gather3A_1617] in [0] : vector<16xf32>, vector<16xi32> -> vector<16xf32>
      %max3A_1619 = arith.maximumf %select_n3A_1615, %gather3A_1618 : vector<16xf32>
      %select_n3A_1620 = arith.select %eq3A_1510, %max3A_1619, %select_n3A_1615 : vector<16xi1>, vector<16xf32>
      %broadcast_in_dim3A_1621 = vector.shape_cast %max3A_97 : vector<16xi32> to vector<16x1xi32>
      %gather3A_1622 = vector.shape_cast %broadcast_in_dim3A_1621 : vector<16x1xi32> to vector<16xi32>
      %gather3A_1623 = tpu.dynamic_gather %select_n3A_1620[%gather3A_1622] in [0] : vector<16xf32>, vector<16xi32> -> vector<16xf32>
      %max3A_1624 = arith.maximumf %select_n3A_1620, %gather3A_1623 : vector<16xf32>
      %select_n3A_1625 = arith.select %eq3A_1514, %max3A_1624, %select_n3A_1620 : vector<16xi1>, vector<16xf32>
      %add3A_1626 = arith.constant 408 : i32
      %add3A_1627 = vector.broadcast %add3A_1626 : i32 to vector<16xi32>
      %add3A_1628 = arith.addi %get3A_1498, %add3A_1627 : vector<16xi32>
      %gather3A_1629 = tpu.vector_load_idx %arg7[%add3A_1628] masked %or3A_1522 : memref<544xf32, #tpu.memory_space<vmem>>[vector<16xi32>], vector<16xf32>, vector<16xi1>
      %max3A_1630 = arith.maximumf %select_n3A_1625, %gather3A_1629 : vector<16xf32>
      tpu.vector_store_idx %arg7[%add3A_1628], %max3A_1630 masked %or3A_1522 : memref<544xf32, #tpu.memory_space<vmem>>[vector<16xi32>], vector<16xf32>, vector<16xi1>
      %get3A_1631 = arith.constant 176 : index
      %get3A_1632 = tpu.vector_load %arg6[%get3A_1631] {strides = array<i32>} : memref<320xi32, #tpu.memory_space<vmem>>, vector<16xi32>,
      %broadcast_in_dim3A_1633 = vector.shape_cast %max3A_79 : vector<16xi32> to vector<16x1xi32>
      %gather3A_1634 = vector.shape_cast %broadcast_in_dim3A_1633 : vector<16x1xi32> to vector<16xi32>
      %gather3A_1635 = tpu.dynamic_gather %get3A_1632[%gather3A_1634] in [0] : vector<16xi32>, vector<16xi32> -> vector<16xi32>
      %eq3A_1636 = arith.cmpi eq, %get3A_1632, %gather3A_1635 : vector<16xi32>
      %broadcast_in_dim3A_1637 = vector.shape_cast %max3A_85 : vector<16xi32> to vector<16x1xi32>
      %gather3A_1638 = vector.shape_cast %broadcast_in_dim3A_1637 : vector<16x1xi32> to vector<16xi32>
      %gather3A_1639 = tpu.dynamic_gather %get3A_1632[%gather3A_1638] in [0] : vector<16xi32>, vector<16xi32> -> vector<16xi32>
      %eq3A_1640 = arith.cmpi eq, %get3A_1632, %gather3A_1639 : vector<16xi32>
      %broadcast_in_dim3A_1641 = vector.shape_cast %max3A_91 : vector<16xi32> to vector<16x1xi32>
      %gather3A_1642 = vector.shape_cast %broadcast_in_dim3A_1641 : vector<16x1xi32> to vector<16xi32>
      %gather3A_1643 = tpu.dynamic_gather %get3A_1632[%gather3A_1642] in [0] : vector<16xi32>, vector<16xi32> -> vector<16xi32>
      %eq3A_1644 = arith.cmpi eq, %get3A_1632, %gather3A_1643 : vector<16xi32>
      %broadcast_in_dim3A_1645 = vector.shape_cast %max3A_97 : vector<16xi32> to vector<16x1xi32>
      %gather3A_1646 = vector.shape_cast %broadcast_in_dim3A_1645 : vector<16x1xi32> to vector<16xi32>
      %gather3A_1647 = tpu.dynamic_gather %get3A_1632[%gather3A_1646] in [0] : vector<16xi32>, vector<16xi32> -> vector<16xi32>
      %eq3A_1648 = arith.cmpi eq, %get3A_1632, %gather3A_1647 : vector<16xi32>
      %broadcast_in_dim3A_1649 = vector.shape_cast %min3A_75 : vector<16xi32> to vector<16x1xi32>
      %gather3A_1650 = vector.shape_cast %broadcast_in_dim3A_1649 : vector<16x1xi32> to vector<16xi32>
      %gather3A_1651 = tpu.dynamic_gather %get3A_1632[%gather3A_1650] in [0] : vector<16xi32>, vector<16xi32> -> vector<16xi32>
      %ne3A_1652 = arith.cmpi ne, %get3A_1632, %gather3A_1651 : vector<16xi32>
      %eq3A_1653 = arith.constant 15 : i32
      %eq3A_1654 = vector.broadcast %eq3A_1653 : i32 to vector<16xi32>
      %eq3A_1655 = arith.cmpi eq, %iota3A, %eq3A_1654 : vector<16xi32>
      %or3A_1656 = arith.ori %ne3A_1652, %eq3A_1655 : vector<16xi1>
      %get3A_1657 = arith.constant 176 : index
      %get3A_1658 = tpu.vector_load %arg5[%get3A_1657] {strides = array<i32>} : memref<1280xf32, #tpu.memory_space<vmem>>, vector<16xf32>,
      %broadcast_in_dim3A_1659 = vector.shape_cast %max3A_79 : vector<16xi32> to vector<16x1xi32>
      %gather3A_1660 = vector.shape_cast %broadcast_in_dim3A_1659 : vector<16x1xi32> to vector<16xi32>
      %gather3A_1661 = tpu.dynamic_gather %get3A_1658[%gather3A_1660] in [0] : vector<16xf32>, vector<16xi32> -> vector<16xf32>
      %max3A_1662 = arith.maximumf %get3A_1658, %gather3A_1661 : vector<16xf32>
      %select_n3A_1663 = arith.select %eq3A_1636, %max3A_1662, %get3A_1658 : vector<16xi1>, vector<16xf32>
      %broadcast_in_dim3A_1664 = vector.shape_cast %max3A_85 : vector<16xi32> to vector<16x1xi32>
      %gather3A_1665 = vector.shape_cast %broadcast_in_dim3A_1664 : vector<16x1xi32> to vector<16xi32>
      %gather3A_1666 = tpu.dynamic_gather %select_n3A_1663[%gather3A_1665] in [0] : vector<16xf32>, vector<16xi32> -> vector<16xf32>
      %max3A_1667 = arith.maximumf %select_n3A_1663, %gather3A_1666 : vector<16xf32>
      %select_n3A_1668 = arith.select %eq3A_1640, %max3A_1667, %select_n3A_1663 : vector<16xi1>, vector<16xf32>
      %broadcast_in_dim3A_1669 = vector.shape_cast %max3A_91 : vector<16xi32> to vector<16x1xi32>
      %gather3A_1670 = vector.shape_cast %broadcast_in_dim3A_1669 : vector<16x1xi32> to vector<16xi32>
      %gather3A_1671 = tpu.dynamic_gather %select_n3A_1668[%gather3A_1670] in [0] : vector<16xf32>, vector<16xi32> -> vector<16xf32>
      %max3A_1672 = arith.maximumf %select_n3A_1668, %gather3A_1671 : vector<16xf32>
      %select_n3A_1673 = arith.select %eq3A_1644, %max3A_1672, %select_n3A_1668 : vector<16xi1>, vector<16xf32>
      %broadcast_in_dim3A_1674 = vector.shape_cast %max3A_97 : vector<16xi32> to vector<16x1xi32>
      %gather3A_1675 = vector.shape_cast %broadcast_in_dim3A_1674 : vector<16x1xi32> to vector<16xi32>
      %gather3A_1676 = tpu.dynamic_gather %select_n3A_1673[%gather3A_1675] in [0] : vector<16xf32>, vector<16xi32> -> vector<16xf32>
      %max3A_1677 = arith.maximumf %select_n3A_1673, %gather3A_1676 : vector<16xf32>
      %select_n3A_1678 = arith.select %eq3A_1648, %max3A_1677, %select_n3A_1673 : vector<16xi1>, vector<16xf32>
      %add3A_1679 = arith.constant 0 : i32
      %add3A_1680 = vector.broadcast %add3A_1679 : i32 to vector<16xi32>
      %add3A_1681 = arith.addi %get3A_1632, %add3A_1680 : vector<16xi32>
      %gather3A_1682 = tpu.vector_load_idx %arg7[%add3A_1681] masked %or3A_1656 : memref<544xf32, #tpu.memory_space<vmem>>[vector<16xi32>], vector<16xf32>, vector<16xi1>
      %max3A_1683 = arith.maximumf %select_n3A_1678, %gather3A_1682 : vector<16xf32>
      tpu.vector_store_idx %arg7[%add3A_1681], %max3A_1683 masked %or3A_1656 : memref<544xf32, #tpu.memory_space<vmem>>[vector<16xi32>], vector<16xf32>, vector<16xi1>
      %get3A_1684 = arith.constant 496 : index
      %get3A_1685 = tpu.vector_load %arg5[%get3A_1684] {strides = array<i32>} : memref<1280xf32, #tpu.memory_space<vmem>>, vector<16xf32>,
      %broadcast_in_dim3A_1686 = vector.shape_cast %max3A_79 : vector<16xi32> to vector<16x1xi32>
      %gather3A_1687 = vector.shape_cast %broadcast_in_dim3A_1686 : vector<16x1xi32> to vector<16xi32>
      %gather3A_1688 = tpu.dynamic_gather %get3A_1685[%gather3A_1687] in [0] : vector<16xf32>, vector<16xi32> -> vector<16xf32>
      %max3A_1689 = arith.maximumf %get3A_1685, %gather3A_1688 : vector<16xf32>
      %select_n3A_1690 = arith.select %eq3A_1636, %max3A_1689, %get3A_1685 : vector<16xi1>, vector<16xf32>
      %broadcast_in_dim3A_1691 = vector.shape_cast %max3A_85 : vector<16xi32> to vector<16x1xi32>
      %gather3A_1692 = vector.shape_cast %broadcast_in_dim3A_1691 : vector<16x1xi32> to vector<16xi32>
      %gather3A_1693 = tpu.dynamic_gather %select_n3A_1690[%gather3A_1692] in [0] : vector<16xf32>, vector<16xi32> -> vector<16xf32>
      %max3A_1694 = arith.maximumf %select_n3A_1690, %gather3A_1693 : vector<16xf32>
      %select_n3A_1695 = arith.select %eq3A_1640, %max3A_1694, %select_n3A_1690 : vector<16xi1>, vector<16xf32>
      %broadcast_in_dim3A_1696 = vector.shape_cast %max3A_91 : vector<16xi32> to vector<16x1xi32>
      %gather3A_1697 = vector.shape_cast %broadcast_in_dim3A_1696 : vector<16x1xi32> to vector<16xi32>
      %gather3A_1698 = tpu.dynamic_gather %select_n3A_1695[%gather3A_1697] in [0] : vector<16xf32>, vector<16xi32> -> vector<16xf32>
      %max3A_1699 = arith.maximumf %select_n3A_1695, %gather3A_1698 : vector<16xf32>
      %select_n3A_1700 = arith.select %eq3A_1644, %max3A_1699, %select_n3A_1695 : vector<16xi1>, vector<16xf32>
      %broadcast_in_dim3A_1701 = vector.shape_cast %max3A_97 : vector<16xi32> to vector<16x1xi32>
      %gather3A_1702 = vector.shape_cast %broadcast_in_dim3A_1701 : vector<16x1xi32> to vector<16xi32>
      %gather3A_1703 = tpu.dynamic_gather %select_n3A_1700[%gather3A_1702] in [0] : vector<16xf32>, vector<16xi32> -> vector<16xf32>
      %max3A_1704 = arith.maximumf %select_n3A_1700, %gather3A_1703 : vector<16xf32>
      %select_n3A_1705 = arith.select %eq3A_1648, %max3A_1704, %select_n3A_1700 : vector<16xi1>, vector<16xf32>
      %add3A_1706 = arith.constant 136 : i32
      %add3A_1707 = vector.broadcast %add3A_1706 : i32 to vector<16xi32>
      %add3A_1708 = arith.addi %get3A_1632, %add3A_1707 : vector<16xi32>
      %gather3A_1709 = tpu.vector_load_idx %arg7[%add3A_1708] masked %or3A_1656 : memref<544xf32, #tpu.memory_space<vmem>>[vector<16xi32>], vector<16xf32>, vector<16xi1>
      %max3A_1710 = arith.maximumf %select_n3A_1705, %gather3A_1709 : vector<16xf32>
      tpu.vector_store_idx %arg7[%add3A_1708], %max3A_1710 masked %or3A_1656 : memref<544xf32, #tpu.memory_space<vmem>>[vector<16xi32>], vector<16xf32>, vector<16xi1>
      %get3A_1711 = arith.constant 816 : index
      %get3A_1712 = tpu.vector_load %arg5[%get3A_1711] {strides = array<i32>} : memref<1280xf32, #tpu.memory_space<vmem>>, vector<16xf32>,
      %broadcast_in_dim3A_1713 = vector.shape_cast %max3A_79 : vector<16xi32> to vector<16x1xi32>
      %gather3A_1714 = vector.shape_cast %broadcast_in_dim3A_1713 : vector<16x1xi32> to vector<16xi32>
      %gather3A_1715 = tpu.dynamic_gather %get3A_1712[%gather3A_1714] in [0] : vector<16xf32>, vector<16xi32> -> vector<16xf32>
      %max3A_1716 = arith.maximumf %get3A_1712, %gather3A_1715 : vector<16xf32>
      %select_n3A_1717 = arith.select %eq3A_1636, %max3A_1716, %get3A_1712 : vector<16xi1>, vector<16xf32>
      %broadcast_in_dim3A_1718 = vector.shape_cast %max3A_85 : vector<16xi32> to vector<16x1xi32>
      %gather3A_1719 = vector.shape_cast %broadcast_in_dim3A_1718 : vector<16x1xi32> to vector<16xi32>
      %gather3A_1720 = tpu.dynamic_gather %select_n3A_1717[%gather3A_1719] in [0] : vector<16xf32>, vector<16xi32> -> vector<16xf32>
      %max3A_1721 = arith.maximumf %select_n3A_1717, %gather3A_1720 : vector<16xf32>
      %select_n3A_1722 = arith.select %eq3A_1640, %max3A_1721, %select_n3A_1717 : vector<16xi1>, vector<16xf32>
      %broadcast_in_dim3A_1723 = vector.shape_cast %max3A_91 : vector<16xi32> to vector<16x1xi32>
      %gather3A_1724 = vector.shape_cast %broadcast_in_dim3A_1723 : vector<16x1xi32> to vector<16xi32>
      %gather3A_1725 = tpu.dynamic_gather %select_n3A_1722[%gather3A_1724] in [0] : vector<16xf32>, vector<16xi32> -> vector<16xf32>
      %max3A_1726 = arith.maximumf %select_n3A_1722, %gather3A_1725 : vector<16xf32>
      %select_n3A_1727 = arith.select %eq3A_1644, %max3A_1726, %select_n3A_1722 : vector<16xi1>, vector<16xf32>
      %broadcast_in_dim3A_1728 = vector.shape_cast %max3A_97 : vector<16xi32> to vector<16x1xi32>
      %gather3A_1729 = vector.shape_cast %broadcast_in_dim3A_1728 : vector<16x1xi32> to vector<16xi32>
      %gather3A_1730 = tpu.dynamic_gather %select_n3A_1727[%gather3A_1729] in [0] : vector<16xf32>, vector<16xi32> -> vector<16xf32>
      %max3A_1731 = arith.maximumf %select_n3A_1727, %gather3A_1730 : vector<16xf32>
      %select_n3A_1732 = arith.select %eq3A_1648, %max3A_1731, %select_n3A_1727 : vector<16xi1>, vector<16xf32>
      %add3A_1733 = arith.constant 272 : i32
      %add3A_1734 = vector.broadcast %add3A_1733 : i32 to vector<16xi32>
      %add3A_1735 = arith.addi %get3A_1632, %add3A_1734 : vector<16xi32>
      %gather3A_1736 = tpu.vector_load_idx %arg7[%add3A_1735] masked %or3A_1656 : memref<544xf32, #tpu.memory_space<vmem>>[vector<16xi32>], vector<16xf32>, vector<16xi1>
      %max3A_1737 = arith.maximumf %select_n3A_1732, %gather3A_1736 : vector<16xf32>
      tpu.vector_store_idx %arg7[%add3A_1735], %max3A_1737 masked %or3A_1656 : memref<544xf32, #tpu.memory_space<vmem>>[vector<16xi32>], vector<16xf32>, vector<16xi1>
      %get3A_1738 = arith.constant 1136 : index
      %get3A_1739 = tpu.vector_load %arg5[%get3A_1738] {strides = array<i32>} : memref<1280xf32, #tpu.memory_space<vmem>>, vector<16xf32>,
      %broadcast_in_dim3A_1740 = vector.shape_cast %max3A_79 : vector<16xi32> to vector<16x1xi32>
      %gather3A_1741 = vector.shape_cast %broadcast_in_dim3A_1740 : vector<16x1xi32> to vector<16xi32>
      %gather3A_1742 = tpu.dynamic_gather %get3A_1739[%gather3A_1741] in [0] : vector<16xf32>, vector<16xi32> -> vector<16xf32>
      %max3A_1743 = arith.maximumf %get3A_1739, %gather3A_1742 : vector<16xf32>
      %select_n3A_1744 = arith.select %eq3A_1636, %max3A_1743, %get3A_1739 : vector<16xi1>, vector<16xf32>
      %broadcast_in_dim3A_1745 = vector.shape_cast %max3A_85 : vector<16xi32> to vector<16x1xi32>
      %gather3A_1746 = vector.shape_cast %broadcast_in_dim3A_1745 : vector<16x1xi32> to vector<16xi32>
      %gather3A_1747 = tpu.dynamic_gather %select_n3A_1744[%gather3A_1746] in [0] : vector<16xf32>, vector<16xi32> -> vector<16xf32>
      %max3A_1748 = arith.maximumf %select_n3A_1744, %gather3A_1747 : vector<16xf32>
      %select_n3A_1749 = arith.select %eq3A_1640, %max3A_1748, %select_n3A_1744 : vector<16xi1>, vector<16xf32>
      %broadcast_in_dim3A_1750 = vector.shape_cast %max3A_91 : vector<16xi32> to vector<16x1xi32>
      %gather3A_1751 = vector.shape_cast %broadcast_in_dim3A_1750 : vector<16x1xi32> to vector<16xi32>
      %gather3A_1752 = tpu.dynamic_gather %select_n3A_1749[%gather3A_1751] in [0] : vector<16xf32>, vector<16xi32> -> vector<16xf32>
      %max3A_1753 = arith.maximumf %select_n3A_1749, %gather3A_1752 : vector<16xf32>
      %select_n3A_1754 = arith.select %eq3A_1644, %max3A_1753, %select_n3A_1749 : vector<16xi1>, vector<16xf32>
      %broadcast_in_dim3A_1755 = vector.shape_cast %max3A_97 : vector<16xi32> to vector<16x1xi32>
      %gather3A_1756 = vector.shape_cast %broadcast_in_dim3A_1755 : vector<16x1xi32> to vector<16xi32>
      %gather3A_1757 = tpu.dynamic_gather %select_n3A_1754[%gather3A_1756] in [0] : vector<16xf32>, vector<16xi32> -> vector<16xf32>
      %max3A_1758 = arith.maximumf %select_n3A_1754, %gather3A_1757 : vector<16xf32>
      %select_n3A_1759 = arith.select %eq3A_1648, %max3A_1758, %select_n3A_1754 : vector<16xi1>, vector<16xf32>
      %add3A_1760 = arith.constant 408 : i32
      %add3A_1761 = vector.broadcast %add3A_1760 : i32 to vector<16xi32>
      %add3A_1762 = arith.addi %get3A_1632, %add3A_1761 : vector<16xi32>
      %gather3A_1763 = tpu.vector_load_idx %arg7[%add3A_1762] masked %or3A_1656 : memref<544xf32, #tpu.memory_space<vmem>>[vector<16xi32>], vector<16xf32>, vector<16xi1>
      %max3A_1764 = arith.maximumf %select_n3A_1759, %gather3A_1763 : vector<16xf32>
      tpu.vector_store_idx %arg7[%add3A_1762], %max3A_1764 masked %or3A_1656 : memref<544xf32, #tpu.memory_space<vmem>>[vector<16xi32>], vector<16xf32>, vector<16xi1>
      %get3A_1765 = arith.constant 192 : index
      %get3A_1766 = tpu.vector_load %arg6[%get3A_1765] {strides = array<i32>} : memref<320xi32, #tpu.memory_space<vmem>>, vector<16xi32>,
      %broadcast_in_dim3A_1767 = vector.shape_cast %max3A_79 : vector<16xi32> to vector<16x1xi32>
      %gather3A_1768 = vector.shape_cast %broadcast_in_dim3A_1767 : vector<16x1xi32> to vector<16xi32>
      %gather3A_1769 = tpu.dynamic_gather %get3A_1766[%gather3A_1768] in [0] : vector<16xi32>, vector<16xi32> -> vector<16xi32>
      %eq3A_1770 = arith.cmpi eq, %get3A_1766, %gather3A_1769 : vector<16xi32>
      %broadcast_in_dim3A_1771 = vector.shape_cast %max3A_85 : vector<16xi32> to vector<16x1xi32>
      %gather3A_1772 = vector.shape_cast %broadcast_in_dim3A_1771 : vector<16x1xi32> to vector<16xi32>
      %gather3A_1773 = tpu.dynamic_gather %get3A_1766[%gather3A_1772] in [0] : vector<16xi32>, vector<16xi32> -> vector<16xi32>
      %eq3A_1774 = arith.cmpi eq, %get3A_1766, %gather3A_1773 : vector<16xi32>
      %broadcast_in_dim3A_1775 = vector.shape_cast %max3A_91 : vector<16xi32> to vector<16x1xi32>
      %gather3A_1776 = vector.shape_cast %broadcast_in_dim3A_1775 : vector<16x1xi32> to vector<16xi32>
      %gather3A_1777 = tpu.dynamic_gather %get3A_1766[%gather3A_1776] in [0] : vector<16xi32>, vector<16xi32> -> vector<16xi32>
      %eq3A_1778 = arith.cmpi eq, %get3A_1766, %gather3A_1777 : vector<16xi32>
      %broadcast_in_dim3A_1779 = vector.shape_cast %max3A_97 : vector<16xi32> to vector<16x1xi32>
      %gather3A_1780 = vector.shape_cast %broadcast_in_dim3A_1779 : vector<16x1xi32> to vector<16xi32>
      %gather3A_1781 = tpu.dynamic_gather %get3A_1766[%gather3A_1780] in [0] : vector<16xi32>, vector<16xi32> -> vector<16xi32>
      %eq3A_1782 = arith.cmpi eq, %get3A_1766, %gather3A_1781 : vector<16xi32>
      %broadcast_in_dim3A_1783 = vector.shape_cast %min3A_75 : vector<16xi32> to vector<16x1xi32>
      %gather3A_1784 = vector.shape_cast %broadcast_in_dim3A_1783 : vector<16x1xi32> to vector<16xi32>
      %gather3A_1785 = tpu.dynamic_gather %get3A_1766[%gather3A_1784] in [0] : vector<16xi32>, vector<16xi32> -> vector<16xi32>
      %ne3A_1786 = arith.cmpi ne, %get3A_1766, %gather3A_1785 : vector<16xi32>
      %eq3A_1787 = arith.constant 15 : i32
      %eq3A_1788 = vector.broadcast %eq3A_1787 : i32 to vector<16xi32>
      %eq3A_1789 = arith.cmpi eq, %iota3A, %eq3A_1788 : vector<16xi32>
      %or3A_1790 = arith.ori %ne3A_1786, %eq3A_1789 : vector<16xi1>
      %get3A_1791 = arith.constant 192 : index
      %get3A_1792 = tpu.vector_load %arg5[%get3A_1791] {strides = array<i32>} : memref<1280xf32, #tpu.memory_space<vmem>>, vector<16xf32>,
      %broadcast_in_dim3A_1793 = vector.shape_cast %max3A_79 : vector<16xi32> to vector<16x1xi32>
      %gather3A_1794 = vector.shape_cast %broadcast_in_dim3A_1793 : vector<16x1xi32> to vector<16xi32>
      %gather3A_1795 = tpu.dynamic_gather %get3A_1792[%gather3A_1794] in [0] : vector<16xf32>, vector<16xi32> -> vector<16xf32>
      %max3A_1796 = arith.maximumf %get3A_1792, %gather3A_1795 : vector<16xf32>
      %select_n3A_1797 = arith.select %eq3A_1770, %max3A_1796, %get3A_1792 : vector<16xi1>, vector<16xf32>
      %broadcast_in_dim3A_1798 = vector.shape_cast %max3A_85 : vector<16xi32> to vector<16x1xi32>
      %gather3A_1799 = vector.shape_cast %broadcast_in_dim3A_1798 : vector<16x1xi32> to vector<16xi32>
      %gather3A_1800 = tpu.dynamic_gather %select_n3A_1797[%gather3A_1799] in [0] : vector<16xf32>, vector<16xi32> -> vector<16xf32>
      %max3A_1801 = arith.maximumf %select_n3A_1797, %gather3A_1800 : vector<16xf32>
      %select_n3A_1802 = arith.select %eq3A_1774, %max3A_1801, %select_n3A_1797 : vector<16xi1>, vector<16xf32>
      %broadcast_in_dim3A_1803 = vector.shape_cast %max3A_91 : vector<16xi32> to vector<16x1xi32>
      %gather3A_1804 = vector.shape_cast %broadcast_in_dim3A_1803 : vector<16x1xi32> to vector<16xi32>
      %gather3A_1805 = tpu.dynamic_gather %select_n3A_1802[%gather3A_1804] in [0] : vector<16xf32>, vector<16xi32> -> vector<16xf32>
      %max3A_1806 = arith.maximumf %select_n3A_1802, %gather3A_1805 : vector<16xf32>
      %select_n3A_1807 = arith.select %eq3A_1778, %max3A_1806, %select_n3A_1802 : vector<16xi1>, vector<16xf32>
      %broadcast_in_dim3A_1808 = vector.shape_cast %max3A_97 : vector<16xi32> to vector<16x1xi32>
      %gather3A_1809 = vector.shape_cast %broadcast_in_dim3A_1808 : vector<16x1xi32> to vector<16xi32>
      %gather3A_1810 = tpu.dynamic_gather %select_n3A_1807[%gather3A_1809] in [0] : vector<16xf32>, vector<16xi32> -> vector<16xf32>
      %max3A_1811 = arith.maximumf %select_n3A_1807, %gather3A_1810 : vector<16xf32>
      %select_n3A_1812 = arith.select %eq3A_1782, %max3A_1811, %select_n3A_1807 : vector<16xi1>, vector<16xf32>
      %add3A_1813 = arith.constant 0 : i32
      %add3A_1814 = vector.broadcast %add3A_1813 : i32 to vector<16xi32>
      %add3A_1815 = arith.addi %get3A_1766, %add3A_1814 : vector<16xi32>
      %gather3A_1816 = tpu.vector_load_idx %arg7[%add3A_1815] masked %or3A_1790 : memref<544xf32, #tpu.memory_space<vmem>>[vector<16xi32>], vector<16xf32>, vector<16xi1>
      %max3A_1817 = arith.maximumf %select_n3A_1812, %gather3A_1816 : vector<16xf32>
      tpu.vector_store_idx %arg7[%add3A_1815], %max3A_1817 masked %or3A_1790 : memref<544xf32, #tpu.memory_space<vmem>>[vector<16xi32>], vector<16xf32>, vector<16xi1>
      %get3A_1818 = arith.constant 512 : index
      %get3A_1819 = tpu.vector_load %arg5[%get3A_1818] {strides = array<i32>} : memref<1280xf32, #tpu.memory_space<vmem>>, vector<16xf32>,
      %broadcast_in_dim3A_1820 = vector.shape_cast %max3A_79 : vector<16xi32> to vector<16x1xi32>
      %gather3A_1821 = vector.shape_cast %broadcast_in_dim3A_1820 : vector<16x1xi32> to vector<16xi32>
      %gather3A_1822 = tpu.dynamic_gather %get3A_1819[%gather3A_1821] in [0] : vector<16xf32>, vector<16xi32> -> vector<16xf32>
      %max3A_1823 = arith.maximumf %get3A_1819, %gather3A_1822 : vector<16xf32>
      %select_n3A_1824 = arith.select %eq3A_1770, %max3A_1823, %get3A_1819 : vector<16xi1>, vector<16xf32>
      %broadcast_in_dim3A_1825 = vector.shape_cast %max3A_85 : vector<16xi32> to vector<16x1xi32>
      %gather3A_1826 = vector.shape_cast %broadcast_in_dim3A_1825 : vector<16x1xi32> to vector<16xi32>
      %gather3A_1827 = tpu.dynamic_gather %select_n3A_1824[%gather3A_1826] in [0] : vector<16xf32>, vector<16xi32> -> vector<16xf32>
      %max3A_1828 = arith.maximumf %select_n3A_1824, %gather3A_1827 : vector<16xf32>
      %select_n3A_1829 = arith.select %eq3A_1774, %max3A_1828, %select_n3A_1824 : vector<16xi1>, vector<16xf32>
      %broadcast_in_dim3A_1830 = vector.shape_cast %max3A_91 : vector<16xi32> to vector<16x1xi32>
      %gather3A_1831 = vector.shape_cast %broadcast_in_dim3A_1830 : vector<16x1xi32> to vector<16xi32>
      %gather3A_1832 = tpu.dynamic_gather %select_n3A_1829[%gather3A_1831] in [0] : vector<16xf32>, vector<16xi32> -> vector<16xf32>
      %max3A_1833 = arith.maximumf %select_n3A_1829, %gather3A_1832 : vector<16xf32>
      %select_n3A_1834 = arith.select %eq3A_1778, %max3A_1833, %select_n3A_1829 : vector<16xi1>, vector<16xf32>
      %broadcast_in_dim3A_1835 = vector.shape_cast %max3A_97 : vector<16xi32> to vector<16x1xi32>
      %gather3A_1836 = vector.shape_cast %broadcast_in_dim3A_1835 : vector<16x1xi32> to vector<16xi32>
      %gather3A_1837 = tpu.dynamic_gather %select_n3A_1834[%gather3A_1836] in [0] : vector<16xf32>, vector<16xi32> -> vector<16xf32>
      %max3A_1838 = arith.maximumf %select_n3A_1834, %gather3A_1837 : vector<16xf32>
      %select_n3A_1839 = arith.select %eq3A_1782, %max3A_1838, %select_n3A_1834 : vector<16xi1>, vector<16xf32>
      %add3A_1840 = arith.constant 136 : i32
      %add3A_1841 = vector.broadcast %add3A_1840 : i32 to vector<16xi32>
      %add3A_1842 = arith.addi %get3A_1766, %add3A_1841 : vector<16xi32>
      %gather3A_1843 = tpu.vector_load_idx %arg7[%add3A_1842] masked %or3A_1790 : memref<544xf32, #tpu.memory_space<vmem>>[vector<16xi32>], vector<16xf32>, vector<16xi1>
      %max3A_1844 = arith.maximumf %select_n3A_1839, %gather3A_1843 : vector<16xf32>
      tpu.vector_store_idx %arg7[%add3A_1842], %max3A_1844 masked %or3A_1790 : memref<544xf32, #tpu.memory_space<vmem>>[vector<16xi32>], vector<16xf32>, vector<16xi1>
      %get3A_1845 = arith.constant 832 : index
      %get3A_1846 = tpu.vector_load %arg5[%get3A_1845] {strides = array<i32>} : memref<1280xf32, #tpu.memory_space<vmem>>, vector<16xf32>,
      %broadcast_in_dim3A_1847 = vector.shape_cast %max3A_79 : vector<16xi32> to vector<16x1xi32>
      %gather3A_1848 = vector.shape_cast %broadcast_in_dim3A_1847 : vector<16x1xi32> to vector<16xi32>
      %gather3A_1849 = tpu.dynamic_gather %get3A_1846[%gather3A_1848] in [0] : vector<16xf32>, vector<16xi32> -> vector<16xf32>
      %max3A_1850 = arith.maximumf %get3A_1846, %gather3A_1849 : vector<16xf32>
      %select_n3A_1851 = arith.select %eq3A_1770, %max3A_1850, %get3A_1846 : vector<16xi1>, vector<16xf32>
      %broadcast_in_dim3A_1852 = vector.shape_cast %max3A_85 : vector<16xi32> to vector<16x1xi32>
      %gather3A_1853 = vector.shape_cast %broadcast_in_dim3A_1852 : vector<16x1xi32> to vector<16xi32>
      %gather3A_1854 = tpu.dynamic_gather %select_n3A_1851[%gather3A_1853] in [0] : vector<16xf32>, vector<16xi32> -> vector<16xf32>
      %max3A_1855 = arith.maximumf %select_n3A_1851, %gather3A_1854 : vector<16xf32>
      %select_n3A_1856 = arith.select %eq3A_1774, %max3A_1855, %select_n3A_1851 : vector<16xi1>, vector<16xf32>
      %broadcast_in_dim3A_1857 = vector.shape_cast %max3A_91 : vector<16xi32> to vector<16x1xi32>
      %gather3A_1858 = vector.shape_cast %broadcast_in_dim3A_1857 : vector<16x1xi32> to vector<16xi32>
      %gather3A_1859 = tpu.dynamic_gather %select_n3A_1856[%gather3A_1858] in [0] : vector<16xf32>, vector<16xi32> -> vector<16xf32>
      %max3A_1860 = arith.maximumf %select_n3A_1856, %gather3A_1859 : vector<16xf32>
      %select_n3A_1861 = arith.select %eq3A_1778, %max3A_1860, %select_n3A_1856 : vector<16xi1>, vector<16xf32>
      %broadcast_in_dim3A_1862 = vector.shape_cast %max3A_97 : vector<16xi32> to vector<16x1xi32>
      %gather3A_1863 = vector.shape_cast %broadcast_in_dim3A_1862 : vector<16x1xi32> to vector<16xi32>
      %gather3A_1864 = tpu.dynamic_gather %select_n3A_1861[%gather3A_1863] in [0] : vector<16xf32>, vector<16xi32> -> vector<16xf32>
      %max3A_1865 = arith.maximumf %select_n3A_1861, %gather3A_1864 : vector<16xf32>
      %select_n3A_1866 = arith.select %eq3A_1782, %max3A_1865, %select_n3A_1861 : vector<16xi1>, vector<16xf32>
      %add3A_1867 = arith.constant 272 : i32
      %add3A_1868 = vector.broadcast %add3A_1867 : i32 to vector<16xi32>
      %add3A_1869 = arith.addi %get3A_1766, %add3A_1868 : vector<16xi32>
      %gather3A_1870 = tpu.vector_load_idx %arg7[%add3A_1869] masked %or3A_1790 : memref<544xf32, #tpu.memory_space<vmem>>[vector<16xi32>], vector<16xf32>, vector<16xi1>
      %max3A_1871 = arith.maximumf %select_n3A_1866, %gather3A_1870 : vector<16xf32>
      tpu.vector_store_idx %arg7[%add3A_1869], %max3A_1871 masked %or3A_1790 : memref<544xf32, #tpu.memory_space<vmem>>[vector<16xi32>], vector<16xf32>, vector<16xi1>
      %get3A_1872 = arith.constant 1152 : index
      %get3A_1873 = tpu.vector_load %arg5[%get3A_1872] {strides = array<i32>} : memref<1280xf32, #tpu.memory_space<vmem>>, vector<16xf32>,
      %broadcast_in_dim3A_1874 = vector.shape_cast %max3A_79 : vector<16xi32> to vector<16x1xi32>
      %gather3A_1875 = vector.shape_cast %broadcast_in_dim3A_1874 : vector<16x1xi32> to vector<16xi32>
      %gather3A_1876 = tpu.dynamic_gather %get3A_1873[%gather3A_1875] in [0] : vector<16xf32>, vector<16xi32> -> vector<16xf32>
      %max3A_1877 = arith.maximumf %get3A_1873, %gather3A_1876 : vector<16xf32>
      %select_n3A_1878 = arith.select %eq3A_1770, %max3A_1877, %get3A_1873 : vector<16xi1>, vector<16xf32>
      %broadcast_in_dim3A_1879 = vector.shape_cast %max3A_85 : vector<16xi32> to vector<16x1xi32>
      %gather3A_1880 = vector.shape_cast %broadcast_in_dim3A_1879 : vector<16x1xi32> to vector<16xi32>
      %gather3A_1881 = tpu.dynamic_gather %select_n3A_1878[%gather3A_1880] in [0] : vector<16xf32>, vector<16xi32> -> vector<16xf32>
      %max3A_1882 = arith.maximumf %select_n3A_1878, %gather3A_1881 : vector<16xf32>
      %select_n3A_1883 = arith.select %eq3A_1774, %max3A_1882, %select_n3A_1878 : vector<16xi1>, vector<16xf32>
      %broadcast_in_dim3A_1884 = vector.shape_cast %max3A_91 : vector<16xi32> to vector<16x1xi32>
      %gather3A_1885 = vector.shape_cast %broadcast_in_dim3A_1884 : vector<16x1xi32> to vector<16xi32>
      %gather3A_1886 = tpu.dynamic_gather %select_n3A_1883[%gather3A_1885] in [0] : vector<16xf32>, vector<16xi32> -> vector<16xf32>
      %max3A_1887 = arith.maximumf %select_n3A_1883, %gather3A_1886 : vector<16xf32>
      %select_n3A_1888 = arith.select %eq3A_1778, %max3A_1887, %select_n3A_1883 : vector<16xi1>, vector<16xf32>
      %broadcast_in_dim3A_1889 = vector.shape_cast %max3A_97 : vector<16xi32> to vector<16x1xi32>
      %gather3A_1890 = vector.shape_cast %broadcast_in_dim3A_1889 : vector<16x1xi32> to vector<16xi32>
      %gather3A_1891 = tpu.dynamic_gather %select_n3A_1888[%gather3A_1890] in [0] : vector<16xf32>, vector<16xi32> -> vector<16xf32>
      %max3A_1892 = arith.maximumf %select_n3A_1888, %gather3A_1891 : vector<16xf32>
      %select_n3A_1893 = arith.select %eq3A_1782, %max3A_1892, %select_n3A_1888 : vector<16xi1>, vector<16xf32>
      %add3A_1894 = arith.constant 408 : i32
      %add3A_1895 = vector.broadcast %add3A_1894 : i32 to vector<16xi32>
      %add3A_1896 = arith.addi %get3A_1766, %add3A_1895 : vector<16xi32>
      %gather3A_1897 = tpu.vector_load_idx %arg7[%add3A_1896] masked %or3A_1790 : memref<544xf32, #tpu.memory_space<vmem>>[vector<16xi32>], vector<16xf32>, vector<16xi1>
      %max3A_1898 = arith.maximumf %select_n3A_1893, %gather3A_1897 : vector<16xf32>
      tpu.vector_store_idx %arg7[%add3A_1896], %max3A_1898 masked %or3A_1790 : memref<544xf32, #tpu.memory_space<vmem>>[vector<16xi32>], vector<16xf32>, vector<16xi1>
      %get3A_1899 = arith.constant 208 : index
      %get3A_1900 = tpu.vector_load %arg6[%get3A_1899] {strides = array<i32>} : memref<320xi32, #tpu.memory_space<vmem>>, vector<16xi32>,
      %broadcast_in_dim3A_1901 = vector.shape_cast %max3A_79 : vector<16xi32> to vector<16x1xi32>
      %gather3A_1902 = vector.shape_cast %broadcast_in_dim3A_1901 : vector<16x1xi32> to vector<16xi32>
      %gather3A_1903 = tpu.dynamic_gather %get3A_1900[%gather3A_1902] in [0] : vector<16xi32>, vector<16xi32> -> vector<16xi32>
      %eq3A_1904 = arith.cmpi eq, %get3A_1900, %gather3A_1903 : vector<16xi32>
      %broadcast_in_dim3A_1905 = vector.shape_cast %max3A_85 : vector<16xi32> to vector<16x1xi32>
      %gather3A_1906 = vector.shape_cast %broadcast_in_dim3A_1905 : vector<16x1xi32> to vector<16xi32>
      %gather3A_1907 = tpu.dynamic_gather %get3A_1900[%gather3A_1906] in [0] : vector<16xi32>, vector<16xi32> -> vector<16xi32>
      %eq3A_1908 = arith.cmpi eq, %get3A_1900, %gather3A_1907 : vector<16xi32>
      %broadcast_in_dim3A_1909 = vector.shape_cast %max3A_91 : vector<16xi32> to vector<16x1xi32>
      %gather3A_1910 = vector.shape_cast %broadcast_in_dim3A_1909 : vector<16x1xi32> to vector<16xi32>
      %gather3A_1911 = tpu.dynamic_gather %get3A_1900[%gather3A_1910] in [0] : vector<16xi32>, vector<16xi32> -> vector<16xi32>
      %eq3A_1912 = arith.cmpi eq, %get3A_1900, %gather3A_1911 : vector<16xi32>
      %broadcast_in_dim3A_1913 = vector.shape_cast %max3A_97 : vector<16xi32> to vector<16x1xi32>
      %gather3A_1914 = vector.shape_cast %broadcast_in_dim3A_1913 : vector<16x1xi32> to vector<16xi32>
      %gather3A_1915 = tpu.dynamic_gather %get3A_1900[%gather3A_1914] in [0] : vector<16xi32>, vector<16xi32> -> vector<16xi32>
      %eq3A_1916 = arith.cmpi eq, %get3A_1900, %gather3A_1915 : vector<16xi32>
      %broadcast_in_dim3A_1917 = vector.shape_cast %min3A_75 : vector<16xi32> to vector<16x1xi32>
      %gather3A_1918 = vector.shape_cast %broadcast_in_dim3A_1917 : vector<16x1xi32> to vector<16xi32>
      %gather3A_1919 = tpu.dynamic_gather %get3A_1900[%gather3A_1918] in [0] : vector<16xi32>, vector<16xi32> -> vector<16xi32>
      %ne3A_1920 = arith.cmpi ne, %get3A_1900, %gather3A_1919 : vector<16xi32>
      %eq3A_1921 = arith.constant 15 : i32
      %eq3A_1922 = vector.broadcast %eq3A_1921 : i32 to vector<16xi32>
      %eq3A_1923 = arith.cmpi eq, %iota3A, %eq3A_1922 : vector<16xi32>
      %or3A_1924 = arith.ori %ne3A_1920, %eq3A_1923 : vector<16xi1>
      %get3A_1925 = arith.constant 208 : index
      %get3A_1926 = tpu.vector_load %arg5[%get3A_1925] {strides = array<i32>} : memref<1280xf32, #tpu.memory_space<vmem>>, vector<16xf32>,
      %broadcast_in_dim3A_1927 = vector.shape_cast %max3A_79 : vector<16xi32> to vector<16x1xi32>
      %gather3A_1928 = vector.shape_cast %broadcast_in_dim3A_1927 : vector<16x1xi32> to vector<16xi32>
      %gather3A_1929 = tpu.dynamic_gather %get3A_1926[%gather3A_1928] in [0] : vector<16xf32>, vector<16xi32> -> vector<16xf32>
      %max3A_1930 = arith.maximumf %get3A_1926, %gather3A_1929 : vector<16xf32>
      %select_n3A_1931 = arith.select %eq3A_1904, %max3A_1930, %get3A_1926 : vector<16xi1>, vector<16xf32>
      %broadcast_in_dim3A_1932 = vector.shape_cast %max3A_85 : vector<16xi32> to vector<16x1xi32>
      %gather3A_1933 = vector.shape_cast %broadcast_in_dim3A_1932 : vector<16x1xi32> to vector<16xi32>
      %gather3A_1934 = tpu.dynamic_gather %select_n3A_1931[%gather3A_1933] in [0] : vector<16xf32>, vector<16xi32> -> vector<16xf32>
      %max3A_1935 = arith.maximumf %select_n3A_1931, %gather3A_1934 : vector<16xf32>
      %select_n3A_1936 = arith.select %eq3A_1908, %max3A_1935, %select_n3A_1931 : vector<16xi1>, vector<16xf32>
      %broadcast_in_dim3A_1937 = vector.shape_cast %max3A_91 : vector<16xi32> to vector<16x1xi32>
      %gather3A_1938 = vector.shape_cast %broadcast_in_dim3A_1937 : vector<16x1xi32> to vector<16xi32>
      %gather3A_1939 = tpu.dynamic_gather %select_n3A_1936[%gather3A_1938] in [0] : vector<16xf32>, vector<16xi32> -> vector<16xf32>
      %max3A_1940 = arith.maximumf %select_n3A_1936, %gather3A_1939 : vector<16xf32>
      %select_n3A_1941 = arith.select %eq3A_1912, %max3A_1940, %select_n3A_1936 : vector<16xi1>, vector<16xf32>
      %broadcast_in_dim3A_1942 = vector.shape_cast %max3A_97 : vector<16xi32> to vector<16x1xi32>
      %gather3A_1943 = vector.shape_cast %broadcast_in_dim3A_1942 : vector<16x1xi32> to vector<16xi32>
      %gather3A_1944 = tpu.dynamic_gather %select_n3A_1941[%gather3A_1943] in [0] : vector<16xf32>, vector<16xi32> -> vector<16xf32>
      %max3A_1945 = arith.maximumf %select_n3A_1941, %gather3A_1944 : vector<16xf32>
      %select_n3A_1946 = arith.select %eq3A_1916, %max3A_1945, %select_n3A_1941 : vector<16xi1>, vector<16xf32>
      %add3A_1947 = arith.constant 0 : i32
      %add3A_1948 = vector.broadcast %add3A_1947 : i32 to vector<16xi32>
      %add3A_1949 = arith.addi %get3A_1900, %add3A_1948 : vector<16xi32>
      %gather3A_1950 = tpu.vector_load_idx %arg7[%add3A_1949] masked %or3A_1924 : memref<544xf32, #tpu.memory_space<vmem>>[vector<16xi32>], vector<16xf32>, vector<16xi1>
      %max3A_1951 = arith.maximumf %select_n3A_1946, %gather3A_1950 : vector<16xf32>
      tpu.vector_store_idx %arg7[%add3A_1949], %max3A_1951 masked %or3A_1924 : memref<544xf32, #tpu.memory_space<vmem>>[vector<16xi32>], vector<16xf32>, vector<16xi1>
      %get3A_1952 = arith.constant 528 : index
      %get3A_1953 = tpu.vector_load %arg5[%get3A_1952] {strides = array<i32>} : memref<1280xf32, #tpu.memory_space<vmem>>, vector<16xf32>,
      %broadcast_in_dim3A_1954 = vector.shape_cast %max3A_79 : vector<16xi32> to vector<16x1xi32>
      %gather3A_1955 = vector.shape_cast %broadcast_in_dim3A_1954 : vector<16x1xi32> to vector<16xi32>
      %gather3A_1956 = tpu.dynamic_gather %get3A_1953[%gather3A_1955] in [0] : vector<16xf32>, vector<16xi32> -> vector<16xf32>
      %max3A_1957 = arith.maximumf %get3A_1953, %gather3A_1956 : vector<16xf32>
      %select_n3A_1958 = arith.select %eq3A_1904, %max3A_1957, %get3A_1953 : vector<16xi1>, vector<16xf32>
      %broadcast_in_dim3A_1959 = vector.shape_cast %max3A_85 : vector<16xi32> to vector<16x1xi32>
      %gather3A_1960 = vector.shape_cast %broadcast_in_dim3A_1959 : vector<16x1xi32> to vector<16xi32>
      %gather3A_1961 = tpu.dynamic_gather %select_n3A_1958[%gather3A_1960] in [0] : vector<16xf32>, vector<16xi32> -> vector<16xf32>
      %max3A_1962 = arith.maximumf %select_n3A_1958, %gather3A_1961 : vector<16xf32>
      %select_n3A_1963 = arith.select %eq3A_1908, %max3A_1962, %select_n3A_1958 : vector<16xi1>, vector<16xf32>
      %broadcast_in_dim3A_1964 = vector.shape_cast %max3A_91 : vector<16xi32> to vector<16x1xi32>
      %gather3A_1965 = vector.shape_cast %broadcast_in_dim3A_1964 : vector<16x1xi32> to vector<16xi32>
      %gather3A_1966 = tpu.dynamic_gather %select_n3A_1963[%gather3A_1965] in [0] : vector<16xf32>, vector<16xi32> -> vector<16xf32>
      %max3A_1967 = arith.maximumf %select_n3A_1963, %gather3A_1966 : vector<16xf32>
      %select_n3A_1968 = arith.select %eq3A_1912, %max3A_1967, %select_n3A_1963 : vector<16xi1>, vector<16xf32>
      %broadcast_in_dim3A_1969 = vector.shape_cast %max3A_97 : vector<16xi32> to vector<16x1xi32>
      %gather3A_1970 = vector.shape_cast %broadcast_in_dim3A_1969 : vector<16x1xi32> to vector<16xi32>
      %gather3A_1971 = tpu.dynamic_gather %select_n3A_1968[%gather3A_1970] in [0] : vector<16xf32>, vector<16xi32> -> vector<16xf32>
      %max3A_1972 = arith.maximumf %select_n3A_1968, %gather3A_1971 : vector<16xf32>
      %select_n3A_1973 = arith.select %eq3A_1916, %max3A_1972, %select_n3A_1968 : vector<16xi1>, vector<16xf32>
      %add3A_1974 = arith.constant 136 : i32
      %add3A_1975 = vector.broadcast %add3A_1974 : i32 to vector<16xi32>
      %add3A_1976 = arith.addi %get3A_1900, %add3A_1975 : vector<16xi32>
      %gather3A_1977 = tpu.vector_load_idx %arg7[%add3A_1976] masked %or3A_1924 : memref<544xf32, #tpu.memory_space<vmem>>[vector<16xi32>], vector<16xf32>, vector<16xi1>
      %max3A_1978 = arith.maximumf %select_n3A_1973, %gather3A_1977 : vector<16xf32>
      tpu.vector_store_idx %arg7[%add3A_1976], %max3A_1978 masked %or3A_1924 : memref<544xf32, #tpu.memory_space<vmem>>[vector<16xi32>], vector<16xf32>, vector<16xi1>
      %get3A_1979 = arith.constant 848 : index
      %get3A_1980 = tpu.vector_load %arg5[%get3A_1979] {strides = array<i32>} : memref<1280xf32, #tpu.memory_space<vmem>>, vector<16xf32>,
      %broadcast_in_dim3A_1981 = vector.shape_cast %max3A_79 : vector<16xi32> to vector<16x1xi32>
      %gather3A_1982 = vector.shape_cast %broadcast_in_dim3A_1981 : vector<16x1xi32> to vector<16xi32>
      %gather3A_1983 = tpu.dynamic_gather %get3A_1980[%gather3A_1982] in [0] : vector<16xf32>, vector<16xi32> -> vector<16xf32>
      %max3A_1984 = arith.maximumf %get3A_1980, %gather3A_1983 : vector<16xf32>
      %select_n3A_1985 = arith.select %eq3A_1904, %max3A_1984, %get3A_1980 : vector<16xi1>, vector<16xf32>
      %broadcast_in_dim3A_1986 = vector.shape_cast %max3A_85 : vector<16xi32> to vector<16x1xi32>
      %gather3A_1987 = vector.shape_cast %broadcast_in_dim3A_1986 : vector<16x1xi32> to vector<16xi32>
      %gather3A_1988 = tpu.dynamic_gather %select_n3A_1985[%gather3A_1987] in [0] : vector<16xf32>, vector<16xi32> -> vector<16xf32>
      %max3A_1989 = arith.maximumf %select_n3A_1985, %gather3A_1988 : vector<16xf32>
      %select_n3A_1990 = arith.select %eq3A_1908, %max3A_1989, %select_n3A_1985 : vector<16xi1>, vector<16xf32>
      %broadcast_in_dim3A_1991 = vector.shape_cast %max3A_91 : vector<16xi32> to vector<16x1xi32>
      %gather3A_1992 = vector.shape_cast %broadcast_in_dim3A_1991 : vector<16x1xi32> to vector<16xi32>
      %gather3A_1993 = tpu.dynamic_gather %select_n3A_1990[%gather3A_1992] in [0] : vector<16xf32>, vector<16xi32> -> vector<16xf32>
      %max3A_1994 = arith.maximumf %select_n3A_1990, %gather3A_1993 : vector<16xf32>
      %select_n3A_1995 = arith.select %eq3A_1912, %max3A_1994, %select_n3A_1990 : vector<16xi1>, vector<16xf32>
      %broadcast_in_dim3A_1996 = vector.shape_cast %max3A_97 : vector<16xi32> to vector<16x1xi32>
      %gather3A_1997 = vector.shape_cast %broadcast_in_dim3A_1996 : vector<16x1xi32> to vector<16xi32>
      %gather3A_1998 = tpu.dynamic_gather %select_n3A_1995[%gather3A_1997] in [0] : vector<16xf32>, vector<16xi32> -> vector<16xf32>
      %max3A_1999 = arith.maximumf %select_n3A_1995, %gather3A_1998 : vector<16xf32>
      %select_n3A_2000 = arith.select %eq3A_1916, %max3A_1999, %select_n3A_1995 : vector<16xi1>, vector<16xf32>
      %add3A_2001 = arith.constant 272 : i32
      %add3A_2002 = vector.broadcast %add3A_2001 : i32 to vector<16xi32>
      %add3A_2003 = arith.addi %get3A_1900, %add3A_2002 : vector<16xi32>
      %gather3A_2004 = tpu.vector_load_idx %arg7[%add3A_2003] masked %or3A_1924 : memref<544xf32, #tpu.memory_space<vmem>>[vector<16xi32>], vector<16xf32>, vector<16xi1>
      %max3A_2005 = arith.maximumf %select_n3A_2000, %gather3A_2004 : vector<16xf32>
      tpu.vector_store_idx %arg7[%add3A_2003], %max3A_2005 masked %or3A_1924 : memref<544xf32, #tpu.memory_space<vmem>>[vector<16xi32>], vector<16xf32>, vector<16xi1>
      %get3A_2006 = arith.constant 1168 : index
      %get3A_2007 = tpu.vector_load %arg5[%get3A_2006] {strides = array<i32>} : memref<1280xf32, #tpu.memory_space<vmem>>, vector<16xf32>,
      %broadcast_in_dim3A_2008 = vector.shape_cast %max3A_79 : vector<16xi32> to vector<16x1xi32>
      %gather3A_2009 = vector.shape_cast %broadcast_in_dim3A_2008 : vector<16x1xi32> to vector<16xi32>
      %gather3A_2010 = tpu.dynamic_gather %get3A_2007[%gather3A_2009] in [0] : vector<16xf32>, vector<16xi32> -> vector<16xf32>
      %max3A_2011 = arith.maximumf %get3A_2007, %gather3A_2010 : vector<16xf32>
      %select_n3A_2012 = arith.select %eq3A_1904, %max3A_2011, %get3A_2007 : vector<16xi1>, vector<16xf32>
      %broadcast_in_dim3A_2013 = vector.shape_cast %max3A_85 : vector<16xi32> to vector<16x1xi32>
      %gather3A_2014 = vector.shape_cast %broadcast_in_dim3A_2013 : vector<16x1xi32> to vector<16xi32>
      %gather3A_2015 = tpu.dynamic_gather %select_n3A_2012[%gather3A_2014] in [0] : vector<16xf32>, vector<16xi32> -> vector<16xf32>
      %max3A_2016 = arith.maximumf %select_n3A_2012, %gather3A_2015 : vector<16xf32>
      %select_n3A_2017 = arith.select %eq3A_1908, %max3A_2016, %select_n3A_2012 : vector<16xi1>, vector<16xf32>
      %broadcast_in_dim3A_2018 = vector.shape_cast %max3A_91 : vector<16xi32> to vector<16x1xi32>
      %gather3A_2019 = vector.shape_cast %broadcast_in_dim3A_2018 : vector<16x1xi32> to vector<16xi32>
      %gather3A_2020 = tpu.dynamic_gather %select_n3A_2017[%gather3A_2019] in [0] : vector<16xf32>, vector<16xi32> -> vector<16xf32>
      %max3A_2021 = arith.maximumf %select_n3A_2017, %gather3A_2020 : vector<16xf32>
      %select_n3A_2022 = arith.select %eq3A_1912, %max3A_2021, %select_n3A_2017 : vector<16xi1>, vector<16xf32>
      %broadcast_in_dim3A_2023 = vector.shape_cast %max3A_97 : vector<16xi32> to vector<16x1xi32>
      %gather3A_2024 = vector.shape_cast %broadcast_in_dim3A_2023 : vector<16x1xi32> to vector<16xi32>
      %gather3A_2025 = tpu.dynamic_gather %select_n3A_2022[%gather3A_2024] in [0] : vector<16xf32>, vector<16xi32> -> vector<16xf32>
      %max3A_2026 = arith.maximumf %select_n3A_2022, %gather3A_2025 : vector<16xf32>
      %select_n3A_2027 = arith.select %eq3A_1916, %max3A_2026, %select_n3A_2022 : vector<16xi1>, vector<16xf32>
      %add3A_2028 = arith.constant 408 : i32
      %add3A_2029 = vector.broadcast %add3A_2028 : i32 to vector<16xi32>
      %add3A_2030 = arith.addi %get3A_1900, %add3A_2029 : vector<16xi32>
      %gather3A_2031 = tpu.vector_load_idx %arg7[%add3A_2030] masked %or3A_1924 : memref<544xf32, #tpu.memory_space<vmem>>[vector<16xi32>], vector<16xf32>, vector<16xi1>
      %max3A_2032 = arith.maximumf %select_n3A_2027, %gather3A_2031 : vector<16xf32>
      tpu.vector_store_idx %arg7[%add3A_2030], %max3A_2032 masked %or3A_1924 : memref<544xf32, #tpu.memory_space<vmem>>[vector<16xi32>], vector<16xf32>, vector<16xi1>
      %get3A_2033 = arith.constant 224 : index
      %get3A_2034 = tpu.vector_load %arg6[%get3A_2033] {strides = array<i32>} : memref<320xi32, #tpu.memory_space<vmem>>, vector<16xi32>,
      %broadcast_in_dim3A_2035 = vector.shape_cast %max3A_79 : vector<16xi32> to vector<16x1xi32>
      %gather3A_2036 = vector.shape_cast %broadcast_in_dim3A_2035 : vector<16x1xi32> to vector<16xi32>
      %gather3A_2037 = tpu.dynamic_gather %get3A_2034[%gather3A_2036] in [0] : vector<16xi32>, vector<16xi32> -> vector<16xi32>
      %eq3A_2038 = arith.cmpi eq, %get3A_2034, %gather3A_2037 : vector<16xi32>
      %broadcast_in_dim3A_2039 = vector.shape_cast %max3A_85 : vector<16xi32> to vector<16x1xi32>
      %gather3A_2040 = vector.shape_cast %broadcast_in_dim3A_2039 : vector<16x1xi32> to vector<16xi32>
      %gather3A_2041 = tpu.dynamic_gather %get3A_2034[%gather3A_2040] in [0] : vector<16xi32>, vector<16xi32> -> vector<16xi32>
      %eq3A_2042 = arith.cmpi eq, %get3A_2034, %gather3A_2041 : vector<16xi32>
      %broadcast_in_dim3A_2043 = vector.shape_cast %max3A_91 : vector<16xi32> to vector<16x1xi32>
      %gather3A_2044 = vector.shape_cast %broadcast_in_dim3A_2043 : vector<16x1xi32> to vector<16xi32>
      %gather3A_2045 = tpu.dynamic_gather %get3A_2034[%gather3A_2044] in [0] : vector<16xi32>, vector<16xi32> -> vector<16xi32>
      %eq3A_2046 = arith.cmpi eq, %get3A_2034, %gather3A_2045 : vector<16xi32>
      %broadcast_in_dim3A_2047 = vector.shape_cast %max3A_97 : vector<16xi32> to vector<16x1xi32>
      %gather3A_2048 = vector.shape_cast %broadcast_in_dim3A_2047 : vector<16x1xi32> to vector<16xi32>
      %gather3A_2049 = tpu.dynamic_gather %get3A_2034[%gather3A_2048] in [0] : vector<16xi32>, vector<16xi32> -> vector<16xi32>
      %eq3A_2050 = arith.cmpi eq, %get3A_2034, %gather3A_2049 : vector<16xi32>
      %broadcast_in_dim3A_2051 = vector.shape_cast %min3A_75 : vector<16xi32> to vector<16x1xi32>
      %gather3A_2052 = vector.shape_cast %broadcast_in_dim3A_2051 : vector<16x1xi32> to vector<16xi32>
      %gather3A_2053 = tpu.dynamic_gather %get3A_2034[%gather3A_2052] in [0] : vector<16xi32>, vector<16xi32> -> vector<16xi32>
      %ne3A_2054 = arith.cmpi ne, %get3A_2034, %gather3A_2053 : vector<16xi32>
      %eq3A_2055 = arith.constant 15 : i32
      %eq3A_2056 = vector.broadcast %eq3A_2055 : i32 to vector<16xi32>
      %eq3A_2057 = arith.cmpi eq, %iota3A, %eq3A_2056 : vector<16xi32>
      %or3A_2058 = arith.ori %ne3A_2054, %eq3A_2057 : vector<16xi1>
      %get3A_2059 = arith.constant 224 : index
      %get3A_2060 = tpu.vector_load %arg5[%get3A_2059] {strides = array<i32>} : memref<1280xf32, #tpu.memory_space<vmem>>, vector<16xf32>,
      %broadcast_in_dim3A_2061 = vector.shape_cast %max3A_79 : vector<16xi32> to vector<16x1xi32>
      %gather3A_2062 = vector.shape_cast %broadcast_in_dim3A_2061 : vector<16x1xi32> to vector<16xi32>
      %gather3A_2063 = tpu.dynamic_gather %get3A_2060[%gather3A_2062] in [0] : vector<16xf32>, vector<16xi32> -> vector<16xf32>
      %max3A_2064 = arith.maximumf %get3A_2060, %gather3A_2063 : vector<16xf32>
      %select_n3A_2065 = arith.select %eq3A_2038, %max3A_2064, %get3A_2060 : vector<16xi1>, vector<16xf32>
      %broadcast_in_dim3A_2066 = vector.shape_cast %max3A_85 : vector<16xi32> to vector<16x1xi32>
      %gather3A_2067 = vector.shape_cast %broadcast_in_dim3A_2066 : vector<16x1xi32> to vector<16xi32>
      %gather3A_2068 = tpu.dynamic_gather %select_n3A_2065[%gather3A_2067] in [0] : vector<16xf32>, vector<16xi32> -> vector<16xf32>
      %max3A_2069 = arith.maximumf %select_n3A_2065, %gather3A_2068 : vector<16xf32>
      %select_n3A_2070 = arith.select %eq3A_2042, %max3A_2069, %select_n3A_2065 : vector<16xi1>, vector<16xf32>
      %broadcast_in_dim3A_2071 = vector.shape_cast %max3A_91 : vector<16xi32> to vector<16x1xi32>
      %gather3A_2072 = vector.shape_cast %broadcast_in_dim3A_2071 : vector<16x1xi32> to vector<16xi32>
      %gather3A_2073 = tpu.dynamic_gather %select_n3A_2070[%gather3A_2072] in [0] : vector<16xf32>, vector<16xi32> -> vector<16xf32>
      %max3A_2074 = arith.maximumf %select_n3A_2070, %gather3A_2073 : vector<16xf32>
      %select_n3A_2075 = arith.select %eq3A_2046, %max3A_2074, %select_n3A_2070 : vector<16xi1>, vector<16xf32>
      %broadcast_in_dim3A_2076 = vector.shape_cast %max3A_97 : vector<16xi32> to vector<16x1xi32>
      %gather3A_2077 = vector.shape_cast %broadcast_in_dim3A_2076 : vector<16x1xi32> to vector<16xi32>
      %gather3A_2078 = tpu.dynamic_gather %select_n3A_2075[%gather3A_2077] in [0] : vector<16xf32>, vector<16xi32> -> vector<16xf32>
      %max3A_2079 = arith.maximumf %select_n3A_2075, %gather3A_2078 : vector<16xf32>
      %select_n3A_2080 = arith.select %eq3A_2050, %max3A_2079, %select_n3A_2075 : vector<16xi1>, vector<16xf32>
      %add3A_2081 = arith.constant 0 : i32
      %add3A_2082 = vector.broadcast %add3A_2081 : i32 to vector<16xi32>
      %add3A_2083 = arith.addi %get3A_2034, %add3A_2082 : vector<16xi32>
      %gather3A_2084 = tpu.vector_load_idx %arg7[%add3A_2083] masked %or3A_2058 : memref<544xf32, #tpu.memory_space<vmem>>[vector<16xi32>], vector<16xf32>, vector<16xi1>
      %max3A_2085 = arith.maximumf %select_n3A_2080, %gather3A_2084 : vector<16xf32>
      tpu.vector_store_idx %arg7[%add3A_2083], %max3A_2085 masked %or3A_2058 : memref<544xf32, #tpu.memory_space<vmem>>[vector<16xi32>], vector<16xf32>, vector<16xi1>
      %get3A_2086 = arith.constant 544 : index
      %get3A_2087 = tpu.vector_load %arg5[%get3A_2086] {strides = array<i32>} : memref<1280xf32, #tpu.memory_space<vmem>>, vector<16xf32>,
      %broadcast_in_dim3A_2088 = vector.shape_cast %max3A_79 : vector<16xi32> to vector<16x1xi32>
      %gather3A_2089 = vector.shape_cast %broadcast_in_dim3A_2088 : vector<16x1xi32> to vector<16xi32>
      %gather3A_2090 = tpu.dynamic_gather %get3A_2087[%gather3A_2089] in [0] : vector<16xf32>, vector<16xi32> -> vector<16xf32>
      %max3A_2091 = arith.maximumf %get3A_2087, %gather3A_2090 : vector<16xf32>
      %select_n3A_2092 = arith.select %eq3A_2038, %max3A_2091, %get3A_2087 : vector<16xi1>, vector<16xf32>
      %broadcast_in_dim3A_2093 = vector.shape_cast %max3A_85 : vector<16xi32> to vector<16x1xi32>
      %gather3A_2094 = vector.shape_cast %broadcast_in_dim3A_2093 : vector<16x1xi32> to vector<16xi32>
      %gather3A_2095 = tpu.dynamic_gather %select_n3A_2092[%gather3A_2094] in [0] : vector<16xf32>, vector<16xi32> -> vector<16xf32>
      %max3A_2096 = arith.maximumf %select_n3A_2092, %gather3A_2095 : vector<16xf32>
      %select_n3A_2097 = arith.select %eq3A_2042, %max3A_2096, %select_n3A_2092 : vector<16xi1>, vector<16xf32>
      %broadcast_in_dim3A_2098 = vector.shape_cast %max3A_91 : vector<16xi32> to vector<16x1xi32>
      %gather3A_2099 = vector.shape_cast %broadcast_in_dim3A_2098 : vector<16x1xi32> to vector<16xi32>
      %gather3A_2100 = tpu.dynamic_gather %select_n3A_2097[%gather3A_2099] in [0] : vector<16xf32>, vector<16xi32> -> vector<16xf32>
      %max3A_2101 = arith.maximumf %select_n3A_2097, %gather3A_2100 : vector<16xf32>
      %select_n3A_2102 = arith.select %eq3A_2046, %max3A_2101, %select_n3A_2097 : vector<16xi1>, vector<16xf32>
      %broadcast_in_dim3A_2103 = vector.shape_cast %max3A_97 : vector<16xi32> to vector<16x1xi32>
      %gather3A_2104 = vector.shape_cast %broadcast_in_dim3A_2103 : vector<16x1xi32> to vector<16xi32>
      %gather3A_2105 = tpu.dynamic_gather %select_n3A_2102[%gather3A_2104] in [0] : vector<16xf32>, vector<16xi32> -> vector<16xf32>
      %max3A_2106 = arith.maximumf %select_n3A_2102, %gather3A_2105 : vector<16xf32>
      %select_n3A_2107 = arith.select %eq3A_2050, %max3A_2106, %select_n3A_2102 : vector<16xi1>, vector<16xf32>
      %add3A_2108 = arith.constant 136 : i32
      %add3A_2109 = vector.broadcast %add3A_2108 : i32 to vector<16xi32>
      %add3A_2110 = arith.addi %get3A_2034, %add3A_2109 : vector<16xi32>
      %gather3A_2111 = tpu.vector_load_idx %arg7[%add3A_2110] masked %or3A_2058 : memref<544xf32, #tpu.memory_space<vmem>>[vector<16xi32>], vector<16xf32>, vector<16xi1>
      %max3A_2112 = arith.maximumf %select_n3A_2107, %gather3A_2111 : vector<16xf32>
      tpu.vector_store_idx %arg7[%add3A_2110], %max3A_2112 masked %or3A_2058 : memref<544xf32, #tpu.memory_space<vmem>>[vector<16xi32>], vector<16xf32>, vector<16xi1>
      %get3A_2113 = arith.constant 864 : index
      %get3A_2114 = tpu.vector_load %arg5[%get3A_2113] {strides = array<i32>} : memref<1280xf32, #tpu.memory_space<vmem>>, vector<16xf32>,
      %broadcast_in_dim3A_2115 = vector.shape_cast %max3A_79 : vector<16xi32> to vector<16x1xi32>
      %gather3A_2116 = vector.shape_cast %broadcast_in_dim3A_2115 : vector<16x1xi32> to vector<16xi32>
      %gather3A_2117 = tpu.dynamic_gather %get3A_2114[%gather3A_2116] in [0] : vector<16xf32>, vector<16xi32> -> vector<16xf32>
      %max3A_2118 = arith.maximumf %get3A_2114, %gather3A_2117 : vector<16xf32>
      %select_n3A_2119 = arith.select %eq3A_2038, %max3A_2118, %get3A_2114 : vector<16xi1>, vector<16xf32>
      %broadcast_in_dim3A_2120 = vector.shape_cast %max3A_85 : vector<16xi32> to vector<16x1xi32>
      %gather3A_2121 = vector.shape_cast %broadcast_in_dim3A_2120 : vector<16x1xi32> to vector<16xi32>
      %gather3A_2122 = tpu.dynamic_gather %select_n3A_2119[%gather3A_2121] in [0] : vector<16xf32>, vector<16xi32> -> vector<16xf32>
      %max3A_2123 = arith.maximumf %select_n3A_2119, %gather3A_2122 : vector<16xf32>
      %select_n3A_2124 = arith.select %eq3A_2042, %max3A_2123, %select_n3A_2119 : vector<16xi1>, vector<16xf32>
      %broadcast_in_dim3A_2125 = vector.shape_cast %max3A_91 : vector<16xi32> to vector<16x1xi32>
      %gather3A_2126 = vector.shape_cast %broadcast_in_dim3A_2125 : vector<16x1xi32> to vector<16xi32>
      %gather3A_2127 = tpu.dynamic_gather %select_n3A_2124[%gather3A_2126] in [0] : vector<16xf32>, vector<16xi32> -> vector<16xf32>
      %max3A_2128 = arith.maximumf %select_n3A_2124, %gather3A_2127 : vector<16xf32>
      %select_n3A_2129 = arith.select %eq3A_2046, %max3A_2128, %select_n3A_2124 : vector<16xi1>, vector<16xf32>
      %broadcast_in_dim3A_2130 = vector.shape_cast %max3A_97 : vector<16xi32> to vector<16x1xi32>
      %gather3A_2131 = vector.shape_cast %broadcast_in_dim3A_2130 : vector<16x1xi32> to vector<16xi32>
      %gather3A_2132 = tpu.dynamic_gather %select_n3A_2129[%gather3A_2131] in [0] : vector<16xf32>, vector<16xi32> -> vector<16xf32>
      %max3A_2133 = arith.maximumf %select_n3A_2129, %gather3A_2132 : vector<16xf32>
      %select_n3A_2134 = arith.select %eq3A_2050, %max3A_2133, %select_n3A_2129 : vector<16xi1>, vector<16xf32>
      %add3A_2135 = arith.constant 272 : i32
      %add3A_2136 = vector.broadcast %add3A_2135 : i32 to vector<16xi32>
      %add3A_2137 = arith.addi %get3A_2034, %add3A_2136 : vector<16xi32>
      %gather3A_2138 = tpu.vector_load_idx %arg7[%add3A_2137] masked %or3A_2058 : memref<544xf32, #tpu.memory_space<vmem>>[vector<16xi32>], vector<16xf32>, vector<16xi1>
      %max3A_2139 = arith.maximumf %select_n3A_2134, %gather3A_2138 : vector<16xf32>
      tpu.vector_store_idx %arg7[%add3A_2137], %max3A_2139 masked %or3A_2058 : memref<544xf32, #tpu.memory_space<vmem>>[vector<16xi32>], vector<16xf32>, vector<16xi1>
      %get3A_2140 = arith.constant 1184 : index
      %get3A_2141 = tpu.vector_load %arg5[%get3A_2140] {strides = array<i32>} : memref<1280xf32, #tpu.memory_space<vmem>>, vector<16xf32>,
      %broadcast_in_dim3A_2142 = vector.shape_cast %max3A_79 : vector<16xi32> to vector<16x1xi32>
      %gather3A_2143 = vector.shape_cast %broadcast_in_dim3A_2142 : vector<16x1xi32> to vector<16xi32>
      %gather3A_2144 = tpu.dynamic_gather %get3A_2141[%gather3A_2143] in [0] : vector<16xf32>, vector<16xi32> -> vector<16xf32>
      %max3A_2145 = arith.maximumf %get3A_2141, %gather3A_2144 : vector<16xf32>
      %select_n3A_2146 = arith.select %eq3A_2038, %max3A_2145, %get3A_2141 : vector<16xi1>, vector<16xf32>
      %broadcast_in_dim3A_2147 = vector.shape_cast %max3A_85 : vector<16xi32> to vector<16x1xi32>
      %gather3A_2148 = vector.shape_cast %broadcast_in_dim3A_2147 : vector<16x1xi32> to vector<16xi32>
      %gather3A_2149 = tpu.dynamic_gather %select_n3A_2146[%gather3A_2148] in [0] : vector<16xf32>, vector<16xi32> -> vector<16xf32>
      %max3A_2150 = arith.maximumf %select_n3A_2146, %gather3A_2149 : vector<16xf32>
      %select_n3A_2151 = arith.select %eq3A_2042, %max3A_2150, %select_n3A_2146 : vector<16xi1>, vector<16xf32>
      %broadcast_in_dim3A_2152 = vector.shape_cast %max3A_91 : vector<16xi32> to vector<16x1xi32>
      %gather3A_2153 = vector.shape_cast %broadcast_in_dim3A_2152 : vector<16x1xi32> to vector<16xi32>
      %gather3A_2154 = tpu.dynamic_gather %select_n3A_2151[%gather3A_2153] in [0] : vector<16xf32>, vector<16xi32> -> vector<16xf32>
      %max3A_2155 = arith.maximumf %select_n3A_2151, %gather3A_2154 : vector<16xf32>
      %select_n3A_2156 = arith.select %eq3A_2046, %max3A_2155, %select_n3A_2151 : vector<16xi1>, vector<16xf32>
      %broadcast_in_dim3A_2157 = vector.shape_cast %max3A_97 : vector<16xi32> to vector<16x1xi32>
      %gather3A_2158 = vector.shape_cast %broadcast_in_dim3A_2157 : vector<16x1xi32> to vector<16xi32>
      %gather3A_2159 = tpu.dynamic_gather %select_n3A_2156[%gather3A_2158] in [0] : vector<16xf32>, vector<16xi32> -> vector<16xf32>
      %max3A_2160 = arith.maximumf %select_n3A_2156, %gather3A_2159 : vector<16xf32>
      %select_n3A_2161 = arith.select %eq3A_2050, %max3A_2160, %select_n3A_2156 : vector<16xi1>, vector<16xf32>
      %add3A_2162 = arith.constant 408 : i32
      %add3A_2163 = vector.broadcast %add3A_2162 : i32 to vector<16xi32>
      %add3A_2164 = arith.addi %get3A_2034, %add3A_2163 : vector<16xi32>
      %gather3A_2165 = tpu.vector_load_idx %arg7[%add3A_2164] masked %or3A_2058 : memref<544xf32, #tpu.memory_space<vmem>>[vector<16xi32>], vector<16xf32>, vector<16xi1>
      %max3A_2166 = arith.maximumf %select_n3A_2161, %gather3A_2165 : vector<16xf32>
      tpu.vector_store_idx %arg7[%add3A_2164], %max3A_2166 masked %or3A_2058 : memref<544xf32, #tpu.memory_space<vmem>>[vector<16xi32>], vector<16xf32>, vector<16xi1>
      %get3A_2167 = arith.constant 240 : index
      %get3A_2168 = tpu.vector_load %arg6[%get3A_2167] {strides = array<i32>} : memref<320xi32, #tpu.memory_space<vmem>>, vector<16xi32>,
      %broadcast_in_dim3A_2169 = vector.shape_cast %max3A_79 : vector<16xi32> to vector<16x1xi32>
      %gather3A_2170 = vector.shape_cast %broadcast_in_dim3A_2169 : vector<16x1xi32> to vector<16xi32>
      %gather3A_2171 = tpu.dynamic_gather %get3A_2168[%gather3A_2170] in [0] : vector<16xi32>, vector<16xi32> -> vector<16xi32>
      %eq3A_2172 = arith.cmpi eq, %get3A_2168, %gather3A_2171 : vector<16xi32>
      %broadcast_in_dim3A_2173 = vector.shape_cast %max3A_85 : vector<16xi32> to vector<16x1xi32>
      %gather3A_2174 = vector.shape_cast %broadcast_in_dim3A_2173 : vector<16x1xi32> to vector<16xi32>
      %gather3A_2175 = tpu.dynamic_gather %get3A_2168[%gather3A_2174] in [0] : vector<16xi32>, vector<16xi32> -> vector<16xi32>
      %eq3A_2176 = arith.cmpi eq, %get3A_2168, %gather3A_2175 : vector<16xi32>
      %broadcast_in_dim3A_2177 = vector.shape_cast %max3A_91 : vector<16xi32> to vector<16x1xi32>
      %gather3A_2178 = vector.shape_cast %broadcast_in_dim3A_2177 : vector<16x1xi32> to vector<16xi32>
      %gather3A_2179 = tpu.dynamic_gather %get3A_2168[%gather3A_2178] in [0] : vector<16xi32>, vector<16xi32> -> vector<16xi32>
      %eq3A_2180 = arith.cmpi eq, %get3A_2168, %gather3A_2179 : vector<16xi32>
      %broadcast_in_dim3A_2181 = vector.shape_cast %max3A_97 : vector<16xi32> to vector<16x1xi32>
      %gather3A_2182 = vector.shape_cast %broadcast_in_dim3A_2181 : vector<16x1xi32> to vector<16xi32>
      %gather3A_2183 = tpu.dynamic_gather %get3A_2168[%gather3A_2182] in [0] : vector<16xi32>, vector<16xi32> -> vector<16xi32>
      %eq3A_2184 = arith.cmpi eq, %get3A_2168, %gather3A_2183 : vector<16xi32>
      %broadcast_in_dim3A_2185 = vector.shape_cast %min3A_75 : vector<16xi32> to vector<16x1xi32>
      %gather3A_2186 = vector.shape_cast %broadcast_in_dim3A_2185 : vector<16x1xi32> to vector<16xi32>
      %gather3A_2187 = tpu.dynamic_gather %get3A_2168[%gather3A_2186] in [0] : vector<16xi32>, vector<16xi32> -> vector<16xi32>
      %ne3A_2188 = arith.cmpi ne, %get3A_2168, %gather3A_2187 : vector<16xi32>
      %eq3A_2189 = arith.constant 15 : i32
      %eq3A_2190 = vector.broadcast %eq3A_2189 : i32 to vector<16xi32>
      %eq3A_2191 = arith.cmpi eq, %iota3A, %eq3A_2190 : vector<16xi32>
      %or3A_2192 = arith.ori %ne3A_2188, %eq3A_2191 : vector<16xi1>
      %get3A_2193 = arith.constant 240 : index
      %get3A_2194 = tpu.vector_load %arg5[%get3A_2193] {strides = array<i32>} : memref<1280xf32, #tpu.memory_space<vmem>>, vector<16xf32>,
      %broadcast_in_dim3A_2195 = vector.shape_cast %max3A_79 : vector<16xi32> to vector<16x1xi32>
      %gather3A_2196 = vector.shape_cast %broadcast_in_dim3A_2195 : vector<16x1xi32> to vector<16xi32>
      %gather3A_2197 = tpu.dynamic_gather %get3A_2194[%gather3A_2196] in [0] : vector<16xf32>, vector<16xi32> -> vector<16xf32>
      %max3A_2198 = arith.maximumf %get3A_2194, %gather3A_2197 : vector<16xf32>
      %select_n3A_2199 = arith.select %eq3A_2172, %max3A_2198, %get3A_2194 : vector<16xi1>, vector<16xf32>
      %broadcast_in_dim3A_2200 = vector.shape_cast %max3A_85 : vector<16xi32> to vector<16x1xi32>
      %gather3A_2201 = vector.shape_cast %broadcast_in_dim3A_2200 : vector<16x1xi32> to vector<16xi32>
      %gather3A_2202 = tpu.dynamic_gather %select_n3A_2199[%gather3A_2201] in [0] : vector<16xf32>, vector<16xi32> -> vector<16xf32>
      %max3A_2203 = arith.maximumf %select_n3A_2199, %gather3A_2202 : vector<16xf32>
      %select_n3A_2204 = arith.select %eq3A_2176, %max3A_2203, %select_n3A_2199 : vector<16xi1>, vector<16xf32>
      %broadcast_in_dim3A_2205 = vector.shape_cast %max3A_91 : vector<16xi32> to vector<16x1xi32>
      %gather3A_2206 = vector.shape_cast %broadcast_in_dim3A_2205 : vector<16x1xi32> to vector<16xi32>
      %gather3A_2207 = tpu.dynamic_gather %select_n3A_2204[%gather3A_2206] in [0] : vector<16xf32>, vector<16xi32> -> vector<16xf32>
      %max3A_2208 = arith.maximumf %select_n3A_2204, %gather3A_2207 : vector<16xf32>
      %select_n3A_2209 = arith.select %eq3A_2180, %max3A_2208, %select_n3A_2204 : vector<16xi1>, vector<16xf32>
      %broadcast_in_dim3A_2210 = vector.shape_cast %max3A_97 : vector<16xi32> to vector<16x1xi32>
      %gather3A_2211 = vector.shape_cast %broadcast_in_dim3A_2210 : vector<16x1xi32> to vector<16xi32>
      %gather3A_2212 = tpu.dynamic_gather %select_n3A_2209[%gather3A_2211] in [0] : vector<16xf32>, vector<16xi32> -> vector<16xf32>
      %max3A_2213 = arith.maximumf %select_n3A_2209, %gather3A_2212 : vector<16xf32>
      %select_n3A_2214 = arith.select %eq3A_2184, %max3A_2213, %select_n3A_2209 : vector<16xi1>, vector<16xf32>
      %add3A_2215 = arith.constant 0 : i32
      %add3A_2216 = vector.broadcast %add3A_2215 : i32 to vector<16xi32>
      %add3A_2217 = arith.addi %get3A_2168, %add3A_2216 : vector<16xi32>
      %gather3A_2218 = tpu.vector_load_idx %arg7[%add3A_2217] masked %or3A_2192 : memref<544xf32, #tpu.memory_space<vmem>>[vector<16xi32>], vector<16xf32>, vector<16xi1>
      %max3A_2219 = arith.maximumf %select_n3A_2214, %gather3A_2218 : vector<16xf32>
      tpu.vector_store_idx %arg7[%add3A_2217], %max3A_2219 masked %or3A_2192 : memref<544xf32, #tpu.memory_space<vmem>>[vector<16xi32>], vector<16xf32>, vector<16xi1>
      %get3A_2220 = arith.constant 560 : index
      %get3A_2221 = tpu.vector_load %arg5[%get3A_2220] {strides = array<i32>} : memref<1280xf32, #tpu.memory_space<vmem>>, vector<16xf32>,
      %broadcast_in_dim3A_2222 = vector.shape_cast %max3A_79 : vector<16xi32> to vector<16x1xi32>
      %gather3A_2223 = vector.shape_cast %broadcast_in_dim3A_2222 : vector<16x1xi32> to vector<16xi32>
      %gather3A_2224 = tpu.dynamic_gather %get3A_2221[%gather3A_2223] in [0] : vector<16xf32>, vector<16xi32> -> vector<16xf32>
      %max3A_2225 = arith.maximumf %get3A_2221, %gather3A_2224 : vector<16xf32>
      %select_n3A_2226 = arith.select %eq3A_2172, %max3A_2225, %get3A_2221 : vector<16xi1>, vector<16xf32>
      %broadcast_in_dim3A_2227 = vector.shape_cast %max3A_85 : vector<16xi32> to vector<16x1xi32>
      %gather3A_2228 = vector.shape_cast %broadcast_in_dim3A_2227 : vector<16x1xi32> to vector<16xi32>
      %gather3A_2229 = tpu.dynamic_gather %select_n3A_2226[%gather3A_2228] in [0] : vector<16xf32>, vector<16xi32> -> vector<16xf32>
      %max3A_2230 = arith.maximumf %select_n3A_2226, %gather3A_2229 : vector<16xf32>
      %select_n3A_2231 = arith.select %eq3A_2176, %max3A_2230, %select_n3A_2226 : vector<16xi1>, vector<16xf32>
      %broadcast_in_dim3A_2232 = vector.shape_cast %max3A_91 : vector<16xi32> to vector<16x1xi32>
      %gather3A_2233 = vector.shape_cast %broadcast_in_dim3A_2232 : vector<16x1xi32> to vector<16xi32>
      %gather3A_2234 = tpu.dynamic_gather %select_n3A_2231[%gather3A_2233] in [0] : vector<16xf32>, vector<16xi32> -> vector<16xf32>
      %max3A_2235 = arith.maximumf %select_n3A_2231, %gather3A_2234 : vector<16xf32>
      %select_n3A_2236 = arith.select %eq3A_2180, %max3A_2235, %select_n3A_2231 : vector<16xi1>, vector<16xf32>
      %broadcast_in_dim3A_2237 = vector.shape_cast %max3A_97 : vector<16xi32> to vector<16x1xi32>
      %gather3A_2238 = vector.shape_cast %broadcast_in_dim3A_2237 : vector<16x1xi32> to vector<16xi32>
      %gather3A_2239 = tpu.dynamic_gather %select_n3A_2236[%gather3A_2238] in [0] : vector<16xf32>, vector<16xi32> -> vector<16xf32>
      %max3A_2240 = arith.maximumf %select_n3A_2236, %gather3A_2239 : vector<16xf32>
      %select_n3A_2241 = arith.select %eq3A_2184, %max3A_2240, %select_n3A_2236 : vector<16xi1>, vector<16xf32>
      %add3A_2242 = arith.constant 136 : i32
      %add3A_2243 = vector.broadcast %add3A_2242 : i32 to vector<16xi32>
      %add3A_2244 = arith.addi %get3A_2168, %add3A_2243 : vector<16xi32>
      %gather3A_2245 = tpu.vector_load_idx %arg7[%add3A_2244] masked %or3A_2192 : memref<544xf32, #tpu.memory_space<vmem>>[vector<16xi32>], vector<16xf32>, vector<16xi1>
      %max3A_2246 = arith.maximumf %select_n3A_2241, %gather3A_2245 : vector<16xf32>
      tpu.vector_store_idx %arg7[%add3A_2244], %max3A_2246 masked %or3A_2192 : memref<544xf32, #tpu.memory_space<vmem>>[vector<16xi32>], vector<16xf32>, vector<16xi1>
      %get3A_2247 = arith.constant 880 : index
      %get3A_2248 = tpu.vector_load %arg5[%get3A_2247] {strides = array<i32>} : memref<1280xf32, #tpu.memory_space<vmem>>, vector<16xf32>,
      %broadcast_in_dim3A_2249 = vector.shape_cast %max3A_79 : vector<16xi32> to vector<16x1xi32>
      %gather3A_2250 = vector.shape_cast %broadcast_in_dim3A_2249 : vector<16x1xi32> to vector<16xi32>
      %gather3A_2251 = tpu.dynamic_gather %get3A_2248[%gather3A_2250] in [0] : vector<16xf32>, vector<16xi32> -> vector<16xf32>
      %max3A_2252 = arith.maximumf %get3A_2248, %gather3A_2251 : vector<16xf32>
      %select_n3A_2253 = arith.select %eq3A_2172, %max3A_2252, %get3A_2248 : vector<16xi1>, vector<16xf32>
      %broadcast_in_dim3A_2254 = vector.shape_cast %max3A_85 : vector<16xi32> to vector<16x1xi32>
      %gather3A_2255 = vector.shape_cast %broadcast_in_dim3A_2254 : vector<16x1xi32> to vector<16xi32>
      %gather3A_2256 = tpu.dynamic_gather %select_n3A_2253[%gather3A_2255] in [0] : vector<16xf32>, vector<16xi32> -> vector<16xf32>
      %max3A_2257 = arith.maximumf %select_n3A_2253, %gather3A_2256 : vector<16xf32>
      %select_n3A_2258 = arith.select %eq3A_2176, %max3A_2257, %select_n3A_2253 : vector<16xi1>, vector<16xf32>
      %broadcast_in_dim3A_2259 = vector.shape_cast %max3A_91 : vector<16xi32> to vector<16x1xi32>
      %gather3A_2260 = vector.shape_cast %broadcast_in_dim3A_2259 : vector<16x1xi32> to vector<16xi32>
      %gather3A_2261 = tpu.dynamic_gather %select_n3A_2258[%gather3A_2260] in [0] : vector<16xf32>, vector<16xi32> -> vector<16xf32>
      %max3A_2262 = arith.maximumf %select_n3A_2258, %gather3A_2261 : vector<16xf32>
      %select_n3A_2263 = arith.select %eq3A_2180, %max3A_2262, %select_n3A_2258 : vector<16xi1>, vector<16xf32>
      %broadcast_in_dim3A_2264 = vector.shape_cast %max3A_97 : vector<16xi32> to vector<16x1xi32>
      %gather3A_2265 = vector.shape_cast %broadcast_in_dim3A_2264 : vector<16x1xi32> to vector<16xi32>
      %gather3A_2266 = tpu.dynamic_gather %select_n3A_2263[%gather3A_2265] in [0] : vector<16xf32>, vector<16xi32> -> vector<16xf32>
      %max3A_2267 = arith.maximumf %select_n3A_2263, %gather3A_2266 : vector<16xf32>
      %select_n3A_2268 = arith.select %eq3A_2184, %max3A_2267, %select_n3A_2263 : vector<16xi1>, vector<16xf32>
      %add3A_2269 = arith.constant 272 : i32
      %add3A_2270 = vector.broadcast %add3A_2269 : i32 to vector<16xi32>
      %add3A_2271 = arith.addi %get3A_2168, %add3A_2270 : vector<16xi32>
      %gather3A_2272 = tpu.vector_load_idx %arg7[%add3A_2271] masked %or3A_2192 : memref<544xf32, #tpu.memory_space<vmem>>[vector<16xi32>], vector<16xf32>, vector<16xi1>
      %max3A_2273 = arith.maximumf %select_n3A_2268, %gather3A_2272 : vector<16xf32>
      tpu.vector_store_idx %arg7[%add3A_2271], %max3A_2273 masked %or3A_2192 : memref<544xf32, #tpu.memory_space<vmem>>[vector<16xi32>], vector<16xf32>, vector<16xi1>
      %get3A_2274 = arith.constant 1200 : index
      %get3A_2275 = tpu.vector_load %arg5[%get3A_2274] {strides = array<i32>} : memref<1280xf32, #tpu.memory_space<vmem>>, vector<16xf32>,
      %broadcast_in_dim3A_2276 = vector.shape_cast %max3A_79 : vector<16xi32> to vector<16x1xi32>
      %gather3A_2277 = vector.shape_cast %broadcast_in_dim3A_2276 : vector<16x1xi32> to vector<16xi32>
      %gather3A_2278 = tpu.dynamic_gather %get3A_2275[%gather3A_2277] in [0] : vector<16xf32>, vector<16xi32> -> vector<16xf32>
      %max3A_2279 = arith.maximumf %get3A_2275, %gather3A_2278 : vector<16xf32>
      %select_n3A_2280 = arith.select %eq3A_2172, %max3A_2279, %get3A_2275 : vector<16xi1>, vector<16xf32>
      %broadcast_in_dim3A_2281 = vector.shape_cast %max3A_85 : vector<16xi32> to vector<16x1xi32>
      %gather3A_2282 = vector.shape_cast %broadcast_in_dim3A_2281 : vector<16x1xi32> to vector<16xi32>
      %gather3A_2283 = tpu.dynamic_gather %select_n3A_2280[%gather3A_2282] in [0] : vector<16xf32>, vector<16xi32> -> vector<16xf32>
      %max3A_2284 = arith.maximumf %select_n3A_2280, %gather3A_2283 : vector<16xf32>
      %select_n3A_2285 = arith.select %eq3A_2176, %max3A_2284, %select_n3A_2280 : vector<16xi1>, vector<16xf32>
      %broadcast_in_dim3A_2286 = vector.shape_cast %max3A_91 : vector<16xi32> to vector<16x1xi32>
      %gather3A_2287 = vector.shape_cast %broadcast_in_dim3A_2286 : vector<16x1xi32> to vector<16xi32>
      %gather3A_2288 = tpu.dynamic_gather %select_n3A_2285[%gather3A_2287] in [0] : vector<16xf32>, vector<16xi32> -> vector<16xf32>
      %max3A_2289 = arith.maximumf %select_n3A_2285, %gather3A_2288 : vector<16xf32>
      %select_n3A_2290 = arith.select %eq3A_2180, %max3A_2289, %select_n3A_2285 : vector<16xi1>, vector<16xf32>
      %broadcast_in_dim3A_2291 = vector.shape_cast %max3A_97 : vector<16xi32> to vector<16x1xi32>
      %gather3A_2292 = vector.shape_cast %broadcast_in_dim3A_2291 : vector<16x1xi32> to vector<16xi32>
      %gather3A_2293 = tpu.dynamic_gather %select_n3A_2290[%gather3A_2292] in [0] : vector<16xf32>, vector<16xi32> -> vector<16xf32>
      %max3A_2294 = arith.maximumf %select_n3A_2290, %gather3A_2293 : vector<16xf32>
      %select_n3A_2295 = arith.select %eq3A_2184, %max3A_2294, %select_n3A_2290 : vector<16xi1>, vector<16xf32>
      %add3A_2296 = arith.constant 408 : i32
      %add3A_2297 = vector.broadcast %add3A_2296 : i32 to vector<16xi32>
      %add3A_2298 = arith.addi %get3A_2168, %add3A_2297 : vector<16xi32>
      %gather3A_2299 = tpu.vector_load_idx %arg7[%add3A_2298] masked %or3A_2192 : memref<544xf32, #tpu.memory_space<vmem>>[vector<16xi32>], vector<16xf32>, vector<16xi1>
      %max3A_2300 = arith.maximumf %select_n3A_2295, %gather3A_2299 : vector<16xf32>
      tpu.vector_store_idx %arg7[%add3A_2298], %max3A_2300 masked %or3A_2192 : memref<544xf32, #tpu.memory_space<vmem>>[vector<16xi32>], vector<16xf32>, vector<16xi1>
      %get3A_2301 = arith.constant 256 : index
      %get3A_2302 = tpu.vector_load %arg6[%get3A_2301] {strides = array<i32>} : memref<320xi32, #tpu.memory_space<vmem>>, vector<16xi32>,
      %broadcast_in_dim3A_2303 = vector.shape_cast %max3A_79 : vector<16xi32> to vector<16x1xi32>
      %gather3A_2304 = vector.shape_cast %broadcast_in_dim3A_2303 : vector<16x1xi32> to vector<16xi32>
      %gather3A_2305 = tpu.dynamic_gather %get3A_2302[%gather3A_2304] in [0] : vector<16xi32>, vector<16xi32> -> vector<16xi32>
      %eq3A_2306 = arith.cmpi eq, %get3A_2302, %gather3A_2305 : vector<16xi32>
      %broadcast_in_dim3A_2307 = vector.shape_cast %max3A_85 : vector<16xi32> to vector<16x1xi32>
      %gather3A_2308 = vector.shape_cast %broadcast_in_dim3A_2307 : vector<16x1xi32> to vector<16xi32>
      %gather3A_2309 = tpu.dynamic_gather %get3A_2302[%gather3A_2308] in [0] : vector<16xi32>, vector<16xi32> -> vector<16xi32>
      %eq3A_2310 = arith.cmpi eq, %get3A_2302, %gather3A_2309 : vector<16xi32>
      %broadcast_in_dim3A_2311 = vector.shape_cast %max3A_91 : vector<16xi32> to vector<16x1xi32>
      %gather3A_2312 = vector.shape_cast %broadcast_in_dim3A_2311 : vector<16x1xi32> to vector<16xi32>
      %gather3A_2313 = tpu.dynamic_gather %get3A_2302[%gather3A_2312] in [0] : vector<16xi32>, vector<16xi32> -> vector<16xi32>
      %eq3A_2314 = arith.cmpi eq, %get3A_2302, %gather3A_2313 : vector<16xi32>
      %broadcast_in_dim3A_2315 = vector.shape_cast %max3A_97 : vector<16xi32> to vector<16x1xi32>
      %gather3A_2316 = vector.shape_cast %broadcast_in_dim3A_2315 : vector<16x1xi32> to vector<16xi32>
      %gather3A_2317 = tpu.dynamic_gather %get3A_2302[%gather3A_2316] in [0] : vector<16xi32>, vector<16xi32> -> vector<16xi32>
      %eq3A_2318 = arith.cmpi eq, %get3A_2302, %gather3A_2317 : vector<16xi32>
      %broadcast_in_dim3A_2319 = vector.shape_cast %min3A_75 : vector<16xi32> to vector<16x1xi32>
      %gather3A_2320 = vector.shape_cast %broadcast_in_dim3A_2319 : vector<16x1xi32> to vector<16xi32>
      %gather3A_2321 = tpu.dynamic_gather %get3A_2302[%gather3A_2320] in [0] : vector<16xi32>, vector<16xi32> -> vector<16xi32>
      %ne3A_2322 = arith.cmpi ne, %get3A_2302, %gather3A_2321 : vector<16xi32>
      %eq3A_2323 = arith.constant 15 : i32
      %eq3A_2324 = vector.broadcast %eq3A_2323 : i32 to vector<16xi32>
      %eq3A_2325 = arith.cmpi eq, %iota3A, %eq3A_2324 : vector<16xi32>
      %or3A_2326 = arith.ori %ne3A_2322, %eq3A_2325 : vector<16xi1>
      %get3A_2327 = arith.constant 256 : index
      %get3A_2328 = tpu.vector_load %arg5[%get3A_2327] {strides = array<i32>} : memref<1280xf32, #tpu.memory_space<vmem>>, vector<16xf32>,
      %broadcast_in_dim3A_2329 = vector.shape_cast %max3A_79 : vector<16xi32> to vector<16x1xi32>
      %gather3A_2330 = vector.shape_cast %broadcast_in_dim3A_2329 : vector<16x1xi32> to vector<16xi32>
      %gather3A_2331 = tpu.dynamic_gather %get3A_2328[%gather3A_2330] in [0] : vector<16xf32>, vector<16xi32> -> vector<16xf32>
      %max3A_2332 = arith.maximumf %get3A_2328, %gather3A_2331 : vector<16xf32>
      %select_n3A_2333 = arith.select %eq3A_2306, %max3A_2332, %get3A_2328 : vector<16xi1>, vector<16xf32>
      %broadcast_in_dim3A_2334 = vector.shape_cast %max3A_85 : vector<16xi32> to vector<16x1xi32>
      %gather3A_2335 = vector.shape_cast %broadcast_in_dim3A_2334 : vector<16x1xi32> to vector<16xi32>
      %gather3A_2336 = tpu.dynamic_gather %select_n3A_2333[%gather3A_2335] in [0] : vector<16xf32>, vector<16xi32> -> vector<16xf32>
      %max3A_2337 = arith.maximumf %select_n3A_2333, %gather3A_2336 : vector<16xf32>
      %select_n3A_2338 = arith.select %eq3A_2310, %max3A_2337, %select_n3A_2333 : vector<16xi1>, vector<16xf32>
      %broadcast_in_dim3A_2339 = vector.shape_cast %max3A_91 : vector<16xi32> to vector<16x1xi32>
      %gather3A_2340 = vector.shape_cast %broadcast_in_dim3A_2339 : vector<16x1xi32> to vector<16xi32>
      %gather3A_2341 = tpu.dynamic_gather %select_n3A_2338[%gather3A_2340] in [0] : vector<16xf32>, vector<16xi32> -> vector<16xf32>
      %max3A_2342 = arith.maximumf %select_n3A_2338, %gather3A_2341 : vector<16xf32>
      %select_n3A_2343 = arith.select %eq3A_2314, %max3A_2342, %select_n3A_2338 : vector<16xi1>, vector<16xf32>
      %broadcast_in_dim3A_2344 = vector.shape_cast %max3A_97 : vector<16xi32> to vector<16x1xi32>
      %gather3A_2345 = vector.shape_cast %broadcast_in_dim3A_2344 : vector<16x1xi32> to vector<16xi32>
      %gather3A_2346 = tpu.dynamic_gather %select_n3A_2343[%gather3A_2345] in [0] : vector<16xf32>, vector<16xi32> -> vector<16xf32>
      %max3A_2347 = arith.maximumf %select_n3A_2343, %gather3A_2346 : vector<16xf32>
      %select_n3A_2348 = arith.select %eq3A_2318, %max3A_2347, %select_n3A_2343 : vector<16xi1>, vector<16xf32>
      %add3A_2349 = arith.constant 0 : i32
      %add3A_2350 = vector.broadcast %add3A_2349 : i32 to vector<16xi32>
      %add3A_2351 = arith.addi %get3A_2302, %add3A_2350 : vector<16xi32>
      %gather3A_2352 = tpu.vector_load_idx %arg7[%add3A_2351] masked %or3A_2326 : memref<544xf32, #tpu.memory_space<vmem>>[vector<16xi32>], vector<16xf32>, vector<16xi1>
      %max3A_2353 = arith.maximumf %select_n3A_2348, %gather3A_2352 : vector<16xf32>
      tpu.vector_store_idx %arg7[%add3A_2351], %max3A_2353 masked %or3A_2326 : memref<544xf32, #tpu.memory_space<vmem>>[vector<16xi32>], vector<16xf32>, vector<16xi1>
      %get3A_2354 = arith.constant 576 : index
      %get3A_2355 = tpu.vector_load %arg5[%get3A_2354] {strides = array<i32>} : memref<1280xf32, #tpu.memory_space<vmem>>, vector<16xf32>,
      %broadcast_in_dim3A_2356 = vector.shape_cast %max3A_79 : vector<16xi32> to vector<16x1xi32>
      %gather3A_2357 = vector.shape_cast %broadcast_in_dim3A_2356 : vector<16x1xi32> to vector<16xi32>
      %gather3A_2358 = tpu.dynamic_gather %get3A_2355[%gather3A_2357] in [0] : vector<16xf32>, vector<16xi32> -> vector<16xf32>
      %max3A_2359 = arith.maximumf %get3A_2355, %gather3A_2358 : vector<16xf32>
      %select_n3A_2360 = arith.select %eq3A_2306, %max3A_2359, %get3A_2355 : vector<16xi1>, vector<16xf32>
      %broadcast_in_dim3A_2361 = vector.shape_cast %max3A_85 : vector<16xi32> to vector<16x1xi32>
      %gather3A_2362 = vector.shape_cast %broadcast_in_dim3A_2361 : vector<16x1xi32> to vector<16xi32>
      %gather3A_2363 = tpu.dynamic_gather %select_n3A_2360[%gather3A_2362] in [0] : vector<16xf32>, vector<16xi32> -> vector<16xf32>
      %max3A_2364 = arith.maximumf %select_n3A_2360, %gather3A_2363 : vector<16xf32>
      %select_n3A_2365 = arith.select %eq3A_2310, %max3A_2364, %select_n3A_2360 : vector<16xi1>, vector<16xf32>
      %broadcast_in_dim3A_2366 = vector.shape_cast %max3A_91 : vector<16xi32> to vector<16x1xi32>
      %gather3A_2367 = vector.shape_cast %broadcast_in_dim3A_2366 : vector<16x1xi32> to vector<16xi32>
      %gather3A_2368 = tpu.dynamic_gather %select_n3A_2365[%gather3A_2367] in [0] : vector<16xf32>, vector<16xi32> -> vector<16xf32>
      %max3A_2369 = arith.maximumf %select_n3A_2365, %gather3A_2368 : vector<16xf32>
      %select_n3A_2370 = arith.select %eq3A_2314, %max3A_2369, %select_n3A_2365 : vector<16xi1>, vector<16xf32>
      %broadcast_in_dim3A_2371 = vector.shape_cast %max3A_97 : vector<16xi32> to vector<16x1xi32>
      %gather3A_2372 = vector.shape_cast %broadcast_in_dim3A_2371 : vector<16x1xi32> to vector<16xi32>
      %gather3A_2373 = tpu.dynamic_gather %select_n3A_2370[%gather3A_2372] in [0] : vector<16xf32>, vector<16xi32> -> vector<16xf32>
      %max3A_2374 = arith.maximumf %select_n3A_2370, %gather3A_2373 : vector<16xf32>
      %select_n3A_2375 = arith.select %eq3A_2318, %max3A_2374, %select_n3A_2370 : vector<16xi1>, vector<16xf32>
      %add3A_2376 = arith.constant 136 : i32
      %add3A_2377 = vector.broadcast %add3A_2376 : i32 to vector<16xi32>
      %add3A_2378 = arith.addi %get3A_2302, %add3A_2377 : vector<16xi32>
      %gather3A_2379 = tpu.vector_load_idx %arg7[%add3A_2378] masked %or3A_2326 : memref<544xf32, #tpu.memory_space<vmem>>[vector<16xi32>], vector<16xf32>, vector<16xi1>
      %max3A_2380 = arith.maximumf %select_n3A_2375, %gather3A_2379 : vector<16xf32>
      tpu.vector_store_idx %arg7[%add3A_2378], %max3A_2380 masked %or3A_2326 : memref<544xf32, #tpu.memory_space<vmem>>[vector<16xi32>], vector<16xf32>, vector<16xi1>
      %get3A_2381 = arith.constant 896 : index
      %get3A_2382 = tpu.vector_load %arg5[%get3A_2381] {strides = array<i32>} : memref<1280xf32, #tpu.memory_space<vmem>>, vector<16xf32>,
      %broadcast_in_dim3A_2383 = vector.shape_cast %max3A_79 : vector<16xi32> to vector<16x1xi32>
      %gather3A_2384 = vector.shape_cast %broadcast_in_dim3A_2383 : vector<16x1xi32> to vector<16xi32>
      %gather3A_2385 = tpu.dynamic_gather %get3A_2382[%gather3A_2384] in [0] : vector<16xf32>, vector<16xi32> -> vector<16xf32>
      %max3A_2386 = arith.maximumf %get3A_2382, %gather3A_2385 : vector<16xf32>
      %select_n3A_2387 = arith.select %eq3A_2306, %max3A_2386, %get3A_2382 : vector<16xi1>, vector<16xf32>
      %broadcast_in_dim3A_2388 = vector.shape_cast %max3A_85 : vector<16xi32> to vector<16x1xi32>
      %gather3A_2389 = vector.shape_cast %broadcast_in_dim3A_2388 : vector<16x1xi32> to vector<16xi32>
      %gather3A_2390 = tpu.dynamic_gather %select_n3A_2387[%gather3A_2389] in [0] : vector<16xf32>, vector<16xi32> -> vector<16xf32>
      %max3A_2391 = arith.maximumf %select_n3A_2387, %gather3A_2390 : vector<16xf32>
      %select_n3A_2392 = arith.select %eq3A_2310, %max3A_2391, %select_n3A_2387 : vector<16xi1>, vector<16xf32>
      %broadcast_in_dim3A_2393 = vector.shape_cast %max3A_91 : vector<16xi32> to vector<16x1xi32>
      %gather3A_2394 = vector.shape_cast %broadcast_in_dim3A_2393 : vector<16x1xi32> to vector<16xi32>
      %gather3A_2395 = tpu.dynamic_gather %select_n3A_2392[%gather3A_2394] in [0] : vector<16xf32>, vector<16xi32> -> vector<16xf32>
      %max3A_2396 = arith.maximumf %select_n3A_2392, %gather3A_2395 : vector<16xf32>
      %select_n3A_2397 = arith.select %eq3A_2314, %max3A_2396, %select_n3A_2392 : vector<16xi1>, vector<16xf32>
      %broadcast_in_dim3A_2398 = vector.shape_cast %max3A_97 : vector<16xi32> to vector<16x1xi32>
      %gather3A_2399 = vector.shape_cast %broadcast_in_dim3A_2398 : vector<16x1xi32> to vector<16xi32>
      %gather3A_2400 = tpu.dynamic_gather %select_n3A_2397[%gather3A_2399] in [0] : vector<16xf32>, vector<16xi32> -> vector<16xf32>
      %max3A_2401 = arith.maximumf %select_n3A_2397, %gather3A_2400 : vector<16xf32>
      %select_n3A_2402 = arith.select %eq3A_2318, %max3A_2401, %select_n3A_2397 : vector<16xi1>, vector<16xf32>
      %add3A_2403 = arith.constant 272 : i32
      %add3A_2404 = vector.broadcast %add3A_2403 : i32 to vector<16xi32>
      %add3A_2405 = arith.addi %get3A_2302, %add3A_2404 : vector<16xi32>
      %gather3A_2406 = tpu.vector_load_idx %arg7[%add3A_2405] masked %or3A_2326 : memref<544xf32, #tpu.memory_space<vmem>>[vector<16xi32>], vector<16xf32>, vector<16xi1>
      %max3A_2407 = arith.maximumf %select_n3A_2402, %gather3A_2406 : vector<16xf32>
      tpu.vector_store_idx %arg7[%add3A_2405], %max3A_2407 masked %or3A_2326 : memref<544xf32, #tpu.memory_space<vmem>>[vector<16xi32>], vector<16xf32>, vector<16xi1>
      %get3A_2408 = arith.constant 1216 : index
      %get3A_2409 = tpu.vector_load %arg5[%get3A_2408] {strides = array<i32>} : memref<1280xf32, #tpu.memory_space<vmem>>, vector<16xf32>,
      %broadcast_in_dim3A_2410 = vector.shape_cast %max3A_79 : vector<16xi32> to vector<16x1xi32>
      %gather3A_2411 = vector.shape_cast %broadcast_in_dim3A_2410 : vector<16x1xi32> to vector<16xi32>
      %gather3A_2412 = tpu.dynamic_gather %get3A_2409[%gather3A_2411] in [0] : vector<16xf32>, vector<16xi32> -> vector<16xf32>
      %max3A_2413 = arith.maximumf %get3A_2409, %gather3A_2412 : vector<16xf32>
      %select_n3A_2414 = arith.select %eq3A_2306, %max3A_2413, %get3A_2409 : vector<16xi1>, vector<16xf32>
      %broadcast_in_dim3A_2415 = vector.shape_cast %max3A_85 : vector<16xi32> to vector<16x1xi32>
      %gather3A_2416 = vector.shape_cast %broadcast_in_dim3A_2415 : vector<16x1xi32> to vector<16xi32>
      %gather3A_2417 = tpu.dynamic_gather %select_n3A_2414[%gather3A_2416] in [0] : vector<16xf32>, vector<16xi32> -> vector<16xf32>
      %max3A_2418 = arith.maximumf %select_n3A_2414, %gather3A_2417 : vector<16xf32>
      %select_n3A_2419 = arith.select %eq3A_2310, %max3A_2418, %select_n3A_2414 : vector<16xi1>, vector<16xf32>
      %broadcast_in_dim3A_2420 = vector.shape_cast %max3A_91 : vector<16xi32> to vector<16x1xi32>
      %gather3A_2421 = vector.shape_cast %broadcast_in_dim3A_2420 : vector<16x1xi32> to vector<16xi32>
      %gather3A_2422 = tpu.dynamic_gather %select_n3A_2419[%gather3A_2421] in [0] : vector<16xf32>, vector<16xi32> -> vector<16xf32>
      %max3A_2423 = arith.maximumf %select_n3A_2419, %gather3A_2422 : vector<16xf32>
      %select_n3A_2424 = arith.select %eq3A_2314, %max3A_2423, %select_n3A_2419 : vector<16xi1>, vector<16xf32>
      %broadcast_in_dim3A_2425 = vector.shape_cast %max3A_97 : vector<16xi32> to vector<16x1xi32>
      %gather3A_2426 = vector.shape_cast %broadcast_in_dim3A_2425 : vector<16x1xi32> to vector<16xi32>
      %gather3A_2427 = tpu.dynamic_gather %select_n3A_2424[%gather3A_2426] in [0] : vector<16xf32>, vector<16xi32> -> vector<16xf32>
      %max3A_2428 = arith.maximumf %select_n3A_2424, %gather3A_2427 : vector<16xf32>
      %select_n3A_2429 = arith.select %eq3A_2318, %max3A_2428, %select_n3A_2424 : vector<16xi1>, vector<16xf32>
      %add3A_2430 = arith.constant 408 : i32
      %add3A_2431 = vector.broadcast %add3A_2430 : i32 to vector<16xi32>
      %add3A_2432 = arith.addi %get3A_2302, %add3A_2431 : vector<16xi32>
      %gather3A_2433 = tpu.vector_load_idx %arg7[%add3A_2432] masked %or3A_2326 : memref<544xf32, #tpu.memory_space<vmem>>[vector<16xi32>], vector<16xf32>, vector<16xi1>
      %max3A_2434 = arith.maximumf %select_n3A_2429, %gather3A_2433 : vector<16xf32>
      tpu.vector_store_idx %arg7[%add3A_2432], %max3A_2434 masked %or3A_2326 : memref<544xf32, #tpu.memory_space<vmem>>[vector<16xi32>], vector<16xf32>, vector<16xi1>
      %get3A_2435 = arith.constant 272 : index
      %get3A_2436 = tpu.vector_load %arg6[%get3A_2435] {strides = array<i32>} : memref<320xi32, #tpu.memory_space<vmem>>, vector<16xi32>,
      %broadcast_in_dim3A_2437 = vector.shape_cast %max3A_79 : vector<16xi32> to vector<16x1xi32>
      %gather3A_2438 = vector.shape_cast %broadcast_in_dim3A_2437 : vector<16x1xi32> to vector<16xi32>
      %gather3A_2439 = tpu.dynamic_gather %get3A_2436[%gather3A_2438] in [0] : vector<16xi32>, vector<16xi32> -> vector<16xi32>
      %eq3A_2440 = arith.cmpi eq, %get3A_2436, %gather3A_2439 : vector<16xi32>
      %broadcast_in_dim3A_2441 = vector.shape_cast %max3A_85 : vector<16xi32> to vector<16x1xi32>
      %gather3A_2442 = vector.shape_cast %broadcast_in_dim3A_2441 : vector<16x1xi32> to vector<16xi32>
      %gather3A_2443 = tpu.dynamic_gather %get3A_2436[%gather3A_2442] in [0] : vector<16xi32>, vector<16xi32> -> vector<16xi32>
      %eq3A_2444 = arith.cmpi eq, %get3A_2436, %gather3A_2443 : vector<16xi32>
      %broadcast_in_dim3A_2445 = vector.shape_cast %max3A_91 : vector<16xi32> to vector<16x1xi32>
      %gather3A_2446 = vector.shape_cast %broadcast_in_dim3A_2445 : vector<16x1xi32> to vector<16xi32>
      %gather3A_2447 = tpu.dynamic_gather %get3A_2436[%gather3A_2446] in [0] : vector<16xi32>, vector<16xi32> -> vector<16xi32>
      %eq3A_2448 = arith.cmpi eq, %get3A_2436, %gather3A_2447 : vector<16xi32>
      %broadcast_in_dim3A_2449 = vector.shape_cast %max3A_97 : vector<16xi32> to vector<16x1xi32>
      %gather3A_2450 = vector.shape_cast %broadcast_in_dim3A_2449 : vector<16x1xi32> to vector<16xi32>
      %gather3A_2451 = tpu.dynamic_gather %get3A_2436[%gather3A_2450] in [0] : vector<16xi32>, vector<16xi32> -> vector<16xi32>
      %eq3A_2452 = arith.cmpi eq, %get3A_2436, %gather3A_2451 : vector<16xi32>
      %broadcast_in_dim3A_2453 = vector.shape_cast %min3A_75 : vector<16xi32> to vector<16x1xi32>
      %gather3A_2454 = vector.shape_cast %broadcast_in_dim3A_2453 : vector<16x1xi32> to vector<16xi32>
      %gather3A_2455 = tpu.dynamic_gather %get3A_2436[%gather3A_2454] in [0] : vector<16xi32>, vector<16xi32> -> vector<16xi32>
      %ne3A_2456 = arith.cmpi ne, %get3A_2436, %gather3A_2455 : vector<16xi32>
      %eq3A_2457 = arith.constant 15 : i32
      %eq3A_2458 = vector.broadcast %eq3A_2457 : i32 to vector<16xi32>
      %eq3A_2459 = arith.cmpi eq, %iota3A, %eq3A_2458 : vector<16xi32>
      %or3A_2460 = arith.ori %ne3A_2456, %eq3A_2459 : vector<16xi1>
      %get3A_2461 = arith.constant 272 : index
      %get3A_2462 = tpu.vector_load %arg5[%get3A_2461] {strides = array<i32>} : memref<1280xf32, #tpu.memory_space<vmem>>, vector<16xf32>,
      %broadcast_in_dim3A_2463 = vector.shape_cast %max3A_79 : vector<16xi32> to vector<16x1xi32>
      %gather3A_2464 = vector.shape_cast %broadcast_in_dim3A_2463 : vector<16x1xi32> to vector<16xi32>
      %gather3A_2465 = tpu.dynamic_gather %get3A_2462[%gather3A_2464] in [0] : vector<16xf32>, vector<16xi32> -> vector<16xf32>
      %max3A_2466 = arith.maximumf %get3A_2462, %gather3A_2465 : vector<16xf32>
      %select_n3A_2467 = arith.select %eq3A_2440, %max3A_2466, %get3A_2462 : vector<16xi1>, vector<16xf32>
      %broadcast_in_dim3A_2468 = vector.shape_cast %max3A_85 : vector<16xi32> to vector<16x1xi32>
      %gather3A_2469 = vector.shape_cast %broadcast_in_dim3A_2468 : vector<16x1xi32> to vector<16xi32>
      %gather3A_2470 = tpu.dynamic_gather %select_n3A_2467[%gather3A_2469] in [0] : vector<16xf32>, vector<16xi32> -> vector<16xf32>
      %max3A_2471 = arith.maximumf %select_n3A_2467, %gather3A_2470 : vector<16xf32>
      %select_n3A_2472 = arith.select %eq3A_2444, %max3A_2471, %select_n3A_2467 : vector<16xi1>, vector<16xf32>
      %broadcast_in_dim3A_2473 = vector.shape_cast %max3A_91 : vector<16xi32> to vector<16x1xi32>
      %gather3A_2474 = vector.shape_cast %broadcast_in_dim3A_2473 : vector<16x1xi32> to vector<16xi32>
      %gather3A_2475 = tpu.dynamic_gather %select_n3A_2472[%gather3A_2474] in [0] : vector<16xf32>, vector<16xi32> -> vector<16xf32>
      %max3A_2476 = arith.maximumf %select_n3A_2472, %gather3A_2475 : vector<16xf32>
      %select_n3A_2477 = arith.select %eq3A_2448, %max3A_2476, %select_n3A_2472 : vector<16xi1>, vector<16xf32>
      %broadcast_in_dim3A_2478 = vector.shape_cast %max3A_97 : vector<16xi32> to vector<16x1xi32>
      %gather3A_2479 = vector.shape_cast %broadcast_in_dim3A_2478 : vector<16x1xi32> to vector<16xi32>
      %gather3A_2480 = tpu.dynamic_gather %select_n3A_2477[%gather3A_2479] in [0] : vector<16xf32>, vector<16xi32> -> vector<16xf32>
      %max3A_2481 = arith.maximumf %select_n3A_2477, %gather3A_2480 : vector<16xf32>
      %select_n3A_2482 = arith.select %eq3A_2452, %max3A_2481, %select_n3A_2477 : vector<16xi1>, vector<16xf32>
      %add3A_2483 = arith.constant 0 : i32
      %add3A_2484 = vector.broadcast %add3A_2483 : i32 to vector<16xi32>
      %add3A_2485 = arith.addi %get3A_2436, %add3A_2484 : vector<16xi32>
      %gather3A_2486 = tpu.vector_load_idx %arg7[%add3A_2485] masked %or3A_2460 : memref<544xf32, #tpu.memory_space<vmem>>[vector<16xi32>], vector<16xf32>, vector<16xi1>
      %max3A_2487 = arith.maximumf %select_n3A_2482, %gather3A_2486 : vector<16xf32>
      tpu.vector_store_idx %arg7[%add3A_2485], %max3A_2487 masked %or3A_2460 : memref<544xf32, #tpu.memory_space<vmem>>[vector<16xi32>], vector<16xf32>, vector<16xi1>
      %get3A_2488 = arith.constant 592 : index
      %get3A_2489 = tpu.vector_load %arg5[%get3A_2488] {strides = array<i32>} : memref<1280xf32, #tpu.memory_space<vmem>>, vector<16xf32>,
      %broadcast_in_dim3A_2490 = vector.shape_cast %max3A_79 : vector<16xi32> to vector<16x1xi32>
      %gather3A_2491 = vector.shape_cast %broadcast_in_dim3A_2490 : vector<16x1xi32> to vector<16xi32>
      %gather3A_2492 = tpu.dynamic_gather %get3A_2489[%gather3A_2491] in [0] : vector<16xf32>, vector<16xi32> -> vector<16xf32>
      %max3A_2493 = arith.maximumf %get3A_2489, %gather3A_2492 : vector<16xf32>
      %select_n3A_2494 = arith.select %eq3A_2440, %max3A_2493, %get3A_2489 : vector<16xi1>, vector<16xf32>
      %broadcast_in_dim3A_2495 = vector.shape_cast %max3A_85 : vector<16xi32> to vector<16x1xi32>
      %gather3A_2496 = vector.shape_cast %broadcast_in_dim3A_2495 : vector<16x1xi32> to vector<16xi32>
      %gather3A_2497 = tpu.dynamic_gather %select_n3A_2494[%gather3A_2496] in [0] : vector<16xf32>, vector<16xi32> -> vector<16xf32>
      %max3A_2498 = arith.maximumf %select_n3A_2494, %gather3A_2497 : vector<16xf32>
      %select_n3A_2499 = arith.select %eq3A_2444, %max3A_2498, %select_n3A_2494 : vector<16xi1>, vector<16xf32>
      %broadcast_in_dim3A_2500 = vector.shape_cast %max3A_91 : vector<16xi32> to vector<16x1xi32>
      %gather3A_2501 = vector.shape_cast %broadcast_in_dim3A_2500 : vector<16x1xi32> to vector<16xi32>
      %gather3A_2502 = tpu.dynamic_gather %select_n3A_2499[%gather3A_2501] in [0] : vector<16xf32>, vector<16xi32> -> vector<16xf32>
      %max3A_2503 = arith.maximumf %select_n3A_2499, %gather3A_2502 : vector<16xf32>
      %select_n3A_2504 = arith.select %eq3A_2448, %max3A_2503, %select_n3A_2499 : vector<16xi1>, vector<16xf32>
      %broadcast_in_dim3A_2505 = vector.shape_cast %max3A_97 : vector<16xi32> to vector<16x1xi32>
      %gather3A_2506 = vector.shape_cast %broadcast_in_dim3A_2505 : vector<16x1xi32> to vector<16xi32>
      %gather3A_2507 = tpu.dynamic_gather %select_n3A_2504[%gather3A_2506] in [0] : vector<16xf32>, vector<16xi32> -> vector<16xf32>
      %max3A_2508 = arith.maximumf %select_n3A_2504, %gather3A_2507 : vector<16xf32>
      %select_n3A_2509 = arith.select %eq3A_2452, %max3A_2508, %select_n3A_2504 : vector<16xi1>, vector<16xf32>
      %add3A_2510 = arith.constant 136 : i32
      %add3A_2511 = vector.broadcast %add3A_2510 : i32 to vector<16xi32>
      %add3A_2512 = arith.addi %get3A_2436, %add3A_2511 : vector<16xi32>
      %gather3A_2513 = tpu.vector_load_idx %arg7[%add3A_2512] masked %or3A_2460 : memref<544xf32, #tpu.memory_space<vmem>>[vector<16xi32>], vector<16xf32>, vector<16xi1>
      %max3A_2514 = arith.maximumf %select_n3A_2509, %gather3A_2513 : vector<16xf32>
      tpu.vector_store_idx %arg7[%add3A_2512], %max3A_2514 masked %or3A_2460 : memref<544xf32, #tpu.memory_space<vmem>>[vector<16xi32>], vector<16xf32>, vector<16xi1>
      %get3A_2515 = arith.constant 912 : index
      %get3A_2516 = tpu.vector_load %arg5[%get3A_2515] {strides = array<i32>} : memref<1280xf32, #tpu.memory_space<vmem>>, vector<16xf32>,
      %broadcast_in_dim3A_2517 = vector.shape_cast %max3A_79 : vector<16xi32> to vector<16x1xi32>
      %gather3A_2518 = vector.shape_cast %broadcast_in_dim3A_2517 : vector<16x1xi32> to vector<16xi32>
      %gather3A_2519 = tpu.dynamic_gather %get3A_2516[%gather3A_2518] in [0] : vector<16xf32>, vector<16xi32> -> vector<16xf32>
      %max3A_2520 = arith.maximumf %get3A_2516, %gather3A_2519 : vector<16xf32>
      %select_n3A_2521 = arith.select %eq3A_2440, %max3A_2520, %get3A_2516 : vector<16xi1>, vector<16xf32>
      %broadcast_in_dim3A_2522 = vector.shape_cast %max3A_85 : vector<16xi32> to vector<16x1xi32>
      %gather3A_2523 = vector.shape_cast %broadcast_in_dim3A_2522 : vector<16x1xi32> to vector<16xi32>
      %gather3A_2524 = tpu.dynamic_gather %select_n3A_2521[%gather3A_2523] in [0] : vector<16xf32>, vector<16xi32> -> vector<16xf32>
      %max3A_2525 = arith.maximumf %select_n3A_2521, %gather3A_2524 : vector<16xf32>
      %select_n3A_2526 = arith.select %eq3A_2444, %max3A_2525, %select_n3A_2521 : vector<16xi1>, vector<16xf32>
      %broadcast_in_dim3A_2527 = vector.shape_cast %max3A_91 : vector<16xi32> to vector<16x1xi32>
      %gather3A_2528 = vector.shape_cast %broadcast_in_dim3A_2527 : vector<16x1xi32> to vector<16xi32>
      %gather3A_2529 = tpu.dynamic_gather %select_n3A_2526[%gather3A_2528] in [0] : vector<16xf32>, vector<16xi32> -> vector<16xf32>
      %max3A_2530 = arith.maximumf %select_n3A_2526, %gather3A_2529 : vector<16xf32>
      %select_n3A_2531 = arith.select %eq3A_2448, %max3A_2530, %select_n3A_2526 : vector<16xi1>, vector<16xf32>
      %broadcast_in_dim3A_2532 = vector.shape_cast %max3A_97 : vector<16xi32> to vector<16x1xi32>
      %gather3A_2533 = vector.shape_cast %broadcast_in_dim3A_2532 : vector<16x1xi32> to vector<16xi32>
      %gather3A_2534 = tpu.dynamic_gather %select_n3A_2531[%gather3A_2533] in [0] : vector<16xf32>, vector<16xi32> -> vector<16xf32>
      %max3A_2535 = arith.maximumf %select_n3A_2531, %gather3A_2534 : vector<16xf32>
      %select_n3A_2536 = arith.select %eq3A_2452, %max3A_2535, %select_n3A_2531 : vector<16xi1>, vector<16xf32>
      %add3A_2537 = arith.constant 272 : i32
      %add3A_2538 = vector.broadcast %add3A_2537 : i32 to vector<16xi32>
      %add3A_2539 = arith.addi %get3A_2436, %add3A_2538 : vector<16xi32>
      %gather3A_2540 = tpu.vector_load_idx %arg7[%add3A_2539] masked %or3A_2460 : memref<544xf32, #tpu.memory_space<vmem>>[vector<16xi32>], vector<16xf32>, vector<16xi1>
      %max3A_2541 = arith.maximumf %select_n3A_2536, %gather3A_2540 : vector<16xf32>
      tpu.vector_store_idx %arg7[%add3A_2539], %max3A_2541 masked %or3A_2460 : memref<544xf32, #tpu.memory_space<vmem>>[vector<16xi32>], vector<16xf32>, vector<16xi1>
      %get3A_2542 = arith.constant 1232 : index
      %get3A_2543 = tpu.vector_load %arg5[%get3A_2542] {strides = array<i32>} : memref<1280xf32, #tpu.memory_space<vmem>>, vector<16xf32>,
      %broadcast_in_dim3A_2544 = vector.shape_cast %max3A_79 : vector<16xi32> to vector<16x1xi32>
      %gather3A_2545 = vector.shape_cast %broadcast_in_dim3A_2544 : vector<16x1xi32> to vector<16xi32>
      %gather3A_2546 = tpu.dynamic_gather %get3A_2543[%gather3A_2545] in [0] : vector<16xf32>, vector<16xi32> -> vector<16xf32>
      %max3A_2547 = arith.maximumf %get3A_2543, %gather3A_2546 : vector<16xf32>
      %select_n3A_2548 = arith.select %eq3A_2440, %max3A_2547, %get3A_2543 : vector<16xi1>, vector<16xf32>
      %broadcast_in_dim3A_2549 = vector.shape_cast %max3A_85 : vector<16xi32> to vector<16x1xi32>
      %gather3A_2550 = vector.shape_cast %broadcast_in_dim3A_2549 : vector<16x1xi32> to vector<16xi32>
      %gather3A_2551 = tpu.dynamic_gather %select_n3A_2548[%gather3A_2550] in [0] : vector<16xf32>, vector<16xi32> -> vector<16xf32>
      %max3A_2552 = arith.maximumf %select_n3A_2548, %gather3A_2551 : vector<16xf32>
      %select_n3A_2553 = arith.select %eq3A_2444, %max3A_2552, %select_n3A_2548 : vector<16xi1>, vector<16xf32>
      %broadcast_in_dim3A_2554 = vector.shape_cast %max3A_91 : vector<16xi32> to vector<16x1xi32>
      %gather3A_2555 = vector.shape_cast %broadcast_in_dim3A_2554 : vector<16x1xi32> to vector<16xi32>
      %gather3A_2556 = tpu.dynamic_gather %select_n3A_2553[%gather3A_2555] in [0] : vector<16xf32>, vector<16xi32> -> vector<16xf32>
      %max3A_2557 = arith.maximumf %select_n3A_2553, %gather3A_2556 : vector<16xf32>
      %select_n3A_2558 = arith.select %eq3A_2448, %max3A_2557, %select_n3A_2553 : vector<16xi1>, vector<16xf32>
      %broadcast_in_dim3A_2559 = vector.shape_cast %max3A_97 : vector<16xi32> to vector<16x1xi32>
      %gather3A_2560 = vector.shape_cast %broadcast_in_dim3A_2559 : vector<16x1xi32> to vector<16xi32>
      %gather3A_2561 = tpu.dynamic_gather %select_n3A_2558[%gather3A_2560] in [0] : vector<16xf32>, vector<16xi32> -> vector<16xf32>
      %max3A_2562 = arith.maximumf %select_n3A_2558, %gather3A_2561 : vector<16xf32>
      %select_n3A_2563 = arith.select %eq3A_2452, %max3A_2562, %select_n3A_2558 : vector<16xi1>, vector<16xf32>
      %add3A_2564 = arith.constant 408 : i32
      %add3A_2565 = vector.broadcast %add3A_2564 : i32 to vector<16xi32>
      %add3A_2566 = arith.addi %get3A_2436, %add3A_2565 : vector<16xi32>
      %gather3A_2567 = tpu.vector_load_idx %arg7[%add3A_2566] masked %or3A_2460 : memref<544xf32, #tpu.memory_space<vmem>>[vector<16xi32>], vector<16xf32>, vector<16xi1>
      %max3A_2568 = arith.maximumf %select_n3A_2563, %gather3A_2567 : vector<16xf32>
      tpu.vector_store_idx %arg7[%add3A_2566], %max3A_2568 masked %or3A_2460 : memref<544xf32, #tpu.memory_space<vmem>>[vector<16xi32>], vector<16xf32>, vector<16xi1>
      %get3A_2569 = arith.constant 288 : index
      %get3A_2570 = tpu.vector_load %arg6[%get3A_2569] {strides = array<i32>} : memref<320xi32, #tpu.memory_space<vmem>>, vector<16xi32>,
      %broadcast_in_dim3A_2571 = vector.shape_cast %max3A_79 : vector<16xi32> to vector<16x1xi32>
      %gather3A_2572 = vector.shape_cast %broadcast_in_dim3A_2571 : vector<16x1xi32> to vector<16xi32>
      %gather3A_2573 = tpu.dynamic_gather %get3A_2570[%gather3A_2572] in [0] : vector<16xi32>, vector<16xi32> -> vector<16xi32>
      %eq3A_2574 = arith.cmpi eq, %get3A_2570, %gather3A_2573 : vector<16xi32>
      %broadcast_in_dim3A_2575 = vector.shape_cast %max3A_85 : vector<16xi32> to vector<16x1xi32>
      %gather3A_2576 = vector.shape_cast %broadcast_in_dim3A_2575 : vector<16x1xi32> to vector<16xi32>
      %gather3A_2577 = tpu.dynamic_gather %get3A_2570[%gather3A_2576] in [0] : vector<16xi32>, vector<16xi32> -> vector<16xi32>
      %eq3A_2578 = arith.cmpi eq, %get3A_2570, %gather3A_2577 : vector<16xi32>
      %broadcast_in_dim3A_2579 = vector.shape_cast %max3A_91 : vector<16xi32> to vector<16x1xi32>
      %gather3A_2580 = vector.shape_cast %broadcast_in_dim3A_2579 : vector<16x1xi32> to vector<16xi32>
      %gather3A_2581 = tpu.dynamic_gather %get3A_2570[%gather3A_2580] in [0] : vector<16xi32>, vector<16xi32> -> vector<16xi32>
      %eq3A_2582 = arith.cmpi eq, %get3A_2570, %gather3A_2581 : vector<16xi32>
      %broadcast_in_dim3A_2583 = vector.shape_cast %max3A_97 : vector<16xi32> to vector<16x1xi32>
      %gather3A_2584 = vector.shape_cast %broadcast_in_dim3A_2583 : vector<16x1xi32> to vector<16xi32>
      %gather3A_2585 = tpu.dynamic_gather %get3A_2570[%gather3A_2584] in [0] : vector<16xi32>, vector<16xi32> -> vector<16xi32>
      %eq3A_2586 = arith.cmpi eq, %get3A_2570, %gather3A_2585 : vector<16xi32>
      %broadcast_in_dim3A_2587 = vector.shape_cast %min3A_75 : vector<16xi32> to vector<16x1xi32>
      %gather3A_2588 = vector.shape_cast %broadcast_in_dim3A_2587 : vector<16x1xi32> to vector<16xi32>
      %gather3A_2589 = tpu.dynamic_gather %get3A_2570[%gather3A_2588] in [0] : vector<16xi32>, vector<16xi32> -> vector<16xi32>
      %ne3A_2590 = arith.cmpi ne, %get3A_2570, %gather3A_2589 : vector<16xi32>
      %eq3A_2591 = arith.constant 15 : i32
      %eq3A_2592 = vector.broadcast %eq3A_2591 : i32 to vector<16xi32>
      %eq3A_2593 = arith.cmpi eq, %iota3A, %eq3A_2592 : vector<16xi32>
      %or3A_2594 = arith.ori %ne3A_2590, %eq3A_2593 : vector<16xi1>
      %get3A_2595 = arith.constant 288 : index
      %get3A_2596 = tpu.vector_load %arg5[%get3A_2595] {strides = array<i32>} : memref<1280xf32, #tpu.memory_space<vmem>>, vector<16xf32>,
      %broadcast_in_dim3A_2597 = vector.shape_cast %max3A_79 : vector<16xi32> to vector<16x1xi32>
      %gather3A_2598 = vector.shape_cast %broadcast_in_dim3A_2597 : vector<16x1xi32> to vector<16xi32>
      %gather3A_2599 = tpu.dynamic_gather %get3A_2596[%gather3A_2598] in [0] : vector<16xf32>, vector<16xi32> -> vector<16xf32>
      %max3A_2600 = arith.maximumf %get3A_2596, %gather3A_2599 : vector<16xf32>
      %select_n3A_2601 = arith.select %eq3A_2574, %max3A_2600, %get3A_2596 : vector<16xi1>, vector<16xf32>
      %broadcast_in_dim3A_2602 = vector.shape_cast %max3A_85 : vector<16xi32> to vector<16x1xi32>
      %gather3A_2603 = vector.shape_cast %broadcast_in_dim3A_2602 : vector<16x1xi32> to vector<16xi32>
      %gather3A_2604 = tpu.dynamic_gather %select_n3A_2601[%gather3A_2603] in [0] : vector<16xf32>, vector<16xi32> -> vector<16xf32>
      %max3A_2605 = arith.maximumf %select_n3A_2601, %gather3A_2604 : vector<16xf32>
      %select_n3A_2606 = arith.select %eq3A_2578, %max3A_2605, %select_n3A_2601 : vector<16xi1>, vector<16xf32>
      %broadcast_in_dim3A_2607 = vector.shape_cast %max3A_91 : vector<16xi32> to vector<16x1xi32>
      %gather3A_2608 = vector.shape_cast %broadcast_in_dim3A_2607 : vector<16x1xi32> to vector<16xi32>
      %gather3A_2609 = tpu.dynamic_gather %select_n3A_2606[%gather3A_2608] in [0] : vector<16xf32>, vector<16xi32> -> vector<16xf32>
      %max3A_2610 = arith.maximumf %select_n3A_2606, %gather3A_2609 : vector<16xf32>
      %select_n3A_2611 = arith.select %eq3A_2582, %max3A_2610, %select_n3A_2606 : vector<16xi1>, vector<16xf32>
      %broadcast_in_dim3A_2612 = vector.shape_cast %max3A_97 : vector<16xi32> to vector<16x1xi32>
      %gather3A_2613 = vector.shape_cast %broadcast_in_dim3A_2612 : vector<16x1xi32> to vector<16xi32>
      %gather3A_2614 = tpu.dynamic_gather %select_n3A_2611[%gather3A_2613] in [0] : vector<16xf32>, vector<16xi32> -> vector<16xf32>
      %max3A_2615 = arith.maximumf %select_n3A_2611, %gather3A_2614 : vector<16xf32>
      %select_n3A_2616 = arith.select %eq3A_2586, %max3A_2615, %select_n3A_2611 : vector<16xi1>, vector<16xf32>
      %add3A_2617 = arith.constant 0 : i32
      %add3A_2618 = vector.broadcast %add3A_2617 : i32 to vector<16xi32>
      %add3A_2619 = arith.addi %get3A_2570, %add3A_2618 : vector<16xi32>
      %gather3A_2620 = tpu.vector_load_idx %arg7[%add3A_2619] masked %or3A_2594 : memref<544xf32, #tpu.memory_space<vmem>>[vector<16xi32>], vector<16xf32>, vector<16xi1>
      %max3A_2621 = arith.maximumf %select_n3A_2616, %gather3A_2620 : vector<16xf32>
      tpu.vector_store_idx %arg7[%add3A_2619], %max3A_2621 masked %or3A_2594 : memref<544xf32, #tpu.memory_space<vmem>>[vector<16xi32>], vector<16xf32>, vector<16xi1>
      %get3A_2622 = arith.constant 608 : index
      %get3A_2623 = tpu.vector_load %arg5[%get3A_2622] {strides = array<i32>} : memref<1280xf32, #tpu.memory_space<vmem>>, vector<16xf32>,
      %broadcast_in_dim3A_2624 = vector.shape_cast %max3A_79 : vector<16xi32> to vector<16x1xi32>
      %gather3A_2625 = vector.shape_cast %broadcast_in_dim3A_2624 : vector<16x1xi32> to vector<16xi32>
      %gather3A_2626 = tpu.dynamic_gather %get3A_2623[%gather3A_2625] in [0] : vector<16xf32>, vector<16xi32> -> vector<16xf32>
      %max3A_2627 = arith.maximumf %get3A_2623, %gather3A_2626 : vector<16xf32>
      %select_n3A_2628 = arith.select %eq3A_2574, %max3A_2627, %get3A_2623 : vector<16xi1>, vector<16xf32>
      %broadcast_in_dim3A_2629 = vector.shape_cast %max3A_85 : vector<16xi32> to vector<16x1xi32>
      %gather3A_2630 = vector.shape_cast %broadcast_in_dim3A_2629 : vector<16x1xi32> to vector<16xi32>
      %gather3A_2631 = tpu.dynamic_gather %select_n3A_2628[%gather3A_2630] in [0] : vector<16xf32>, vector<16xi32> -> vector<16xf32>
      %max3A_2632 = arith.maximumf %select_n3A_2628, %gather3A_2631 : vector<16xf32>
      %select_n3A_2633 = arith.select %eq3A_2578, %max3A_2632, %select_n3A_2628 : vector<16xi1>, vector<16xf32>
      %broadcast_in_dim3A_2634 = vector.shape_cast %max3A_91 : vector<16xi32> to vector<16x1xi32>
      %gather3A_2635 = vector.shape_cast %broadcast_in_dim3A_2634 : vector<16x1xi32> to vector<16xi32>
      %gather3A_2636 = tpu.dynamic_gather %select_n3A_2633[%gather3A_2635] in [0] : vector<16xf32>, vector<16xi32> -> vector<16xf32>
      %max3A_2637 = arith.maximumf %select_n3A_2633, %gather3A_2636 : vector<16xf32>
      %select_n3A_2638 = arith.select %eq3A_2582, %max3A_2637, %select_n3A_2633 : vector<16xi1>, vector<16xf32>
      %broadcast_in_dim3A_2639 = vector.shape_cast %max3A_97 : vector<16xi32> to vector<16x1xi32>
      %gather3A_2640 = vector.shape_cast %broadcast_in_dim3A_2639 : vector<16x1xi32> to vector<16xi32>
      %gather3A_2641 = tpu.dynamic_gather %select_n3A_2638[%gather3A_2640] in [0] : vector<16xf32>, vector<16xi32> -> vector<16xf32>
      %max3A_2642 = arith.maximumf %select_n3A_2638, %gather3A_2641 : vector<16xf32>
      %select_n3A_2643 = arith.select %eq3A_2586, %max3A_2642, %select_n3A_2638 : vector<16xi1>, vector<16xf32>
      %add3A_2644 = arith.constant 136 : i32
      %add3A_2645 = vector.broadcast %add3A_2644 : i32 to vector<16xi32>
      %add3A_2646 = arith.addi %get3A_2570, %add3A_2645 : vector<16xi32>
      %gather3A_2647 = tpu.vector_load_idx %arg7[%add3A_2646] masked %or3A_2594 : memref<544xf32, #tpu.memory_space<vmem>>[vector<16xi32>], vector<16xf32>, vector<16xi1>
      %max3A_2648 = arith.maximumf %select_n3A_2643, %gather3A_2647 : vector<16xf32>
      tpu.vector_store_idx %arg7[%add3A_2646], %max3A_2648 masked %or3A_2594 : memref<544xf32, #tpu.memory_space<vmem>>[vector<16xi32>], vector<16xf32>, vector<16xi1>
      %get3A_2649 = arith.constant 928 : index
      %get3A_2650 = tpu.vector_load %arg5[%get3A_2649] {strides = array<i32>} : memref<1280xf32, #tpu.memory_space<vmem>>, vector<16xf32>,
      %broadcast_in_dim3A_2651 = vector.shape_cast %max3A_79 : vector<16xi32> to vector<16x1xi32>
      %gather3A_2652 = vector.shape_cast %broadcast_in_dim3A_2651 : vector<16x1xi32> to vector<16xi32>
      %gather3A_2653 = tpu.dynamic_gather %get3A_2650[%gather3A_2652] in [0] : vector<16xf32>, vector<16xi32> -> vector<16xf32>
      %max3A_2654 = arith.maximumf %get3A_2650, %gather3A_2653 : vector<16xf32>
      %select_n3A_2655 = arith.select %eq3A_2574, %max3A_2654, %get3A_2650 : vector<16xi1>, vector<16xf32>
      %broadcast_in_dim3A_2656 = vector.shape_cast %max3A_85 : vector<16xi32> to vector<16x1xi32>
      %gather3A_2657 = vector.shape_cast %broadcast_in_dim3A_2656 : vector<16x1xi32> to vector<16xi32>
      %gather3A_2658 = tpu.dynamic_gather %select_n3A_2655[%gather3A_2657] in [0] : vector<16xf32>, vector<16xi32> -> vector<16xf32>
      %max3A_2659 = arith.maximumf %select_n3A_2655, %gather3A_2658 : vector<16xf32>
      %select_n3A_2660 = arith.select %eq3A_2578, %max3A_2659, %select_n3A_2655 : vector<16xi1>, vector<16xf32>
      %broadcast_in_dim3A_2661 = vector.shape_cast %max3A_91 : vector<16xi32> to vector<16x1xi32>
      %gather3A_2662 = vector.shape_cast %broadcast_in_dim3A_2661 : vector<16x1xi32> to vector<16xi32>
      %gather3A_2663 = tpu.dynamic_gather %select_n3A_2660[%gather3A_2662] in [0] : vector<16xf32>, vector<16xi32> -> vector<16xf32>
      %max3A_2664 = arith.maximumf %select_n3A_2660, %gather3A_2663 : vector<16xf32>
      %select_n3A_2665 = arith.select %eq3A_2582, %max3A_2664, %select_n3A_2660 : vector<16xi1>, vector<16xf32>
      %broadcast_in_dim3A_2666 = vector.shape_cast %max3A_97 : vector<16xi32> to vector<16x1xi32>
      %gather3A_2667 = vector.shape_cast %broadcast_in_dim3A_2666 : vector<16x1xi32> to vector<16xi32>
      %gather3A_2668 = tpu.dynamic_gather %select_n3A_2665[%gather3A_2667] in [0] : vector<16xf32>, vector<16xi32> -> vector<16xf32>
      %max3A_2669 = arith.maximumf %select_n3A_2665, %gather3A_2668 : vector<16xf32>
      %select_n3A_2670 = arith.select %eq3A_2586, %max3A_2669, %select_n3A_2665 : vector<16xi1>, vector<16xf32>
      %add3A_2671 = arith.constant 272 : i32
      %add3A_2672 = vector.broadcast %add3A_2671 : i32 to vector<16xi32>
      %add3A_2673 = arith.addi %get3A_2570, %add3A_2672 : vector<16xi32>
      %gather3A_2674 = tpu.vector_load_idx %arg7[%add3A_2673] masked %or3A_2594 : memref<544xf32, #tpu.memory_space<vmem>>[vector<16xi32>], vector<16xf32>, vector<16xi1>
      %max3A_2675 = arith.maximumf %select_n3A_2670, %gather3A_2674 : vector<16xf32>
      tpu.vector_store_idx %arg7[%add3A_2673], %max3A_2675 masked %or3A_2594 : memref<544xf32, #tpu.memory_space<vmem>>[vector<16xi32>], vector<16xf32>, vector<16xi1>
      %get3A_2676 = arith.constant 1248 : index
      %get3A_2677 = tpu.vector_load %arg5[%get3A_2676] {strides = array<i32>} : memref<1280xf32, #tpu.memory_space<vmem>>, vector<16xf32>,
      %broadcast_in_dim3A_2678 = vector.shape_cast %max3A_79 : vector<16xi32> to vector<16x1xi32>
      %gather3A_2679 = vector.shape_cast %broadcast_in_dim3A_2678 : vector<16x1xi32> to vector<16xi32>
      %gather3A_2680 = tpu.dynamic_gather %get3A_2677[%gather3A_2679] in [0] : vector<16xf32>, vector<16xi32> -> vector<16xf32>
      %max3A_2681 = arith.maximumf %get3A_2677, %gather3A_2680 : vector<16xf32>
      %select_n3A_2682 = arith.select %eq3A_2574, %max3A_2681, %get3A_2677 : vector<16xi1>, vector<16xf32>
      %broadcast_in_dim3A_2683 = vector.shape_cast %max3A_85 : vector<16xi32> to vector<16x1xi32>
      %gather3A_2684 = vector.shape_cast %broadcast_in_dim3A_2683 : vector<16x1xi32> to vector<16xi32>
      %gather3A_2685 = tpu.dynamic_gather %select_n3A_2682[%gather3A_2684] in [0] : vector<16xf32>, vector<16xi32> -> vector<16xf32>
      %max3A_2686 = arith.maximumf %select_n3A_2682, %gather3A_2685 : vector<16xf32>
      %select_n3A_2687 = arith.select %eq3A_2578, %max3A_2686, %select_n3A_2682 : vector<16xi1>, vector<16xf32>
      %broadcast_in_dim3A_2688 = vector.shape_cast %max3A_91 : vector<16xi32> to vector<16x1xi32>
      %gather3A_2689 = vector.shape_cast %broadcast_in_dim3A_2688 : vector<16x1xi32> to vector<16xi32>
      %gather3A_2690 = tpu.dynamic_gather %select_n3A_2687[%gather3A_2689] in [0] : vector<16xf32>, vector<16xi32> -> vector<16xf32>
      %max3A_2691 = arith.maximumf %select_n3A_2687, %gather3A_2690 : vector<16xf32>
      %select_n3A_2692 = arith.select %eq3A_2582, %max3A_2691, %select_n3A_2687 : vector<16xi1>, vector<16xf32>
      %broadcast_in_dim3A_2693 = vector.shape_cast %max3A_97 : vector<16xi32> to vector<16x1xi32>
      %gather3A_2694 = vector.shape_cast %broadcast_in_dim3A_2693 : vector<16x1xi32> to vector<16xi32>
      %gather3A_2695 = tpu.dynamic_gather %select_n3A_2692[%gather3A_2694] in [0] : vector<16xf32>, vector<16xi32> -> vector<16xf32>
      %max3A_2696 = arith.maximumf %select_n3A_2692, %gather3A_2695 : vector<16xf32>
      %select_n3A_2697 = arith.select %eq3A_2586, %max3A_2696, %select_n3A_2692 : vector<16xi1>, vector<16xf32>
      %add3A_2698 = arith.constant 408 : i32
      %add3A_2699 = vector.broadcast %add3A_2698 : i32 to vector<16xi32>
      %add3A_2700 = arith.addi %get3A_2570, %add3A_2699 : vector<16xi32>
      %gather3A_2701 = tpu.vector_load_idx %arg7[%add3A_2700] masked %or3A_2594 : memref<544xf32, #tpu.memory_space<vmem>>[vector<16xi32>], vector<16xf32>, vector<16xi1>
      %max3A_2702 = arith.maximumf %select_n3A_2697, %gather3A_2701 : vector<16xf32>
      tpu.vector_store_idx %arg7[%add3A_2700], %max3A_2702 masked %or3A_2594 : memref<544xf32, #tpu.memory_space<vmem>>[vector<16xi32>], vector<16xf32>, vector<16xi1>
      %get3A_2703 = arith.constant 304 : index
      %get3A_2704 = tpu.vector_load %arg6[%get3A_2703] {strides = array<i32>} : memref<320xi32, #tpu.memory_space<vmem>>, vector<16xi32>,
      %broadcast_in_dim3A_2705 = vector.shape_cast %max3A_79 : vector<16xi32> to vector<16x1xi32>
      %gather3A_2706 = vector.shape_cast %broadcast_in_dim3A_2705 : vector<16x1xi32> to vector<16xi32>
      %gather3A_2707 = tpu.dynamic_gather %get3A_2704[%gather3A_2706] in [0] : vector<16xi32>, vector<16xi32> -> vector<16xi32>
      %eq3A_2708 = arith.cmpi eq, %get3A_2704, %gather3A_2707 : vector<16xi32>
      %broadcast_in_dim3A_2709 = vector.shape_cast %max3A_85 : vector<16xi32> to vector<16x1xi32>
      %gather3A_2710 = vector.shape_cast %broadcast_in_dim3A_2709 : vector<16x1xi32> to vector<16xi32>
      %gather3A_2711 = tpu.dynamic_gather %get3A_2704[%gather3A_2710] in [0] : vector<16xi32>, vector<16xi32> -> vector<16xi32>
      %eq3A_2712 = arith.cmpi eq, %get3A_2704, %gather3A_2711 : vector<16xi32>
      %broadcast_in_dim3A_2713 = vector.shape_cast %max3A_91 : vector<16xi32> to vector<16x1xi32>
      %gather3A_2714 = vector.shape_cast %broadcast_in_dim3A_2713 : vector<16x1xi32> to vector<16xi32>
      %gather3A_2715 = tpu.dynamic_gather %get3A_2704[%gather3A_2714] in [0] : vector<16xi32>, vector<16xi32> -> vector<16xi32>
      %eq3A_2716 = arith.cmpi eq, %get3A_2704, %gather3A_2715 : vector<16xi32>
      %broadcast_in_dim3A_2717 = vector.shape_cast %max3A_97 : vector<16xi32> to vector<16x1xi32>
      %gather3A_2718 = vector.shape_cast %broadcast_in_dim3A_2717 : vector<16x1xi32> to vector<16xi32>
      %gather3A_2719 = tpu.dynamic_gather %get3A_2704[%gather3A_2718] in [0] : vector<16xi32>, vector<16xi32> -> vector<16xi32>
      %eq3A_2720 = arith.cmpi eq, %get3A_2704, %gather3A_2719 : vector<16xi32>
      %broadcast_in_dim3A_2721 = vector.shape_cast %min3A_75 : vector<16xi32> to vector<16x1xi32>
      %gather3A_2722 = vector.shape_cast %broadcast_in_dim3A_2721 : vector<16x1xi32> to vector<16xi32>
      %gather3A_2723 = tpu.dynamic_gather %get3A_2704[%gather3A_2722] in [0] : vector<16xi32>, vector<16xi32> -> vector<16xi32>
      %ne3A_2724 = arith.cmpi ne, %get3A_2704, %gather3A_2723 : vector<16xi32>
      %eq3A_2725 = arith.constant 15 : i32
      %eq3A_2726 = vector.broadcast %eq3A_2725 : i32 to vector<16xi32>
      %eq3A_2727 = arith.cmpi eq, %iota3A, %eq3A_2726 : vector<16xi32>
      %or3A_2728 = arith.ori %ne3A_2724, %eq3A_2727 : vector<16xi1>
      %get3A_2729 = arith.constant 304 : index
      %get3A_2730 = tpu.vector_load %arg5[%get3A_2729] {strides = array<i32>} : memref<1280xf32, #tpu.memory_space<vmem>>, vector<16xf32>,
      %broadcast_in_dim3A_2731 = vector.shape_cast %max3A_79 : vector<16xi32> to vector<16x1xi32>
      %gather3A_2732 = vector.shape_cast %broadcast_in_dim3A_2731 : vector<16x1xi32> to vector<16xi32>
      %gather3A_2733 = tpu.dynamic_gather %get3A_2730[%gather3A_2732] in [0] : vector<16xf32>, vector<16xi32> -> vector<16xf32>
      %max3A_2734 = arith.maximumf %get3A_2730, %gather3A_2733 : vector<16xf32>
      %select_n3A_2735 = arith.select %eq3A_2708, %max3A_2734, %get3A_2730 : vector<16xi1>, vector<16xf32>
      %broadcast_in_dim3A_2736 = vector.shape_cast %max3A_85 : vector<16xi32> to vector<16x1xi32>
      %gather3A_2737 = vector.shape_cast %broadcast_in_dim3A_2736 : vector<16x1xi32> to vector<16xi32>
      %gather3A_2738 = tpu.dynamic_gather %select_n3A_2735[%gather3A_2737] in [0] : vector<16xf32>, vector<16xi32> -> vector<16xf32>
      %max3A_2739 = arith.maximumf %select_n3A_2735, %gather3A_2738 : vector<16xf32>
      %select_n3A_2740 = arith.select %eq3A_2712, %max3A_2739, %select_n3A_2735 : vector<16xi1>, vector<16xf32>
      %broadcast_in_dim3A_2741 = vector.shape_cast %max3A_91 : vector<16xi32> to vector<16x1xi32>
      %gather3A_2742 = vector.shape_cast %broadcast_in_dim3A_2741 : vector<16x1xi32> to vector<16xi32>
      %gather3A_2743 = tpu.dynamic_gather %select_n3A_2740[%gather3A_2742] in [0] : vector<16xf32>, vector<16xi32> -> vector<16xf32>
      %max3A_2744 = arith.maximumf %select_n3A_2740, %gather3A_2743 : vector<16xf32>
      %select_n3A_2745 = arith.select %eq3A_2716, %max3A_2744, %select_n3A_2740 : vector<16xi1>, vector<16xf32>
      %broadcast_in_dim3A_2746 = vector.shape_cast %max3A_97 : vector<16xi32> to vector<16x1xi32>
      %gather3A_2747 = vector.shape_cast %broadcast_in_dim3A_2746 : vector<16x1xi32> to vector<16xi32>
      %gather3A_2748 = tpu.dynamic_gather %select_n3A_2745[%gather3A_2747] in [0] : vector<16xf32>, vector<16xi32> -> vector<16xf32>
      %max3A_2749 = arith.maximumf %select_n3A_2745, %gather3A_2748 : vector<16xf32>
      %select_n3A_2750 = arith.select %eq3A_2720, %max3A_2749, %select_n3A_2745 : vector<16xi1>, vector<16xf32>
      %add3A_2751 = arith.constant 0 : i32
      %add3A_2752 = vector.broadcast %add3A_2751 : i32 to vector<16xi32>
      %add3A_2753 = arith.addi %get3A_2704, %add3A_2752 : vector<16xi32>
      %gather3A_2754 = tpu.vector_load_idx %arg7[%add3A_2753] masked %or3A_2728 : memref<544xf32, #tpu.memory_space<vmem>>[vector<16xi32>], vector<16xf32>, vector<16xi1>
      %max3A_2755 = arith.maximumf %select_n3A_2750, %gather3A_2754 : vector<16xf32>
      tpu.vector_store_idx %arg7[%add3A_2753], %max3A_2755 masked %or3A_2728 : memref<544xf32, #tpu.memory_space<vmem>>[vector<16xi32>], vector<16xf32>, vector<16xi1>
      %get3A_2756 = arith.constant 624 : index
      %get3A_2757 = tpu.vector_load %arg5[%get3A_2756] {strides = array<i32>} : memref<1280xf32, #tpu.memory_space<vmem>>, vector<16xf32>,
      %broadcast_in_dim3A_2758 = vector.shape_cast %max3A_79 : vector<16xi32> to vector<16x1xi32>
      %gather3A_2759 = vector.shape_cast %broadcast_in_dim3A_2758 : vector<16x1xi32> to vector<16xi32>
      %gather3A_2760 = tpu.dynamic_gather %get3A_2757[%gather3A_2759] in [0] : vector<16xf32>, vector<16xi32> -> vector<16xf32>
      %max3A_2761 = arith.maximumf %get3A_2757, %gather3A_2760 : vector<16xf32>
      %select_n3A_2762 = arith.select %eq3A_2708, %max3A_2761, %get3A_2757 : vector<16xi1>, vector<16xf32>
      %broadcast_in_dim3A_2763 = vector.shape_cast %max3A_85 : vector<16xi32> to vector<16x1xi32>
      %gather3A_2764 = vector.shape_cast %broadcast_in_dim3A_2763 : vector<16x1xi32> to vector<16xi32>
      %gather3A_2765 = tpu.dynamic_gather %select_n3A_2762[%gather3A_2764] in [0] : vector<16xf32>, vector<16xi32> -> vector<16xf32>
      %max3A_2766 = arith.maximumf %select_n3A_2762, %gather3A_2765 : vector<16xf32>
      %select_n3A_2767 = arith.select %eq3A_2712, %max3A_2766, %select_n3A_2762 : vector<16xi1>, vector<16xf32>
      %broadcast_in_dim3A_2768 = vector.shape_cast %max3A_91 : vector<16xi32> to vector<16x1xi32>
      %gather3A_2769 = vector.shape_cast %broadcast_in_dim3A_2768 : vector<16x1xi32> to vector<16xi32>
      %gather3A_2770 = tpu.dynamic_gather %select_n3A_2767[%gather3A_2769] in [0] : vector<16xf32>, vector<16xi32> -> vector<16xf32>
      %max3A_2771 = arith.maximumf %select_n3A_2767, %gather3A_2770 : vector<16xf32>
      %select_n3A_2772 = arith.select %eq3A_2716, %max3A_2771, %select_n3A_2767 : vector<16xi1>, vector<16xf32>
      %broadcast_in_dim3A_2773 = vector.shape_cast %max3A_97 : vector<16xi32> to vector<16x1xi32>
      %gather3A_2774 = vector.shape_cast %broadcast_in_dim3A_2773 : vector<16x1xi32> to vector<16xi32>
      %gather3A_2775 = tpu.dynamic_gather %select_n3A_2772[%gather3A_2774] in [0] : vector<16xf32>, vector<16xi32> -> vector<16xf32>
      %max3A_2776 = arith.maximumf %select_n3A_2772, %gather3A_2775 : vector<16xf32>
      %select_n3A_2777 = arith.select %eq3A_2720, %max3A_2776, %select_n3A_2772 : vector<16xi1>, vector<16xf32>
      %add3A_2778 = arith.constant 136 : i32
      %add3A_2779 = vector.broadcast %add3A_2778 : i32 to vector<16xi32>
      %add3A_2780 = arith.addi %get3A_2704, %add3A_2779 : vector<16xi32>
      %gather3A_2781 = tpu.vector_load_idx %arg7[%add3A_2780] masked %or3A_2728 : memref<544xf32, #tpu.memory_space<vmem>>[vector<16xi32>], vector<16xf32>, vector<16xi1>
      %max3A_2782 = arith.maximumf %select_n3A_2777, %gather3A_2781 : vector<16xf32>
      tpu.vector_store_idx %arg7[%add3A_2780], %max3A_2782 masked %or3A_2728 : memref<544xf32, #tpu.memory_space<vmem>>[vector<16xi32>], vector<16xf32>, vector<16xi1>
      %get3A_2783 = arith.constant 944 : index
      %get3A_2784 = tpu.vector_load %arg5[%get3A_2783] {strides = array<i32>} : memref<1280xf32, #tpu.memory_space<vmem>>, vector<16xf32>,
      %broadcast_in_dim3A_2785 = vector.shape_cast %max3A_79 : vector<16xi32> to vector<16x1xi32>
      %gather3A_2786 = vector.shape_cast %broadcast_in_dim3A_2785 : vector<16x1xi32> to vector<16xi32>
      %gather3A_2787 = tpu.dynamic_gather %get3A_2784[%gather3A_2786] in [0] : vector<16xf32>, vector<16xi32> -> vector<16xf32>
      %max3A_2788 = arith.maximumf %get3A_2784, %gather3A_2787 : vector<16xf32>
      %select_n3A_2789 = arith.select %eq3A_2708, %max3A_2788, %get3A_2784 : vector<16xi1>, vector<16xf32>
      %broadcast_in_dim3A_2790 = vector.shape_cast %max3A_85 : vector<16xi32> to vector<16x1xi32>
      %gather3A_2791 = vector.shape_cast %broadcast_in_dim3A_2790 : vector<16x1xi32> to vector<16xi32>
      %gather3A_2792 = tpu.dynamic_gather %select_n3A_2789[%gather3A_2791] in [0] : vector<16xf32>, vector<16xi32> -> vector<16xf32>
      %max3A_2793 = arith.maximumf %select_n3A_2789, %gather3A_2792 : vector<16xf32>
      %select_n3A_2794 = arith.select %eq3A_2712, %max3A_2793, %select_n3A_2789 : vector<16xi1>, vector<16xf32>
      %broadcast_in_dim3A_2795 = vector.shape_cast %max3A_91 : vector<16xi32> to vector<16x1xi32>
      %gather3A_2796 = vector.shape_cast %broadcast_in_dim3A_2795 : vector<16x1xi32> to vector<16xi32>
      %gather3A_2797 = tpu.dynamic_gather %select_n3A_2794[%gather3A_2796] in [0] : vector<16xf32>, vector<16xi32> -> vector<16xf32>
      %max3A_2798 = arith.maximumf %select_n3A_2794, %gather3A_2797 : vector<16xf32>
      %select_n3A_2799 = arith.select %eq3A_2716, %max3A_2798, %select_n3A_2794 : vector<16xi1>, vector<16xf32>
      %broadcast_in_dim3A_2800 = vector.shape_cast %max3A_97 : vector<16xi32> to vector<16x1xi32>
      %gather3A_2801 = vector.shape_cast %broadcast_in_dim3A_2800 : vector<16x1xi32> to vector<16xi32>
      %gather3A_2802 = tpu.dynamic_gather %select_n3A_2799[%gather3A_2801] in [0] : vector<16xf32>, vector<16xi32> -> vector<16xf32>
      %max3A_2803 = arith.maximumf %select_n3A_2799, %gather3A_2802 : vector<16xf32>
      %select_n3A_2804 = arith.select %eq3A_2720, %max3A_2803, %select_n3A_2799 : vector<16xi1>, vector<16xf32>
      %add3A_2805 = arith.constant 272 : i32
      %add3A_2806 = vector.broadcast %add3A_2805 : i32 to vector<16xi32>
      %add3A_2807 = arith.addi %get3A_2704, %add3A_2806 : vector<16xi32>
      %gather3A_2808 = tpu.vector_load_idx %arg7[%add3A_2807] masked %or3A_2728 : memref<544xf32, #tpu.memory_space<vmem>>[vector<16xi32>], vector<16xf32>, vector<16xi1>
      %max3A_2809 = arith.maximumf %select_n3A_2804, %gather3A_2808 : vector<16xf32>
      tpu.vector_store_idx %arg7[%add3A_2807], %max3A_2809 masked %or3A_2728 : memref<544xf32, #tpu.memory_space<vmem>>[vector<16xi32>], vector<16xf32>, vector<16xi1>
      %get3A_2810 = arith.constant 1264 : index
      %get3A_2811 = tpu.vector_load %arg5[%get3A_2810] {strides = array<i32>} : memref<1280xf32, #tpu.memory_space<vmem>>, vector<16xf32>,
      %broadcast_in_dim3A_2812 = vector.shape_cast %max3A_79 : vector<16xi32> to vector<16x1xi32>
      %gather3A_2813 = vector.shape_cast %broadcast_in_dim3A_2812 : vector<16x1xi32> to vector<16xi32>
      %gather3A_2814 = tpu.dynamic_gather %get3A_2811[%gather3A_2813] in [0] : vector<16xf32>, vector<16xi32> -> vector<16xf32>
      %max3A_2815 = arith.maximumf %get3A_2811, %gather3A_2814 : vector<16xf32>
      %select_n3A_2816 = arith.select %eq3A_2708, %max3A_2815, %get3A_2811 : vector<16xi1>, vector<16xf32>
      %broadcast_in_dim3A_2817 = vector.shape_cast %max3A_85 : vector<16xi32> to vector<16x1xi32>
      %gather3A_2818 = vector.shape_cast %broadcast_in_dim3A_2817 : vector<16x1xi32> to vector<16xi32>
      %gather3A_2819 = tpu.dynamic_gather %select_n3A_2816[%gather3A_2818] in [0] : vector<16xf32>, vector<16xi32> -> vector<16xf32>
      %max3A_2820 = arith.maximumf %select_n3A_2816, %gather3A_2819 : vector<16xf32>
      %select_n3A_2821 = arith.select %eq3A_2712, %max3A_2820, %select_n3A_2816 : vector<16xi1>, vector<16xf32>
      %broadcast_in_dim3A_2822 = vector.shape_cast %max3A_91 : vector<16xi32> to vector<16x1xi32>
      %gather3A_2823 = vector.shape_cast %broadcast_in_dim3A_2822 : vector<16x1xi32> to vector<16xi32>
      %gather3A_2824 = tpu.dynamic_gather %select_n3A_2821[%gather3A_2823] in [0] : vector<16xf32>, vector<16xi32> -> vector<16xf32>
      %max3A_2825 = arith.maximumf %select_n3A_2821, %gather3A_2824 : vector<16xf32>
      %select_n3A_2826 = arith.select %eq3A_2716, %max3A_2825, %select_n3A_2821 : vector<16xi1>, vector<16xf32>
      %broadcast_in_dim3A_2827 = vector.shape_cast %max3A_97 : vector<16xi32> to vector<16x1xi32>
      %gather3A_2828 = vector.shape_cast %broadcast_in_dim3A_2827 : vector<16x1xi32> to vector<16xi32>
      %gather3A_2829 = tpu.dynamic_gather %select_n3A_2826[%gather3A_2828] in [0] : vector<16xf32>, vector<16xi32> -> vector<16xf32>
      %max3A_2830 = arith.maximumf %select_n3A_2826, %gather3A_2829 : vector<16xf32>
      %select_n3A_2831 = arith.select %eq3A_2720, %max3A_2830, %select_n3A_2826 : vector<16xi1>, vector<16xf32>
      %add3A_2832 = arith.constant 408 : i32
      %add3A_2833 = vector.broadcast %add3A_2832 : i32 to vector<16xi32>
      %add3A_2834 = arith.addi %get3A_2704, %add3A_2833 : vector<16xi32>
      %gather3A_2835 = tpu.vector_load_idx %arg7[%add3A_2834] masked %or3A_2728 : memref<544xf32, #tpu.memory_space<vmem>>[vector<16xi32>], vector<16xf32>, vector<16xi1>
      %max3A_2836 = arith.maximumf %select_n3A_2831, %gather3A_2835 : vector<16xf32>
      tpu.vector_store_idx %arg7[%add3A_2834], %max3A_2836 masked %or3A_2728 : memref<544xf32, #tpu.memory_space<vmem>>[vector<16xi32>], vector<16xf32>, vector<16xi1>
    } else {
    }
    %eq3A = arith.constant 31 : i32
    %eq3A_100 = arith.cmpi eq, %add3A, %eq3A : i32
    %convert_element_type3A_101 = arith.extui %eq3A_100 : i1 to i32
    %cond3A_102 = arith.constant 0 : i32
    %cond3A_103 = arith.cmpi ne, %convert_element_type3A_101, %cond3A_102 : i32
    scf.if %cond3A_103 {
      %dma_start3A = arith.constant 0 : i32
      %dma_start3A_104 = tpu.memref_slice %arg6[%dma_start3A] : memref<320xi32, #tpu.memory_space<vmem>> -> memref<80xi32, #tpu.memory_space<vmem>>
      %dma_start3A_105 = arith.constant 9920 : i32
      %dma_start3A_106 = tpu.memref_slice %arg3[%dma_start3A_105] : memref<10000xi32, #tpu.memory_space<hbm>> -> memref<80xi32, #tpu.memory_space<hbm>>
      %dma_start3A_107 = arith.constant 0 : i32
      %dma_start3A_108 = tpu.memref_slice %arg6[%dma_start3A_107] : memref<320xi32, #tpu.memory_space<vmem>> -> memref<80xi32, #tpu.memory_space<vmem>>
      %dma_start3A_109 = arith.constant 9920 : i32
      %dma_start3A_110 = tpu.memref_slice %arg3[%dma_start3A_109] : memref<10000xi32, #tpu.memory_space<hbm>> -> memref<80xi32, #tpu.memory_space<hbm>>
      tpu.enqueue_dma source(%dma_start3A_110 : memref<80xi32, #tpu.memory_space<hbm>>) target(%dma_start3A_108 : memref<80xi32, #tpu.memory_space<vmem>>) target_semaphore(%arg8 : memref<!tpu.dma_semaphore, #tpu.memory_space<semaphore_mem>>)
      %dma_start3A_111 = arith.constant 0 : i32
      %dma_start3A_112 = tpu.memref_slice %arg5[%dma_start3A_111] : memref<1280xf32, #tpu.memory_space<vmem>> -> memref<80xf32, #tpu.memory_space<vmem>>
      %dma_start3A_113 = arith.constant 9920 : i32
      %dma_start3A_114 = tpu.memref_slice %arg2[%dma_start3A_113] : memref<40960xf32, #tpu.memory_space<hbm>> -> memref<80xf32, #tpu.memory_space<hbm>>
      %dma_start3A_115 = arith.constant 0 : i32
      %dma_start3A_116 = tpu.memref_slice %arg5[%dma_start3A_115] : memref<1280xf32, #tpu.memory_space<vmem>> -> memref<80xf32, #tpu.memory_space<vmem>>
      %dma_start3A_117 = arith.constant 9920 : i32
      %dma_start3A_118 = tpu.memref_slice %arg2[%dma_start3A_117] : memref<40960xf32, #tpu.memory_space<hbm>> -> memref<80xf32, #tpu.memory_space<hbm>>
      tpu.enqueue_dma source(%dma_start3A_118 : memref<80xf32, #tpu.memory_space<hbm>>) target(%dma_start3A_116 : memref<80xf32, #tpu.memory_space<vmem>>) target_semaphore(%arg9 : memref<!tpu.dma_semaphore, #tpu.memory_space<semaphore_mem>>)
      %dma_start3A_119 = arith.constant 320 : i32
      %dma_start3A_120 = tpu.memref_slice %arg5[%dma_start3A_119] : memref<1280xf32, #tpu.memory_space<vmem>> -> memref<80xf32, #tpu.memory_space<vmem>>
      %dma_start3A_121 = arith.constant 20160 : i32
      %dma_start3A_122 = tpu.memref_slice %arg2[%dma_start3A_121] : memref<40960xf32, #tpu.memory_space<hbm>> -> memref<80xf32, #tpu.memory_space<hbm>>
      %dma_start3A_123 = arith.constant 320 : i32
      %dma_start3A_124 = tpu.memref_slice %arg5[%dma_start3A_123] : memref<1280xf32, #tpu.memory_space<vmem>> -> memref<80xf32, #tpu.memory_space<vmem>>
      %dma_start3A_125 = arith.constant 20160 : i32
      %dma_start3A_126 = tpu.memref_slice %arg2[%dma_start3A_125] : memref<40960xf32, #tpu.memory_space<hbm>> -> memref<80xf32, #tpu.memory_space<hbm>>
      tpu.enqueue_dma source(%dma_start3A_126 : memref<80xf32, #tpu.memory_space<hbm>>) target(%dma_start3A_124 : memref<80xf32, #tpu.memory_space<vmem>>) target_semaphore(%arg9 : memref<!tpu.dma_semaphore, #tpu.memory_space<semaphore_mem>>)
      %dma_start3A_127 = arith.constant 640 : i32
      %dma_start3A_128 = tpu.memref_slice %arg5[%dma_start3A_127] : memref<1280xf32, #tpu.memory_space<vmem>> -> memref<80xf32, #tpu.memory_space<vmem>>
      %dma_start3A_129 = arith.constant 30400 : i32
      %dma_start3A_130 = tpu.memref_slice %arg2[%dma_start3A_129] : memref<40960xf32, #tpu.memory_space<hbm>> -> memref<80xf32, #tpu.memory_space<hbm>>
      %dma_start3A_131 = arith.constant 640 : i32
      %dma_start3A_132 = tpu.memref_slice %arg5[%dma_start3A_131] : memref<1280xf32, #tpu.memory_space<vmem>> -> memref<80xf32, #tpu.memory_space<vmem>>
      %dma_start3A_133 = arith.constant 30400 : i32
      %dma_start3A_134 = tpu.memref_slice %arg2[%dma_start3A_133] : memref<40960xf32, #tpu.memory_space<hbm>> -> memref<80xf32, #tpu.memory_space<hbm>>
      tpu.enqueue_dma source(%dma_start3A_134 : memref<80xf32, #tpu.memory_space<hbm>>) target(%dma_start3A_132 : memref<80xf32, #tpu.memory_space<vmem>>) target_semaphore(%arg9 : memref<!tpu.dma_semaphore, #tpu.memory_space<semaphore_mem>>)
      %dma_start3A_135 = arith.constant 960 : i32
      %dma_start3A_136 = tpu.memref_slice %arg5[%dma_start3A_135] : memref<1280xf32, #tpu.memory_space<vmem>> -> memref<80xf32, #tpu.memory_space<vmem>>
      %dma_start3A_137 = arith.constant 40640 : i32
      %dma_start3A_138 = tpu.memref_slice %arg2[%dma_start3A_137] : memref<40960xf32, #tpu.memory_space<hbm>> -> memref<80xf32, #tpu.memory_space<hbm>>
      %dma_start3A_139 = arith.constant 960 : i32
      %dma_start3A_140 = tpu.memref_slice %arg5[%dma_start3A_139] : memref<1280xf32, #tpu.memory_space<vmem>> -> memref<80xf32, #tpu.memory_space<vmem>>
      %dma_start3A_141 = arith.constant 40640 : i32
      %dma_start3A_142 = tpu.memref_slice %arg2[%dma_start3A_141] : memref<40960xf32, #tpu.memory_space<hbm>> -> memref<80xf32, #tpu.memory_space<hbm>>
      tpu.enqueue_dma source(%dma_start3A_142 : memref<80xf32, #tpu.memory_space<hbm>>) target(%dma_start3A_140 : memref<80xf32, #tpu.memory_space<vmem>>) target_semaphore(%arg9 : memref<!tpu.dma_semaphore, #tpu.memory_space<semaphore_mem>>)
      %dma_wait3A = arith.constant 0 : i32
      %dma_wait3A_143 = tpu.memref_slice %arg6[%dma_wait3A] : memref<320xi32, #tpu.memory_space<vmem>> -> memref<80xi32, #tpu.memory_space<vmem>>
      %dma_wait3A_144 = arith.constant 9920 : i32
      %dma_wait3A_145 = tpu.memref_slice %arg3[%dma_wait3A_144] : memref<10000xi32, #tpu.memory_space<hbm>> -> memref<80xi32, #tpu.memory_space<hbm>>
      %dma_wait3A_146 = arith.constant 0 : i32
      %dma_wait3A_147 = tpu.memref_slice %arg6[%dma_wait3A_146] : memref<320xi32, #tpu.memory_space<vmem>> -> memref<80xi32, #tpu.memory_space<vmem>>
      %dma_wait3A_148 = arith.constant 9920 : i32
      %dma_wait3A_149 = tpu.memref_slice %arg3[%dma_wait3A_148] : memref<10000xi32, #tpu.memory_space<hbm>> -> memref<80xi32, #tpu.memory_space<hbm>>
      tpu.wait_dma2 semaphore(%arg8 : memref<!tpu.dma_semaphore, #tpu.memory_space<semaphore_mem>>) src(%dma_wait3A_149 : memref<80xi32, #tpu.memory_space<hbm>>) dst(%dma_wait3A_147 : memref<80xi32, #tpu.memory_space<vmem>>)
      %dma_wait3A_150 = arith.constant 0 : i32
      %dma_wait3A_151 = tpu.memref_slice %arg5[%dma_wait3A_150] : memref<1280xf32, #tpu.memory_space<vmem>> -> memref<80xf32, #tpu.memory_space<vmem>>
      %dma_wait3A_152 = arith.constant 9920 : i32
      %dma_wait3A_153 = tpu.memref_slice %arg2[%dma_wait3A_152] : memref<40960xf32, #tpu.memory_space<hbm>> -> memref<80xf32, #tpu.memory_space<hbm>>
      %dma_wait3A_154 = arith.constant 0 : i32
      %dma_wait3A_155 = tpu.memref_slice %arg5[%dma_wait3A_154] : memref<1280xf32, #tpu.memory_space<vmem>> -> memref<80xf32, #tpu.memory_space<vmem>>
      %dma_wait3A_156 = arith.constant 9920 : i32
      %dma_wait3A_157 = tpu.memref_slice %arg2[%dma_wait3A_156] : memref<40960xf32, #tpu.memory_space<hbm>> -> memref<80xf32, #tpu.memory_space<hbm>>
      tpu.wait_dma2 semaphore(%arg9 : memref<!tpu.dma_semaphore, #tpu.memory_space<semaphore_mem>>) src(%dma_wait3A_157 : memref<80xf32, #tpu.memory_space<hbm>>) dst(%dma_wait3A_155 : memref<80xf32, #tpu.memory_space<vmem>>)
      %dma_wait3A_158 = arith.constant 320 : i32
      %dma_wait3A_159 = tpu.memref_slice %arg5[%dma_wait3A_158] : memref<1280xf32, #tpu.memory_space<vmem>> -> memref<80xf32, #tpu.memory_space<vmem>>
      %dma_wait3A_160 = arith.constant 20160 : i32
      %dma_wait3A_161 = tpu.memref_slice %arg2[%dma_wait3A_160] : memref<40960xf32, #tpu.memory_space<hbm>> -> memref<80xf32, #tpu.memory_space<hbm>>
      %dma_wait3A_162 = arith.constant 320 : i32
      %dma_wait3A_163 = tpu.memref_slice %arg5[%dma_wait3A_162] : memref<1280xf32, #tpu.memory_space<vmem>> -> memref<80xf32, #tpu.memory_space<vmem>>
      %dma_wait3A_164 = arith.constant 20160 : i32
      %dma_wait3A_165 = tpu.memref_slice %arg2[%dma_wait3A_164] : memref<40960xf32, #tpu.memory_space<hbm>> -> memref<80xf32, #tpu.memory_space<hbm>>
      tpu.wait_dma2 semaphore(%arg9 : memref<!tpu.dma_semaphore, #tpu.memory_space<semaphore_mem>>) src(%dma_wait3A_165 : memref<80xf32, #tpu.memory_space<hbm>>) dst(%dma_wait3A_163 : memref<80xf32, #tpu.memory_space<vmem>>)
      %dma_wait3A_166 = arith.constant 640 : i32
      %dma_wait3A_167 = tpu.memref_slice %arg5[%dma_wait3A_166] : memref<1280xf32, #tpu.memory_space<vmem>> -> memref<80xf32, #tpu.memory_space<vmem>>
      %dma_wait3A_168 = arith.constant 30400 : i32
      %dma_wait3A_169 = tpu.memref_slice %arg2[%dma_wait3A_168] : memref<40960xf32, #tpu.memory_space<hbm>> -> memref<80xf32, #tpu.memory_space<hbm>>
      %dma_wait3A_170 = arith.constant 640 : i32
      %dma_wait3A_171 = tpu.memref_slice %arg5[%dma_wait3A_170] : memref<1280xf32, #tpu.memory_space<vmem>> -> memref<80xf32, #tpu.memory_space<vmem>>
      %dma_wait3A_172 = arith.constant 30400 : i32
      %dma_wait3A_173 = tpu.memref_slice %arg2[%dma_wait3A_172] : memref<40960xf32, #tpu.memory_space<hbm>> -> memref<80xf32, #tpu.memory_space<hbm>>
      tpu.wait_dma2 semaphore(%arg9 : memref<!tpu.dma_semaphore, #tpu.memory_space<semaphore_mem>>) src(%dma_wait3A_173 : memref<80xf32, #tpu.memory_space<hbm>>) dst(%dma_wait3A_171 : memref<80xf32, #tpu.memory_space<vmem>>)
      %dma_wait3A_174 = arith.constant 960 : i32
      %dma_wait3A_175 = tpu.memref_slice %arg5[%dma_wait3A_174] : memref<1280xf32, #tpu.memory_space<vmem>> -> memref<80xf32, #tpu.memory_space<vmem>>
      %dma_wait3A_176 = arith.constant 40640 : i32
      %dma_wait3A_177 = tpu.memref_slice %arg2[%dma_wait3A_176] : memref<40960xf32, #tpu.memory_space<hbm>> -> memref<80xf32, #tpu.memory_space<hbm>>
      %dma_wait3A_178 = arith.constant 960 : i32
      %dma_wait3A_179 = tpu.memref_slice %arg5[%dma_wait3A_178] : memref<1280xf32, #tpu.memory_space<vmem>> -> memref<80xf32, #tpu.memory_space<vmem>>
      %dma_wait3A_180 = arith.constant 40640 : i32
      %dma_wait3A_181 = tpu.memref_slice %arg2[%dma_wait3A_180] : memref<40960xf32, #tpu.memory_space<hbm>> -> memref<80xf32, #tpu.memory_space<hbm>>
      tpu.wait_dma2 semaphore(%arg9 : memref<!tpu.dma_semaphore, #tpu.memory_space<semaphore_mem>>) src(%dma_wait3A_181 : memref<80xf32, #tpu.memory_space<hbm>>) dst(%dma_wait3A_179 : memref<80xf32, #tpu.memory_space<vmem>>)
      %get3A = arith.constant 0 : index
      %get3A_182 = tpu.vector_load %arg6[%get3A] {strides = array<i32>} : memref<320xi32, #tpu.memory_space<vmem>>, vector<16xi32>,
      %broadcast_in_dim3A_183 = vector.shape_cast %max3A_79 : vector<16xi32> to vector<16x1xi32>
      %gather3A = vector.shape_cast %broadcast_in_dim3A_183 : vector<16x1xi32> to vector<16xi32>
      %gather3A_184 = tpu.dynamic_gather %get3A_182[%gather3A] in [0] : vector<16xi32>, vector<16xi32> -> vector<16xi32>
      %eq3A_185 = arith.cmpi eq, %get3A_182, %gather3A_184 : vector<16xi32>
      %broadcast_in_dim3A_186 = vector.shape_cast %max3A_85 : vector<16xi32> to vector<16x1xi32>
      %gather3A_187 = vector.shape_cast %broadcast_in_dim3A_186 : vector<16x1xi32> to vector<16xi32>
      %gather3A_188 = tpu.dynamic_gather %get3A_182[%gather3A_187] in [0] : vector<16xi32>, vector<16xi32> -> vector<16xi32>
      %eq3A_189 = arith.cmpi eq, %get3A_182, %gather3A_188 : vector<16xi32>
      %broadcast_in_dim3A_190 = vector.shape_cast %max3A_91 : vector<16xi32> to vector<16x1xi32>
      %gather3A_191 = vector.shape_cast %broadcast_in_dim3A_190 : vector<16x1xi32> to vector<16xi32>
      %gather3A_192 = tpu.dynamic_gather %get3A_182[%gather3A_191] in [0] : vector<16xi32>, vector<16xi32> -> vector<16xi32>
      %eq3A_193 = arith.cmpi eq, %get3A_182, %gather3A_192 : vector<16xi32>
      %broadcast_in_dim3A_194 = vector.shape_cast %max3A_97 : vector<16xi32> to vector<16x1xi32>
      %gather3A_195 = vector.shape_cast %broadcast_in_dim3A_194 : vector<16x1xi32> to vector<16xi32>
      %gather3A_196 = tpu.dynamic_gather %get3A_182[%gather3A_195] in [0] : vector<16xi32>, vector<16xi32> -> vector<16xi32>
      %eq3A_197 = arith.cmpi eq, %get3A_182, %gather3A_196 : vector<16xi32>
      %broadcast_in_dim3A_198 = vector.shape_cast %min3A_75 : vector<16xi32> to vector<16x1xi32>
      %gather3A_199 = vector.shape_cast %broadcast_in_dim3A_198 : vector<16x1xi32> to vector<16xi32>
      %gather3A_200 = tpu.dynamic_gather %get3A_182[%gather3A_199] in [0] : vector<16xi32>, vector<16xi32> -> vector<16xi32>
      %ne3A = arith.cmpi ne, %get3A_182, %gather3A_200 : vector<16xi32>
      %eq3A_201 = arith.constant 15 : i32
      %eq3A_202 = vector.broadcast %eq3A_201 : i32 to vector<16xi32>
      %eq3A_203 = arith.cmpi eq, %iota3A, %eq3A_202 : vector<16xi32>
      %or3A = arith.ori %ne3A, %eq3A_203 : vector<16xi1>
      %get3A_204 = arith.constant 0 : index
      %get3A_205 = tpu.vector_load %arg5[%get3A_204] {strides = array<i32>} : memref<1280xf32, #tpu.memory_space<vmem>>, vector<16xf32>,
      %broadcast_in_dim3A_206 = vector.shape_cast %max3A_79 : vector<16xi32> to vector<16x1xi32>
      %gather3A_207 = vector.shape_cast %broadcast_in_dim3A_206 : vector<16x1xi32> to vector<16xi32>
      %gather3A_208 = tpu.dynamic_gather %get3A_205[%gather3A_207] in [0] : vector<16xf32>, vector<16xi32> -> vector<16xf32>
      %max3A_209 = arith.maximumf %get3A_205, %gather3A_208 : vector<16xf32>
      %select_n3A = arith.select %eq3A_185, %max3A_209, %get3A_205 : vector<16xi1>, vector<16xf32>
      %broadcast_in_dim3A_210 = vector.shape_cast %max3A_85 : vector<16xi32> to vector<16x1xi32>
      %gather3A_211 = vector.shape_cast %broadcast_in_dim3A_210 : vector<16x1xi32> to vector<16xi32>
      %gather3A_212 = tpu.dynamic_gather %select_n3A[%gather3A_211] in [0] : vector<16xf32>, vector<16xi32> -> vector<16xf32>
      %max3A_213 = arith.maximumf %select_n3A, %gather3A_212 : vector<16xf32>
      %select_n3A_214 = arith.select %eq3A_189, %max3A_213, %select_n3A : vector<16xi1>, vector<16xf32>
      %broadcast_in_dim3A_215 = vector.shape_cast %max3A_91 : vector<16xi32> to vector<16x1xi32>
      %gather3A_216 = vector.shape_cast %broadcast_in_dim3A_215 : vector<16x1xi32> to vector<16xi32>
      %gather3A_217 = tpu.dynamic_gather %select_n3A_214[%gather3A_216] in [0] : vector<16xf32>, vector<16xi32> -> vector<16xf32>
      %max3A_218 = arith.maximumf %select_n3A_214, %gather3A_217 : vector<16xf32>
      %select_n3A_219 = arith.select %eq3A_193, %max3A_218, %select_n3A_214 : vector<16xi1>, vector<16xf32>
      %broadcast_in_dim3A_220 = vector.shape_cast %max3A_97 : vector<16xi32> to vector<16x1xi32>
      %gather3A_221 = vector.shape_cast %broadcast_in_dim3A_220 : vector<16x1xi32> to vector<16xi32>
      %gather3A_222 = tpu.dynamic_gather %select_n3A_219[%gather3A_221] in [0] : vector<16xf32>, vector<16xi32> -> vector<16xf32>
      %max3A_223 = arith.maximumf %select_n3A_219, %gather3A_222 : vector<16xf32>
      %select_n3A_224 = arith.select %eq3A_197, %max3A_223, %select_n3A_219 : vector<16xi1>, vector<16xf32>
      %add3A_225 = arith.constant 0 : i32
      %add3A_226 = vector.broadcast %add3A_225 : i32 to vector<16xi32>
      %add3A_227 = arith.addi %get3A_182, %add3A_226 : vector<16xi32>
      %gather3A_228 = tpu.vector_load_idx %arg7[%add3A_227] masked %or3A : memref<544xf32, #tpu.memory_space<vmem>>[vector<16xi32>], vector<16xf32>, vector<16xi1>
      %max3A_229 = arith.maximumf %select_n3A_224, %gather3A_228 : vector<16xf32>
      tpu.vector_store_idx %arg7[%add3A_227], %max3A_229 masked %or3A : memref<544xf32, #tpu.memory_space<vmem>>[vector<16xi32>], vector<16xf32>, vector<16xi1>
      %get3A_230 = arith.constant 320 : index
      %get3A_231 = tpu.vector_load %arg5[%get3A_230] {strides = array<i32>} : memref<1280xf32, #tpu.memory_space<vmem>>, vector<16xf32>,
      %broadcast_in_dim3A_232 = vector.shape_cast %max3A_79 : vector<16xi32> to vector<16x1xi32>
      %gather3A_233 = vector.shape_cast %broadcast_in_dim3A_232 : vector<16x1xi32> to vector<16xi32>
      %gather3A_234 = tpu.dynamic_gather %get3A_231[%gather3A_233] in [0] : vector<16xf32>, vector<16xi32> -> vector<16xf32>
      %max3A_235 = arith.maximumf %get3A_231, %gather3A_234 : vector<16xf32>
      %select_n3A_236 = arith.select %eq3A_185, %max3A_235, %get3A_231 : vector<16xi1>, vector<16xf32>
      %broadcast_in_dim3A_237 = vector.shape_cast %max3A_85 : vector<16xi32> to vector<16x1xi32>
      %gather3A_238 = vector.shape_cast %broadcast_in_dim3A_237 : vector<16x1xi32> to vector<16xi32>
      %gather3A_239 = tpu.dynamic_gather %select_n3A_236[%gather3A_238] in [0] : vector<16xf32>, vector<16xi32> -> vector<16xf32>
      %max3A_240 = arith.maximumf %select_n3A_236, %gather3A_239 : vector<16xf32>
      %select_n3A_241 = arith.select %eq3A_189, %max3A_240, %select_n3A_236 : vector<16xi1>, vector<16xf32>
      %broadcast_in_dim3A_242 = vector.shape_cast %max3A_91 : vector<16xi32> to vector<16x1xi32>
      %gather3A_243 = vector.shape_cast %broadcast_in_dim3A_242 : vector<16x1xi32> to vector<16xi32>
      %gather3A_244 = tpu.dynamic_gather %select_n3A_241[%gather3A_243] in [0] : vector<16xf32>, vector<16xi32> -> vector<16xf32>
      %max3A_245 = arith.maximumf %select_n3A_241, %gather3A_244 : vector<16xf32>
      %select_n3A_246 = arith.select %eq3A_193, %max3A_245, %select_n3A_241 : vector<16xi1>, vector<16xf32>
      %broadcast_in_dim3A_247 = vector.shape_cast %max3A_97 : vector<16xi32> to vector<16x1xi32>
      %gather3A_248 = vector.shape_cast %broadcast_in_dim3A_247 : vector<16x1xi32> to vector<16xi32>
      %gather3A_249 = tpu.dynamic_gather %select_n3A_246[%gather3A_248] in [0] : vector<16xf32>, vector<16xi32> -> vector<16xf32>
      %max3A_250 = arith.maximumf %select_n3A_246, %gather3A_249 : vector<16xf32>
      %select_n3A_251 = arith.select %eq3A_197, %max3A_250, %select_n3A_246 : vector<16xi1>, vector<16xf32>
      %add3A_252 = arith.constant 136 : i32
      %add3A_253 = vector.broadcast %add3A_252 : i32 to vector<16xi32>
      %add3A_254 = arith.addi %get3A_182, %add3A_253 : vector<16xi32>
      %gather3A_255 = tpu.vector_load_idx %arg7[%add3A_254] masked %or3A : memref<544xf32, #tpu.memory_space<vmem>>[vector<16xi32>], vector<16xf32>, vector<16xi1>
      %max3A_256 = arith.maximumf %select_n3A_251, %gather3A_255 : vector<16xf32>
      tpu.vector_store_idx %arg7[%add3A_254], %max3A_256 masked %or3A : memref<544xf32, #tpu.memory_space<vmem>>[vector<16xi32>], vector<16xf32>, vector<16xi1>
      %get3A_257 = arith.constant 640 : index
      %get3A_258 = tpu.vector_load %arg5[%get3A_257] {strides = array<i32>} : memref<1280xf32, #tpu.memory_space<vmem>>, vector<16xf32>,
      %broadcast_in_dim3A_259 = vector.shape_cast %max3A_79 : vector<16xi32> to vector<16x1xi32>
      %gather3A_260 = vector.shape_cast %broadcast_in_dim3A_259 : vector<16x1xi32> to vector<16xi32>
      %gather3A_261 = tpu.dynamic_gather %get3A_258[%gather3A_260] in [0] : vector<16xf32>, vector<16xi32> -> vector<16xf32>
      %max3A_262 = arith.maximumf %get3A_258, %gather3A_261 : vector<16xf32>
      %select_n3A_263 = arith.select %eq3A_185, %max3A_262, %get3A_258 : vector<16xi1>, vector<16xf32>
      %broadcast_in_dim3A_264 = vector.shape_cast %max3A_85 : vector<16xi32> to vector<16x1xi32>
      %gather3A_265 = vector.shape_cast %broadcast_in_dim3A_264 : vector<16x1xi32> to vector<16xi32>
      %gather3A_266 = tpu.dynamic_gather %select_n3A_263[%gather3A_265] in [0] : vector<16xf32>, vector<16xi32> -> vector<16xf32>
      %max3A_267 = arith.maximumf %select_n3A_263, %gather3A_266 : vector<16xf32>
      %select_n3A_268 = arith.select %eq3A_189, %max3A_267, %select_n3A_263 : vector<16xi1>, vector<16xf32>
      %broadcast_in_dim3A_269 = vector.shape_cast %max3A_91 : vector<16xi32> to vector<16x1xi32>
      %gather3A_270 = vector.shape_cast %broadcast_in_dim3A_269 : vector<16x1xi32> to vector<16xi32>
      %gather3A_271 = tpu.dynamic_gather %select_n3A_268[%gather3A_270] in [0] : vector<16xf32>, vector<16xi32> -> vector<16xf32>
      %max3A_272 = arith.maximumf %select_n3A_268, %gather3A_271 : vector<16xf32>
      %select_n3A_273 = arith.select %eq3A_193, %max3A_272, %select_n3A_268 : vector<16xi1>, vector<16xf32>
      %broadcast_in_dim3A_274 = vector.shape_cast %max3A_97 : vector<16xi32> to vector<16x1xi32>
      %gather3A_275 = vector.shape_cast %broadcast_in_dim3A_274 : vector<16x1xi32> to vector<16xi32>
      %gather3A_276 = tpu.dynamic_gather %select_n3A_273[%gather3A_275] in [0] : vector<16xf32>, vector<16xi32> -> vector<16xf32>
      %max3A_277 = arith.maximumf %select_n3A_273, %gather3A_276 : vector<16xf32>
      %select_n3A_278 = arith.select %eq3A_197, %max3A_277, %select_n3A_273 : vector<16xi1>, vector<16xf32>
      %add3A_279 = arith.constant 272 : i32
      %add3A_280 = vector.broadcast %add3A_279 : i32 to vector<16xi32>
      %add3A_281 = arith.addi %get3A_182, %add3A_280 : vector<16xi32>
      %gather3A_282 = tpu.vector_load_idx %arg7[%add3A_281] masked %or3A : memref<544xf32, #tpu.memory_space<vmem>>[vector<16xi32>], vector<16xf32>, vector<16xi1>
      %max3A_283 = arith.maximumf %select_n3A_278, %gather3A_282 : vector<16xf32>
      tpu.vector_store_idx %arg7[%add3A_281], %max3A_283 masked %or3A : memref<544xf32, #tpu.memory_space<vmem>>[vector<16xi32>], vector<16xf32>, vector<16xi1>
      %get3A_284 = arith.constant 960 : index
      %get3A_285 = tpu.vector_load %arg5[%get3A_284] {strides = array<i32>} : memref<1280xf32, #tpu.memory_space<vmem>>, vector<16xf32>,
      %broadcast_in_dim3A_286 = vector.shape_cast %max3A_79 : vector<16xi32> to vector<16x1xi32>
      %gather3A_287 = vector.shape_cast %broadcast_in_dim3A_286 : vector<16x1xi32> to vector<16xi32>
      %gather3A_288 = tpu.dynamic_gather %get3A_285[%gather3A_287] in [0] : vector<16xf32>, vector<16xi32> -> vector<16xf32>
      %max3A_289 = arith.maximumf %get3A_285, %gather3A_288 : vector<16xf32>
      %select_n3A_290 = arith.select %eq3A_185, %max3A_289, %get3A_285 : vector<16xi1>, vector<16xf32>
      %broadcast_in_dim3A_291 = vector.shape_cast %max3A_85 : vector<16xi32> to vector<16x1xi32>
      %gather3A_292 = vector.shape_cast %broadcast_in_dim3A_291 : vector<16x1xi32> to vector<16xi32>
      %gather3A_293 = tpu.dynamic_gather %select_n3A_290[%gather3A_292] in [0] : vector<16xf32>, vector<16xi32> -> vector<16xf32>
      %max3A_294 = arith.maximumf %select_n3A_290, %gather3A_293 : vector<16xf32>
      %select_n3A_295 = arith.select %eq3A_189, %max3A_294, %select_n3A_290 : vector<16xi1>, vector<16xf32>
      %broadcast_in_dim3A_296 = vector.shape_cast %max3A_91 : vector<16xi32> to vector<16x1xi32>
      %gather3A_297 = vector.shape_cast %broadcast_in_dim3A_296 : vector<16x1xi32> to vector<16xi32>
      %gather3A_298 = tpu.dynamic_gather %select_n3A_295[%gather3A_297] in [0] : vector<16xf32>, vector<16xi32> -> vector<16xf32>
      %max3A_299 = arith.maximumf %select_n3A_295, %gather3A_298 : vector<16xf32>
      %select_n3A_300 = arith.select %eq3A_193, %max3A_299, %select_n3A_295 : vector<16xi1>, vector<16xf32>
      %broadcast_in_dim3A_301 = vector.shape_cast %max3A_97 : vector<16xi32> to vector<16x1xi32>
      %gather3A_302 = vector.shape_cast %broadcast_in_dim3A_301 : vector<16x1xi32> to vector<16xi32>
      %gather3A_303 = tpu.dynamic_gather %select_n3A_300[%gather3A_302] in [0] : vector<16xf32>, vector<16xi32> -> vector<16xf32>
      %max3A_304 = arith.maximumf %select_n3A_300, %gather3A_303 : vector<16xf32>
      %select_n3A_305 = arith.select %eq3A_197, %max3A_304, %select_n3A_300 : vector<16xi1>, vector<16xf32>
      %add3A_306 = arith.constant 408 : i32
      %add3A_307 = vector.broadcast %add3A_306 : i32 to vector<16xi32>
      %add3A_308 = arith.addi %get3A_182, %add3A_307 : vector<16xi32>
      %gather3A_309 = tpu.vector_load_idx %arg7[%add3A_308] masked %or3A : memref<544xf32, #tpu.memory_space<vmem>>[vector<16xi32>], vector<16xf32>, vector<16xi1>
      %max3A_310 = arith.maximumf %select_n3A_305, %gather3A_309 : vector<16xf32>
      tpu.vector_store_idx %arg7[%add3A_308], %max3A_310 masked %or3A : memref<544xf32, #tpu.memory_space<vmem>>[vector<16xi32>], vector<16xf32>, vector<16xi1>
      %get3A_311 = arith.constant 16 : index
      %get3A_312 = tpu.vector_load %arg6[%get3A_311] {strides = array<i32>} : memref<320xi32, #tpu.memory_space<vmem>>, vector<16xi32>,
      %broadcast_in_dim3A_313 = vector.shape_cast %max3A_79 : vector<16xi32> to vector<16x1xi32>
      %gather3A_314 = vector.shape_cast %broadcast_in_dim3A_313 : vector<16x1xi32> to vector<16xi32>
      %gather3A_315 = tpu.dynamic_gather %get3A_312[%gather3A_314] in [0] : vector<16xi32>, vector<16xi32> -> vector<16xi32>
      %eq3A_316 = arith.cmpi eq, %get3A_312, %gather3A_315 : vector<16xi32>
      %broadcast_in_dim3A_317 = vector.shape_cast %max3A_85 : vector<16xi32> to vector<16x1xi32>
      %gather3A_318 = vector.shape_cast %broadcast_in_dim3A_317 : vector<16x1xi32> to vector<16xi32>
      %gather3A_319 = tpu.dynamic_gather %get3A_312[%gather3A_318] in [0] : vector<16xi32>, vector<16xi32> -> vector<16xi32>
      %eq3A_320 = arith.cmpi eq, %get3A_312, %gather3A_319 : vector<16xi32>
      %broadcast_in_dim3A_321 = vector.shape_cast %max3A_91 : vector<16xi32> to vector<16x1xi32>
      %gather3A_322 = vector.shape_cast %broadcast_in_dim3A_321 : vector<16x1xi32> to vector<16xi32>
      %gather3A_323 = tpu.dynamic_gather %get3A_312[%gather3A_322] in [0] : vector<16xi32>, vector<16xi32> -> vector<16xi32>
      %eq3A_324 = arith.cmpi eq, %get3A_312, %gather3A_323 : vector<16xi32>
      %broadcast_in_dim3A_325 = vector.shape_cast %max3A_97 : vector<16xi32> to vector<16x1xi32>
      %gather3A_326 = vector.shape_cast %broadcast_in_dim3A_325 : vector<16x1xi32> to vector<16xi32>
      %gather3A_327 = tpu.dynamic_gather %get3A_312[%gather3A_326] in [0] : vector<16xi32>, vector<16xi32> -> vector<16xi32>
      %eq3A_328 = arith.cmpi eq, %get3A_312, %gather3A_327 : vector<16xi32>
      %broadcast_in_dim3A_329 = vector.shape_cast %min3A_75 : vector<16xi32> to vector<16x1xi32>
      %gather3A_330 = vector.shape_cast %broadcast_in_dim3A_329 : vector<16x1xi32> to vector<16xi32>
      %gather3A_331 = tpu.dynamic_gather %get3A_312[%gather3A_330] in [0] : vector<16xi32>, vector<16xi32> -> vector<16xi32>
      %ne3A_332 = arith.cmpi ne, %get3A_312, %gather3A_331 : vector<16xi32>
      %eq3A_333 = arith.constant 15 : i32
      %eq3A_334 = vector.broadcast %eq3A_333 : i32 to vector<16xi32>
      %eq3A_335 = arith.cmpi eq, %iota3A, %eq3A_334 : vector<16xi32>
      %or3A_336 = arith.ori %ne3A_332, %eq3A_335 : vector<16xi1>
      %get3A_337 = arith.constant 16 : index
      %get3A_338 = tpu.vector_load %arg5[%get3A_337] {strides = array<i32>} : memref<1280xf32, #tpu.memory_space<vmem>>, vector<16xf32>,
      %broadcast_in_dim3A_339 = vector.shape_cast %max3A_79 : vector<16xi32> to vector<16x1xi32>
      %gather3A_340 = vector.shape_cast %broadcast_in_dim3A_339 : vector<16x1xi32> to vector<16xi32>
      %gather3A_341 = tpu.dynamic_gather %get3A_338[%gather3A_340] in [0] : vector<16xf32>, vector<16xi32> -> vector<16xf32>
      %max3A_342 = arith.maximumf %get3A_338, %gather3A_341 : vector<16xf32>
      %select_n3A_343 = arith.select %eq3A_316, %max3A_342, %get3A_338 : vector<16xi1>, vector<16xf32>
      %broadcast_in_dim3A_344 = vector.shape_cast %max3A_85 : vector<16xi32> to vector<16x1xi32>
      %gather3A_345 = vector.shape_cast %broadcast_in_dim3A_344 : vector<16x1xi32> to vector<16xi32>
      %gather3A_346 = tpu.dynamic_gather %select_n3A_343[%gather3A_345] in [0] : vector<16xf32>, vector<16xi32> -> vector<16xf32>
      %max3A_347 = arith.maximumf %select_n3A_343, %gather3A_346 : vector<16xf32>
      %select_n3A_348 = arith.select %eq3A_320, %max3A_347, %select_n3A_343 : vector<16xi1>, vector<16xf32>
      %broadcast_in_dim3A_349 = vector.shape_cast %max3A_91 : vector<16xi32> to vector<16x1xi32>
      %gather3A_350 = vector.shape_cast %broadcast_in_dim3A_349 : vector<16x1xi32> to vector<16xi32>
      %gather3A_351 = tpu.dynamic_gather %select_n3A_348[%gather3A_350] in [0] : vector<16xf32>, vector<16xi32> -> vector<16xf32>
      %max3A_352 = arith.maximumf %select_n3A_348, %gather3A_351 : vector<16xf32>
      %select_n3A_353 = arith.select %eq3A_324, %max3A_352, %select_n3A_348 : vector<16xi1>, vector<16xf32>
      %broadcast_in_dim3A_354 = vector.shape_cast %max3A_97 : vector<16xi32> to vector<16x1xi32>
      %gather3A_355 = vector.shape_cast %broadcast_in_dim3A_354 : vector<16x1xi32> to vector<16xi32>
      %gather3A_356 = tpu.dynamic_gather %select_n3A_353[%gather3A_355] in [0] : vector<16xf32>, vector<16xi32> -> vector<16xf32>
      %max3A_357 = arith.maximumf %select_n3A_353, %gather3A_356 : vector<16xf32>
      %select_n3A_358 = arith.select %eq3A_328, %max3A_357, %select_n3A_353 : vector<16xi1>, vector<16xf32>
      %add3A_359 = arith.constant 0 : i32
      %add3A_360 = vector.broadcast %add3A_359 : i32 to vector<16xi32>
      %add3A_361 = arith.addi %get3A_312, %add3A_360 : vector<16xi32>
      %gather3A_362 = tpu.vector_load_idx %arg7[%add3A_361] masked %or3A_336 : memref<544xf32, #tpu.memory_space<vmem>>[vector<16xi32>], vector<16xf32>, vector<16xi1>
      %max3A_363 = arith.maximumf %select_n3A_358, %gather3A_362 : vector<16xf32>
      tpu.vector_store_idx %arg7[%add3A_361], %max3A_363 masked %or3A_336 : memref<544xf32, #tpu.memory_space<vmem>>[vector<16xi32>], vector<16xf32>, vector<16xi1>
      %get3A_364 = arith.constant 336 : index
      %get3A_365 = tpu.vector_load %arg5[%get3A_364] {strides = array<i32>} : memref<1280xf32, #tpu.memory_space<vmem>>, vector<16xf32>,
      %broadcast_in_dim3A_366 = vector.shape_cast %max3A_79 : vector<16xi32> to vector<16x1xi32>
      %gather3A_367 = vector.shape_cast %broadcast_in_dim3A_366 : vector<16x1xi32> to vector<16xi32>
      %gather3A_368 = tpu.dynamic_gather %get3A_365[%gather3A_367] in [0] : vector<16xf32>, vector<16xi32> -> vector<16xf32>
      %max3A_369 = arith.maximumf %get3A_365, %gather3A_368 : vector<16xf32>
      %select_n3A_370 = arith.select %eq3A_316, %max3A_369, %get3A_365 : vector<16xi1>, vector<16xf32>
      %broadcast_in_dim3A_371 = vector.shape_cast %max3A_85 : vector<16xi32> to vector<16x1xi32>
      %gather3A_372 = vector.shape_cast %broadcast_in_dim3A_371 : vector<16x1xi32> to vector<16xi32>
      %gather3A_373 = tpu.dynamic_gather %select_n3A_370[%gather3A_372] in [0] : vector<16xf32>, vector<16xi32> -> vector<16xf32>
      %max3A_374 = arith.maximumf %select_n3A_370, %gather3A_373 : vector<16xf32>
      %select_n3A_375 = arith.select %eq3A_320, %max3A_374, %select_n3A_370 : vector<16xi1>, vector<16xf32>
      %broadcast_in_dim3A_376 = vector.shape_cast %max3A_91 : vector<16xi32> to vector<16x1xi32>
      %gather3A_377 = vector.shape_cast %broadcast_in_dim3A_376 : vector<16x1xi32> to vector<16xi32>
      %gather3A_378 = tpu.dynamic_gather %select_n3A_375[%gather3A_377] in [0] : vector<16xf32>, vector<16xi32> -> vector<16xf32>
      %max3A_379 = arith.maximumf %select_n3A_375, %gather3A_378 : vector<16xf32>
      %select_n3A_380 = arith.select %eq3A_324, %max3A_379, %select_n3A_375 : vector<16xi1>, vector<16xf32>
      %broadcast_in_dim3A_381 = vector.shape_cast %max3A_97 : vector<16xi32> to vector<16x1xi32>
      %gather3A_382 = vector.shape_cast %broadcast_in_dim3A_381 : vector<16x1xi32> to vector<16xi32>
      %gather3A_383 = tpu.dynamic_gather %select_n3A_380[%gather3A_382] in [0] : vector<16xf32>, vector<16xi32> -> vector<16xf32>
      %max3A_384 = arith.maximumf %select_n3A_380, %gather3A_383 : vector<16xf32>
      %select_n3A_385 = arith.select %eq3A_328, %max3A_384, %select_n3A_380 : vector<16xi1>, vector<16xf32>
      %add3A_386 = arith.constant 136 : i32
      %add3A_387 = vector.broadcast %add3A_386 : i32 to vector<16xi32>
      %add3A_388 = arith.addi %get3A_312, %add3A_387 : vector<16xi32>
      %gather3A_389 = tpu.vector_load_idx %arg7[%add3A_388] masked %or3A_336 : memref<544xf32, #tpu.memory_space<vmem>>[vector<16xi32>], vector<16xf32>, vector<16xi1>
      %max3A_390 = arith.maximumf %select_n3A_385, %gather3A_389 : vector<16xf32>
      tpu.vector_store_idx %arg7[%add3A_388], %max3A_390 masked %or3A_336 : memref<544xf32, #tpu.memory_space<vmem>>[vector<16xi32>], vector<16xf32>, vector<16xi1>
      %get3A_391 = arith.constant 656 : index
      %get3A_392 = tpu.vector_load %arg5[%get3A_391] {strides = array<i32>} : memref<1280xf32, #tpu.memory_space<vmem>>, vector<16xf32>,
      %broadcast_in_dim3A_393 = vector.shape_cast %max3A_79 : vector<16xi32> to vector<16x1xi32>
      %gather3A_394 = vector.shape_cast %broadcast_in_dim3A_393 : vector<16x1xi32> to vector<16xi32>
      %gather3A_395 = tpu.dynamic_gather %get3A_392[%gather3A_394] in [0] : vector<16xf32>, vector<16xi32> -> vector<16xf32>
      %max3A_396 = arith.maximumf %get3A_392, %gather3A_395 : vector<16xf32>
      %select_n3A_397 = arith.select %eq3A_316, %max3A_396, %get3A_392 : vector<16xi1>, vector<16xf32>
      %broadcast_in_dim3A_398 = vector.shape_cast %max3A_85 : vector<16xi32> to vector<16x1xi32>
      %gather3A_399 = vector.shape_cast %broadcast_in_dim3A_398 : vector<16x1xi32> to vector<16xi32>
      %gather3A_400 = tpu.dynamic_gather %select_n3A_397[%gather3A_399] in [0] : vector<16xf32>, vector<16xi32> -> vector<16xf32>
      %max3A_401 = arith.maximumf %select_n3A_397, %gather3A_400 : vector<16xf32>
      %select_n3A_402 = arith.select %eq3A_320, %max3A_401, %select_n3A_397 : vector<16xi1>, vector<16xf32>
      %broadcast_in_dim3A_403 = vector.shape_cast %max3A_91 : vector<16xi32> to vector<16x1xi32>
      %gather3A_404 = vector.shape_cast %broadcast_in_dim3A_403 : vector<16x1xi32> to vector<16xi32>
      %gather3A_405 = tpu.dynamic_gather %select_n3A_402[%gather3A_404] in [0] : vector<16xf32>, vector<16xi32> -> vector<16xf32>
      %max3A_406 = arith.maximumf %select_n3A_402, %gather3A_405 : vector<16xf32>
      %select_n3A_407 = arith.select %eq3A_324, %max3A_406, %select_n3A_402 : vector<16xi1>, vector<16xf32>
      %broadcast_in_dim3A_408 = vector.shape_cast %max3A_97 : vector<16xi32> to vector<16x1xi32>
      %gather3A_409 = vector.shape_cast %broadcast_in_dim3A_408 : vector<16x1xi32> to vector<16xi32>
      %gather3A_410 = tpu.dynamic_gather %select_n3A_407[%gather3A_409] in [0] : vector<16xf32>, vector<16xi32> -> vector<16xf32>
      %max3A_411 = arith.maximumf %select_n3A_407, %gather3A_410 : vector<16xf32>
      %select_n3A_412 = arith.select %eq3A_328, %max3A_411, %select_n3A_407 : vector<16xi1>, vector<16xf32>
      %add3A_413 = arith.constant 272 : i32
      %add3A_414 = vector.broadcast %add3A_413 : i32 to vector<16xi32>
      %add3A_415 = arith.addi %get3A_312, %add3A_414 : vector<16xi32>
      %gather3A_416 = tpu.vector_load_idx %arg7[%add3A_415] masked %or3A_336 : memref<544xf32, #tpu.memory_space<vmem>>[vector<16xi32>], vector<16xf32>, vector<16xi1>
      %max3A_417 = arith.maximumf %select_n3A_412, %gather3A_416 : vector<16xf32>
      tpu.vector_store_idx %arg7[%add3A_415], %max3A_417 masked %or3A_336 : memref<544xf32, #tpu.memory_space<vmem>>[vector<16xi32>], vector<16xf32>, vector<16xi1>
      %get3A_418 = arith.constant 976 : index
      %get3A_419 = tpu.vector_load %arg5[%get3A_418] {strides = array<i32>} : memref<1280xf32, #tpu.memory_space<vmem>>, vector<16xf32>,
      %broadcast_in_dim3A_420 = vector.shape_cast %max3A_79 : vector<16xi32> to vector<16x1xi32>
      %gather3A_421 = vector.shape_cast %broadcast_in_dim3A_420 : vector<16x1xi32> to vector<16xi32>
      %gather3A_422 = tpu.dynamic_gather %get3A_419[%gather3A_421] in [0] : vector<16xf32>, vector<16xi32> -> vector<16xf32>
      %max3A_423 = arith.maximumf %get3A_419, %gather3A_422 : vector<16xf32>
      %select_n3A_424 = arith.select %eq3A_316, %max3A_423, %get3A_419 : vector<16xi1>, vector<16xf32>
      %broadcast_in_dim3A_425 = vector.shape_cast %max3A_85 : vector<16xi32> to vector<16x1xi32>
      %gather3A_426 = vector.shape_cast %broadcast_in_dim3A_425 : vector<16x1xi32> to vector<16xi32>
      %gather3A_427 = tpu.dynamic_gather %select_n3A_424[%gather3A_426] in [0] : vector<16xf32>, vector<16xi32> -> vector<16xf32>
      %max3A_428 = arith.maximumf %select_n3A_424, %gather3A_427 : vector<16xf32>
      %select_n3A_429 = arith.select %eq3A_320, %max3A_428, %select_n3A_424 : vector<16xi1>, vector<16xf32>
      %broadcast_in_dim3A_430 = vector.shape_cast %max3A_91 : vector<16xi32> to vector<16x1xi32>
      %gather3A_431 = vector.shape_cast %broadcast_in_dim3A_430 : vector<16x1xi32> to vector<16xi32>
      %gather3A_432 = tpu.dynamic_gather %select_n3A_429[%gather3A_431] in [0] : vector<16xf32>, vector<16xi32> -> vector<16xf32>
      %max3A_433 = arith.maximumf %select_n3A_429, %gather3A_432 : vector<16xf32>
      %select_n3A_434 = arith.select %eq3A_324, %max3A_433, %select_n3A_429 : vector<16xi1>, vector<16xf32>
      %broadcast_in_dim3A_435 = vector.shape_cast %max3A_97 : vector<16xi32> to vector<16x1xi32>
      %gather3A_436 = vector.shape_cast %broadcast_in_dim3A_435 : vector<16x1xi32> to vector<16xi32>
      %gather3A_437 = tpu.dynamic_gather %select_n3A_434[%gather3A_436] in [0] : vector<16xf32>, vector<16xi32> -> vector<16xf32>
      %max3A_438 = arith.maximumf %select_n3A_434, %gather3A_437 : vector<16xf32>
      %select_n3A_439 = arith.select %eq3A_328, %max3A_438, %select_n3A_434 : vector<16xi1>, vector<16xf32>
      %add3A_440 = arith.constant 408 : i32
      %add3A_441 = vector.broadcast %add3A_440 : i32 to vector<16xi32>
      %add3A_442 = arith.addi %get3A_312, %add3A_441 : vector<16xi32>
      %gather3A_443 = tpu.vector_load_idx %arg7[%add3A_442] masked %or3A_336 : memref<544xf32, #tpu.memory_space<vmem>>[vector<16xi32>], vector<16xf32>, vector<16xi1>
      %max3A_444 = arith.maximumf %select_n3A_439, %gather3A_443 : vector<16xf32>
      tpu.vector_store_idx %arg7[%add3A_442], %max3A_444 masked %or3A_336 : memref<544xf32, #tpu.memory_space<vmem>>[vector<16xi32>], vector<16xf32>, vector<16xi1>
      %get3A_445 = arith.constant 32 : index
      %get3A_446 = tpu.vector_load %arg6[%get3A_445] {strides = array<i32>} : memref<320xi32, #tpu.memory_space<vmem>>, vector<16xi32>,
      %broadcast_in_dim3A_447 = vector.shape_cast %max3A_79 : vector<16xi32> to vector<16x1xi32>
      %gather3A_448 = vector.shape_cast %broadcast_in_dim3A_447 : vector<16x1xi32> to vector<16xi32>
      %gather3A_449 = tpu.dynamic_gather %get3A_446[%gather3A_448] in [0] : vector<16xi32>, vector<16xi32> -> vector<16xi32>
      %eq3A_450 = arith.cmpi eq, %get3A_446, %gather3A_449 : vector<16xi32>
      %broadcast_in_dim3A_451 = vector.shape_cast %max3A_85 : vector<16xi32> to vector<16x1xi32>
      %gather3A_452 = vector.shape_cast %broadcast_in_dim3A_451 : vector<16x1xi32> to vector<16xi32>
      %gather3A_453 = tpu.dynamic_gather %get3A_446[%gather3A_452] in [0] : vector<16xi32>, vector<16xi32> -> vector<16xi32>
      %eq3A_454 = arith.cmpi eq, %get3A_446, %gather3A_453 : vector<16xi32>
      %broadcast_in_dim3A_455 = vector.shape_cast %max3A_91 : vector<16xi32> to vector<16x1xi32>
      %gather3A_456 = vector.shape_cast %broadcast_in_dim3A_455 : vector<16x1xi32> to vector<16xi32>
      %gather3A_457 = tpu.dynamic_gather %get3A_446[%gather3A_456] in [0] : vector<16xi32>, vector<16xi32> -> vector<16xi32>
      %eq3A_458 = arith.cmpi eq, %get3A_446, %gather3A_457 : vector<16xi32>
      %broadcast_in_dim3A_459 = vector.shape_cast %max3A_97 : vector<16xi32> to vector<16x1xi32>
      %gather3A_460 = vector.shape_cast %broadcast_in_dim3A_459 : vector<16x1xi32> to vector<16xi32>
      %gather3A_461 = tpu.dynamic_gather %get3A_446[%gather3A_460] in [0] : vector<16xi32>, vector<16xi32> -> vector<16xi32>
      %eq3A_462 = arith.cmpi eq, %get3A_446, %gather3A_461 : vector<16xi32>
      %broadcast_in_dim3A_463 = vector.shape_cast %min3A_75 : vector<16xi32> to vector<16x1xi32>
      %gather3A_464 = vector.shape_cast %broadcast_in_dim3A_463 : vector<16x1xi32> to vector<16xi32>
      %gather3A_465 = tpu.dynamic_gather %get3A_446[%gather3A_464] in [0] : vector<16xi32>, vector<16xi32> -> vector<16xi32>
      %ne3A_466 = arith.cmpi ne, %get3A_446, %gather3A_465 : vector<16xi32>
      %eq3A_467 = arith.constant 15 : i32
      %eq3A_468 = vector.broadcast %eq3A_467 : i32 to vector<16xi32>
      %eq3A_469 = arith.cmpi eq, %iota3A, %eq3A_468 : vector<16xi32>
      %or3A_470 = arith.ori %ne3A_466, %eq3A_469 : vector<16xi1>
      %get3A_471 = arith.constant 32 : index
      %get3A_472 = tpu.vector_load %arg5[%get3A_471] {strides = array<i32>} : memref<1280xf32, #tpu.memory_space<vmem>>, vector<16xf32>,
      %broadcast_in_dim3A_473 = vector.shape_cast %max3A_79 : vector<16xi32> to vector<16x1xi32>
      %gather3A_474 = vector.shape_cast %broadcast_in_dim3A_473 : vector<16x1xi32> to vector<16xi32>
      %gather3A_475 = tpu.dynamic_gather %get3A_472[%gather3A_474] in [0] : vector<16xf32>, vector<16xi32> -> vector<16xf32>
      %max3A_476 = arith.maximumf %get3A_472, %gather3A_475 : vector<16xf32>
      %select_n3A_477 = arith.select %eq3A_450, %max3A_476, %get3A_472 : vector<16xi1>, vector<16xf32>
      %broadcast_in_dim3A_478 = vector.shape_cast %max3A_85 : vector<16xi32> to vector<16x1xi32>
      %gather3A_479 = vector.shape_cast %broadcast_in_dim3A_478 : vector<16x1xi32> to vector<16xi32>
      %gather3A_480 = tpu.dynamic_gather %select_n3A_477[%gather3A_479] in [0] : vector<16xf32>, vector<16xi32> -> vector<16xf32>
      %max3A_481 = arith.maximumf %select_n3A_477, %gather3A_480 : vector<16xf32>
      %select_n3A_482 = arith.select %eq3A_454, %max3A_481, %select_n3A_477 : vector<16xi1>, vector<16xf32>
      %broadcast_in_dim3A_483 = vector.shape_cast %max3A_91 : vector<16xi32> to vector<16x1xi32>
      %gather3A_484 = vector.shape_cast %broadcast_in_dim3A_483 : vector<16x1xi32> to vector<16xi32>
      %gather3A_485 = tpu.dynamic_gather %select_n3A_482[%gather3A_484] in [0] : vector<16xf32>, vector<16xi32> -> vector<16xf32>
      %max3A_486 = arith.maximumf %select_n3A_482, %gather3A_485 : vector<16xf32>
      %select_n3A_487 = arith.select %eq3A_458, %max3A_486, %select_n3A_482 : vector<16xi1>, vector<16xf32>
      %broadcast_in_dim3A_488 = vector.shape_cast %max3A_97 : vector<16xi32> to vector<16x1xi32>
      %gather3A_489 = vector.shape_cast %broadcast_in_dim3A_488 : vector<16x1xi32> to vector<16xi32>
      %gather3A_490 = tpu.dynamic_gather %select_n3A_487[%gather3A_489] in [0] : vector<16xf32>, vector<16xi32> -> vector<16xf32>
      %max3A_491 = arith.maximumf %select_n3A_487, %gather3A_490 : vector<16xf32>
      %select_n3A_492 = arith.select %eq3A_462, %max3A_491, %select_n3A_487 : vector<16xi1>, vector<16xf32>
      %add3A_493 = arith.constant 0 : i32
      %add3A_494 = vector.broadcast %add3A_493 : i32 to vector<16xi32>
      %add3A_495 = arith.addi %get3A_446, %add3A_494 : vector<16xi32>
      %gather3A_496 = tpu.vector_load_idx %arg7[%add3A_495] masked %or3A_470 : memref<544xf32, #tpu.memory_space<vmem>>[vector<16xi32>], vector<16xf32>, vector<16xi1>
      %max3A_497 = arith.maximumf %select_n3A_492, %gather3A_496 : vector<16xf32>
      tpu.vector_store_idx %arg7[%add3A_495], %max3A_497 masked %or3A_470 : memref<544xf32, #tpu.memory_space<vmem>>[vector<16xi32>], vector<16xf32>, vector<16xi1>
      %get3A_498 = arith.constant 352 : index
      %get3A_499 = tpu.vector_load %arg5[%get3A_498] {strides = array<i32>} : memref<1280xf32, #tpu.memory_space<vmem>>, vector<16xf32>,
      %broadcast_in_dim3A_500 = vector.shape_cast %max3A_79 : vector<16xi32> to vector<16x1xi32>
      %gather3A_501 = vector.shape_cast %broadcast_in_dim3A_500 : vector<16x1xi32> to vector<16xi32>
      %gather3A_502 = tpu.dynamic_gather %get3A_499[%gather3A_501] in [0] : vector<16xf32>, vector<16xi32> -> vector<16xf32>
      %max3A_503 = arith.maximumf %get3A_499, %gather3A_502 : vector<16xf32>
      %select_n3A_504 = arith.select %eq3A_450, %max3A_503, %get3A_499 : vector<16xi1>, vector<16xf32>
      %broadcast_in_dim3A_505 = vector.shape_cast %max3A_85 : vector<16xi32> to vector<16x1xi32>
      %gather3A_506 = vector.shape_cast %broadcast_in_dim3A_505 : vector<16x1xi32> to vector<16xi32>
      %gather3A_507 = tpu.dynamic_gather %select_n3A_504[%gather3A_506] in [0] : vector<16xf32>, vector<16xi32> -> vector<16xf32>
      %max3A_508 = arith.maximumf %select_n3A_504, %gather3A_507 : vector<16xf32>
      %select_n3A_509 = arith.select %eq3A_454, %max3A_508, %select_n3A_504 : vector<16xi1>, vector<16xf32>
      %broadcast_in_dim3A_510 = vector.shape_cast %max3A_91 : vector<16xi32> to vector<16x1xi32>
      %gather3A_511 = vector.shape_cast %broadcast_in_dim3A_510 : vector<16x1xi32> to vector<16xi32>
      %gather3A_512 = tpu.dynamic_gather %select_n3A_509[%gather3A_511] in [0] : vector<16xf32>, vector<16xi32> -> vector<16xf32>
      %max3A_513 = arith.maximumf %select_n3A_509, %gather3A_512 : vector<16xf32>
      %select_n3A_514 = arith.select %eq3A_458, %max3A_513, %select_n3A_509 : vector<16xi1>, vector<16xf32>
      %broadcast_in_dim3A_515 = vector.shape_cast %max3A_97 : vector<16xi32> to vector<16x1xi32>
      %gather3A_516 = vector.shape_cast %broadcast_in_dim3A_515 : vector<16x1xi32> to vector<16xi32>
      %gather3A_517 = tpu.dynamic_gather %select_n3A_514[%gather3A_516] in [0] : vector<16xf32>, vector<16xi32> -> vector<16xf32>
      %max3A_518 = arith.maximumf %select_n3A_514, %gather3A_517 : vector<16xf32>
      %select_n3A_519 = arith.select %eq3A_462, %max3A_518, %select_n3A_514 : vector<16xi1>, vector<16xf32>
      %add3A_520 = arith.constant 136 : i32
      %add3A_521 = vector.broadcast %add3A_520 : i32 to vector<16xi32>
      %add3A_522 = arith.addi %get3A_446, %add3A_521 : vector<16xi32>
      %gather3A_523 = tpu.vector_load_idx %arg7[%add3A_522] masked %or3A_470 : memref<544xf32, #tpu.memory_space<vmem>>[vector<16xi32>], vector<16xf32>, vector<16xi1>
      %max3A_524 = arith.maximumf %select_n3A_519, %gather3A_523 : vector<16xf32>
      tpu.vector_store_idx %arg7[%add3A_522], %max3A_524 masked %or3A_470 : memref<544xf32, #tpu.memory_space<vmem>>[vector<16xi32>], vector<16xf32>, vector<16xi1>
      %get3A_525 = arith.constant 672 : index
      %get3A_526 = tpu.vector_load %arg5[%get3A_525] {strides = array<i32>} : memref<1280xf32, #tpu.memory_space<vmem>>, vector<16xf32>,
      %broadcast_in_dim3A_527 = vector.shape_cast %max3A_79 : vector<16xi32> to vector<16x1xi32>
      %gather3A_528 = vector.shape_cast %broadcast_in_dim3A_527 : vector<16x1xi32> to vector<16xi32>
      %gather3A_529 = tpu.dynamic_gather %get3A_526[%gather3A_528] in [0] : vector<16xf32>, vector<16xi32> -> vector<16xf32>
      %max3A_530 = arith.maximumf %get3A_526, %gather3A_529 : vector<16xf32>
      %select_n3A_531 = arith.select %eq3A_450, %max3A_530, %get3A_526 : vector<16xi1>, vector<16xf32>
      %broadcast_in_dim3A_532 = vector.shape_cast %max3A_85 : vector<16xi32> to vector<16x1xi32>
      %gather3A_533 = vector.shape_cast %broadcast_in_dim3A_532 : vector<16x1xi32> to vector<16xi32>
      %gather3A_534 = tpu.dynamic_gather %select_n3A_531[%gather3A_533] in [0] : vector<16xf32>, vector<16xi32> -> vector<16xf32>
      %max3A_535 = arith.maximumf %select_n3A_531, %gather3A_534 : vector<16xf32>
      %select_n3A_536 = arith.select %eq3A_454, %max3A_535, %select_n3A_531 : vector<16xi1>, vector<16xf32>
      %broadcast_in_dim3A_537 = vector.shape_cast %max3A_91 : vector<16xi32> to vector<16x1xi32>
      %gather3A_538 = vector.shape_cast %broadcast_in_dim3A_537 : vector<16x1xi32> to vector<16xi32>
      %gather3A_539 = tpu.dynamic_gather %select_n3A_536[%gather3A_538] in [0] : vector<16xf32>, vector<16xi32> -> vector<16xf32>
      %max3A_540 = arith.maximumf %select_n3A_536, %gather3A_539 : vector<16xf32>
      %select_n3A_541 = arith.select %eq3A_458, %max3A_540, %select_n3A_536 : vector<16xi1>, vector<16xf32>
      %broadcast_in_dim3A_542 = vector.shape_cast %max3A_97 : vector<16xi32> to vector<16x1xi32>
      %gather3A_543 = vector.shape_cast %broadcast_in_dim3A_542 : vector<16x1xi32> to vector<16xi32>
      %gather3A_544 = tpu.dynamic_gather %select_n3A_541[%gather3A_543] in [0] : vector<16xf32>, vector<16xi32> -> vector<16xf32>
      %max3A_545 = arith.maximumf %select_n3A_541, %gather3A_544 : vector<16xf32>
      %select_n3A_546 = arith.select %eq3A_462, %max3A_545, %select_n3A_541 : vector<16xi1>, vector<16xf32>
      %add3A_547 = arith.constant 272 : i32
      %add3A_548 = vector.broadcast %add3A_547 : i32 to vector<16xi32>
      %add3A_549 = arith.addi %get3A_446, %add3A_548 : vector<16xi32>
      %gather3A_550 = tpu.vector_load_idx %arg7[%add3A_549] masked %or3A_470 : memref<544xf32, #tpu.memory_space<vmem>>[vector<16xi32>], vector<16xf32>, vector<16xi1>
      %max3A_551 = arith.maximumf %select_n3A_546, %gather3A_550 : vector<16xf32>
      tpu.vector_store_idx %arg7[%add3A_549], %max3A_551 masked %or3A_470 : memref<544xf32, #tpu.memory_space<vmem>>[vector<16xi32>], vector<16xf32>, vector<16xi1>
      %get3A_552 = arith.constant 992 : index
      %get3A_553 = tpu.vector_load %arg5[%get3A_552] {strides = array<i32>} : memref<1280xf32, #tpu.memory_space<vmem>>, vector<16xf32>,
      %broadcast_in_dim3A_554 = vector.shape_cast %max3A_79 : vector<16xi32> to vector<16x1xi32>
      %gather3A_555 = vector.shape_cast %broadcast_in_dim3A_554 : vector<16x1xi32> to vector<16xi32>
      %gather3A_556 = tpu.dynamic_gather %get3A_553[%gather3A_555] in [0] : vector<16xf32>, vector<16xi32> -> vector<16xf32>
      %max3A_557 = arith.maximumf %get3A_553, %gather3A_556 : vector<16xf32>
      %select_n3A_558 = arith.select %eq3A_450, %max3A_557, %get3A_553 : vector<16xi1>, vector<16xf32>
      %broadcast_in_dim3A_559 = vector.shape_cast %max3A_85 : vector<16xi32> to vector<16x1xi32>
      %gather3A_560 = vector.shape_cast %broadcast_in_dim3A_559 : vector<16x1xi32> to vector<16xi32>
      %gather3A_561 = tpu.dynamic_gather %select_n3A_558[%gather3A_560] in [0] : vector<16xf32>, vector<16xi32> -> vector<16xf32>
      %max3A_562 = arith.maximumf %select_n3A_558, %gather3A_561 : vector<16xf32>
      %select_n3A_563 = arith.select %eq3A_454, %max3A_562, %select_n3A_558 : vector<16xi1>, vector<16xf32>
      %broadcast_in_dim3A_564 = vector.shape_cast %max3A_91 : vector<16xi32> to vector<16x1xi32>
      %gather3A_565 = vector.shape_cast %broadcast_in_dim3A_564 : vector<16x1xi32> to vector<16xi32>
      %gather3A_566 = tpu.dynamic_gather %select_n3A_563[%gather3A_565] in [0] : vector<16xf32>, vector<16xi32> -> vector<16xf32>
      %max3A_567 = arith.maximumf %select_n3A_563, %gather3A_566 : vector<16xf32>
      %select_n3A_568 = arith.select %eq3A_458, %max3A_567, %select_n3A_563 : vector<16xi1>, vector<16xf32>
      %broadcast_in_dim3A_569 = vector.shape_cast %max3A_97 : vector<16xi32> to vector<16x1xi32>
      %gather3A_570 = vector.shape_cast %broadcast_in_dim3A_569 : vector<16x1xi32> to vector<16xi32>
      %gather3A_571 = tpu.dynamic_gather %select_n3A_568[%gather3A_570] in [0] : vector<16xf32>, vector<16xi32> -> vector<16xf32>
      %max3A_572 = arith.maximumf %select_n3A_568, %gather3A_571 : vector<16xf32>
      %select_n3A_573 = arith.select %eq3A_462, %max3A_572, %select_n3A_568 : vector<16xi1>, vector<16xf32>
      %add3A_574 = arith.constant 408 : i32
      %add3A_575 = vector.broadcast %add3A_574 : i32 to vector<16xi32>
      %add3A_576 = arith.addi %get3A_446, %add3A_575 : vector<16xi32>
      %gather3A_577 = tpu.vector_load_idx %arg7[%add3A_576] masked %or3A_470 : memref<544xf32, #tpu.memory_space<vmem>>[vector<16xi32>], vector<16xf32>, vector<16xi1>
      %max3A_578 = arith.maximumf %select_n3A_573, %gather3A_577 : vector<16xf32>
      tpu.vector_store_idx %arg7[%add3A_576], %max3A_578 masked %or3A_470 : memref<544xf32, #tpu.memory_space<vmem>>[vector<16xi32>], vector<16xf32>, vector<16xi1>
      %get3A_579 = arith.constant 48 : index
      %get3A_580 = tpu.vector_load %arg6[%get3A_579] {strides = array<i32>} : memref<320xi32, #tpu.memory_space<vmem>>, vector<16xi32>,
      %broadcast_in_dim3A_581 = vector.shape_cast %max3A_79 : vector<16xi32> to vector<16x1xi32>
      %gather3A_582 = vector.shape_cast %broadcast_in_dim3A_581 : vector<16x1xi32> to vector<16xi32>
      %gather3A_583 = tpu.dynamic_gather %get3A_580[%gather3A_582] in [0] : vector<16xi32>, vector<16xi32> -> vector<16xi32>
      %eq3A_584 = arith.cmpi eq, %get3A_580, %gather3A_583 : vector<16xi32>
      %broadcast_in_dim3A_585 = vector.shape_cast %max3A_85 : vector<16xi32> to vector<16x1xi32>
      %gather3A_586 = vector.shape_cast %broadcast_in_dim3A_585 : vector<16x1xi32> to vector<16xi32>
      %gather3A_587 = tpu.dynamic_gather %get3A_580[%gather3A_586] in [0] : vector<16xi32>, vector<16xi32> -> vector<16xi32>
      %eq3A_588 = arith.cmpi eq, %get3A_580, %gather3A_587 : vector<16xi32>
      %broadcast_in_dim3A_589 = vector.shape_cast %max3A_91 : vector<16xi32> to vector<16x1xi32>
      %gather3A_590 = vector.shape_cast %broadcast_in_dim3A_589 : vector<16x1xi32> to vector<16xi32>
      %gather3A_591 = tpu.dynamic_gather %get3A_580[%gather3A_590] in [0] : vector<16xi32>, vector<16xi32> -> vector<16xi32>
      %eq3A_592 = arith.cmpi eq, %get3A_580, %gather3A_591 : vector<16xi32>
      %broadcast_in_dim3A_593 = vector.shape_cast %max3A_97 : vector<16xi32> to vector<16x1xi32>
      %gather3A_594 = vector.shape_cast %broadcast_in_dim3A_593 : vector<16x1xi32> to vector<16xi32>
      %gather3A_595 = tpu.dynamic_gather %get3A_580[%gather3A_594] in [0] : vector<16xi32>, vector<16xi32> -> vector<16xi32>
      %eq3A_596 = arith.cmpi eq, %get3A_580, %gather3A_595 : vector<16xi32>
      %broadcast_in_dim3A_597 = vector.shape_cast %min3A_75 : vector<16xi32> to vector<16x1xi32>
      %gather3A_598 = vector.shape_cast %broadcast_in_dim3A_597 : vector<16x1xi32> to vector<16xi32>
      %gather3A_599 = tpu.dynamic_gather %get3A_580[%gather3A_598] in [0] : vector<16xi32>, vector<16xi32> -> vector<16xi32>
      %ne3A_600 = arith.cmpi ne, %get3A_580, %gather3A_599 : vector<16xi32>
      %eq3A_601 = arith.constant 15 : i32
      %eq3A_602 = vector.broadcast %eq3A_601 : i32 to vector<16xi32>
      %eq3A_603 = arith.cmpi eq, %iota3A, %eq3A_602 : vector<16xi32>
      %or3A_604 = arith.ori %ne3A_600, %eq3A_603 : vector<16xi1>
      %get3A_605 = arith.constant 48 : index
      %get3A_606 = tpu.vector_load %arg5[%get3A_605] {strides = array<i32>} : memref<1280xf32, #tpu.memory_space<vmem>>, vector<16xf32>,
      %broadcast_in_dim3A_607 = vector.shape_cast %max3A_79 : vector<16xi32> to vector<16x1xi32>
      %gather3A_608 = vector.shape_cast %broadcast_in_dim3A_607 : vector<16x1xi32> to vector<16xi32>
      %gather3A_609 = tpu.dynamic_gather %get3A_606[%gather3A_608] in [0] : vector<16xf32>, vector<16xi32> -> vector<16xf32>
      %max3A_610 = arith.maximumf %get3A_606, %gather3A_609 : vector<16xf32>
      %select_n3A_611 = arith.select %eq3A_584, %max3A_610, %get3A_606 : vector<16xi1>, vector<16xf32>
      %broadcast_in_dim3A_612 = vector.shape_cast %max3A_85 : vector<16xi32> to vector<16x1xi32>
      %gather3A_613 = vector.shape_cast %broadcast_in_dim3A_612 : vector<16x1xi32> to vector<16xi32>
      %gather3A_614 = tpu.dynamic_gather %select_n3A_611[%gather3A_613] in [0] : vector<16xf32>, vector<16xi32> -> vector<16xf32>
      %max3A_615 = arith.maximumf %select_n3A_611, %gather3A_614 : vector<16xf32>
      %select_n3A_616 = arith.select %eq3A_588, %max3A_615, %select_n3A_611 : vector<16xi1>, vector<16xf32>
      %broadcast_in_dim3A_617 = vector.shape_cast %max3A_91 : vector<16xi32> to vector<16x1xi32>
      %gather3A_618 = vector.shape_cast %broadcast_in_dim3A_617 : vector<16x1xi32> to vector<16xi32>
      %gather3A_619 = tpu.dynamic_gather %select_n3A_616[%gather3A_618] in [0] : vector<16xf32>, vector<16xi32> -> vector<16xf32>
      %max3A_620 = arith.maximumf %select_n3A_616, %gather3A_619 : vector<16xf32>
      %select_n3A_621 = arith.select %eq3A_592, %max3A_620, %select_n3A_616 : vector<16xi1>, vector<16xf32>
      %broadcast_in_dim3A_622 = vector.shape_cast %max3A_97 : vector<16xi32> to vector<16x1xi32>
      %gather3A_623 = vector.shape_cast %broadcast_in_dim3A_622 : vector<16x1xi32> to vector<16xi32>
      %gather3A_624 = tpu.dynamic_gather %select_n3A_621[%gather3A_623] in [0] : vector<16xf32>, vector<16xi32> -> vector<16xf32>
      %max3A_625 = arith.maximumf %select_n3A_621, %gather3A_624 : vector<16xf32>
      %select_n3A_626 = arith.select %eq3A_596, %max3A_625, %select_n3A_621 : vector<16xi1>, vector<16xf32>
      %add3A_627 = arith.constant 0 : i32
      %add3A_628 = vector.broadcast %add3A_627 : i32 to vector<16xi32>
      %add3A_629 = arith.addi %get3A_580, %add3A_628 : vector<16xi32>
      %gather3A_630 = tpu.vector_load_idx %arg7[%add3A_629] masked %or3A_604 : memref<544xf32, #tpu.memory_space<vmem>>[vector<16xi32>], vector<16xf32>, vector<16xi1>
      %max3A_631 = arith.maximumf %select_n3A_626, %gather3A_630 : vector<16xf32>
      tpu.vector_store_idx %arg7[%add3A_629], %max3A_631 masked %or3A_604 : memref<544xf32, #tpu.memory_space<vmem>>[vector<16xi32>], vector<16xf32>, vector<16xi1>
      %get3A_632 = arith.constant 368 : index
      %get3A_633 = tpu.vector_load %arg5[%get3A_632] {strides = array<i32>} : memref<1280xf32, #tpu.memory_space<vmem>>, vector<16xf32>,
      %broadcast_in_dim3A_634 = vector.shape_cast %max3A_79 : vector<16xi32> to vector<16x1xi32>
      %gather3A_635 = vector.shape_cast %broadcast_in_dim3A_634 : vector<16x1xi32> to vector<16xi32>
      %gather3A_636 = tpu.dynamic_gather %get3A_633[%gather3A_635] in [0] : vector<16xf32>, vector<16xi32> -> vector<16xf32>
      %max3A_637 = arith.maximumf %get3A_633, %gather3A_636 : vector<16xf32>
      %select_n3A_638 = arith.select %eq3A_584, %max3A_637, %get3A_633 : vector<16xi1>, vector<16xf32>
      %broadcast_in_dim3A_639 = vector.shape_cast %max3A_85 : vector<16xi32> to vector<16x1xi32>
      %gather3A_640 = vector.shape_cast %broadcast_in_dim3A_639 : vector<16x1xi32> to vector<16xi32>
      %gather3A_641 = tpu.dynamic_gather %select_n3A_638[%gather3A_640] in [0] : vector<16xf32>, vector<16xi32> -> vector<16xf32>
      %max3A_642 = arith.maximumf %select_n3A_638, %gather3A_641 : vector<16xf32>
      %select_n3A_643 = arith.select %eq3A_588, %max3A_642, %select_n3A_638 : vector<16xi1>, vector<16xf32>
      %broadcast_in_dim3A_644 = vector.shape_cast %max3A_91 : vector<16xi32> to vector<16x1xi32>
      %gather3A_645 = vector.shape_cast %broadcast_in_dim3A_644 : vector<16x1xi32> to vector<16xi32>
      %gather3A_646 = tpu.dynamic_gather %select_n3A_643[%gather3A_645] in [0] : vector<16xf32>, vector<16xi32> -> vector<16xf32>
      %max3A_647 = arith.maximumf %select_n3A_643, %gather3A_646 : vector<16xf32>
      %select_n3A_648 = arith.select %eq3A_592, %max3A_647, %select_n3A_643 : vector<16xi1>, vector<16xf32>
      %broadcast_in_dim3A_649 = vector.shape_cast %max3A_97 : vector<16xi32> to vector<16x1xi32>
      %gather3A_650 = vector.shape_cast %broadcast_in_dim3A_649 : vector<16x1xi32> to vector<16xi32>
      %gather3A_651 = tpu.dynamic_gather %select_n3A_648[%gather3A_650] in [0] : vector<16xf32>, vector<16xi32> -> vector<16xf32>
      %max3A_652 = arith.maximumf %select_n3A_648, %gather3A_651 : vector<16xf32>
      %select_n3A_653 = arith.select %eq3A_596, %max3A_652, %select_n3A_648 : vector<16xi1>, vector<16xf32>
      %add3A_654 = arith.constant 136 : i32
      %add3A_655 = vector.broadcast %add3A_654 : i32 to vector<16xi32>
      %add3A_656 = arith.addi %get3A_580, %add3A_655 : vector<16xi32>
      %gather3A_657 = tpu.vector_load_idx %arg7[%add3A_656] masked %or3A_604 : memref<544xf32, #tpu.memory_space<vmem>>[vector<16xi32>], vector<16xf32>, vector<16xi1>
      %max3A_658 = arith.maximumf %select_n3A_653, %gather3A_657 : vector<16xf32>
      tpu.vector_store_idx %arg7[%add3A_656], %max3A_658 masked %or3A_604 : memref<544xf32, #tpu.memory_space<vmem>>[vector<16xi32>], vector<16xf32>, vector<16xi1>
      %get3A_659 = arith.constant 688 : index
      %get3A_660 = tpu.vector_load %arg5[%get3A_659] {strides = array<i32>} : memref<1280xf32, #tpu.memory_space<vmem>>, vector<16xf32>,
      %broadcast_in_dim3A_661 = vector.shape_cast %max3A_79 : vector<16xi32> to vector<16x1xi32>
      %gather3A_662 = vector.shape_cast %broadcast_in_dim3A_661 : vector<16x1xi32> to vector<16xi32>
      %gather3A_663 = tpu.dynamic_gather %get3A_660[%gather3A_662] in [0] : vector<16xf32>, vector<16xi32> -> vector<16xf32>
      %max3A_664 = arith.maximumf %get3A_660, %gather3A_663 : vector<16xf32>
      %select_n3A_665 = arith.select %eq3A_584, %max3A_664, %get3A_660 : vector<16xi1>, vector<16xf32>
      %broadcast_in_dim3A_666 = vector.shape_cast %max3A_85 : vector<16xi32> to vector<16x1xi32>
      %gather3A_667 = vector.shape_cast %broadcast_in_dim3A_666 : vector<16x1xi32> to vector<16xi32>
      %gather3A_668 = tpu.dynamic_gather %select_n3A_665[%gather3A_667] in [0] : vector<16xf32>, vector<16xi32> -> vector<16xf32>
      %max3A_669 = arith.maximumf %select_n3A_665, %gather3A_668 : vector<16xf32>
      %select_n3A_670 = arith.select %eq3A_588, %max3A_669, %select_n3A_665 : vector<16xi1>, vector<16xf32>
      %broadcast_in_dim3A_671 = vector.shape_cast %max3A_91 : vector<16xi32> to vector<16x1xi32>
      %gather3A_672 = vector.shape_cast %broadcast_in_dim3A_671 : vector<16x1xi32> to vector<16xi32>
      %gather3A_673 = tpu.dynamic_gather %select_n3A_670[%gather3A_672] in [0] : vector<16xf32>, vector<16xi32> -> vector<16xf32>
      %max3A_674 = arith.maximumf %select_n3A_670, %gather3A_673 : vector<16xf32>
      %select_n3A_675 = arith.select %eq3A_592, %max3A_674, %select_n3A_670 : vector<16xi1>, vector<16xf32>
      %broadcast_in_dim3A_676 = vector.shape_cast %max3A_97 : vector<16xi32> to vector<16x1xi32>
      %gather3A_677 = vector.shape_cast %broadcast_in_dim3A_676 : vector<16x1xi32> to vector<16xi32>
      %gather3A_678 = tpu.dynamic_gather %select_n3A_675[%gather3A_677] in [0] : vector<16xf32>, vector<16xi32> -> vector<16xf32>
      %max3A_679 = arith.maximumf %select_n3A_675, %gather3A_678 : vector<16xf32>
      %select_n3A_680 = arith.select %eq3A_596, %max3A_679, %select_n3A_675 : vector<16xi1>, vector<16xf32>
      %add3A_681 = arith.constant 272 : i32
      %add3A_682 = vector.broadcast %add3A_681 : i32 to vector<16xi32>
      %add3A_683 = arith.addi %get3A_580, %add3A_682 : vector<16xi32>
      %gather3A_684 = tpu.vector_load_idx %arg7[%add3A_683] masked %or3A_604 : memref<544xf32, #tpu.memory_space<vmem>>[vector<16xi32>], vector<16xf32>, vector<16xi1>
      %max3A_685 = arith.maximumf %select_n3A_680, %gather3A_684 : vector<16xf32>
      tpu.vector_store_idx %arg7[%add3A_683], %max3A_685 masked %or3A_604 : memref<544xf32, #tpu.memory_space<vmem>>[vector<16xi32>], vector<16xf32>, vector<16xi1>
      %get3A_686 = arith.constant 1008 : index
      %get3A_687 = tpu.vector_load %arg5[%get3A_686] {strides = array<i32>} : memref<1280xf32, #tpu.memory_space<vmem>>, vector<16xf32>,
      %broadcast_in_dim3A_688 = vector.shape_cast %max3A_79 : vector<16xi32> to vector<16x1xi32>
      %gather3A_689 = vector.shape_cast %broadcast_in_dim3A_688 : vector<16x1xi32> to vector<16xi32>
      %gather3A_690 = tpu.dynamic_gather %get3A_687[%gather3A_689] in [0] : vector<16xf32>, vector<16xi32> -> vector<16xf32>
      %max3A_691 = arith.maximumf %get3A_687, %gather3A_690 : vector<16xf32>
      %select_n3A_692 = arith.select %eq3A_584, %max3A_691, %get3A_687 : vector<16xi1>, vector<16xf32>
      %broadcast_in_dim3A_693 = vector.shape_cast %max3A_85 : vector<16xi32> to vector<16x1xi32>
      %gather3A_694 = vector.shape_cast %broadcast_in_dim3A_693 : vector<16x1xi32> to vector<16xi32>
      %gather3A_695 = tpu.dynamic_gather %select_n3A_692[%gather3A_694] in [0] : vector<16xf32>, vector<16xi32> -> vector<16xf32>
      %max3A_696 = arith.maximumf %select_n3A_692, %gather3A_695 : vector<16xf32>
      %select_n3A_697 = arith.select %eq3A_588, %max3A_696, %select_n3A_692 : vector<16xi1>, vector<16xf32>
      %broadcast_in_dim3A_698 = vector.shape_cast %max3A_91 : vector<16xi32> to vector<16x1xi32>
      %gather3A_699 = vector.shape_cast %broadcast_in_dim3A_698 : vector<16x1xi32> to vector<16xi32>
      %gather3A_700 = tpu.dynamic_gather %select_n3A_697[%gather3A_699] in [0] : vector<16xf32>, vector<16xi32> -> vector<16xf32>
      %max3A_701 = arith.maximumf %select_n3A_697, %gather3A_700 : vector<16xf32>
      %select_n3A_702 = arith.select %eq3A_592, %max3A_701, %select_n3A_697 : vector<16xi1>, vector<16xf32>
      %broadcast_in_dim3A_703 = vector.shape_cast %max3A_97 : vector<16xi32> to vector<16x1xi32>
      %gather3A_704 = vector.shape_cast %broadcast_in_dim3A_703 : vector<16x1xi32> to vector<16xi32>
      %gather3A_705 = tpu.dynamic_gather %select_n3A_702[%gather3A_704] in [0] : vector<16xf32>, vector<16xi32> -> vector<16xf32>
      %max3A_706 = arith.maximumf %select_n3A_702, %gather3A_705 : vector<16xf32>
      %select_n3A_707 = arith.select %eq3A_596, %max3A_706, %select_n3A_702 : vector<16xi1>, vector<16xf32>
      %add3A_708 = arith.constant 408 : i32
      %add3A_709 = vector.broadcast %add3A_708 : i32 to vector<16xi32>
      %add3A_710 = arith.addi %get3A_580, %add3A_709 : vector<16xi32>
      %gather3A_711 = tpu.vector_load_idx %arg7[%add3A_710] masked %or3A_604 : memref<544xf32, #tpu.memory_space<vmem>>[vector<16xi32>], vector<16xf32>, vector<16xi1>
      %max3A_712 = arith.maximumf %select_n3A_707, %gather3A_711 : vector<16xf32>
      tpu.vector_store_idx %arg7[%add3A_710], %max3A_712 masked %or3A_604 : memref<544xf32, #tpu.memory_space<vmem>>[vector<16xi32>], vector<16xf32>, vector<16xi1>
      %get3A_713 = arith.constant 64 : index
      %get3A_714 = tpu.vector_load %arg6[%get3A_713] {strides = array<i32>} : memref<320xi32, #tpu.memory_space<vmem>>, vector<16xi32>,
      %broadcast_in_dim3A_715 = vector.shape_cast %max3A_79 : vector<16xi32> to vector<16x1xi32>
      %gather3A_716 = vector.shape_cast %broadcast_in_dim3A_715 : vector<16x1xi32> to vector<16xi32>
      %gather3A_717 = tpu.dynamic_gather %get3A_714[%gather3A_716] in [0] : vector<16xi32>, vector<16xi32> -> vector<16xi32>
      %eq3A_718 = arith.cmpi eq, %get3A_714, %gather3A_717 : vector<16xi32>
      %broadcast_in_dim3A_719 = vector.shape_cast %max3A_85 : vector<16xi32> to vector<16x1xi32>
      %gather3A_720 = vector.shape_cast %broadcast_in_dim3A_719 : vector<16x1xi32> to vector<16xi32>
      %gather3A_721 = tpu.dynamic_gather %get3A_714[%gather3A_720] in [0] : vector<16xi32>, vector<16xi32> -> vector<16xi32>
      %eq3A_722 = arith.cmpi eq, %get3A_714, %gather3A_721 : vector<16xi32>
      %broadcast_in_dim3A_723 = vector.shape_cast %max3A_91 : vector<16xi32> to vector<16x1xi32>
      %gather3A_724 = vector.shape_cast %broadcast_in_dim3A_723 : vector<16x1xi32> to vector<16xi32>
      %gather3A_725 = tpu.dynamic_gather %get3A_714[%gather3A_724] in [0] : vector<16xi32>, vector<16xi32> -> vector<16xi32>
      %eq3A_726 = arith.cmpi eq, %get3A_714, %gather3A_725 : vector<16xi32>
      %broadcast_in_dim3A_727 = vector.shape_cast %max3A_97 : vector<16xi32> to vector<16x1xi32>
      %gather3A_728 = vector.shape_cast %broadcast_in_dim3A_727 : vector<16x1xi32> to vector<16xi32>
      %gather3A_729 = tpu.dynamic_gather %get3A_714[%gather3A_728] in [0] : vector<16xi32>, vector<16xi32> -> vector<16xi32>
      %eq3A_730 = arith.cmpi eq, %get3A_714, %gather3A_729 : vector<16xi32>
      %broadcast_in_dim3A_731 = vector.shape_cast %min3A_75 : vector<16xi32> to vector<16x1xi32>
      %gather3A_732 = vector.shape_cast %broadcast_in_dim3A_731 : vector<16x1xi32> to vector<16xi32>
      %gather3A_733 = tpu.dynamic_gather %get3A_714[%gather3A_732] in [0] : vector<16xi32>, vector<16xi32> -> vector<16xi32>
      %ne3A_734 = arith.cmpi ne, %get3A_714, %gather3A_733 : vector<16xi32>
      %eq3A_735 = arith.constant 15 : i32
      %eq3A_736 = vector.broadcast %eq3A_735 : i32 to vector<16xi32>
      %eq3A_737 = arith.cmpi eq, %iota3A, %eq3A_736 : vector<16xi32>
      %or3A_738 = arith.ori %ne3A_734, %eq3A_737 : vector<16xi1>
      %get3A_739 = arith.constant 64 : index
      %get3A_740 = tpu.vector_load %arg5[%get3A_739] {strides = array<i32>} : memref<1280xf32, #tpu.memory_space<vmem>>, vector<16xf32>,
      %broadcast_in_dim3A_741 = vector.shape_cast %max3A_79 : vector<16xi32> to vector<16x1xi32>
      %gather3A_742 = vector.shape_cast %broadcast_in_dim3A_741 : vector<16x1xi32> to vector<16xi32>
      %gather3A_743 = tpu.dynamic_gather %get3A_740[%gather3A_742] in [0] : vector<16xf32>, vector<16xi32> -> vector<16xf32>
      %max3A_744 = arith.maximumf %get3A_740, %gather3A_743 : vector<16xf32>
      %select_n3A_745 = arith.select %eq3A_718, %max3A_744, %get3A_740 : vector<16xi1>, vector<16xf32>
      %broadcast_in_dim3A_746 = vector.shape_cast %max3A_85 : vector<16xi32> to vector<16x1xi32>
      %gather3A_747 = vector.shape_cast %broadcast_in_dim3A_746 : vector<16x1xi32> to vector<16xi32>
      %gather3A_748 = tpu.dynamic_gather %select_n3A_745[%gather3A_747] in [0] : vector<16xf32>, vector<16xi32> -> vector<16xf32>
      %max3A_749 = arith.maximumf %select_n3A_745, %gather3A_748 : vector<16xf32>
      %select_n3A_750 = arith.select %eq3A_722, %max3A_749, %select_n3A_745 : vector<16xi1>, vector<16xf32>
      %broadcast_in_dim3A_751 = vector.shape_cast %max3A_91 : vector<16xi32> to vector<16x1xi32>
      %gather3A_752 = vector.shape_cast %broadcast_in_dim3A_751 : vector<16x1xi32> to vector<16xi32>
      %gather3A_753 = tpu.dynamic_gather %select_n3A_750[%gather3A_752] in [0] : vector<16xf32>, vector<16xi32> -> vector<16xf32>
      %max3A_754 = arith.maximumf %select_n3A_750, %gather3A_753 : vector<16xf32>
      %select_n3A_755 = arith.select %eq3A_726, %max3A_754, %select_n3A_750 : vector<16xi1>, vector<16xf32>
      %broadcast_in_dim3A_756 = vector.shape_cast %max3A_97 : vector<16xi32> to vector<16x1xi32>
      %gather3A_757 = vector.shape_cast %broadcast_in_dim3A_756 : vector<16x1xi32> to vector<16xi32>
      %gather3A_758 = tpu.dynamic_gather %select_n3A_755[%gather3A_757] in [0] : vector<16xf32>, vector<16xi32> -> vector<16xf32>
      %max3A_759 = arith.maximumf %select_n3A_755, %gather3A_758 : vector<16xf32>
      %select_n3A_760 = arith.select %eq3A_730, %max3A_759, %select_n3A_755 : vector<16xi1>, vector<16xf32>
      %add3A_761 = arith.constant 0 : i32
      %add3A_762 = vector.broadcast %add3A_761 : i32 to vector<16xi32>
      %add3A_763 = arith.addi %get3A_714, %add3A_762 : vector<16xi32>
      %gather3A_764 = tpu.vector_load_idx %arg7[%add3A_763] masked %or3A_738 : memref<544xf32, #tpu.memory_space<vmem>>[vector<16xi32>], vector<16xf32>, vector<16xi1>
      %max3A_765 = arith.maximumf %select_n3A_760, %gather3A_764 : vector<16xf32>
      tpu.vector_store_idx %arg7[%add3A_763], %max3A_765 masked %or3A_738 : memref<544xf32, #tpu.memory_space<vmem>>[vector<16xi32>], vector<16xf32>, vector<16xi1>
      %get3A_766 = arith.constant 384 : index
      %get3A_767 = tpu.vector_load %arg5[%get3A_766] {strides = array<i32>} : memref<1280xf32, #tpu.memory_space<vmem>>, vector<16xf32>,
      %broadcast_in_dim3A_768 = vector.shape_cast %max3A_79 : vector<16xi32> to vector<16x1xi32>
      %gather3A_769 = vector.shape_cast %broadcast_in_dim3A_768 : vector<16x1xi32> to vector<16xi32>
      %gather3A_770 = tpu.dynamic_gather %get3A_767[%gather3A_769] in [0] : vector<16xf32>, vector<16xi32> -> vector<16xf32>
      %max3A_771 = arith.maximumf %get3A_767, %gather3A_770 : vector<16xf32>
      %select_n3A_772 = arith.select %eq3A_718, %max3A_771, %get3A_767 : vector<16xi1>, vector<16xf32>
      %broadcast_in_dim3A_773 = vector.shape_cast %max3A_85 : vector<16xi32> to vector<16x1xi32>
      %gather3A_774 = vector.shape_cast %broadcast_in_dim3A_773 : vector<16x1xi32> to vector<16xi32>
      %gather3A_775 = tpu.dynamic_gather %select_n3A_772[%gather3A_774] in [0] : vector<16xf32>, vector<16xi32> -> vector<16xf32>
      %max3A_776 = arith.maximumf %select_n3A_772, %gather3A_775 : vector<16xf32>
      %select_n3A_777 = arith.select %eq3A_722, %max3A_776, %select_n3A_772 : vector<16xi1>, vector<16xf32>
      %broadcast_in_dim3A_778 = vector.shape_cast %max3A_91 : vector<16xi32> to vector<16x1xi32>
      %gather3A_779 = vector.shape_cast %broadcast_in_dim3A_778 : vector<16x1xi32> to vector<16xi32>
      %gather3A_780 = tpu.dynamic_gather %select_n3A_777[%gather3A_779] in [0] : vector<16xf32>, vector<16xi32> -> vector<16xf32>
      %max3A_781 = arith.maximumf %select_n3A_777, %gather3A_780 : vector<16xf32>
      %select_n3A_782 = arith.select %eq3A_726, %max3A_781, %select_n3A_777 : vector<16xi1>, vector<16xf32>
      %broadcast_in_dim3A_783 = vector.shape_cast %max3A_97 : vector<16xi32> to vector<16x1xi32>
      %gather3A_784 = vector.shape_cast %broadcast_in_dim3A_783 : vector<16x1xi32> to vector<16xi32>
      %gather3A_785 = tpu.dynamic_gather %select_n3A_782[%gather3A_784] in [0] : vector<16xf32>, vector<16xi32> -> vector<16xf32>
      %max3A_786 = arith.maximumf %select_n3A_782, %gather3A_785 : vector<16xf32>
      %select_n3A_787 = arith.select %eq3A_730, %max3A_786, %select_n3A_782 : vector<16xi1>, vector<16xf32>
      %add3A_788 = arith.constant 136 : i32
      %add3A_789 = vector.broadcast %add3A_788 : i32 to vector<16xi32>
      %add3A_790 = arith.addi %get3A_714, %add3A_789 : vector<16xi32>
      %gather3A_791 = tpu.vector_load_idx %arg7[%add3A_790] masked %or3A_738 : memref<544xf32, #tpu.memory_space<vmem>>[vector<16xi32>], vector<16xf32>, vector<16xi1>
      %max3A_792 = arith.maximumf %select_n3A_787, %gather3A_791 : vector<16xf32>
      tpu.vector_store_idx %arg7[%add3A_790], %max3A_792 masked %or3A_738 : memref<544xf32, #tpu.memory_space<vmem>>[vector<16xi32>], vector<16xf32>, vector<16xi1>
      %get3A_793 = arith.constant 704 : index
      %get3A_794 = tpu.vector_load %arg5[%get3A_793] {strides = array<i32>} : memref<1280xf32, #tpu.memory_space<vmem>>, vector<16xf32>,
      %broadcast_in_dim3A_795 = vector.shape_cast %max3A_79 : vector<16xi32> to vector<16x1xi32>
      %gather3A_796 = vector.shape_cast %broadcast_in_dim3A_795 : vector<16x1xi32> to vector<16xi32>
      %gather3A_797 = tpu.dynamic_gather %get3A_794[%gather3A_796] in [0] : vector<16xf32>, vector<16xi32> -> vector<16xf32>
      %max3A_798 = arith.maximumf %get3A_794, %gather3A_797 : vector<16xf32>
      %select_n3A_799 = arith.select %eq3A_718, %max3A_798, %get3A_794 : vector<16xi1>, vector<16xf32>
      %broadcast_in_dim3A_800 = vector.shape_cast %max3A_85 : vector<16xi32> to vector<16x1xi32>
      %gather3A_801 = vector.shape_cast %broadcast_in_dim3A_800 : vector<16x1xi32> to vector<16xi32>
      %gather3A_802 = tpu.dynamic_gather %select_n3A_799[%gather3A_801] in [0] : vector<16xf32>, vector<16xi32> -> vector<16xf32>
      %max3A_803 = arith.maximumf %select_n3A_799, %gather3A_802 : vector<16xf32>
      %select_n3A_804 = arith.select %eq3A_722, %max3A_803, %select_n3A_799 : vector<16xi1>, vector<16xf32>
      %broadcast_in_dim3A_805 = vector.shape_cast %max3A_91 : vector<16xi32> to vector<16x1xi32>
      %gather3A_806 = vector.shape_cast %broadcast_in_dim3A_805 : vector<16x1xi32> to vector<16xi32>
      %gather3A_807 = tpu.dynamic_gather %select_n3A_804[%gather3A_806] in [0] : vector<16xf32>, vector<16xi32> -> vector<16xf32>
      %max3A_808 = arith.maximumf %select_n3A_804, %gather3A_807 : vector<16xf32>
      %select_n3A_809 = arith.select %eq3A_726, %max3A_808, %select_n3A_804 : vector<16xi1>, vector<16xf32>
      %broadcast_in_dim3A_810 = vector.shape_cast %max3A_97 : vector<16xi32> to vector<16x1xi32>
      %gather3A_811 = vector.shape_cast %broadcast_in_dim3A_810 : vector<16x1xi32> to vector<16xi32>
      %gather3A_812 = tpu.dynamic_gather %select_n3A_809[%gather3A_811] in [0] : vector<16xf32>, vector<16xi32> -> vector<16xf32>
      %max3A_813 = arith.maximumf %select_n3A_809, %gather3A_812 : vector<16xf32>
      %select_n3A_814 = arith.select %eq3A_730, %max3A_813, %select_n3A_809 : vector<16xi1>, vector<16xf32>
      %add3A_815 = arith.constant 272 : i32
      %add3A_816 = vector.broadcast %add3A_815 : i32 to vector<16xi32>
      %add3A_817 = arith.addi %get3A_714, %add3A_816 : vector<16xi32>
      %gather3A_818 = tpu.vector_load_idx %arg7[%add3A_817] masked %or3A_738 : memref<544xf32, #tpu.memory_space<vmem>>[vector<16xi32>], vector<16xf32>, vector<16xi1>
      %max3A_819 = arith.maximumf %select_n3A_814, %gather3A_818 : vector<16xf32>
      tpu.vector_store_idx %arg7[%add3A_817], %max3A_819 masked %or3A_738 : memref<544xf32, #tpu.memory_space<vmem>>[vector<16xi32>], vector<16xf32>, vector<16xi1>
      %get3A_820 = arith.constant 1024 : index
      %get3A_821 = tpu.vector_load %arg5[%get3A_820] {strides = array<i32>} : memref<1280xf32, #tpu.memory_space<vmem>>, vector<16xf32>,
      %broadcast_in_dim3A_822 = vector.shape_cast %max3A_79 : vector<16xi32> to vector<16x1xi32>
      %gather3A_823 = vector.shape_cast %broadcast_in_dim3A_822 : vector<16x1xi32> to vector<16xi32>
      %gather3A_824 = tpu.dynamic_gather %get3A_821[%gather3A_823] in [0] : vector<16xf32>, vector<16xi32> -> vector<16xf32>
      %max3A_825 = arith.maximumf %get3A_821, %gather3A_824 : vector<16xf32>
      %select_n3A_826 = arith.select %eq3A_718, %max3A_825, %get3A_821 : vector<16xi1>, vector<16xf32>
      %broadcast_in_dim3A_827 = vector.shape_cast %max3A_85 : vector<16xi32> to vector<16x1xi32>
      %gather3A_828 = vector.shape_cast %broadcast_in_dim3A_827 : vector<16x1xi32> to vector<16xi32>
      %gather3A_829 = tpu.dynamic_gather %select_n3A_826[%gather3A_828] in [0] : vector<16xf32>, vector<16xi32> -> vector<16xf32>
      %max3A_830 = arith.maximumf %select_n3A_826, %gather3A_829 : vector<16xf32>
      %select_n3A_831 = arith.select %eq3A_722, %max3A_830, %select_n3A_826 : vector<16xi1>, vector<16xf32>
      %broadcast_in_dim3A_832 = vector.shape_cast %max3A_91 : vector<16xi32> to vector<16x1xi32>
      %gather3A_833 = vector.shape_cast %broadcast_in_dim3A_832 : vector<16x1xi32> to vector<16xi32>
      %gather3A_834 = tpu.dynamic_gather %select_n3A_831[%gather3A_833] in [0] : vector<16xf32>, vector<16xi32> -> vector<16xf32>
      %max3A_835 = arith.maximumf %select_n3A_831, %gather3A_834 : vector<16xf32>
      %select_n3A_836 = arith.select %eq3A_726, %max3A_835, %select_n3A_831 : vector<16xi1>, vector<16xf32>
      %broadcast_in_dim3A_837 = vector.shape_cast %max3A_97 : vector<16xi32> to vector<16x1xi32>
      %gather3A_838 = vector.shape_cast %broadcast_in_dim3A_837 : vector<16x1xi32> to vector<16xi32>
      %gather3A_839 = tpu.dynamic_gather %select_n3A_836[%gather3A_838] in [0] : vector<16xf32>, vector<16xi32> -> vector<16xf32>
      %max3A_840 = arith.maximumf %select_n3A_836, %gather3A_839 : vector<16xf32>
      %select_n3A_841 = arith.select %eq3A_730, %max3A_840, %select_n3A_836 : vector<16xi1>, vector<16xf32>
      %add3A_842 = arith.constant 408 : i32
      %add3A_843 = vector.broadcast %add3A_842 : i32 to vector<16xi32>
      %add3A_844 = arith.addi %get3A_714, %add3A_843 : vector<16xi32>
      %gather3A_845 = tpu.vector_load_idx %arg7[%add3A_844] masked %or3A_738 : memref<544xf32, #tpu.memory_space<vmem>>[vector<16xi32>], vector<16xf32>, vector<16xi1>
      %max3A_846 = arith.maximumf %select_n3A_841, %gather3A_845 : vector<16xf32>
      tpu.vector_store_idx %arg7[%add3A_844], %max3A_846 masked %or3A_738 : memref<544xf32, #tpu.memory_space<vmem>>[vector<16xi32>], vector<16xf32>, vector<16xi1>
    } else {
    }
    "tpu.region"() ({
      %run_scoped3A = tpu.sem_alloc : memref<!tpu.dma_semaphore, #tpu.memory_space<semaphore_mem>>
      %dma_start3A = arith.constant 0 : i32
      %dma_start3A_104 = tpu.memref_slice %arg4[%add3A, %dma_start3A] : memref<32x544xf32, #tpu.memory_space<hbm>> -> memref<1x544xf32, #tpu.memory_space<hbm>>
      %dma_start3A_105 = tpu.memref_squeeze %dma_start3A_104 : memref<1x544xf32, #tpu.memory_space<hbm>> -> memref<544xf32, #tpu.memory_space<hbm>>
      %dma_start3A_106 = arith.constant 0 : i32
      %dma_start3A_107 = tpu.memref_slice %arg4[%add3A, %dma_start3A_106] : memref<32x544xf32, #tpu.memory_space<hbm>> -> memref<1x544xf32, #tpu.memory_space<hbm>>
      %dma_start3A_108 = tpu.memref_squeeze %dma_start3A_107 : memref<1x544xf32, #tpu.memory_space<hbm>> -> memref<544xf32, #tpu.memory_space<hbm>>
      tpu.enqueue_dma source(%arg7 : memref<544xf32, #tpu.memory_space<vmem>>) target(%dma_start3A_108 : memref<544xf32, #tpu.memory_space<hbm>>) target_semaphore(%run_scoped3A : memref<!tpu.dma_semaphore, #tpu.memory_space<semaphore_mem>>)
      %dma_wait3A = arith.constant 0 : i32
      %dma_wait3A_109 = tpu.memref_slice %arg4[%add3A, %dma_wait3A] : memref<32x544xf32, #tpu.memory_space<hbm>> -> memref<1x544xf32, #tpu.memory_space<hbm>>
      %dma_wait3A_110 = tpu.memref_squeeze %dma_wait3A_109 : memref<1x544xf32, #tpu.memory_space<hbm>> -> memref<544xf32, #tpu.memory_space<hbm>>
      %dma_wait3A_111 = arith.constant 0 : i32
      %dma_wait3A_112 = tpu.memref_slice %arg4[%add3A, %dma_wait3A_111] : memref<32x544xf32, #tpu.memory_space<hbm>> -> memref<1x544xf32, #tpu.memory_space<hbm>>
      %dma_wait3A_113 = tpu.memref_squeeze %dma_wait3A_112 : memref<1x544xf32, #tpu.memory_space<hbm>> -> memref<544xf32, #tpu.memory_space<hbm>>
      tpu.wait_dma2 semaphore(%run_scoped3A : memref<!tpu.dma_semaphore, #tpu.memory_space<semaphore_mem>>) src(%arg7 : memref<544xf32, #tpu.memory_space<vmem>>) dst(%dma_wait3A_113 : memref<544xf32, #tpu.memory_space<hbm>>)
      tpu.yield
    }) : () -> ()
    return
  }
}

module attributes {stable_mosaic.version = 14 : i64} {
  func.func @_stream(%arg0: i32, %arg1: memref<256x10000xf32, #tpu.memory_space<vmem>>, %arg2: memref<10000x128xf32, #tpu.memory_space<vmem>>, %arg3: memref<128x4xf32, #tpu.memory_space<vmem>>, %arg4: memref<1x4xf32, #tpu.memory_space<vmem>>, %arg5: memref<4x256xf32, #tpu.memory_space<vmem>>, %arg6: memref<10000x4xbf16, #tpu.memory_space<vmem>>) attributes {dimension_semantics = [#tpu.dimension_semantics<arbitrary>], iteration_bounds = array<i64: 40>, scalar_prefetch = 0 : i64, scratch_operands = 1 : i64, tpu.core_type = #tpu.core_type<tc>, window_params = [{transform_indices = @transform_0, window_bounds = array<i64: 256, 10000>}, {pipeline_mode = #tpu.pipeline_mode<synchronous>, transform_indices = @transform_1, window_bounds = array<i64: 10000, 128>}, {pipeline_mode = #tpu.pipeline_mode<synchronous>, transform_indices = @transform_2, window_bounds = array<i64: 128, 4>}, {pipeline_mode = #tpu.pipeline_mode<synchronous>, transform_indices = @transform_3, window_bounds = array<i64: 1, 4>}, {transform_indices = @transform_4, window_bounds = array<i64: 4, 256>}]} {
    %eq3A = arith.constant 0 : i32
    %eq3A_0 = arith.cmpi eq, %arg0, %eq3A : i32
    %convert_element_type3A = arith.extui %eq3A_0 : i1 to i32
    %cond3A = arith.constant 0 : i32
    %cond3A_1 = arith.cmpi ne, %convert_element_type3A, %cond3A : i32
    scf.if %cond3A_1 {
      %get3A_17 = arith.constant 0 : index
      %get3A_18 = arith.constant 0 : index
      %get3A_19 = vector.load %arg2[%get3A_17, %get3A_18] : memref<10000x128xf32, #tpu.memory_space<vmem>>, vector<10000x128xf32>
      %get3A_20 = arith.constant 0 : index
      %get3A_21 = arith.constant 0 : index
      %get3A_22 = vector.load %arg3[%get3A_20, %get3A_21] : memref<128x4xf32, #tpu.memory_space<vmem>>, vector<128x4xf32>
      %dot_general3A_23 = arith.constant dense<0.000000e+00> : vector<10000x4xf32>
      %dot_general3A_24 = tpu.matmul %get3A_19, %get3A_22, %dot_general3A_23 {dimension_numbers = #tpu.dot_dimension_numbers<[1], [0], [0], [1], [0, 0, 1, 1], [], []>, transpose_lhs_hint = false} : vector<10000x128xf32>, vector<128x4xf32>, vector<10000x4xf32> -> vector<10000x4xf32>
      %convert_element_type3A_25 = arith.truncf %dot_general3A_24 : vector<10000x4xf32> to vector<10000x4xbf16>
      %swap3A_26 = arith.constant 0 : index
      %swap3A_27 = arith.constant 0 : index
      %swap3A_28 = vector.load %arg6[%swap3A_26, %swap3A_27] : memref<10000x4xbf16, #tpu.memory_space<vmem>>, vector<10000x4xbf16>
      tpu.vector_store %arg6[%swap3A_26, %swap3A_27], %convert_element_type3A_25 {strides = array<i32>} : memref<10000x4xbf16, #tpu.memory_space<vmem>>, vector<10000x4xbf16>,
    } else {
    }
    %get3A = arith.constant 0 : index
    %get3A_2 = arith.constant 0 : index
    %get3A_3 = vector.load %arg1[%get3A, %get3A_2] : memref<256x10000xf32, #tpu.memory_space<vmem>>, vector<256x10000xf32>
    %convert_element_type3A_4 = arith.truncf %get3A_3 : vector<256x10000xf32> to vector<256x10000xbf16>
    %get3A_5 = arith.constant 0 : index
    %get3A_6 = arith.constant 0 : index
    %get3A_7 = vector.load %arg6[%get3A_5, %get3A_6] : memref<10000x4xbf16, #tpu.memory_space<vmem>>, vector<10000x4xbf16>
    %dot_general3A = arith.constant dense<0.000000e+00> : vector<256x4xf32>
    %dot_general3A_8 = tpu.matmul %convert_element_type3A_4, %get3A_7, %dot_general3A {dimension_numbers = #tpu.dot_dimension_numbers<[1], [0], [0], [1], [0, 0, 1, 1], [], []>, transpose_lhs_hint = false} : vector<256x10000xbf16>, vector<10000x4xbf16>, vector<256x4xf32> -> vector<256x4xf32>
    %get3A_9 = arith.constant 0 : index
    %get3A_10 = arith.constant 0 : index
    %get3A_11 = vector.load %arg4[%get3A_9, %get3A_10] : memref<1x4xf32, #tpu.memory_space<vmem>>, vector<1x4xf32>
    %add3A = vector.broadcast %get3A_11 : vector<1x4xf32> to vector<256x4xf32>
    %add3A_12 = arith.addf %dot_general3A_8, %add3A : vector<256x4xf32>
    %max3A = arith.constant 0.000000e+00 : f32
    %max3A_13 = vector.broadcast %max3A : f32 to vector<256x4xf32>
    %max3A_14 = arith.maximumf %add3A_12, %max3A_13 : vector<256x4xf32>
    %transpose3A = tpu.transpose %max3A_14, [1, 0] : vector<256x4xf32> -> vector<4x256xf32>
    %swap3A = arith.constant 0 : index
    %swap3A_15 = arith.constant 0 : index
    %swap3A_16 = vector.load %arg5[%swap3A, %swap3A_15] : memref<4x256xf32, #tpu.memory_space<vmem>>, vector<4x256xf32>
    tpu.vector_store %arg5[%swap3A, %swap3A_15], %transpose3A {strides = array<i32>} : memref<4x256xf32, #tpu.memory_space<vmem>>, vector<4x256xf32>,
    return
  }
  func.func @transform_0(%arg0: i32) -> (i32, i32) {
    %c0_i32 = arith.constant 0 : i32
    %c0_i32_0 = arith.constant 0 : i32
    return %arg0, %c0_i32 : i32, i32
  }
  func.func @transform_1(%arg0: i32) -> (i32, i32) {
    %c0_i32 = arith.constant 0 : i32
    %c0_i32_0 = arith.constant 0 : i32
    %c0_i32_1 = arith.constant 0 : i32
    return %c0_i32, %c0_i32_0 : i32, i32
  }
  func.func @transform_2(%arg0: i32) -> (i32, i32) {
    %c0_i32 = arith.constant 0 : i32
    %c0_i32_0 = arith.constant 0 : i32
    %c0_i32_1 = arith.constant 0 : i32
    return %c0_i32, %c0_i32_0 : i32, i32
  }
  func.func @transform_3(%arg0: i32) -> (i32, i32) {
    %c0_i32 = arith.constant 0 : i32
    %c0_i32_0 = arith.constant 0 : i32
    %c0_i32_1 = arith.constant 0 : i32
    return %c0_i32, %c0_i32_0 : i32, i32
  }
  func.func @transform_4(%arg0: i32) -> (i32, i32) {
    %c0_i32 = arith.constant 0 : i32
    %c0_i32_0 = arith.constant 0 : i32
    return %c0_i32, %arg0 : i32, i32
  }
}

module attributes {stable_mosaic.version = 14 : i64} {
  func.func @_finalize(%arg0: memref<32x544xf32, #tpu.memory_space<vmem>>, %arg1: memref<4x10xf32, #tpu.memory_space<vmem>>, %arg2: memref<1x10xf32, #tpu.memory_space<vmem>>, %arg3: memref<128x10xf32, #tpu.memory_space<vmem>>) attributes {dimension_semantics = [], scalar_prefetch = 0 : i64, scratch_operands = 0 : i64, tpu.core_type = #tpu.core_type<tc>} {
    %get3A = arith.constant 0 : index
    %get3A_0 = arith.constant 0 : index
    %get3A_1 = vector.load %arg0[%get3A, %get3A_0] : memref<32x544xf32, #tpu.memory_space<vmem>>, vector<32x544xf32>
    %reduce_max3A = arith.constant dense<0xFF800000> : vector<544xf32>
    %reduce_max3A_2 = vector.multi_reduction <maximumf>, %get3A_1, %reduce_max3A [0] : vector<32x544xf32> to vector<544xf32>
    %broadcast_in_dim3A = vector.shape_cast %reduce_max3A_2 : vector<544xf32> to vector<1x544xf32>
    %slice3A = vector.extract_strided_slice %broadcast_in_dim3A {offsets = [0, 0], sizes = [1, 128], strides = [1, 1]} : vector<1x544xf32> to vector<1x128xf32>
    %slice3A_3 = vector.extract_strided_slice %broadcast_in_dim3A {offsets = [0, 136], sizes = [1, 128], strides = [1, 1]} : vector<1x544xf32> to vector<1x128xf32>
    %slice3A_4 = vector.extract_strided_slice %broadcast_in_dim3A {offsets = [0, 272], sizes = [1, 128], strides = [1, 1]} : vector<1x544xf32> to vector<1x128xf32>
    %slice3A_5 = vector.extract_strided_slice %broadcast_in_dim3A {offsets = [0, 408], sizes = [1, 128], strides = [1, 1]} : vector<1x544xf32> to vector<1x128xf32>
    %concatenate3A = tpu.concatenate %slice3A, %slice3A_3, %slice3A_4, %slice3A_5 in 0 : vector<1x128xf32>, vector<1x128xf32>, vector<1x128xf32>, vector<1x128xf32> -> vector<4x128xf32>
    %get3A_6 = arith.constant 0 : index
    %get3A_7 = arith.constant 0 : index
    %get3A_8 = vector.load %arg1[%get3A_6, %get3A_7] : memref<4x10xf32, #tpu.memory_space<vmem>>, vector<4x10xf32>
    %dot_general3A = arith.constant dense<0.000000e+00> : vector<128x10xf32>
    %dot_general3A_9 = tpu.matmul %concatenate3A, %get3A_8, %dot_general3A {dimension_numbers = #tpu.dot_dimension_numbers<[0], [0], [1], [1], [0, 1, 1, 1], [], []>, transpose_lhs_hint = false} : vector<4x128xf32>, vector<4x10xf32>, vector<128x10xf32> -> vector<128x10xf32>
    %get3A_10 = arith.constant 0 : index
    %get3A_11 = arith.constant 0 : index
    %get3A_12 = vector.load %arg2[%get3A_10, %get3A_11] : memref<1x10xf32, #tpu.memory_space<vmem>>, vector<1x10xf32>
    %add3A = vector.broadcast %get3A_12 : vector<1x10xf32> to vector<128x10xf32>
    %add3A_13 = arith.addf %dot_general3A_9, %add3A : vector<128x10xf32>
    %reduce_max3A_14 = arith.constant dense<0xFF800000> : vector<128xf32>
    %reduce_max3A_15 = vector.multi_reduction <maximumf>, %add3A_13, %reduce_max3A_14 [1] : vector<128x10xf32> to vector<128xf32>
    %broadcast_in_dim3A_16 = vector.shape_cast %reduce_max3A_15 : vector<128xf32> to vector<128x1xf32>
    %sub3A = vector.broadcast %broadcast_in_dim3A_16 : vector<128x1xf32> to vector<128x10xf32>
    %sub3A_17 = arith.subf %add3A_13, %sub3A : vector<128x10xf32>
    %exp3A = math.exp %sub3A_17 : vector<128x10xf32>
    %reduce_sum3A = arith.constant dense<0.000000e+00> : vector<128xf32>
    %reduce_sum3A_18 = vector.multi_reduction <add>, %exp3A, %reduce_sum3A [1] : vector<128x10xf32> to vector<128xf32>
    %broadcast_in_dim3A_19 = vector.shape_cast %reduce_sum3A_18 : vector<128xf32> to vector<128x1xf32>
    %div3A = vector.broadcast %broadcast_in_dim3A_19 : vector<128x1xf32> to vector<128x10xf32>
    %div3A_20 = arith.divf %exp3A, %div3A : vector<128x10xf32>
    %swap3A = arith.constant 0 : index
    %swap3A_21 = arith.constant 0 : index
    %swap3A_22 = vector.load %arg3[%swap3A, %swap3A_21] : memref<128x10xf32, #tpu.memory_space<vmem>>, vector<128x10xf32>
    tpu.vector_store %arg3[%swap3A, %swap3A_21], %div3A_20 {strides = array<i32>} : memref<128x10xf32, #tpu.memory_space<vmem>>, vector<128x10xf32>,
    return
  }
}

</mosaic_0001>

<sc_bundles>
// kernel: kernel.5.cloned.1.call-start
scs
__scs_entry_jumppad:
0x0: {  	(pc) =	sbr.rel $0x88, $3  }
0x1: {  	(tag) =	ssettag $0x0;
	lr =	simm.s32 $0x1  }
0x2: {  	[smem:$0x3F9A] =	sst lr;
	_ =	strace $0xD0000000  }
0x3: {  	_ = 	snop  }
0x4: {  	_ = 	snop  }
0x5: {  	_ = 	snop  }
0x6: {  	_ = 	snop  }
0x7: {  	_ = 	snop  }
__scs_overlays_trampoline_lowered:
0x8: {  	[smem:$0x3FA9] =	sst s0  }
0x9: {  	[smem:$0x3FAA] =	sst s1  }
0xa: {  	[smem:$0x3FAB] =	sst s2  }
0xb: {  	[smem:$0x3FAC] =	sst s3  }
0xc: {  	[smem:$0x3FAD] =	sst s4  }
0xd: {  	[smem:$0x3FAE] =	sst s5  }
0xe: {  	[smem:$0x3FAF] =	sst s6  }
0xf: {  	[smem:$0x3FB0] =	sst s7  }
0x10: {  	[smem:$0x3FB1] =	sst s8  }
0x11: {  	[smem:$0x3FB2] =	sst s9;
	s0 =	simm.s32 @!p0 $0x0  }
0x12: {  	s1 =	sld [smem:$0x3F98];
	s0 =	simm.s32 @p0 $0x1  }
0x13: {  	[smem:$0x3FB3] =	sst s0;
	s0 =	simm.s32 @!p1 $0x0  }
0x14: {  	s2 =	sld [smem:$0x3F97];
	s0 =	simm.s32 @p1 $0x1  }
0x15: {  	[smem:$0x3FB4] =	sst s0;
	s0 =	simm.s32 @!p2 $0x0  }
0x16: {  	s3 =	sld [smem:$0x3FDB];
	s0 =	simm.s32 @p2 $0x1  }
0x17: {  	s4 =	simm.s32 $0x1BF5;
	[smem:$0x3FB6] =	sst s0  }
0x18: {  	s0 =	sld [smem:$0x3F99];
	_ =	swait.ge [sflag:s4], $0x0  }
0x19: {  	s7 =	sld [smem:$0x3F9A]  }
0x1a: {  	s8 =	sadd.s32 $0xFFFFE003, lr  }
0x1b: {  	s9 =	sadd.s32 $0xFFFFFEF7, lr;
	s5 =	simm.s32 $0xFFFFFFFF;
	p2 =	slt.u32 s8, $0xFFFFF086  }
0x1c: {  	p1 =	slt.u32 s9, $0xF7A;
	s5 =	simm.s32 @!p2 $0x0  }
0x1d: {  	s5 =	simm.s32 @p1 $0x1;
	p0 =	seq.s32 s7, s2  }
0x1e: {  	s7 =	smul.u32 @!p0 $0xF7A, s2;
	p2 =	seq.s32 @!p0 s5, $0x0  }
0x1f: {  	s9 =	smul.u32 $0xF7A, s1;
	s8 =	simm.s32 @!p0 $0x1BF5;
	p2 =	por !p2, p0  }
0x20: {  	[sflag:s8] =	ssyncset.s32 @!p0 $0xFFFFF086;
	s6 =	sadd.s32 @!p0 s3, s7;
	s7 =	simm.s32 @!p0 $0x108  }
0x21: {  	s3 =	sadd.s32 s3, s9;
	s6 =	sadd.s32 @!p0 $0x88, s6;
	s7 =	simm.s32 @p2 $0x1082  }
0x22: {  	[simem:s7], [sflag:s8] =	dma.local @!p0 [hbm:s6], $0xF7A  }
0x23: {  	s9 =	sor.u32 $0xD0000000, s2;
	s6 =	simm.s32 $0x108;
	_ =	swait.ge @!p0 [sflag:s8], $0x0  }
0x24: {  	s3 =	sadd.s32 $0x88, s3;
	s6 =	simm.s32 @!p1 $0x1082;
	[sflag:s4] =	ssyncset.s32 $0xFFFFF086  }
0x25: {  	[simem:s6], [sflag:s4] =	dma.local [hbm:s3], $0xF7A  }
0x26: {  	[smem:$0x3F9A] =	sst s1;
	(tag) =	ssettag s2;
	_ =	strace s9  }
0x27: {  	s1 =	sld [smem:$0x3FAA]  }
0x28: {  	s2 =	sld [smem:$0x3FAB]  }
0x29: {  	s4 =	sld [smem:$0x3FAD]  }
0x2a: {  	p0 =	seq.s32 s5, $0x0;
	s5 =	sld [smem:$0x3FAE]  }
0x2b: {  	s6 =	sld [smem:$0x3FAF]  }
0x2c: {  	s7 =	sld [smem:$0x3FB0]  }
0x2d: {  	s3 =	simm.s32 $0x108;
	s8 =	sld [smem:$0x3FB1]  }
0x2e: {  	s3 =	simm.s32 @!p0 $0x1082;
	s9 =	sld [smem:$0x3FB2]  }
0x2f: {  	lr =	sadd.s32 s0, s3;
	s0 =	sld [smem:$0x3FA9]  }
0x30: {  	s3 =	sld [smem:$0x3FAC]  }
0x31: {  	[smem:$0x3FB5] =	sst s10  }
0x32: {  	s10 =	sld [smem:$0x3FB3];
	_ =	sdelay $0x3  }
0x33: {  	p0 =	seq.s32 s10, $0x1;
	s10 =	sld [smem:$0x3FB5];
	_ =	sdelay $0x3  }
0x34: {  	[smem:$0x3FB5] =	sst s10  }
0x35: {  	s10 =	sld [smem:$0x3FB4];
	_ =	sdelay $0x3  }
0x36: {  	p1 =	seq.s32 s10, $0x1;
	s10 =	sld [smem:$0x3FB5];
	_ =	sdelay $0x3  }
0x37: {  	[smem:$0x3FB5] =	sst s10  }
0x38: {  	s10 =	sld [smem:$0x3FB6]  }
0x39: {  	_ = 	snop;
	(pc) =	sbr.ind lr, $3  }
0x3a: {  	_ = 	snop  }
0x3b: {  	_ = 	snop  }
0x3c: {  	p2 =	seq.s32 s10, $0x1;
	s10 =	sld [smem:$0x3FB5]  }
0x3d: {  	_ =	shalt  }
0x3e: {  	_ =	shalt  }
0x3f: {  	_ =	shalt  }
0x40: {  	_ =	shalt  }
0x41: {  	_ =	shalt  }
0x42: {  	_ =	shalt  }
0x43: {  	_ =	shalt  }
0x44: {  	_ =	shalt  }
0x45: {  	_ =	shalt  }
0x46: {  	_ =	shalt  }
0x47: {  	_ =	shalt  }
0x48: {  	_ =	shalt  }
0x49: {  	_ =	shalt  }
0x4a: {  	_ =	shalt  }
0x4b: {  	_ =	shalt  }
0x4c: {  	_ =	shalt  }
0x4d: {  	_ =	shalt  }
0x4e: {  	_ =	shalt  }
0x4f: {  	_ =	shalt  }
0x50: {  	_ =	shalt  }
0x51: {  	_ =	shalt  }
0x52: {  	_ =	shalt  }
0x53: {  	_ =	shalt  }
0x54: {  	_ =	shalt  }
0x55: {  	_ =	shalt  }
0x56: {  	_ =	shalt  }
0x57: {  	_ =	shalt  }
0x58: {  	_ =	shalt  }
0x59: {  	_ =	shalt  }
0x5a: {  	_ =	shalt  }
0x5b: {  	_ =	shalt  }
0x5c: {  	_ =	shalt  }
0x5d: {  	_ =	shalt  }
0x5e: {  	_ =	shalt  }
0x5f: {  	_ =	shalt  }
0x60: {  	_ =	shalt  }
0x61: {  	_ =	shalt  }
0x62: {  	_ =	shalt  }
0x63: {  	_ =	shalt  }
0x64: {  	_ =	shalt  }
0x65: {  	_ =	shalt  }
0x66: {  	_ =	shalt  }
0x67: {  	_ =	shalt  }
0x68: {  	_ =	shalt  }
0x69: {  	_ =	shalt  }
0x6a: {  	_ =	shalt  }
0x6b: {  	_ =	shalt  }
0x6c: {  	_ =	shalt  }
0x6d: {  	_ =	shalt  }
0x6e: {  	_ =	shalt  }
0x6f: {  	_ =	shalt  }
0x70: {  	_ =	shalt  }
0x71: {  	_ =	shalt  }
0x72: {  	_ =	shalt  }
0x73: {  	_ =	shalt  }
0x74: {  	_ =	shalt  }
0x75: {  	_ =	shalt  }
0x76: {  	_ =	shalt  }
0x77: {  	_ =	shalt  }
0x78: {  	_ =	shalt  }
0x79: {  	_ =	shalt  }
0x7a: {  	_ =	shalt  }
0x7b: {  	_ =	shalt  }
0x7c: {  	_ =	shalt  }
0x7d: {  	_ =	shalt  }
0x7e: {  	_ =	shalt  }
0x7f: {  	_ =	shalt  }
0x80: {  	_ =	shalt  }
0x81: {  	_ =	shalt  }
0x82: {  	_ =	shalt  }
0x83: {  	_ =	shalt  }
0x84: {  	_ =	shalt  }
0x85: {  	_ =	shalt  }
0x86: {  	_ =	shalt  }
0x87: {  	_ =	shalt  }
.Lfunc_end0:
.L_simem_size_0:
called_computation_lowered:
.L_overlay_start_0:
0x88: {  	s2 =	sld [smem:$0x3FD9]  }
0x89: {  	s3 =	sld [smem:$0x3FFE];
	_ =	sdelay $0x1  }
0x8a: {  	s1 =	srdreg.scid  }
0x8b: {  	s0 =	sand.u32 $0x1, s1  }
0x8c: {  	s17 =	sshll.u32 s0, $0xA;
	s2 =	sadd.s32 s3, s2  }
0x8d: {  	s2 =	sadd.s32 s2, s17  }
0x8e: {  	[smem:$0x3FC1] =	sst s2  }
0x8f: {  	_ = 	snop  }
0x90: {  	s2 =	sld [smem:$0x3FC7];
	(tm) =	ssettm $0x1  }
0x91: {  	s18 =	sld [smem:$0x3FFB];
	_ =	sdelay $0x3  }
0x92: {  	_ =	strace s18  }
0x93: {  	s3 =	sld [smem:$0x3FFC];
	_ =	sdelay $0x3  }
0x94: {  	_ =	strace s3  }
0x95: {  	s3 =	sld [smem:$0x3FFD];
	_ =	sdelay $0x3  }
0x96: {  	_ =	strace s3  }
0x97: {  	_ =	strace $0x8FFFFFFF  }
0x98: {  	s19 =	sld [smem:$0x3FDB];
	_ =	sdelay $0x1  }
0x99: {  	s4 =	simm.s32 $_scs_section_size  }
0x9a: {  	s5 =	simm.s32 $_size__tile_overlayer_lowered;
	s6 =	simm.s32 $_tile_overlayer_lowered  }
0x9b: {  	s22 =	simm.s32 $0x1BFF;
	s21 =	sshll.u32 s6, $0x1;
	s3 =	sadd.s32 s4, s19  }
0x9c: {  	s7 =	simm.s32 $0x0;
	s20 =	sshll.u32 s5, $0x1;
	s5 =	sadd.s32 s21, s3  }
0x9d: {  	[timem:s7], [sflag:s22] =	dma.local [hbm:s5], s20  }
0x9e: {  	_ =	swait.ge [sflag:s22], s20  }
0x9f: {  	s4 =	ssub.s32 $0x0, s20;
	[sflag:s22] =	ssyncset.done $0x0  }
0xa0: {  	[sflag:s22] =	ssyncadd.s32 s4;
	_ =	sdelay $0x1  }
0xa1: {  	s23 =	simm.s32 $0x1B8B  }
0xa2: {  	_ =	swait.ge [sflag:s23], $0x1  }
0xa3: {  	[sflag:s23] =	ssyncset.done $0x0  }
0xa4: {  	s25 =	simm.s32 $0x1B8E;
	s24 =	sld [smem:$0x3FFE];
	[sflag:s23] =	ssyncadd.s32 $0xFFFFFFFF  }
0xa5: {  	s26 =	simm.s32 $execute0_lowered;
	[smem:$0x3FD2] =	sst s25  }
0xa6: {  	s5 =	sshll.u32 s26, $0x1;
	_ =	strace $0x80000046;
	[dreg:$0x1] =	wrdreg $0xFFFFFFFF  }
0xa7: {  	s28 =	simm.s32 $_size_execute0_lowered;
	s3 =	sadd.s32 s3, s5;
	[dreg:$0x0] =	wrdreg $0x0  }
0xa8: {  	s5 =	sshll.u32 s28, $0x1;
	[dreg:$0x2] =	wrdreg s3  }
0xa9: {  	[dreg:$0x3] =	wrdreg s5  }
0xaa: {  	[dreg:$0x4] =	wrdreg $0xC0  }
0xab: {  	_ =	task [dreg:s7], $0x5FFFF  }
0xac: {  	[dreg:$0x1] =	wrdreg $0xFFFFFFFF  }
0xad: {  	[dreg:$0x0] =	wrdreg $0x60  }
0xae: {  	[dreg:$0x2] =	wrdreg s24  }
0xaf: {  	[dreg:$0x3] =	wrdreg s2  }
0xb0: {  	[dreg:$0x4] =	wrdreg $0x9  }
0xb1: {  	_ =	task.clear_ibuf [dreg:s7], $0x5FFFF;
	_ =	strace $0x90000046  }
0xb2: {  	s29 =	simm.s32 $0x9;
	_ =	strace $0x80000048  }
0xb3: {  	_ =	swait.ge [sflag:s29], $0x1  }
0xb4: {  	[sflag:s29] =	ssyncadd.s32 $0xFFFFFFFF  }
0xb5: {  	_ =	strace $0x90000048  }
0xb6: {  	_ =	sfence  }
0xb7: {  	s30 =	sld [smem:$0x0];
	_ =	sdelay $0x2  }
0xb8: {  	s31 =	sshll.u32 s1, $0xD;
	s1 =	sshrl.u32 s1, $0x2  }
0xb9: {  	s3 =	sand.u32 $0x4000, s31;
	s1 =	sadd.s32 s1, s30  }
0xba: {  	s0 =	sor.u32 s3, s0;
	s1 =	sshll.u32 s1, $0x11  }
0xbb: {  	s0 =	sor.u32 s1, s0  }
0xbc: {  	s0 =	sadd.s32 $0x8F2B, s0  }
0xbd: {  	[sflag:s0] =	ssyncadd.remote.s32 $0x1  }
0xbe: {  	_ =	sfence.sel $0xFFFF  }
0xbf: {  	[dreg:$0x0] =	wrdreg $0xFFFFFFFF;
	(pc) =	sbr.abs _section_cstart, $3  }
0xc0: {  	[dreg:$0x1] =	wrdreg $0xFFFFFFFF  }
0xc1: {  	_ =	task.clear_ibuf [dreg:s7], $0x2FFFF;
	_ =	strace $0x9FFFFFFF  }
0xc2: {  	(tm) =	ssettm $0x7FFFFFFF  }
0xc3: {  	_ =	shalt  }
tec
execute0_lowered:
.L_overlay_start_1:
0x0: {  	(tag) =	ssettag $0x1  }
0x1: {  	s12 =	rddreg [dreg:$0x0]  }
0x2: {  	s1 =	srdreg.scid;
	s0 =	stileid.u32  }
0x3: {  	v0 =	vimm.s32 $0xEDCBA987;
	s8 =	rddreg [dreg:$0x1];
	s16 =	simm.s32 $0x140;
	s17 =	simm.s32 $0x280  }
0x4: {  	v1 =	vimm.s32 $0x65432100;
	v2 =	vimm.s32 $0xE40000;
	s18 =	simm.s32 $0x3C0;
	s19 =	simm.s32 $0x1;
	s20 =	simm.s32 $0x2;
	v0 =	vunpack.c.l.s4.s8 v0  }
0x5: {  	v3 =	vimm.s32 $0xDCBA9876;
	v6 =	vimm.s32 $0xFFEDCBA9;
	s21 =	simm.s32 $0x680;
	s22 =	simm.s32 $0x80;
	s23 =	simm.s32 $0x400;
	v1 =	vunpack.c.l.s4.s8 v1  }
0x6: {  	v7 =	vimm.s32 $0x87654321;
	v8 =	vimm.s32 $0x7060504;
	s24 =	simm.s32 $0x3;
	s3 =	sand.u32 $0x1, s1;
	s2 =	sshll.u32 s0, $0x1;
	v0 =	vunpack.c.0.s8.s32 v0  }
0x7: {  	vm0 =	vcmask $0x3F30;
	s1 =	rddreg [dreg:$0x2];
	s4 =	sshrl.u32 s0, $0x2;
	v2 =	vunpack.c.l.s2.s4 v2;
	s9 =	sadd.s32 $0x2AD8, s12;
	v1 =	vunpack.c.0.s8.s32 v1  }
0x8: {  	v3 =	vunpack.c.l.s4.s8 v3;
	v6 =	vunpack.c.l.s4.s8 v6;
	s10 =	sadd.s32 $0x2FD8, s12;
	s11 =	sadd.s32 $0x34D8, s12;
	s15 =	sor.u32 s3, s2;
	v0 =	vand.u32 $0xF, v0  }
0x9: {  	s2 =	simm.s32 $0x0;
	s4 =	smul.u32 $0x1400, s4;
	s3 =	ssub.s32 $0x2, s3;
	v2 =	vunpack.c.l.s4.s8 v2;
	v0 =	vcombine.low v1, v0;
	v1 =	vimm.s32 $0x54321000  }
0xa: {  	v7 =	vunpack.c.l.s4.s8 v7;
	s5 =	sshll.u32 s15, $0x7;
	[smem:$0x7FF] =	sst s2;
	s6 =	smul.u32 $0x140, s15;
	v4 =	vunpack.c.l.s4.s8 v1;
	v1 =	vimm.s32 $0x32100000  }
0xb: {  	s31 =	sshrl.u32 s3, $0x1;
	p0 =	seq.s32 s15, $0x1F;
	s15 =	simm.s32 $0x500;
	v2 =	vunpack.c.0.s8.s32 v2;
	v5 =	vunpack.c.l.s4.s8 v1;
	v1 =	vimm.s32 $0xBA987654  }
0xc: {  	v3 =	vunpack.c.0.s8.s32 v3;
	s5 =	sand.u32 $0x380, s5;
	_ =	strace $0x80000047;
	s14 =	ssub.s32 s3, s31;
	v9 =	vunpack.c.l.s4.s8 v1;
	v1 =	vunpack.c.0.s8.s32 v8  }
.Ltmp0:
0xd: {  	v6 =	vunpack.c.0.s8.s32 v6;
	v7 =	vunpack.c.0.s8.s32 v7;
	s4 =	sor.u32 s4, s5;
	s30 =	sshrl.u32 s6, $0x3;
	v2 =	vand.u32 $0x3, v2;
	(pc) =	sbr.rel .LBB2_1-.Ltmp0, $4  }
0xe: {  	s14 =	smax.u32 s14, $0x1;
	s4 =	sshrl.u32 s4, $0x3;
	s7 =	sadd.s32 s30, s12;
	v1 =	vsel vm0, v1, v2;
	v2 =	vunpack.c.0.s8.s32 v4;
	v4 =	vunpack.c.0.s8.s32 v9  }
0xf: {  	v6 =	vcombine.low v7, v6;
	v3 =	vand.u32 $0xF, v3;
	s3 =	sadd.s32 s8, s30;
	s8 =	sadd.s32 $0x4D8, s8;
	s13 =	sadd.s32 s4, s12;
	v5 =	vunpack.c.0.s8.s32 v5  }
0x10: {  	s4 =	sadd.s32 $0x2600, s7;
	s5 =	sadd.s32 $0x2B00, s7;
	s6 =	sadd.s32 $0x3000, s7;
	vm0 =	vcmask $0x3F3C;
	v2 =	vcombine.low v2, v3;
	v4 =	vand.u32 $0xF, v4  }
0x11: {  	s7 =	sadd.s32 $0x3500, s7;
	s12 =	sadd.s32 $0x39D8, s12;
	s13 =	sadd.s32 $0xA00, s13;
	v3 =	vimm.f32 $0.0e+00;
	v4 =	vcombine.low v5, v4;
	v5 =	vand.u32 $0xF, v6  }
.LBB2_3:
0x12: {  	[tilespmem:s15], [sflag:$0x1] =	stream.linear.gather [hbm4b:s8+s2], $0x50, $0x38;
	[tilespmem:$0x900] =	vst v63  }
0x13: {  	_ = 	snop  }
0x14: {  	[tilespmem:s2], [sflag:$0x2] =	stream.linear.gather [hbm4b:s9+s2], $0x50, $0x38;
	[tilespmem:$0x900] =	vst v63  }
0x15: {  	_ = 	snop  }
0x16: {  	[tilespmem:s16], [sflag:$0x2] =	stream.linear.gather [hbm4b:s10+s2], $0x50, $0x38;
	[tilespmem:$0x900] =	vst v63  }
0x17: {  	_ = 	snop  }
0x18: {  	[tilespmem:s17], [sflag:$0x2] =	stream.linear.gather [hbm4b:s11+s2], $0x50, $0x38;
	[tilespmem:$0x900] =	vst v63  }
0x19: {  	_ = 	snop  }
0x1a: {  	[tilespmem:s18], [sflag:$0x2] =	stream.linear.gather [hbm4b:s12+s2], $0x50, $0x38;
	[tilespmem:$0x900] =	vst v63  }
0x1b: {  	_ =	swait.ge [sflag:s19], $0x50  }
0x1c: {  	[sflag:s19] =	ssyncset.done $0x0  }
0x1d: {  	[sflag:s19] =	ssyncadd.s32 $0xFFFFFFB0  }
0x1e: {  	_ =	swait.ge [sflag:s20], $0x50  }
0x1f: {  	[sflag:s20] =	ssyncset.done $0x0  }
0x20: {  	[sflag:s20] =	ssyncadd.s32 $0xFFFFFFB0  }
0x21: {  	_ =	swait.ge [sflag:s20], $0x50  }
0x22: {  	[sflag:s20] =	ssyncset.done $0x0  }
0x23: {  	[sflag:s20] =	ssyncadd.s32 $0xFFFFFFB0  }
0x24: {  	_ =	swait.ge [sflag:s20], $0x50  }
0x25: {  	[sflag:s20] =	ssyncset.done $0x0  }
0x26: {  	[sflag:s20] =	ssyncadd.s32 $0xFFFFFFB0  }
0x27: {  	_ =	swait.ge [sflag:s20], $0x50  }
0x28: {  	[sflag:s20] =	ssyncset.done $0x0  }
0x29: {  	[sflag:s20] =	ssyncadd.s32 $0xFFFFFFB0  }
0x2a: {  	v6 =	vld [tilespmem:$0x500]  }
0x2b: {  	v7 =	vld [tilespmem:$0x0];
	_ =	sdelay $0x4  }
0x2c: {  	v8 =	vperm.xlane v6, v0;
	v9 =	vperm.xlane v7, v0;
	_ =	sdelay $0x1  }
0x2d: {  	vm2 =	veq.s32 v6, v8;
	v8 =	vperm.xlane v6, v5;
	v9 =	vmax.f32 v7, v9  }
0x2e: {  	v7 =	vsel vm2, v9, v7  }
0x2f: {  	v12 =	vperm.xlane v6, v2;
	vm1 =	vne.s32 v6, v8;
	v8 =	vperm.xlane v7, v2  }
0x30: {  	vm1 =	vmor vm1, vm0  }
0x31: {  	vm3 =	veq.s32 v6, v12;
	v8 =	vmax.f32 v7, v8  }
0x32: {  	v7 =	vsel vm3, v8, v7  }
0x33: {  	v8 =	vperm.xlane v6, v4;
	v13 =	vperm.xlane v7, v4;
	_ =	sdelay $0x1  }
0x34: {  	vm4 =	veq.s32 v6, v8;
	v8 =	vmax.f32 v7, v13  }
0x35: {  	v7 =	vsel vm4, v8, v7;
	v8 =	vld.idx.msk [tilespmem:v6+s21+$0x0], vm1  }
0x36: {  	v14 =	vperm.xlane v6, v1;
	v10 =	vperm.xlane v7, v1;
	_ =	sdelay $0x1  }
0x37: {  	vm5 =	veq.s32 v6, v14;
	v15 =	vmax.f32 v7, v10  }
0x38: {  	v7 =	vsel vm5, v15, v7  }
0x39: {  	v7 =	vmax.f32 v7, v8  }
0x3a: {  	[tilespmem:v6+s21+$0x0] =	vst.idx.msk vm1, v7  }
0x3b: {  	v7 =	vld [tilespmem:$0x140];
	_ =	sdelay $0x4  }
0x3c: {  	v8 =	vperm.xlane v7, v0;
	_ =	sdelay $0x1  }
0x3d: {  	v8 =	vmax.f32 v7, v8  }
0x3e: {  	v7 =	vsel vm2, v8, v7  }
0x3f: {  	v8 =	vperm.xlane v7, v2;
	_ =	sdelay $0x1  }
0x40: {  	v16 =	vadd.s32 $0x88, v6;
	v8 =	vmax.f32 v7, v8  }
0x41: {  	v7 =	vsel vm3, v8, v7  }
0x42: {  	v8 =	vperm.xlane v7, v4;
	_ =	sdelay $0x1  }
0x43: {  	v8 =	vmax.f32 v7, v8  }
0x44: {  	v7 =	vsel vm4, v8, v7;
	v8 =	vld.idx.msk [tilespmem:v16+s21+$0x0], vm1  }
0x45: {  	v17 =	vperm.xlane v7, v1;
	_ =	sdelay $0x1  }
0x46: {  	v10 =	vmax.f32 v7, v17  }
0x47: {  	v7 =	vsel vm5, v10, v7  }
0x48: {  	v7 =	vmax.f32 v7, v8  }
0x49: {  	[tilespmem:v16+s21+$0x0] =	vst.idx.msk vm1, v7  }
0x4a: {  	v7 =	vld [tilespmem:$0x280];
	_ =	sdelay $0x4  }
0x4b: {  	v8 =	vperm.xlane v7, v0;
	_ =	sdelay $0x1  }
0x4c: {  	v8 =	vmax.f32 v7, v8  }
0x4d: {  	v7 =	vsel vm2, v8, v7  }
0x4e: {  	v8 =	vperm.xlane v7, v2;
	_ =	sdelay $0x1  }
0x4f: {  	v18 =	vadd.s32 $0x110, v6;
	v8 =	vmax.f32 v7, v8  }
0x50: {  	v7 =	vsel vm3, v8, v7  }
0x51: {  	v8 =	vperm.xlane v7, v4;
	_ =	sdelay $0x1  }
0x52: {  	v8 =	vmax.f32 v7, v8  }
0x53: {  	v7 =	vsel vm4, v8, v7;
	v8 =	vld.idx.msk [tilespmem:v18+s21+$0x0], vm1  }
0x54: {  	v19 =	vperm.xlane v7, v1;
	_ =	sdelay $0x1  }
0x55: {  	v10 =	vmax.f32 v7, v19  }
0x56: {  	v7 =	vsel vm5, v10, v7  }
0x57: {  	v7 =	vmax.f32 v7, v8  }
0x58: {  	[tilespmem:v18+s21+$0x0] =	vst.idx.msk vm1, v7  }
0x59: {  	v7 =	vld [tilespmem:$0x3C0];
	_ =	sdelay $0x4  }
0x5a: {  	v8 =	vperm.xlane v7, v0;
	_ =	sdelay $0x1  }
0x5b: {  	v8 =	vmax.f32 v7, v8  }
0x5c: {  	v7 =	vsel vm2, v8, v7  }
0x5d: {  	v8 =	vperm.xlane v7, v2;
	_ =	sdelay $0x1  }
0x5e: {  	v6 =	vadd.s32 $0x198, v6;
	v8 =	vmax.f32 v7, v8  }
0x5f: {  	v7 =	vsel vm3, v8, v7  }
0x60: {  	v8 =	vperm.xlane v7, v4;
	_ =	sdelay $0x1  }
0x61: {  	v8 =	vmax.f32 v7, v8  }
0x62: {  	v7 =	vsel vm4, v8, v7;
	v8 =	vld.idx.msk [tilespmem:v6+s21+$0x0], vm1  }
0x63: {  	v20 =	vperm.xlane v7, v1;
	_ =	sdelay $0x1  }
0x64: {  	v9 =	vmax.f32 v7, v20  }
0x65: {  	v7 =	vsel vm5, v9, v7  }
0x66: {  	v7 =	vmax.f32 v7, v8  }
0x67: {  	[tilespmem:v6+s21+$0x0] =	vst.idx.msk vm1, v7  }
0x68: {  	v6 =	vld [tilespmem:$0x510]  }
0x69: {  	v7 =	vld [tilespmem:$0x10];
	_ =	sdelay $0x4  }
0x6a: {  	v8 =	vperm.xlane v6, v0;
	v21 =	vperm.xlane v7, v0;
	_ =	sdelay $0x1  }
0x6b: {  	vm2 =	veq.s32 v6, v8;
	v8 =	vperm.xlane v6, v5;
	v9 =	vmax.f32 v7, v21  }
0x6c: {  	v7 =	vsel vm2, v9, v7  }
0x6d: {  	v22 =	vperm.xlane v6, v2;
	vm1 =	vne.s32 v6, v8;
	v8 =	vperm.xlane v7, v2  }
0x6e: {  	vm1 =	vmor vm1, vm0  }
0x6f: {  	vm3 =	veq.s32 v6, v22;
	v8 =	vmax.f32 v7, v8  }
0x70: {  	v7 =	vsel vm3, v8, v7  }
0x71: {  	v8 =	vperm.xlane v6, v4;
	v23 =	vperm.xlane v7, v4;
	_ =	sdelay $0x1  }
0x72: {  	vm8 =	veq.s32 v6, v8;
	v8 =	vmax.f32 v7, v23  }
0x73: {  	v7 =	vsel vm8, v8, v7;
	v8 =	vld.idx.msk [tilespmem:v6+s21+$0x0], vm1  }
0x74: {  	v24 =	vperm.xlane v6, v1;
	v25 =	vperm.xlane v7, v1;
	_ =	sdelay $0x1  }
0x75: {  	vm9 =	veq.s32 v6, v24;
	v26 =	vmax.f32 v7, v25  }
0x76: {  	v7 =	vsel vm9, v26, v7  }
0x77: {  	v7 =	vmax.f32 v7, v8  }
0x78: {  	[tilespmem:v6+s21+$0x0] =	vst.idx.msk vm1, v7  }
0x79: {  	v7 =	vld [tilespmem:$0x150];
	_ =	sdelay $0x4  }
0x7a: {  	v8 =	vperm.xlane v7, v0;
	_ =	sdelay $0x1  }
0x7b: {  	v8 =	vmax.f32 v7, v8  }
0x7c: {  	v7 =	vsel vm2, v8, v7  }
0x7d: {  	v8 =	vperm.xlane v7, v2;
	_ =	sdelay $0x1  }
0x7e: {  	v27 =	vadd.s32 $0x88, v6;
	v8 =	vmax.f32 v7, v8  }
0x7f: {  	v7 =	vsel vm3, v8, v7  }
0x80: {  	v8 =	vperm.xlane v7, v4;
	_ =	sdelay $0x1  }
0x81: {  	v8 =	vmax.f32 v7, v8  }
0x82: {  	v7 =	vsel vm8, v8, v7;
	v8 =	vld.idx.msk [tilespmem:v27+s21+$0x0], vm1  }
0x83: {  	v28 =	vperm.xlane v7, v1;
	_ =	sdelay $0x1  }
0x84: {  	v10 =	vmax.f32 v7, v28  }
0x85: {  	v7 =	vsel vm9, v10, v7  }
0x86: {  	v7 =	vmax.f32 v7, v8  }
0x87: {  	[tilespmem:v27+s21+$0x0] =	vst.idx.msk vm1, v7  }
0x88: {  	v7 =	vld [tilespmem:$0x290];
	_ =	sdelay $0x4  }
0x89: {  	v8 =	vperm.xlane v7, v0;
	_ =	sdelay $0x1  }
0x8a: {  	v8 =	vmax.f32 v7, v8  }
0x8b: {  	v7 =	vsel vm2, v8, v7  }
0x8c: {  	v8 =	vperm.xlane v7, v2;
	_ =	sdelay $0x1  }
0x8d: {  	v29 =	vadd.s32 $0x110, v6;
	v8 =	vmax.f32 v7, v8  }
0x8e: {  	v7 =	vsel vm3, v8, v7  }
0x8f: {  	v8 =	vperm.xlane v7, v4;
	_ =	sdelay $0x1  }
0x90: {  	v8 =	vmax.f32 v7, v8  }
0x91: {  	v7 =	vsel vm8, v8, v7;
	v8 =	vld.idx.msk [tilespmem:v29+s21+$0x0], vm1  }
0x92: {  	v30 =	vperm.xlane v7, v1;
	_ =	sdelay $0x1  }
0x93: {  	v10 =	vmax.f32 v7, v30  }
0x94: {  	v7 =	vsel vm9, v10, v7  }
0x95: {  	v7 =	vmax.f32 v7, v8  }
0x96: {  	[tilespmem:v29+s21+$0x0] =	vst.idx.msk vm1, v7  }
0x97: {  	v7 =	vld [tilespmem:$0x3D0];
	_ =	sdelay $0x4  }
0x98: {  	v8 =	vperm.xlane v7, v0;
	_ =	sdelay $0x1  }
0x99: {  	v8 =	vmax.f32 v7, v8  }
0x9a: {  	v7 =	vsel vm2, v8, v7  }
0x9b: {  	v8 =	vperm.xlane v7, v2;
	_ =	sdelay $0x1  }
0x9c: {  	v6 =	vadd.s32 $0x198, v6;
	v8 =	vmax.f32 v7, v8  }
0x9d: {  	v7 =	vsel vm3, v8, v7  }
0x9e: {  	v8 =	vperm.xlane v7, v4;
	_ =	sdelay $0x1  }
0x9f: {  	v8 =	vmax.f32 v7, v8  }
0xa0: {  	v7 =	vsel vm8, v8, v7;
	v8 =	vld.idx.msk [tilespmem:v6+s21+$0x0], vm1  }
0xa1: {  	v31 =	vperm.xlane v7, v1;
	_ =	sdelay $0x1  }
0xa2: {  	v9 =	vmax.f32 v7, v31  }
0xa3: {  	v7 =	vsel vm9, v9, v7  }
0xa4: {  	v7 =	vmax.f32 v7, v8  }
0xa5: {  	[tilespmem:v6+s21+$0x0] =	vst.idx.msk vm1, v7  }
0xa6: {  	v6 =	vld [tilespmem:$0x520]  }
0xa7: {  	v7 =	vld [tilespmem:$0x20];
	_ =	sdelay $0x4  }
0xa8: {  	v8 =	vperm.xlane v6, v0;
	v32 =	vperm.xlane v7, v0;
	_ =	sdelay $0x1  }
0xa9: {  	vm2 =	veq.s32 v6, v8;
	v8 =	vperm.xlane v6, v5;
	v9 =	vmax.f32 v7, v32  }
0xaa: {  	v7 =	vsel vm2, v9, v7  }
0xab: {  	v33 =	vperm.xlane v6, v2;
	vm1 =	vne.s32 v6, v8;
	v8 =	vperm.xlane v7, v2  }
0xac: {  	vm1 =	vmor vm1, vm0  }
0xad: {  	vm3 =	veq.s32 v6, v33;
	v8 =	vmax.f32 v7, v8  }
0xae: {  	v7 =	vsel vm3, v8, v7  }
0xaf: {  	v8 =	vperm.xlane v6, v4;
	v34 =	vperm.xlane v7, v4;
	_ =	sdelay $0x1  }
0xb0: {  	vm10 =	veq.s32 v6, v8;
	v8 =	vmax.f32 v7, v34  }
0xb1: {  	v7 =	vsel vm10, v8, v7;
	v8 =	vld.idx.msk [tilespmem:v6+s21+$0x0], vm1  }
0xb2: {  	v35 =	vperm.xlane v6, v1;
	v36 =	vperm.xlane v7, v1;
	_ =	sdelay $0x1  }
0xb3: {  	vm11 =	veq.s32 v6, v35;
	v37 =	vmax.f32 v7, v36  }
0xb4: {  	v7 =	vsel vm11, v37, v7  }
0xb5: {  	v7 =	vmax.f32 v7, v8  }
0xb6: {  	[tilespmem:v6+s21+$0x0] =	vst.idx.msk vm1, v7  }
0xb7: {  	v7 =	vld [tilespmem:$0x160];
	_ =	sdelay $0x4  }
0xb8: {  	v8 =	vperm.xlane v7, v0;
	_ =	sdelay $0x1  }
0xb9: {  	v8 =	vmax.f32 v7, v8  }
0xba: {  	v7 =	vsel vm2, v8, v7  }
0xbb: {  	v8 =	vperm.xlane v7, v2;
	_ =	sdelay $0x1  }
0xbc: {  	v38 =	vadd.s32 $0x88, v6;
	v8 =	vmax.f32 v7, v8  }
0xbd: {  	v7 =	vsel vm3, v8, v7  }
0xbe: {  	v8 =	vperm.xlane v7, v4;
	_ =	sdelay $0x1  }
0xbf: {  	v8 =	vmax.f32 v7, v8  }
0xc0: {  	v7 =	vsel vm10, v8, v7;
	v8 =	vld.idx.msk [tilespmem:v38+s21+$0x0], vm1  }
0xc1: {  	v39 =	vperm.xlane v7, v1;
	_ =	sdelay $0x1  }
0xc2: {  	v10 =	vmax.f32 v7, v39  }
0xc3: {  	v7 =	vsel vm11, v10, v7  }
0xc4: {  	v7 =	vmax.f32 v7, v8  }
0xc5: {  	[tilespmem:v38+s21+$0x0] =	vst.idx.msk vm1, v7  }
0xc6: {  	v7 =	vld [tilespmem:$0x2A0];
	_ =	sdelay $0x4  }
0xc7: {  	v8 =	vperm.xlane v7, v0;
	_ =	sdelay $0x1  }
0xc8: {  	v8 =	vmax.f32 v7, v8  }
0xc9: {  	v7 =	vsel vm2, v8, v7  }
0xca: {  	v8 =	vperm.xlane v7, v2;
	_ =	sdelay $0x1  }
0xcb: {  	v40 =	vadd.s32 $0x110, v6;
	v8 =	vmax.f32 v7, v8  }
0xcc: {  	v7 =	vsel vm3, v8, v7  }
0xcd: {  	v8 =	vperm.xlane v7, v4;
	_ =	sdelay $0x1  }
0xce: {  	v8 =	vmax.f32 v7, v8  }
0xcf: {  	v7 =	vsel vm10, v8, v7;
	v8 =	vld.idx.msk [tilespmem:v40+s21+$0x0], vm1  }
0xd0: {  	v41 =	vperm.xlane v7, v1;
	_ =	sdelay $0x1  }
0xd1: {  	v10 =	vmax.f32 v7, v41  }
0xd2: {  	v7 =	vsel vm11, v10, v7  }
0xd3: {  	v7 =	vmax.f32 v7, v8  }
0xd4: {  	[tilespmem:v40+s21+$0x0] =	vst.idx.msk vm1, v7  }
0xd5: {  	v7 =	vld [tilespmem:$0x3E0];
	_ =	sdelay $0x4  }
0xd6: {  	v8 =	vperm.xlane v7, v0;
	_ =	sdelay $0x1  }
0xd7: {  	v8 =	vmax.f32 v7, v8  }
0xd8: {  	v7 =	vsel vm2, v8, v7  }
0xd9: {  	v8 =	vperm.xlane v7, v2;
	_ =	sdelay $0x1  }
0xda: {  	v6 =	vadd.s32 $0x198, v6;
	v8 =	vmax.f32 v7, v8  }
0xdb: {  	v7 =	vsel vm3, v8, v7  }
0xdc: {  	v8 =	vperm.xlane v7, v4;
	_ =	sdelay $0x1  }
0xdd: {  	v8 =	vmax.f32 v7, v8  }
0xde: {  	v7 =	vsel vm10, v8, v7;
	v8 =	vld.idx.msk [tilespmem:v6+s21+$0x0], vm1  }
0xdf: {  	v42 =	vperm.xlane v7, v1;
	_ =	sdelay $0x1  }
0xe0: {  	v9 =	vmax.f32 v7, v42  }
0xe1: {  	v7 =	vsel vm11, v9, v7  }
0xe2: {  	v7 =	vmax.f32 v7, v8  }
0xe3: {  	[tilespmem:v6+s21+$0x0] =	vst.idx.msk vm1, v7  }
0xe4: {  	v6 =	vld [tilespmem:$0x530]  }
0xe5: {  	v7 =	vld [tilespmem:$0x30];
	_ =	sdelay $0x4  }
0xe6: {  	v8 =	vperm.xlane v6, v0;
	v43 =	vperm.xlane v7, v0;
	_ =	sdelay $0x1  }
0xe7: {  	vm2 =	veq.s32 v6, v8;
	v8 =	vperm.xlane v6, v5;
	v9 =	vmax.f32 v7, v43  }
0xe8: {  	v7 =	vsel vm2, v9, v7  }
0xe9: {  	v44 =	vperm.xlane v6, v2;
	vm1 =	vne.s32 v6, v8;
	v8 =	vperm.xlane v7, v2  }
0xea: {  	vm1 =	vmor vm1, vm0  }
0xeb: {  	vm3 =	veq.s32 v6, v44;
	v8 =	vmax.f32 v7, v8  }
0xec: {  	v7 =	vsel vm3, v8, v7  }
0xed: {  	v8 =	vperm.xlane v6, v4;
	v45 =	vperm.xlane v7, v4;
	_ =	sdelay $0x1  }
0xee: {  	vm12 =	veq.s32 v6, v8;
	v8 =	vmax.f32 v7, v45  }
0xef: {  	v7 =	vsel vm12, v8, v7;
	v8 =	vld.idx.msk [tilespmem:v6+s21+$0x0], vm1  }
0xf0: {  	v46 =	vperm.xlane v6, v1;
	v47 =	vperm.xlane v7, v1;
	_ =	sdelay $0x1  }
0xf1: {  	vm13 =	veq.s32 v6, v46;
	v48 =	vmax.f32 v7, v47  }
0xf2: {  	v7 =	vsel vm13, v48, v7  }
0xf3: {  	v7 =	vmax.f32 v7, v8  }
0xf4: {  	[tilespmem:v6+s21+$0x0] =	vst.idx.msk vm1, v7  }
0xf5: {  	v7 =	vld [tilespmem:$0x170];
	_ =	sdelay $0x4  }
0xf6: {  	v8 =	vperm.xlane v7, v0;
	_ =	sdelay $0x1  }
0xf7: {  	v8 =	vmax.f32 v7, v8  }
0xf8: {  	v7 =	vsel vm2, v8, v7  }
0xf9: {  	v8 =	vperm.xlane v7, v2;
	_ =	sdelay $0x1  }
0xfa: {  	v49 =	vadd.s32 $0x88, v6;
	v8 =	vmax.f32 v7, v8  }
0xfb: {  	v7 =	vsel vm3, v8, v7  }
0xfc: {  	v8 =	vperm.xlane v7, v4;
	_ =	sdelay $0x1  }
0xfd: {  	v8 =	vmax.f32 v7, v8  }
0xfe: {  	v7 =	vsel vm12, v8, v7;
	v8 =	vld.idx.msk [tilespmem:v49+s21+$0x0], vm1  }
0xff: {  	v50 =	vperm.xlane v7, v1;
	_ =	sdelay $0x1  }
0x100: {  	v10 =	vmax.f32 v7, v50  }
0x101: {  	v7 =	vsel vm13, v10, v7  }
0x102: {  	v7 =	vmax.f32 v7, v8  }
0x103: {  	[tilespmem:v49+s21+$0x0] =	vst.idx.msk vm1, v7  }
0x104: {  	v7 =	vld [tilespmem:$0x2B0];
	_ =	sdelay $0x4  }
0x105: {  	v8 =	vperm.xlane v7, v0;
	_ =	sdelay $0x1  }
0x106: {  	v8 =	vmax.f32 v7, v8  }
0x107: {  	v7 =	vsel vm2, v8, v7  }
0x108: {  	v8 =	vperm.xlane v7, v2;
	_ =	sdelay $0x1  }
0x109: {  	v51 =	vadd.s32 $0x110, v6;
	v8 =	vmax.f32 v7, v8  }
0x10a: {  	v7 =	vsel vm3, v8, v7  }
0x10b: {  	v8 =	vperm.xlane v7, v4;
	_ =	sdelay $0x1  }
0x10c: {  	v8 =	vmax.f32 v7, v8  }
0x10d: {  	v7 =	vsel vm12, v8, v7;
	v8 =	vld.idx.msk [tilespmem:v51+s21+$0x0], vm1  }
0x10e: {  	v52 =	vperm.xlane v7, v1;
	_ =	sdelay $0x1  }
0x10f: {  	v10 =	vmax.f32 v7, v52  }
0x110: {  	v7 =	vsel vm13, v10, v7  }
0x111: {  	v7 =	vmax.f32 v7, v8  }
0x112: {  	[tilespmem:v51+s21+$0x0] =	vst.idx.msk vm1, v7  }
0x113: {  	v7 =	vld [tilespmem:$0x3F0];
	_ =	sdelay $0x4  }
0x114: {  	v8 =	vperm.xlane v7, v0;
	_ =	sdelay $0x1  }
0x115: {  	v8 =	vmax.f32 v7, v8  }
0x116: {  	v7 =	vsel vm2, v8, v7  }
0x117: {  	v8 =	vperm.xlane v7, v2;
	_ =	sdelay $0x1  }
0x118: {  	v6 =	vadd.s32 $0x198, v6;
	v8 =	vmax.f32 v7, v8  }
0x119: {  	v7 =	vsel vm3, v8, v7  }
0x11a: {  	v8 =	vperm.xlane v7, v4;
	_ =	sdelay $0x1  }
0x11b: {  	v8 =	vmax.f32 v7, v8  }
0x11c: {  	v7 =	vsel vm12, v8, v7;
	v8 =	vld.idx.msk [tilespmem:v6+s21+$0x0], vm1  }
0x11d: {  	v53 =	vperm.xlane v7, v1;
	_ =	sdelay $0x1  }
0x11e: {  	v9 =	vmax.f32 v7, v53  }
0x11f: {  	v7 =	vsel vm13, v9, v7  }
0x120: {  	v7 =	vmax.f32 v7, v8  }
0x121: {  	[tilespmem:v6+s21+$0x0] =	vst.idx.msk vm1, v7  }
0x122: {  	v6 =	vld [tilespmem:$0x540]  }
0x123: {  	v7 =	vld [tilespmem:$0x40];
	_ =	sdelay $0x4  }
0x124: {  	v8 =	vperm.xlane v6, v0;
	v54 =	vperm.xlane v7, v0;
	_ =	sdelay $0x1  }
0x125: {  	vm2 =	veq.s32 v6, v8;
	v8 =	vperm.xlane v6, v5;
	v9 =	vmax.f32 v7, v54  }
0x126: {  	v7 =	vsel vm2, v9, v7  }
0x127: {  	v55 =	vperm.xlane v6, v2;
	vm1 =	vne.s32 v6, v8;
	v8 =	vperm.xlane v7, v2  }
0x128: {  	vm1 =	vmor vm1, vm0  }
0x129: {  	vm3 =	veq.s32 v6, v55;
	v8 =	vmax.f32 v7, v8  }
0x12a: {  	v7 =	vsel vm3, v8, v7  }
0x12b: {  	v8 =	vperm.xlane v6, v4;
	v56 =	vperm.xlane v7, v4;
	_ =	sdelay $0x1  }
0x12c: {  	vm14 =	veq.s32 v6, v8;
	v8 =	vmax.f32 v7, v56  }
0x12d: {  	v7 =	vsel vm14, v8, v7;
	v8 =	vld.idx.msk [tilespmem:v6+s21+$0x0], vm1  }
0x12e: {  	v57 =	vperm.xlane v6, v1;
	v58 =	vperm.xlane v7, v1;
	_ =	sdelay $0x1  }
0x12f: {  	vm15 =	veq.s32 v6, v57;
	v59 =	vmax.f32 v7, v58  }
0x130: {  	v7 =	vsel vm15, v59, v7  }
0x131: {  	v7 =	vmax.f32 v7, v8  }
0x132: {  	[tilespmem:v6+s21+$0x0] =	vst.idx.msk vm1, v7  }
0x133: {  	v7 =	vld [tilespmem:$0x180];
	_ =	sdelay $0x4  }
0x134: {  	v8 =	vperm.xlane v7, v0;
	_ =	sdelay $0x1  }
0x135: {  	v8 =	vmax.f32 v7, v8  }
0x136: {  	v7 =	vsel vm2, v8, v7  }
0x137: {  	v8 =	vperm.xlane v7, v2;
	_ =	sdelay $0x1  }
0x138: {  	v60 =	vadd.s32 $0x88, v6;
	v8 =	vmax.f32 v7, v8  }
0x139: {  	v7 =	vsel vm3, v8, v7  }
0x13a: {  	v8 =	vperm.xlane v7, v4;
	_ =	sdelay $0x1  }
0x13b: {  	v8 =	vmax.f32 v7, v8  }
0x13c: {  	v7 =	vsel vm14, v8, v7;
	v8 =	vld.idx.msk [tilespmem:v60+s21+$0x0], vm1  }
0x13d: {  	v61 =	vperm.xlane v7, v1;
	_ =	sdelay $0x1  }
0x13e: {  	v10 =	vmax.f32 v7, v61  }
0x13f: {  	v7 =	vsel vm15, v10, v7  }
0x140: {  	v7 =	vmax.f32 v7, v8  }
0x141: {  	[tilespmem:v60+s21+$0x0] =	vst.idx.msk vm1, v7  }
0x142: {  	v7 =	vld [tilespmem:$0x2C0];
	_ =	sdelay $0x4  }
0x143: {  	v8 =	vperm.xlane v7, v0;
	_ =	sdelay $0x1  }
0x144: {  	v8 =	vmax.f32 v7, v8  }
0x145: {  	v7 =	vsel vm2, v8, v7  }
0x146: {  	v8 =	vperm.xlane v7, v2;
	_ =	sdelay $0x1  }
0x147: {  	v62 =	vadd.s32 $0x110, v6;
	v8 =	vmax.f32 v7, v8  }
0x148: {  	v7 =	vsel vm3, v8, v7  }
0x149: {  	v8 =	vperm.xlane v7, v4;
	_ =	sdelay $0x1  }
0x14a: {  	v8 =	vmax.f32 v7, v8  }
0x14b: {  	v7 =	vsel vm14, v8, v7;
	v8 =	vld.idx.msk [tilespmem:v62+s21+$0x0], vm1  }
0x14c: {  	v63 =	vperm.xlane v7, v1;
	_ =	sdelay $0x1  }
0x14d: {  	v10 =	vmax.f32 v7, v63  }
0x14e: {  	v7 =	vsel vm15, v10, v7  }
0x14f: {  	v7 =	vmax.f32 v7, v8  }
0x150: {  	[tilespmem:v62+s21+$0x0] =	vst.idx.msk vm1, v7  }
0x151: {  	v7 =	vld [tilespmem:$0x400];
	_ =	sdelay $0x4  }
0x152: {  	v8 =	vperm.xlane v7, v0;
	_ =	sdelay $0x1  }
0x153: {  	v8 =	vmax.f32 v7, v8  }
0x154: {  	v7 =	vsel vm2, v8, v7  }
0x155: {  	v8 =	vperm.xlane v7, v2;
	_ =	sdelay $0x1  }
0x156: {  	v8 =	vmax.f32 v7, v8  }
0x157: {  	v7 =	vsel vm3, v8, v7  }
0x158: {  	v8 =	vperm.xlane v7, v4;
	_ =	sdelay $0x1  }
0x159: {  	v8 =	vmax.f32 v7, v8  }
0x15a: {  	v7 =	vsel vm14, v8, v7  }
0x15b: {  	v8 =	vperm.xlane v7, v1;
	_ =	sdelay $0x1  }
0x15c: {  	v8 =	vmax.f32 v7, v8  }
0x15d: {  	v7 =	vsel vm15, v8, v7  }
.LBB2_4:
0x15e: {  	v6 =	vadd.s32 $0x198, v6;
	_ =	sdelay $0x4  }
0x15f: {  	v8 =	vld.idx.msk [tilespmem:v6+s21+$0x0], vm1;
	_ =	sdelay $0x3  }
0x160: {  	s14 =	sadd.s32 $0xFFFFFFFF, s14  }
0x161: {  	p1 =	sne.s32 s14, $0x0;
	v7 =	vmax.f32 v7, v8  }
.Ltmp1:
0x162: {  	[tilespmem:v6+s21+$0x0] =	vst.idx.msk vm1, v7;
	(pc) =	sbr.rel @!p1 .LBB2_5-.Ltmp1, $4  }
0x163: {  	[hbm4b:s13+s22] =	stream.strided.scatter [tilespmem:s21], [sflag:$0x3], $0x280, s23, s22, $0x38;
	[tilespmem:$0x900] =	vst v63  }
0x164: {  	_ =	swait.ge [sflag:s24], $0x280  }
0x165: {  	[sflag:s24] =	ssyncset.done $0x0  }
0x166: {  	[sflag:s24] =	ssyncadd.s32 $0xFFFFFD80  }
.LBB2_1:
0x167: {  	[tilespmem:$0x680] =	vst v3  }
0x168: {  	[tilespmem:$0x690] =	vst v3  }
0x169: {  	[tilespmem:$0x6A0] =	vst v3  }
0x16a: {  	[tilespmem:$0x6B0] =	vst v3  }
0x16b: {  	[tilespmem:$0x6C0] =	vst v3  }
0x16c: {  	[tilespmem:$0x6D0] =	vst v3  }
0x16d: {  	[tilespmem:$0x6E0] =	vst v3  }
0x16e: {  	[tilespmem:$0x6F0] =	vst v3  }
0x16f: {  	[tilespmem:$0x700] =	vst v3  }
0x170: {  	[tilespmem:$0x710] =	vst v3  }
0x171: {  	[tilespmem:$0x720] =	vst v3  }
0x172: {  	[tilespmem:$0x730] =	vst v3  }
0x173: {  	[tilespmem:$0x740] =	vst v3  }
0x174: {  	[tilespmem:$0x750] =	vst v3  }
0x175: {  	[tilespmem:$0x760] =	vst v3  }
0x176: {  	[tilespmem:$0x770] =	vst v3  }
0x177: {  	[tilespmem:$0x780] =	vst v3  }
0x178: {  	[tilespmem:$0x790] =	vst v3  }
0x179: {  	[tilespmem:$0x7A0] =	vst v3  }
0x17a: {  	[tilespmem:$0x7B0] =	vst v3  }
0x17b: {  	[tilespmem:$0x7C0] =	vst v3  }
0x17c: {  	[tilespmem:$0x7D0] =	vst v3  }
0x17d: {  	[tilespmem:$0x7E0] =	vst v3  }
0x17e: {  	[tilespmem:$0x7F0] =	vst v3  }
0x17f: {  	[tilespmem:$0x800] =	vst v3  }
0x180: {  	[tilespmem:$0x810] =	vst v3  }
0x181: {  	[tilespmem:$0x820] =	vst v3  }
0x182: {  	[tilespmem:$0x830] =	vst v3  }
0x183: {  	[tilespmem:$0x840] =	vst v3  }
.Ltmp2:
0x184: {  	[tilespmem:$0x850] =	vst v3;
	(pc) =	sbr.rel @p0 .LBB2_3-.Ltmp2, $4  }
0x185: {  	[tilespmem:$0x860] =	vst v3  }
0x186: {  	[tilespmem:$0x870] =	vst v3  }
0x187: {  	[tilespmem:$0x880] =	vst v3  }
0x188: {  	[tilespmem:$0x890] =	vst v3  }
0x189: {  	[tilespmem:s15], [sflag:$0x1] =	stream.linear.gather [hbm4b:s3+s2], $0x140, $0x38;
	[tilespmem:$0x900] =	vst v63  }
0x18a: {  	_ = 	snop  }
0x18b: {  	[tilespmem:s2], [sflag:$0x2] =	stream.linear.gather [hbm4b:s4+s2], $0x140, $0x38;
	[tilespmem:$0x900] =	vst v63  }
0x18c: {  	_ = 	snop  }
0x18d: {  	[tilespmem:s16], [sflag:$0x2] =	stream.linear.gather [hbm4b:s5+s2], $0x140, $0x38;
	[tilespmem:$0x900] =	vst v63  }
0x18e: {  	_ = 	snop  }
0x18f: {  	[tilespmem:s17], [sflag:$0x2] =	stream.linear.gather [hbm4b:s6+s2], $0x140, $0x38;
	[tilespmem:$0x900] =	vst v63  }
0x190: {  	_ = 	snop  }
0x191: {  	[tilespmem:s18], [sflag:$0x2] =	stream.linear.gather [hbm4b:s7+s2], $0x140, $0x38;
	[tilespmem:$0x900] =	vst v63  }
0x192: {  	_ =	swait.ge [sflag:s19], $0x140  }
0x193: {  	[sflag:s19] =	ssyncset.done $0x0  }
0x194: {  	[sflag:s19] =	ssyncadd.s32 $0xFFFFFEC0  }
0x195: {  	_ =	swait.ge [sflag:s20], $0x140  }
0x196: {  	[sflag:s20] =	ssyncset.done $0x0  }
0x197: {  	[sflag:s20] =	ssyncadd.s32 $0xFFFFFEC0  }
0x198: {  	_ =	swait.ge [sflag:s20], $0x140  }
0x199: {  	[sflag:s20] =	ssyncset.done $0x0  }
0x19a: {  	[sflag:s20] =	ssyncadd.s32 $0xFFFFFEC0  }
0x19b: {  	_ =	swait.ge [sflag:s20], $0x140  }
0x19c: {  	[sflag:s20] =	ssyncset.done $0x0  }
0x19d: {  	[sflag:s20] =	ssyncadd.s32 $0xFFFFFEC0  }
0x19e: {  	_ =	swait.ge [sflag:s20], $0x140  }
0x19f: {  	[sflag:s20] =	ssyncset.done $0x0  }
0x1a0: {  	[sflag:s20] =	ssyncadd.s32 $0xFFFFFEC0  }
0x1a1: {  	v6 =	vld [tilespmem:$0x500]  }
0x1a2: {  	v7 =	vld [tilespmem:$0x0];
	_ =	sdelay $0x4  }
0x1a3: {  	v8 =	vperm.xlane v6, v0;
	v9 =	vperm.xlane v7, v0;
	_ =	sdelay $0x1  }
0x1a4: {  	vm2 =	veq.s32 v6, v8;
	v8 =	vperm.xlane v6, v5;
	v9 =	vmax.f32 v7, v9  }
0x1a5: {  	v7 =	vsel vm2, v9, v7  }
0x1a6: {  	v55 =	vperm.xlane v6, v2;
	vm1 =	vne.s32 v6, v8;
	v8 =	vperm.xlane v7, v2  }
0x1a7: {  	vm1 =	vmor vm1, vm0  }
0x1a8: {  	vm3 =	veq.s32 v6, v55;
	v8 =	vmax.f32 v7, v8  }
0x1a9: {  	v7 =	vsel vm3, v8, v7  }
0x1aa: {  	v8 =	vperm.xlane v6, v4;
	v56 =	vperm.xlane v7, v4;
	_ =	sdelay $0x1  }
0x1ab: {  	vm4 =	veq.s32 v6, v8;
	v8 =	vmax.f32 v7, v56  }
0x1ac: {  	v7 =	vsel vm4, v8, v7;
	v8 =	vld.idx.msk [tilespmem:v6+s21+$0x0], vm1  }
0x1ad: {  	v57 =	vperm.xlane v6, v1;
	v10 =	vperm.xlane v7, v1;
	_ =	sdelay $0x1  }
0x1ae: {  	vm5 =	veq.s32 v6, v57;
	v58 =	vmax.f32 v7, v10  }
0x1af: {  	v7 =	vsel vm5, v58, v7  }
0x1b0: {  	v7 =	vmax.f32 v7, v8  }
0x1b1: {  	[tilespmem:v6+s21+$0x0] =	vst.idx.msk vm1, v7  }
0x1b2: {  	v7 =	vld [tilespmem:$0x140];
	_ =	sdelay $0x4  }
0x1b3: {  	v8 =	vperm.xlane v7, v0;
	_ =	sdelay $0x1  }
0x1b4: {  	v8 =	vmax.f32 v7, v8  }
0x1b5: {  	v7 =	vsel vm2, v8, v7  }
0x1b6: {  	v8 =	vperm.xlane v7, v2;
	_ =	sdelay $0x1  }
0x1b7: {  	v59 =	vadd.s32 $0x88, v6;
	v8 =	vmax.f32 v7, v8  }
0x1b8: {  	v7 =	vsel vm3, v8, v7  }
0x1b9: {  	v8 =	vperm.xlane v7, v4;
	_ =	sdelay $0x1  }
0x1ba: {  	v8 =	vmax.f32 v7, v8  }
0x1bb: {  	v7 =	vsel vm4, v8, v7;
	v8 =	vld.idx.msk [tilespmem:v59+s21+$0x0], vm1  }
0x1bc: {  	v60 =	vperm.xlane v7, v1;
	_ =	sdelay $0x1  }
0x1bd: {  	v10 =	vmax.f32 v7, v60  }
0x1be: {  	v7 =	vsel vm5, v10, v7  }
0x1bf: {  	v7 =	vmax.f32 v7, v8  }
0x1c0: {  	[tilespmem:v59+s21+$0x0] =	vst.idx.msk vm1, v7  }
0x1c1: {  	v7 =	vld [tilespmem:$0x280];
	_ =	sdelay $0x4  }
0x1c2: {  	v8 =	vperm.xlane v7, v0;
	_ =	sdelay $0x1  }
0x1c3: {  	v8 =	vmax.f32 v7, v8  }
0x1c4: {  	v7 =	vsel vm2, v8, v7  }
0x1c5: {  	v8 =	vperm.xlane v7, v2;
	_ =	sdelay $0x1  }
0x1c6: {  	v61 =	vadd.s32 $0x110, v6;
	v8 =	vmax.f32 v7, v8  }
0x1c7: {  	v7 =	vsel vm3, v8, v7  }
0x1c8: {  	v8 =	vperm.xlane v7, v4;
	_ =	sdelay $0x1  }
0x1c9: {  	v8 =	vmax.f32 v7, v8  }
0x1ca: {  	v7 =	vsel vm4, v8, v7;
	v8 =	vld.idx.msk [tilespmem:v61+s21+$0x0], vm1  }
0x1cb: {  	v62 =	vperm.xlane v7, v1;
	_ =	sdelay $0x1  }
0x1cc: {  	v10 =	vmax.f32 v7, v62  }
0x1cd: {  	v7 =	vsel vm5, v10, v7  }
0x1ce: {  	v7 =	vmax.f32 v7, v8  }
0x1cf: {  	[tilespmem:v61+s21+$0x0] =	vst.idx.msk vm1, v7  }
0x1d0: {  	v7 =	vld [tilespmem:$0x3C0];
	_ =	sdelay $0x4  }
0x1d1: {  	v8 =	vperm.xlane v7, v0;
	_ =	sdelay $0x1  }
0x1d2: {  	v8 =	vmax.f32 v7, v8  }
0x1d3: {  	v7 =	vsel vm2, v8, v7  }
0x1d4: {  	v8 =	vperm.xlane v7, v2;
	_ =	sdelay $0x1  }
0x1d5: {  	v6 =	vadd.s32 $0x198, v6;
	v8 =	vmax.f32 v7, v8  }
0x1d6: {  	v7 =	vsel vm3, v8, v7  }
0x1d7: {  	v8 =	vperm.xlane v7, v4;
	_ =	sdelay $0x1  }
0x1d8: {  	v8 =	vmax.f32 v7, v8  }
0x1d9: {  	v7 =	vsel vm4, v8, v7;
	v8 =	vld.idx.msk [tilespmem:v6+s21+$0x0], vm1  }
0x1da: {  	v63 =	vperm.xlane v7, v1;
	_ =	sdelay $0x1  }
0x1db: {  	v9 =	vmax.f32 v7, v63  }
0x1dc: {  	v7 =	vsel vm5, v9, v7  }
0x1dd: {  	v7 =	vmax.f32 v7, v8  }
0x1de: {  	[tilespmem:v6+s21+$0x0] =	vst.idx.msk vm1, v7  }
0x1df: {  	v6 =	vld [tilespmem:$0x510]  }
0x1e0: {  	v7 =	vld [tilespmem:$0x10];
	_ =	sdelay $0x4  }
0x1e1: {  	v8 =	vperm.xlane v6, v0;
	v12 =	vperm.xlane v7, v0;
	_ =	sdelay $0x1  }
0x1e2: {  	vm2 =	veq.s32 v6, v8;
	v8 =	vperm.xlane v6, v5;
	v9 =	vmax.f32 v7, v12  }
0x1e3: {  	v7 =	vsel vm2, v9, v7  }
0x1e4: {  	v13 =	vperm.xlane v6, v2;
	vm1 =	vne.s32 v6, v8;
	v8 =	vperm.xlane v7, v2  }
0x1e5: {  	vm1 =	vmor vm1, vm0  }
0x1e6: {  	vm3 =	veq.s32 v6, v13;
	v8 =	vmax.f32 v7, v8  }
0x1e7: {  	v7 =	vsel vm3, v8, v7  }
0x1e8: {  	v8 =	vperm.xlane v6, v4;
	v14 =	vperm.xlane v7, v4;
	_ =	sdelay $0x1  }
0x1e9: {  	vm10 =	veq.s32 v6, v8;
	v8 =	vmax.f32 v7, v14  }
0x1ea: {  	v7 =	vsel vm10, v8, v7;
	v8 =	vld.idx.msk [tilespmem:v6+s21+$0x0], vm1  }
0x1eb: {  	v15 =	vperm.xlane v6, v1;
	v16 =	vperm.xlane v7, v1;
	_ =	sdelay $0x1  }
0x1ec: {  	vm11 =	veq.s32 v6, v15;
	v17 =	vmax.f32 v7, v16  }
0x1ed: {  	v7 =	vsel vm11, v17, v7  }
0x1ee: {  	v7 =	vmax.f32 v7, v8  }
0x1ef: {  	[tilespmem:v6+s21+$0x0] =	vst.idx.msk vm1, v7  }
0x1f0: {  	v7 =	vld [tilespmem:$0x150];
	_ =	sdelay $0x4  }
0x1f1: {  	v8 =	vperm.xlane v7, v0;
	_ =	sdelay $0x1  }
0x1f2: {  	v8 =	vmax.f32 v7, v8  }
0x1f3: {  	v7 =	vsel vm2, v8, v7  }
0x1f4: {  	v8 =	vperm.xlane v7, v2;
	_ =	sdelay $0x1  }
0x1f5: {  	v18 =	vadd.s32 $0x88, v6;
	v8 =	vmax.f32 v7, v8  }
0x1f6: {  	v7 =	vsel vm3, v8, v7  }
0x1f7: {  	v8 =	vperm.xlane v7, v4;
	_ =	sdelay $0x1  }
0x1f8: {  	v8 =	vmax.f32 v7, v8  }
0x1f9: {  	v7 =	vsel vm10, v8, v7;
	v8 =	vld.idx.msk [tilespmem:v18+s21+$0x0], vm1  }
0x1fa: {  	v19 =	vperm.xlane v7, v1;
	_ =	sdelay $0x1  }
0x1fb: {  	v10 =	vmax.f32 v7, v19  }
0x1fc: {  	v7 =	vsel vm11, v10, v7  }
0x1fd: {  	v7 =	vmax.f32 v7, v8  }
0x1fe: {  	[tilespmem:v18+s21+$0x0] =	vst.idx.msk vm1, v7  }
0x1ff: {  	v7 =	vld [tilespmem:$0x290];
	_ =	sdelay $0x4  }
0x200: {  	v8 =	vperm.xlane v7, v0;
	_ =	sdelay $0x1  }
0x201: {  	v8 =	vmax.f32 v7, v8  }
0x202: {  	v7 =	vsel vm2, v8, v7  }
0x203: {  	v8 =	vperm.xlane v7, v2;
	_ =	sdelay $0x1  }
0x204: {  	v20 =	vadd.s32 $0x110, v6;
	v8 =	vmax.f32 v7, v8  }
0x205: {  	v7 =	vsel vm3, v8, v7  }
0x206: {  	v8 =	vperm.xlane v7, v4;
	_ =	sdelay $0x1  }
0x207: {  	v8 =	vmax.f32 v7, v8  }
0x208: {  	v7 =	vsel vm10, v8, v7;
	v8 =	vld.idx.msk [tilespmem:v20+s21+$0x0], vm1  }
0x209: {  	v21 =	vperm.xlane v7, v1;
	_ =	sdelay $0x1  }
0x20a: {  	v10 =	vmax.f32 v7, v21  }
0x20b: {  	v7 =	vsel vm11, v10, v7  }
0x20c: {  	v7 =	vmax.f32 v7, v8  }
0x20d: {  	[tilespmem:v20+s21+$0x0] =	vst.idx.msk vm1, v7  }
0x20e: {  	v7 =	vld [tilespmem:$0x3D0];
	_ =	sdelay $0x4  }
0x20f: {  	v8 =	vperm.xlane v7, v0;
	_ =	sdelay $0x1  }
0x210: {  	v8 =	vmax.f32 v7, v8  }
0x211: {  	v7 =	vsel vm2, v8, v7  }
0x212: {  	v8 =	vperm.xlane v7, v2;
	_ =	sdelay $0x1  }
0x213: {  	v6 =	vadd.s32 $0x198, v6;
	v8 =	vmax.f32 v7, v8  }
0x214: {  	v7 =	vsel vm3, v8, v7  }
0x215: {  	v8 =	vperm.xlane v7, v4;
	_ =	sdelay $0x1  }
0x216: {  	v8 =	vmax.f32 v7, v8  }
0x217: {  	v7 =	vsel vm10, v8, v7;
	v8 =	vld.idx.msk [tilespmem:v6+s21+$0x0], vm1  }
0x218: {  	v22 =	vperm.xlane v7, v1;
	_ =	sdelay $0x1  }
0x219: {  	v9 =	vmax.f32 v7, v22  }
0x21a: {  	v7 =	vsel vm11, v9, v7  }
0x21b: {  	v7 =	vmax.f32 v7, v8  }
0x21c: {  	[tilespmem:v6+s21+$0x0] =	vst.idx.msk vm1, v7  }
0x21d: {  	v6 =	vld [tilespmem:$0x520]  }
0x21e: {  	v7 =	vld [tilespmem:$0x20];
	_ =	sdelay $0x4  }
0x21f: {  	v8 =	vperm.xlane v6, v0;
	v23 =	vperm.xlane v7, v0;
	_ =	sdelay $0x1  }
0x220: {  	vm2 =	veq.s32 v6, v8;
	v8 =	vperm.xlane v6, v5;
	v9 =	vmax.f32 v7, v23  }
0x221: {  	v7 =	vsel vm2, v9, v7  }
0x222: {  	v24 =	vperm.xlane v6, v2;
	vm1 =	vne.s32 v6, v8;
	v8 =	vperm.xlane v7, v2  }
0x223: {  	vm1 =	vmor vm1, vm0  }
0x224: {  	vm3 =	veq.s32 v6, v24;
	v8 =	vmax.f32 v7, v8  }
0x225: {  	v7 =	vsel vm3, v8, v7  }
0x226: {  	v8 =	vperm.xlane v6, v4;
	v25 =	vperm.xlane v7, v4;
	_ =	sdelay $0x1  }
0x227: {  	vm12 =	veq.s32 v6, v8;
	v8 =	vmax.f32 v7, v25  }
0x228: {  	v7 =	vsel vm12, v8, v7;
	v8 =	vld.idx.msk [tilespmem:v6+s21+$0x0], vm1  }
0x229: {  	v26 =	vperm.xlane v6, v1;
	v27 =	vperm.xlane v7, v1;
	_ =	sdelay $0x1  }
0x22a: {  	vm13 =	veq.s32 v6, v26;
	v28 =	vmax.f32 v7, v27  }
0x22b: {  	v7 =	vsel vm13, v28, v7  }
0x22c: {  	v7 =	vmax.f32 v7, v8  }
0x22d: {  	[tilespmem:v6+s21+$0x0] =	vst.idx.msk vm1, v7  }
0x22e: {  	v7 =	vld [tilespmem:$0x160];
	_ =	sdelay $0x4  }
0x22f: {  	v8 =	vperm.xlane v7, v0;
	_ =	sdelay $0x1  }
0x230: {  	v8 =	vmax.f32 v7, v8  }
0x231: {  	v7 =	vsel vm2, v8, v7  }
0x232: {  	v8 =	vperm.xlane v7, v2;
	_ =	sdelay $0x1  }
0x233: {  	v29 =	vadd.s32 $0x88, v6;
	v8 =	vmax.f32 v7, v8  }
0x234: {  	v7 =	vsel vm3, v8, v7  }
0x235: {  	v8 =	vperm.xlane v7, v4;
	_ =	sdelay $0x1  }
0x236: {  	v8 =	vmax.f32 v7, v8  }
0x237: {  	v7 =	vsel vm12, v8, v7;
	v8 =	vld.idx.msk [tilespmem:v29+s21+$0x0], vm1  }
0x238: {  	v30 =	vperm.xlane v7, v1;
	_ =	sdelay $0x1  }
0x239: {  	v10 =	vmax.f32 v7, v30  }
0x23a: {  	v7 =	vsel vm13, v10, v7  }
0x23b: {  	v7 =	vmax.f32 v7, v8  }
0x23c: {  	[tilespmem:v29+s21+$0x0] =	vst.idx.msk vm1, v7  }
0x23d: {  	v7 =	vld [tilespmem:$0x2A0];
	_ =	sdelay $0x4  }
0x23e: {  	v8 =	vperm.xlane v7, v0;
	_ =	sdelay $0x1  }
0x23f: {  	v8 =	vmax.f32 v7, v8  }
0x240: {  	v7 =	vsel vm2, v8, v7  }
0x241: {  	v8 =	vperm.xlane v7, v2;
	_ =	sdelay $0x1  }
0x242: {  	v31 =	vadd.s32 $0x110, v6;
	v8 =	vmax.f32 v7, v8  }
0x243: {  	v7 =	vsel vm3, v8, v7  }
0x244: {  	v8 =	vperm.xlane v7, v4;
	_ =	sdelay $0x1  }
0x245: {  	v8 =	vmax.f32 v7, v8  }
0x246: {  	v7 =	vsel vm12, v8, v7;
	v8 =	vld.idx.msk [tilespmem:v31+s21+$0x0], vm1  }
0x247: {  	v32 =	vperm.xlane v7, v1;
	_ =	sdelay $0x1  }
0x248: {  	v10 =	vmax.f32 v7, v32  }
0x249: {  	v7 =	vsel vm13, v10, v7  }
0x24a: {  	v7 =	vmax.f32 v7, v8  }
0x24b: {  	[tilespmem:v31+s21+$0x0] =	vst.idx.msk vm1, v7  }
0x24c: {  	v7 =	vld [tilespmem:$0x3E0];
	_ =	sdelay $0x4  }
0x24d: {  	v8 =	vperm.xlane v7, v0;
	_ =	sdelay $0x1  }
0x24e: {  	v8 =	vmax.f32 v7, v8  }
0x24f: {  	v7 =	vsel vm2, v8, v7  }
0x250: {  	v8 =	vperm.xlane v7, v2;
	_ =	sdelay $0x1  }
0x251: {  	v6 =	vadd.s32 $0x198, v6;
	v8 =	vmax.f32 v7, v8  }
0x252: {  	v7 =	vsel vm3, v8, v7  }
0x253: {  	v8 =	vperm.xlane v7, v4;
	_ =	sdelay $0x1  }
0x254: {  	v8 =	vmax.f32 v7, v8  }
0x255: {  	v7 =	vsel vm12, v8, v7;
	v8 =	vld.idx.msk [tilespmem:v6+s21+$0x0], vm1  }
0x256: {  	v33 =	vperm.xlane v7, v1;
	_ =	sdelay $0x1  }
0x257: {  	v9 =	vmax.f32 v7, v33  }
0x258: {  	v7 =	vsel vm13, v9, v7  }
0x259: {  	v7 =	vmax.f32 v7, v8  }
0x25a: {  	[tilespmem:v6+s21+$0x0] =	vst.idx.msk vm1, v7  }
0x25b: {  	v6 =	vld [tilespmem:$0x530]  }
0x25c: {  	v7 =	vld [tilespmem:$0x30];
	_ =	sdelay $0x4  }
0x25d: {  	v8 =	vperm.xlane v6, v0;
	v34 =	vperm.xlane v7, v0;
	_ =	sdelay $0x1  }
0x25e: {  	vm2 =	veq.s32 v6, v8;
	v8 =	vperm.xlane v6, v5;
	v9 =	vmax.f32 v7, v34  }
0x25f: {  	v7 =	vsel vm2, v9, v7  }
0x260: {  	v35 =	vperm.xlane v6, v2;
	vm1 =	vne.s32 v6, v8;
	v8 =	vperm.xlane v7, v2  }
0x261: {  	vm1 =	vmor vm1, vm0  }
0x262: {  	vm3 =	veq.s32 v6, v35;
	v8 =	vmax.f32 v7, v8  }
0x263: {  	v7 =	vsel vm3, v8, v7  }
0x264: {  	v8 =	vperm.xlane v6, v4;
	v36 =	vperm.xlane v7, v4;
	_ =	sdelay $0x1  }
0x265: {  	vm14 =	veq.s32 v6, v8;
	v8 =	vmax.f32 v7, v36  }
0x266: {  	v7 =	vsel vm14, v8, v7;
	v8 =	vld.idx.msk [tilespmem:v6+s21+$0x0], vm1  }
0x267: {  	v37 =	vperm.xlane v6, v1;
	v38 =	vperm.xlane v7, v1;
	_ =	sdelay $0x1  }
0x268: {  	vm15 =	veq.s32 v6, v37;
	v39 =	vmax.f32 v7, v38  }
0x269: {  	v7 =	vsel vm15, v39, v7  }
0x26a: {  	v7 =	vmax.f32 v7, v8  }
0x26b: {  	[tilespmem:v6+s21+$0x0] =	vst.idx.msk vm1, v7  }
0x26c: {  	v7 =	vld [tilespmem:$0x170];
	_ =	sdelay $0x4  }
0x26d: {  	v8 =	vperm.xlane v7, v0;
	_ =	sdelay $0x1  }
0x26e: {  	v8 =	vmax.f32 v7, v8  }
0x26f: {  	v7 =	vsel vm2, v8, v7  }
0x270: {  	v8 =	vperm.xlane v7, v2;
	_ =	sdelay $0x1  }
0x271: {  	v40 =	vadd.s32 $0x88, v6;
	v8 =	vmax.f32 v7, v8  }
0x272: {  	v7 =	vsel vm3, v8, v7  }
0x273: {  	v8 =	vperm.xlane v7, v4;
	_ =	sdelay $0x1  }
0x274: {  	v8 =	vmax.f32 v7, v8  }
0x275: {  	v7 =	vsel vm14, v8, v7;
	v8 =	vld.idx.msk [tilespmem:v40+s21+$0x0], vm1  }
0x276: {  	v41 =	vperm.xlane v7, v1;
	_ =	sdelay $0x1  }
0x277: {  	v10 =	vmax.f32 v7, v41  }
0x278: {  	v7 =	vsel vm15, v10, v7  }
0x279: {  	v7 =	vmax.f32 v7, v8  }
0x27a: {  	[tilespmem:v40+s21+$0x0] =	vst.idx.msk vm1, v7  }
0x27b: {  	v7 =	vld [tilespmem:$0x2B0];
	_ =	sdelay $0x4  }
0x27c: {  	v8 =	vperm.xlane v7, v0;
	_ =	sdelay $0x1  }
0x27d: {  	v8 =	vmax.f32 v7, v8  }
0x27e: {  	v7 =	vsel vm2, v8, v7  }
0x27f: {  	v8 =	vperm.xlane v7, v2;
	_ =	sdelay $0x1  }
0x280: {  	v42 =	vadd.s32 $0x110, v6;
	v8 =	vmax.f32 v7, v8  }
0x281: {  	v7 =	vsel vm3, v8, v7  }
0x282: {  	v8 =	vperm.xlane v7, v4;
	_ =	sdelay $0x1  }
0x283: {  	v8 =	vmax.f32 v7, v8  }
0x284: {  	v7 =	vsel vm14, v8, v7;
	v8 =	vld.idx.msk [tilespmem:v42+s21+$0x0], vm1  }
0x285: {  	v43 =	vperm.xlane v7, v1;
	_ =	sdelay $0x1  }
0x286: {  	v10 =	vmax.f32 v7, v43  }
0x287: {  	v7 =	vsel vm15, v10, v7  }
0x288: {  	v7 =	vmax.f32 v7, v8  }
0x289: {  	[tilespmem:v42+s21+$0x0] =	vst.idx.msk vm1, v7  }
0x28a: {  	v7 =	vld [tilespmem:$0x3F0];
	_ =	sdelay $0x4  }
0x28b: {  	v8 =	vperm.xlane v7, v0;
	_ =	sdelay $0x1  }
0x28c: {  	v8 =	vmax.f32 v7, v8  }
0x28d: {  	v7 =	vsel vm2, v8, v7  }
0x28e: {  	v8 =	vperm.xlane v7, v2;
	_ =	sdelay $0x1  }
0x28f: {  	v6 =	vadd.s32 $0x198, v6;
	v8 =	vmax.f32 v7, v8  }
0x290: {  	v7 =	vsel vm3, v8, v7  }
0x291: {  	v8 =	vperm.xlane v7, v4;
	_ =	sdelay $0x1  }
0x292: {  	v8 =	vmax.f32 v7, v8  }
0x293: {  	v7 =	vsel vm14, v8, v7;
	v8 =	vld.idx.msk [tilespmem:v6+s21+$0x0], vm1  }
0x294: {  	v44 =	vperm.xlane v7, v1;
	_ =	sdelay $0x1  }
0x295: {  	v9 =	vmax.f32 v7, v44  }
0x296: {  	v7 =	vsel vm15, v9, v7  }
0x297: {  	v7 =	vmax.f32 v7, v8  }
0x298: {  	[tilespmem:v6+s21+$0x0] =	vst.idx.msk vm1, v7  }
0x299: {  	v6 =	vld [tilespmem:$0x540]  }
0x29a: {  	v7 =	vld [tilespmem:$0x40];
	_ =	sdelay $0x4  }
0x29b: {  	v8 =	vperm.xlane v6, v0;
	v45 =	vperm.xlane v7, v0;
	_ =	sdelay $0x1  }
0x29c: {  	vm2 =	veq.s32 v6, v8;
	v8 =	vperm.xlane v6, v5;
	v9 =	vmax.f32 v7, v45  }
0x29d: {  	v7 =	vsel vm2, v9, v7  }
0x29e: {  	v46 =	vperm.xlane v6, v2;
	vm1 =	vne.s32 v6, v8;
	v8 =	vperm.xlane v7, v2  }
0x29f: {  	vm1 =	vmor vm1, vm0  }
0x2a0: {  	vm3 =	veq.s32 v6, v46;
	v8 =	vmax.f32 v7, v8  }
0x2a1: {  	v7 =	vsel vm3, v8, v7  }
0x2a2: {  	v8 =	vperm.xlane v6, v4;
	v47 =	vperm.xlane v7, v4;
	_ =	sdelay $0x1  }
0x2a3: {  	vm8 =	veq.s32 v6, v8;
	v8 =	vmax.f32 v7, v47  }
0x2a4: {  	v7 =	vsel vm8, v8, v7;
	v8 =	vld.idx.msk [tilespmem:v6+s21+$0x0], vm1  }
0x2a5: {  	v48 =	vperm.xlane v6, v1;
	v49 =	vperm.xlane v7, v1;
	_ =	sdelay $0x1  }
0x2a6: {  	vm9 =	veq.s32 v6, v48;
	v50 =	vmax.f32 v7, v49  }
0x2a7: {  	v7 =	vsel vm9, v50, v7  }
0x2a8: {  	v7 =	vmax.f32 v7, v8  }
0x2a9: {  	[tilespmem:v6+s21+$0x0] =	vst.idx.msk vm1, v7  }
0x2aa: {  	v7 =	vld [tilespmem:$0x180];
	_ =	sdelay $0x4  }
0x2ab: {  	v8 =	vperm.xlane v7, v0;
	_ =	sdelay $0x1  }
0x2ac: {  	v8 =	vmax.f32 v7, v8  }
0x2ad: {  	v7 =	vsel vm2, v8, v7  }
0x2ae: {  	v8 =	vperm.xlane v7, v2;
	_ =	sdelay $0x1  }
0x2af: {  	v51 =	vadd.s32 $0x88, v6;
	v8 =	vmax.f32 v7, v8  }
0x2b0: {  	v7 =	vsel vm3, v8, v7  }
0x2b1: {  	v8 =	vperm.xlane v7, v4;
	_ =	sdelay $0x1  }
0x2b2: {  	v8 =	vmax.f32 v7, v8  }
0x2b3: {  	v7 =	vsel vm8, v8, v7;
	v8 =	vld.idx.msk [tilespmem:v51+s21+$0x0], vm1  }
0x2b4: {  	v52 =	vperm.xlane v7, v1;
	_ =	sdelay $0x1  }
0x2b5: {  	v10 =	vmax.f32 v7, v52  }
0x2b6: {  	v7 =	vsel vm9, v10, v7  }
0x2b7: {  	v7 =	vmax.f32 v7, v8  }
0x2b8: {  	[tilespmem:v51+s21+$0x0] =	vst.idx.msk vm1, v7  }
0x2b9: {  	v7 =	vld [tilespmem:$0x2C0];
	_ =	sdelay $0x4  }
0x2ba: {  	v8 =	vperm.xlane v7, v0;
	_ =	sdelay $0x1  }
0x2bb: {  	v8 =	vmax.f32 v7, v8  }
0x2bc: {  	v7 =	vsel vm2, v8, v7  }
0x2bd: {  	v8 =	vperm.xlane v7, v2;
	_ =	sdelay $0x1  }
0x2be: {  	v53 =	vadd.s32 $0x110, v6;
	v8 =	vmax.f32 v7, v8  }
0x2bf: {  	v7 =	vsel vm3, v8, v7  }
0x2c0: {  	v8 =	vperm.xlane v7, v4;
	_ =	sdelay $0x1  }
0x2c1: {  	v8 =	vmax.f32 v7, v8  }
0x2c2: {  	v7 =	vsel vm8, v8, v7;
	v8 =	vld.idx.msk [tilespmem:v53+s21+$0x0], vm1  }
0x2c3: {  	v54 =	vperm.xlane v7, v1;
	_ =	sdelay $0x1  }
0x2c4: {  	v10 =	vmax.f32 v7, v54  }
0x2c5: {  	v7 =	vsel vm9, v10, v7  }
0x2c6: {  	v7 =	vmax.f32 v7, v8  }
0x2c7: {  	[tilespmem:v53+s21+$0x0] =	vst.idx.msk vm1, v7  }
0x2c8: {  	v7 =	vld [tilespmem:$0x400];
	_ =	sdelay $0x4  }
0x2c9: {  	v8 =	vperm.xlane v7, v0;
	_ =	sdelay $0x1  }
0x2ca: {  	v8 =	vmax.f32 v7, v8  }
0x2cb: {  	v7 =	vsel vm2, v8, v7  }
0x2cc: {  	v8 =	vperm.xlane v7, v2;
	_ =	sdelay $0x1  }
0x2cd: {  	v6 =	vadd.s32 $0x198, v6;
	v8 =	vmax.f32 v7, v8  }
0x2ce: {  	v7 =	vsel vm3, v8, v7  }
0x2cf: {  	v8 =	vperm.xlane v7, v4;
	_ =	sdelay $0x1  }
0x2d0: {  	v8 =	vmax.f32 v7, v8  }
0x2d1: {  	v7 =	vsel vm8, v8, v7;
	v8 =	vld.idx.msk [tilespmem:v6+s21+$0x0], vm1  }
0x2d2: {  	v55 =	vperm.xlane v7, v1;
	_ =	sdelay $0x1  }
0x2d3: {  	v9 =	vmax.f32 v7, v55  }
0x2d4: {  	v7 =	vsel vm9, v9, v7  }
0x2d5: {  	v7 =	vmax.f32 v7, v8  }
0x2d6: {  	[tilespmem:v6+s21+$0x0] =	vst.idx.msk vm1, v7  }
0x2d7: {  	v6 =	vld [tilespmem:$0x550]  }
0x2d8: {  	v7 =	vld [tilespmem:$0x50];
	_ =	sdelay $0x4  }
0x2d9: {  	v8 =	vperm.xlane v6, v0;
	v56 =	vperm.xlane v7, v0;
	_ =	sdelay $0x1  }
0x2da: {  	vm2 =	veq.s32 v6, v8;
	v8 =	vperm.xlane v6, v5;
	v9 =	vmax.f32 v7, v56  }
0x2db: {  	v7 =	vsel vm2, v9, v7  }
0x2dc: {  	v57 =	vperm.xlane v6, v2;
	vm1 =	vne.s32 v6, v8;
	v8 =	vperm.xlane v7, v2  }
0x2dd: {  	vm1 =	vmor vm1, vm0  }
0x2de: {  	vm3 =	veq.s32 v6, v57;
	v8 =	vmax.f32 v7, v8  }
0x2df: {  	v7 =	vsel vm3, v8, v7  }
0x2e0: {  	v8 =	vperm.xlane v6, v4;
	v58 =	vperm.xlane v7, v4;
	_ =	sdelay $0x1  }
0x2e1: {  	vm10 =	veq.s32 v6, v8;
	v8 =	vmax.f32 v7, v58  }
0x2e2: {  	v7 =	vsel vm10, v8, v7;
	v8 =	vld.idx.msk [tilespmem:v6+s21+$0x0], vm1  }
0x2e3: {  	v59 =	vperm.xlane v6, v1;
	v60 =	vperm.xlane v7, v1;
	_ =	sdelay $0x1  }
0x2e4: {  	vm11 =	veq.s32 v6, v59;
	v61 =	vmax.f32 v7, v60  }
0x2e5: {  	v7 =	vsel vm11, v61, v7  }
0x2e6: {  	v7 =	vmax.f32 v7, v8  }
0x2e7: {  	[tilespmem:v6+s21+$0x0] =	vst.idx.msk vm1, v7  }
0x2e8: {  	v7 =	vld [tilespmem:$0x190];
	_ =	sdelay $0x4  }
0x2e9: {  	v8 =	vperm.xlane v7, v0;
	_ =	sdelay $0x1  }
0x2ea: {  	v8 =	vmax.f32 v7, v8  }
0x2eb: {  	v7 =	vsel vm2, v8, v7  }
0x2ec: {  	v8 =	vperm.xlane v7, v2;
	_ =	sdelay $0x1  }
0x2ed: {  	v62 =	vadd.s32 $0x88, v6;
	v8 =	vmax.f32 v7, v8  }
0x2ee: {  	v7 =	vsel vm3, v8, v7  }
0x2ef: {  	v8 =	vperm.xlane v7, v4;
	_ =	sdelay $0x1  }
0x2f0: {  	v8 =	vmax.f32 v7, v8  }
0x2f1: {  	v7 =	vsel vm10, v8, v7;
	v8 =	vld.idx.msk [tilespmem:v62+s21+$0x0], vm1  }
0x2f2: {  	v63 =	vperm.xlane v7, v1;
	_ =	sdelay $0x1  }
0x2f3: {  	v10 =	vmax.f32 v7, v63  }
0x2f4: {  	v7 =	vsel vm11, v10, v7  }
0x2f5: {  	v7 =	vmax.f32 v7, v8  }
0x2f6: {  	[tilespmem:v62+s21+$0x0] =	vst.idx.msk vm1, v7  }
0x2f7: {  	v7 =	vld [tilespmem:$0x2D0];
	_ =	sdelay $0x4  }
0x2f8: {  	v8 =	vperm.xlane v7, v0;
	_ =	sdelay $0x1  }
0x2f9: {  	v8 =	vmax.f32 v7, v8  }
0x2fa: {  	v7 =	vsel vm2, v8, v7  }
0x2fb: {  	v8 =	vperm.xlane v7, v2;
	_ =	sdelay $0x1  }
0x2fc: {  	v12 =	vadd.s32 $0x110, v6;
	v8 =	vmax.f32 v7, v8  }
0x2fd: {  	v7 =	vsel vm3, v8, v7  }
0x2fe: {  	v8 =	vperm.xlane v7, v4;
	_ =	sdelay $0x1  }
0x2ff: {  	v8 =	vmax.f32 v7, v8  }
0x300: {  	v7 =	vsel vm10, v8, v7;
	v8 =	vld.idx.msk [tilespmem:v12+s21+$0x0], vm1  }
0x301: {  	v13 =	vperm.xlane v7, v1;
	_ =	sdelay $0x1  }
0x302: {  	v10 =	vmax.f32 v7, v13  }
0x303: {  	v7 =	vsel vm11, v10, v7  }
0x304: {  	v7 =	vmax.f32 v7, v8  }
0x305: {  	[tilespmem:v12+s21+$0x0] =	vst.idx.msk vm1, v7  }
0x306: {  	v7 =	vld [tilespmem:$0x410];
	_ =	sdelay $0x4  }
0x307: {  	v8 =	vperm.xlane v7, v0;
	_ =	sdelay $0x1  }
0x308: {  	v8 =	vmax.f32 v7, v8  }
0x309: {  	v7 =	vsel vm2, v8, v7  }
0x30a: {  	v8 =	vperm.xlane v7, v2;
	_ =	sdelay $0x1  }
0x30b: {  	v6 =	vadd.s32 $0x198, v6;
	v8 =	vmax.f32 v7, v8  }
0x30c: {  	v7 =	vsel vm3, v8, v7  }
0x30d: {  	v8 =	vperm.xlane v7, v4;
	_ =	sdelay $0x1  }
0x30e: {  	v8 =	vmax.f32 v7, v8  }
0x30f: {  	v7 =	vsel vm10, v8, v7;
	v8 =	vld.idx.msk [tilespmem:v6+s21+$0x0], vm1  }
0x310: {  	v14 =	vperm.xlane v7, v1;
	_ =	sdelay $0x1  }
0x311: {  	v9 =	vmax.f32 v7, v14  }
0x312: {  	v7 =	vsel vm11, v9, v7  }
0x313: {  	v7 =	vmax.f32 v7, v8  }
0x314: {  	[tilespmem:v6+s21+$0x0] =	vst.idx.msk vm1, v7  }
0x315: {  	v6 =	vld [tilespmem:$0x560]  }
0x316: {  	v7 =	vld [tilespmem:$0x60];
	_ =	sdelay $0x4  }
0x317: {  	v8 =	vperm.xlane v6, v0;
	v15 =	vperm.xlane v7, v0;
	_ =	sdelay $0x1  }
0x318: {  	vm2 =	veq.s32 v6, v8;
	v8 =	vperm.xlane v6, v5;
	v9 =	vmax.f32 v7, v15  }
0x319: {  	v7 =	vsel vm2, v9, v7  }
0x31a: {  	v16 =	vperm.xlane v6, v2;
	vm1 =	vne.s32 v6, v8;
	v8 =	vperm.xlane v7, v2  }
0x31b: {  	vm1 =	vmor vm1, vm0  }
0x31c: {  	vm3 =	veq.s32 v6, v16;
	v8 =	vmax.f32 v7, v8  }
0x31d: {  	v7 =	vsel vm3, v8, v7  }
0x31e: {  	v8 =	vperm.xlane v6, v4;
	v17 =	vperm.xlane v7, v4;
	_ =	sdelay $0x1  }
0x31f: {  	vm12 =	veq.s32 v6, v8;
	v8 =	vmax.f32 v7, v17  }
0x320: {  	v7 =	vsel vm12, v8, v7;
	v8 =	vld.idx.msk [tilespmem:v6+s21+$0x0], vm1  }
0x321: {  	v18 =	vperm.xlane v6, v1;
	v19 =	vperm.xlane v7, v1;
	_ =	sdelay $0x1  }
0x322: {  	vm13 =	veq.s32 v6, v18;
	v20 =	vmax.f32 v7, v19  }
0x323: {  	v7 =	vsel vm13, v20, v7  }
0x324: {  	v7 =	vmax.f32 v7, v8  }
0x325: {  	[tilespmem:v6+s21+$0x0] =	vst.idx.msk vm1, v7  }
0x326: {  	v7 =	vld [tilespmem:$0x1A0];
	_ =	sdelay $0x4  }
0x327: {  	v8 =	vperm.xlane v7, v0;
	_ =	sdelay $0x1  }
0x328: {  	v8 =	vmax.f32 v7, v8  }
0x329: {  	v7 =	vsel vm2, v8, v7  }
0x32a: {  	v8 =	vperm.xlane v7, v2;
	_ =	sdelay $0x1  }
0x32b: {  	v21 =	vadd.s32 $0x88, v6;
	v8 =	vmax.f32 v7, v8  }
0x32c: {  	v7 =	vsel vm3, v8, v7  }
0x32d: {  	v8 =	vperm.xlane v7, v4;
	_ =	sdelay $0x1  }
0x32e: {  	v8 =	vmax.f32 v7, v8  }
0x32f: {  	v7 =	vsel vm12, v8, v7;
	v8 =	vld.idx.msk [tilespmem:v21+s21+$0x0], vm1  }
0x330: {  	v22 =	vperm.xlane v7, v1;
	_ =	sdelay $0x1  }
0x331: {  	v10 =	vmax.f32 v7, v22  }
0x332: {  	v7 =	vsel vm13, v10, v7  }
0x333: {  	v7 =	vmax.f32 v7, v8  }
0x334: {  	[tilespmem:v21+s21+$0x0] =	vst.idx.msk vm1, v7  }
0x335: {  	v7 =	vld [tilespmem:$0x2E0];
	_ =	sdelay $0x4  }
0x336: {  	v8 =	vperm.xlane v7, v0;
	_ =	sdelay $0x1  }
0x337: {  	v8 =	vmax.f32 v7, v8  }
0x338: {  	v7 =	vsel vm2, v8, v7  }
0x339: {  	v8 =	vperm.xlane v7, v2;
	_ =	sdelay $0x1  }
0x33a: {  	v23 =	vadd.s32 $0x110, v6;
	v8 =	vmax.f32 v7, v8  }
0x33b: {  	v7 =	vsel vm3, v8, v7  }
0x33c: {  	v8 =	vperm.xlane v7, v4;
	_ =	sdelay $0x1  }
0x33d: {  	v8 =	vmax.f32 v7, v8  }
0x33e: {  	v7 =	vsel vm12, v8, v7;
	v8 =	vld.idx.msk [tilespmem:v23+s21+$0x0], vm1  }
0x33f: {  	v24 =	vperm.xlane v7, v1;
	_ =	sdelay $0x1  }
0x340: {  	v10 =	vmax.f32 v7, v24  }
0x341: {  	v7 =	vsel vm13, v10, v7  }
0x342: {  	v7 =	vmax.f32 v7, v8  }
0x343: {  	[tilespmem:v23+s21+$0x0] =	vst.idx.msk vm1, v7  }
0x344: {  	v7 =	vld [tilespmem:$0x420];
	_ =	sdelay $0x4  }
0x345: {  	v8 =	vperm.xlane v7, v0;
	_ =	sdelay $0x1  }
0x346: {  	v8 =	vmax.f32 v7, v8  }
0x347: {  	v7 =	vsel vm2, v8, v7  }
0x348: {  	v8 =	vperm.xlane v7, v2;
	_ =	sdelay $0x1  }
0x349: {  	v6 =	vadd.s32 $0x198, v6;
	v8 =	vmax.f32 v7, v8  }
0x34a: {  	v7 =	vsel vm3, v8, v7  }
0x34b: {  	v8 =	vperm.xlane v7, v4;
	_ =	sdelay $0x1  }
0x34c: {  	v8 =	vmax.f32 v7, v8  }
0x34d: {  	v7 =	vsel vm12, v8, v7;
	v8 =	vld.idx.msk [tilespmem:v6+s21+$0x0], vm1  }
0x34e: {  	v25 =	vperm.xlane v7, v1;
	_ =	sdelay $0x1  }
0x34f: {  	v9 =	vmax.f32 v7, v25  }
0x350: {  	v7 =	vsel vm13, v9, v7  }
0x351: {  	v7 =	vmax.f32 v7, v8  }
0x352: {  	[tilespmem:v6+s21+$0x0] =	vst.idx.msk vm1, v7  }
0x353: {  	v6 =	vld [tilespmem:$0x570]  }
0x354: {  	v7 =	vld [tilespmem:$0x70];
	_ =	sdelay $0x4  }
0x355: {  	v8 =	vperm.xlane v6, v0;
	v26 =	vperm.xlane v7, v0;
	_ =	sdelay $0x1  }
0x356: {  	vm2 =	veq.s32 v6, v8;
	v8 =	vperm.xlane v6, v5;
	v9 =	vmax.f32 v7, v26  }
0x357: {  	v7 =	vsel vm2, v9, v7  }
0x358: {  	v27 =	vperm.xlane v6, v2;
	vm1 =	vne.s32 v6, v8;
	v8 =	vperm.xlane v7, v2  }
0x359: {  	vm1 =	vmor vm1, vm0  }
0x35a: {  	vm3 =	veq.s32 v6, v27;
	v8 =	vmax.f32 v7, v8  }
0x35b: {  	v7 =	vsel vm3, v8, v7  }
0x35c: {  	v8 =	vperm.xlane v6, v4;
	v28 =	vperm.xlane v7, v4;
	_ =	sdelay $0x1  }
0x35d: {  	vm14 =	veq.s32 v6, v8;
	v8 =	vmax.f32 v7, v28  }
0x35e: {  	v7 =	vsel vm14, v8, v7;
	v8 =	vld.idx.msk [tilespmem:v6+s21+$0x0], vm1  }
0x35f: {  	v29 =	vperm.xlane v6, v1;
	v30 =	vperm.xlane v7, v1;
	_ =	sdelay $0x1  }
0x360: {  	vm15 =	veq.s32 v6, v29;
	v31 =	vmax.f32 v7, v30  }
0x361: {  	v7 =	vsel vm15, v31, v7  }
0x362: {  	v7 =	vmax.f32 v7, v8  }
0x363: {  	[tilespmem:v6+s21+$0x0] =	vst.idx.msk vm1, v7  }
0x364: {  	v7 =	vld [tilespmem:$0x1B0];
	_ =	sdelay $0x4  }
0x365: {  	v8 =	vperm.xlane v7, v0;
	_ =	sdelay $0x1  }
0x366: {  	v8 =	vmax.f32 v7, v8  }
0x367: {  	v7 =	vsel vm2, v8, v7  }
0x368: {  	v8 =	vperm.xlane v7, v2;
	_ =	sdelay $0x1  }
0x369: {  	v32 =	vadd.s32 $0x88, v6;
	v8 =	vmax.f32 v7, v8  }
0x36a: {  	v7 =	vsel vm3, v8, v7  }
0x36b: {  	v8 =	vperm.xlane v7, v4;
	_ =	sdelay $0x1  }
0x36c: {  	v8 =	vmax.f32 v7, v8  }
0x36d: {  	v7 =	vsel vm14, v8, v7;
	v8 =	vld.idx.msk [tilespmem:v32+s21+$0x0], vm1  }
0x36e: {  	v33 =	vperm.xlane v7, v1;
	_ =	sdelay $0x1  }
0x36f: {  	v10 =	vmax.f32 v7, v33  }
0x370: {  	v7 =	vsel vm15, v10, v7  }
0x371: {  	v7 =	vmax.f32 v7, v8  }
0x372: {  	[tilespmem:v32+s21+$0x0] =	vst.idx.msk vm1, v7  }
0x373: {  	v7 =	vld [tilespmem:$0x2F0];
	_ =	sdelay $0x4  }
0x374: {  	v8 =	vperm.xlane v7, v0;
	_ =	sdelay $0x1  }
0x375: {  	v8 =	vmax.f32 v7, v8  }
0x376: {  	v7 =	vsel vm2, v8, v7  }
0x377: {  	v8 =	vperm.xlane v7, v2;
	_ =	sdelay $0x1  }
0x378: {  	v34 =	vadd.s32 $0x110, v6;
	v8 =	vmax.f32 v7, v8  }
0x379: {  	v7 =	vsel vm3, v8, v7  }
0x37a: {  	v8 =	vperm.xlane v7, v4;
	_ =	sdelay $0x1  }
0x37b: {  	v8 =	vmax.f32 v7, v8  }
0x37c: {  	v7 =	vsel vm14, v8, v7;
	v8 =	vld.idx.msk [tilespmem:v34+s21+$0x0], vm1  }
0x37d: {  	v35 =	vperm.xlane v7, v1;
	_ =	sdelay $0x1  }
0x37e: {  	v10 =	vmax.f32 v7, v35  }
0x37f: {  	v7 =	vsel vm15, v10, v7  }
0x380: {  	v7 =	vmax.f32 v7, v8  }
0x381: {  	[tilespmem:v34+s21+$0x0] =	vst.idx.msk vm1, v7  }
0x382: {  	v7 =	vld [tilespmem:$0x430];
	_ =	sdelay $0x4  }
0x383: {  	v8 =	vperm.xlane v7, v0;
	_ =	sdelay $0x1  }
0x384: {  	v8 =	vmax.f32 v7, v8  }
0x385: {  	v7 =	vsel vm2, v8, v7  }
0x386: {  	v8 =	vperm.xlane v7, v2;
	_ =	sdelay $0x1  }
0x387: {  	v6 =	vadd.s32 $0x198, v6;
	v8 =	vmax.f32 v7, v8  }
0x388: {  	v7 =	vsel vm3, v8, v7  }
0x389: {  	v8 =	vperm.xlane v7, v4;
	_ =	sdelay $0x1  }
0x38a: {  	v8 =	vmax.f32 v7, v8  }
0x38b: {  	v7 =	vsel vm14, v8, v7;
	v8 =	vld.idx.msk [tilespmem:v6+s21+$0x0], vm1  }
0x38c: {  	v36 =	vperm.xlane v7, v1;
	_ =	sdelay $0x1  }
0x38d: {  	v9 =	vmax.f32 v7, v36  }
0x38e: {  	v7 =	vsel vm15, v9, v7  }
0x38f: {  	v7 =	vmax.f32 v7, v8  }
0x390: {  	[tilespmem:v6+s21+$0x0] =	vst.idx.msk vm1, v7  }
0x391: {  	v6 =	vld [tilespmem:$0x580]  }
0x392: {  	v7 =	vld [tilespmem:$0x80];
	_ =	sdelay $0x4  }
0x393: {  	v8 =	vperm.xlane v6, v0;
	v37 =	vperm.xlane v7, v0;
	_ =	sdelay $0x1  }
0x394: {  	vm2 =	veq.s32 v6, v8;
	v8 =	vperm.xlane v6, v5;
	v9 =	vmax.f32 v7, v37  }
0x395: {  	v7 =	vsel vm2, v9, v7  }
0x396: {  	v38 =	vperm.xlane v6, v2;
	vm1 =	vne.s32 v6, v8;
	v8 =	vperm.xlane v7, v2  }
0x397: {  	vm1 =	vmor vm1, vm0  }
0x398: {  	vm3 =	veq.s32 v6, v38;
	v8 =	vmax.f32 v7, v8  }
0x399: {  	v7 =	vsel vm3, v8, v7  }
0x39a: {  	v8 =	vperm.xlane v6, v4;
	v39 =	vperm.xlane v7, v4;
	_ =	sdelay $0x1  }
0x39b: {  	vm8 =	veq.s32 v6, v8;
	v8 =	vmax.f32 v7, v39  }
0x39c: {  	v7 =	vsel vm8, v8, v7;
	v8 =	vld.idx.msk [tilespmem:v6+s21+$0x0], vm1  }
0x39d: {  	v40 =	vperm.xlane v6, v1;
	v41 =	vperm.xlane v7, v1;
	_ =	sdelay $0x1  }
0x39e: {  	vm9 =	veq.s32 v6, v40;
	v42 =	vmax.f32 v7, v41  }
0x39f: {  	v7 =	vsel vm9, v42, v7  }
0x3a0: {  	v7 =	vmax.f32 v7, v8  }
0x3a1: {  	[tilespmem:v6+s21+$0x0] =	vst.idx.msk vm1, v7  }
0x3a2: {  	v7 =	vld [tilespmem:$0x1C0];
	_ =	sdelay $0x4  }
0x3a3: {  	v8 =	vperm.xlane v7, v0;
	_ =	sdelay $0x1  }
0x3a4: {  	v8 =	vmax.f32 v7, v8  }
0x3a5: {  	v7 =	vsel vm2, v8, v7  }
0x3a6: {  	v8 =	vperm.xlane v7, v2;
	_ =	sdelay $0x1  }
0x3a7: {  	v43 =	vadd.s32 $0x88, v6;
	v8 =	vmax.f32 v7, v8  }
0x3a8: {  	v7 =	vsel vm3, v8, v7  }
0x3a9: {  	v8 =	vperm.xlane v7, v4;
	_ =	sdelay $0x1  }
0x3aa: {  	v8 =	vmax.f32 v7, v8  }
0x3ab: {  	v7 =	vsel vm8, v8, v7;
	v8 =	vld.idx.msk [tilespmem:v43+s21+$0x0], vm1  }
0x3ac: {  	v44 =	vperm.xlane v7, v1;
	_ =	sdelay $0x1  }
0x3ad: {  	v10 =	vmax.f32 v7, v44  }
0x3ae: {  	v7 =	vsel vm9, v10, v7  }
0x3af: {  	v7 =	vmax.f32 v7, v8  }
0x3b0: {  	[tilespmem:v43+s21+$0x0] =	vst.idx.msk vm1, v7  }
0x3b1: {  	v7 =	vld [tilespmem:$0x300];
	_ =	sdelay $0x4  }
0x3b2: {  	v8 =	vperm.xlane v7, v0;
	_ =	sdelay $0x1  }
0x3b3: {  	v8 =	vmax.f32 v7, v8  }
0x3b4: {  	v7 =	vsel vm2, v8, v7  }
0x3b5: {  	v8 =	vperm.xlane v7, v2;
	_ =	sdelay $0x1  }
0x3b6: {  	v45 =	vadd.s32 $0x110, v6;
	v8 =	vmax.f32 v7, v8  }
0x3b7: {  	v7 =	vsel vm3, v8, v7  }
0x3b8: {  	v8 =	vperm.xlane v7, v4;
	_ =	sdelay $0x1  }
0x3b9: {  	v8 =	vmax.f32 v7, v8  }
0x3ba: {  	v7 =	vsel vm8, v8, v7;
	v8 =	vld.idx.msk [tilespmem:v45+s21+$0x0], vm1  }
0x3bb: {  	v46 =	vperm.xlane v7, v1;
	_ =	sdelay $0x1  }
0x3bc: {  	v10 =	vmax.f32 v7, v46  }
0x3bd: {  	v7 =	vsel vm9, v10, v7  }
0x3be: {  	v7 =	vmax.f32 v7, v8  }
0x3bf: {  	[tilespmem:v45+s21+$0x0] =	vst.idx.msk vm1, v7  }
0x3c0: {  	v7 =	vld [tilespmem:$0x440];
	_ =	sdelay $0x4  }
0x3c1: {  	v8 =	vperm.xlane v7, v0;
	_ =	sdelay $0x1  }
0x3c2: {  	v8 =	vmax.f32 v7, v8  }
0x3c3: {  	v7 =	vsel vm2, v8, v7  }
0x3c4: {  	v8 =	vperm.xlane v7, v2;
	_ =	sdelay $0x1  }
0x3c5: {  	v6 =	vadd.s32 $0x198, v6;
	v8 =	vmax.f32 v7, v8  }
0x3c6: {  	v7 =	vsel vm3, v8, v7  }
0x3c7: {  	v8 =	vperm.xlane v7, v4;
	_ =	sdelay $0x1  }
0x3c8: {  	v8 =	vmax.f32 v7, v8  }
0x3c9: {  	v7 =	vsel vm8, v8, v7;
	v8 =	vld.idx.msk [tilespmem:v6+s21+$0x0], vm1  }
0x3ca: {  	v47 =	vperm.xlane v7, v1;
	_ =	sdelay $0x1  }
0x3cb: {  	v9 =	vmax.f32 v7, v47  }
0x3cc: {  	v7 =	vsel vm9, v9, v7  }
0x3cd: {  	v7 =	vmax.f32 v7, v8  }
0x3ce: {  	[tilespmem:v6+s21+$0x0] =	vst.idx.msk vm1, v7  }
0x3cf: {  	v6 =	vld [tilespmem:$0x590]  }
0x3d0: {  	v7 =	vld [tilespmem:$0x90];
	_ =	sdelay $0x4  }
0x3d1: {  	v8 =	vperm.xlane v6, v0;
	v48 =	vperm.xlane v7, v0;
	_ =	sdelay $0x1  }
0x3d2: {  	vm2 =	veq.s32 v6, v8;
	v8 =	vperm.xlane v6, v5;
	v9 =	vmax.f32 v7, v48  }
0x3d3: {  	v7 =	vsel vm2, v9, v7  }
0x3d4: {  	v49 =	vperm.xlane v6, v2;
	vm1 =	vne.s32 v6, v8;
	v8 =	vperm.xlane v7, v2  }
0x3d5: {  	vm1 =	vmor vm1, vm0  }
0x3d6: {  	vm3 =	veq.s32 v6, v49;
	v8 =	vmax.f32 v7, v8  }
0x3d7: {  	v7 =	vsel vm3, v8, v7  }
0x3d8: {  	v8 =	vperm.xlane v6, v4;
	v50 =	vperm.xlane v7, v4;
	_ =	sdelay $0x1  }
0x3d9: {  	vm10 =	veq.s32 v6, v8;
	v8 =	vmax.f32 v7, v50  }
0x3da: {  	v7 =	vsel vm10, v8, v7;
	v8 =	vld.idx.msk [tilespmem:v6+s21+$0x0], vm1  }
0x3db: {  	v51 =	vperm.xlane v6, v1;
	v52 =	vperm.xlane v7, v1;
	_ =	sdelay $0x1  }
0x3dc: {  	vm11 =	veq.s32 v6, v51;
	v53 =	vmax.f32 v7, v52  }
0x3dd: {  	v7 =	vsel vm11, v53, v7  }
0x3de: {  	v7 =	vmax.f32 v7, v8  }
0x3df: {  	[tilespmem:v6+s21+$0x0] =	vst.idx.msk vm1, v7  }
0x3e0: {  	v7 =	vld [tilespmem:$0x1D0];
	_ =	sdelay $0x4  }
0x3e1: {  	v8 =	vperm.xlane v7, v0;
	_ =	sdelay $0x1  }
0x3e2: {  	v8 =	vmax.f32 v7, v8  }
0x3e3: {  	v7 =	vsel vm2, v8, v7  }
0x3e4: {  	v8 =	vperm.xlane v7, v2;
	_ =	sdelay $0x1  }
0x3e5: {  	v54 =	vadd.s32 $0x88, v6;
	v8 =	vmax.f32 v7, v8  }
0x3e6: {  	v7 =	vsel vm3, v8, v7  }
0x3e7: {  	v8 =	vperm.xlane v7, v4;
	_ =	sdelay $0x1  }
0x3e8: {  	v8 =	vmax.f32 v7, v8  }
0x3e9: {  	v7 =	vsel vm10, v8, v7;
	v8 =	vld.idx.msk [tilespmem:v54+s21+$0x0], vm1  }
0x3ea: {  	v55 =	vperm.xlane v7, v1;
	_ =	sdelay $0x1  }
0x3eb: {  	v10 =	vmax.f32 v7, v55  }
0x3ec: {  	v7 =	vsel vm11, v10, v7  }
0x3ed: {  	v7 =	vmax.f32 v7, v8  }
0x3ee: {  	[tilespmem:v54+s21+$0x0] =	vst.idx.msk vm1, v7  }
0x3ef: {  	v7 =	vld [tilespmem:$0x310];
	_ =	sdelay $0x4  }
0x3f0: {  	v8 =	vperm.xlane v7, v0;
	_ =	sdelay $0x1  }
0x3f1: {  	v8 =	vmax.f32 v7, v8  }
0x3f2: {  	v7 =	vsel vm2, v8, v7  }
0x3f3: {  	v8 =	vperm.xlane v7, v2;
	_ =	sdelay $0x1  }
0x3f4: {  	v56 =	vadd.s32 $0x110, v6;
	v8 =	vmax.f32 v7, v8  }
0x3f5: {  	v7 =	vsel vm3, v8, v7  }
0x3f6: {  	v8 =	vperm.xlane v7, v4;
	_ =	sdelay $0x1  }
0x3f7: {  	v8 =	vmax.f32 v7, v8  }
0x3f8: {  	v7 =	vsel vm10, v8, v7;
	v8 =	vld.idx.msk [tilespmem:v56+s21+$0x0], vm1  }
0x3f9: {  	v57 =	vperm.xlane v7, v1;
	_ =	sdelay $0x1  }
0x3fa: {  	v10 =	vmax.f32 v7, v57  }
0x3fb: {  	v7 =	vsel vm11, v10, v7  }
0x3fc: {  	v7 =	vmax.f32 v7, v8  }
0x3fd: {  	[tilespmem:v56+s21+$0x0] =	vst.idx.msk vm1, v7  }
0x3fe: {  	v7 =	vld [tilespmem:$0x450];
	_ =	sdelay $0x4  }
0x3ff: {  	v8 =	vperm.xlane v7, v0;
	_ =	sdelay $0x1  }
0x400: {  	v8 =	vmax.f32 v7, v8  }
0x401: {  	v7 =	vsel vm2, v8, v7  }
0x402: {  	v8 =	vperm.xlane v7, v2;
	_ =	sdelay $0x1  }
0x403: {  	v6 =	vadd.s32 $0x198, v6;
	v8 =	vmax.f32 v7, v8  }
0x404: {  	v7 =	vsel vm3, v8, v7  }
0x405: {  	v8 =	vperm.xlane v7, v4;
	_ =	sdelay $0x1  }
0x406: {  	v8 =	vmax.f32 v7, v8  }
0x407: {  	v7 =	vsel vm10, v8, v7;
	v8 =	vld.idx.msk [tilespmem:v6+s21+$0x0], vm1  }
0x408: {  	v58 =	vperm.xlane v7, v1;
	_ =	sdelay $0x1  }
0x409: {  	v9 =	vmax.f32 v7, v58  }
0x40a: {  	v7 =	vsel vm11, v9, v7  }
0x40b: {  	v7 =	vmax.f32 v7, v8  }
0x40c: {  	[tilespmem:v6+s21+$0x0] =	vst.idx.msk vm1, v7  }
0x40d: {  	v6 =	vld [tilespmem:$0x5A0]  }
0x40e: {  	v7 =	vld [tilespmem:$0xA0];
	_ =	sdelay $0x4  }
0x40f: {  	v8 =	vperm.xlane v6, v0;
	v59 =	vperm.xlane v7, v0;
	_ =	sdelay $0x1  }
0x410: {  	vm2 =	veq.s32 v6, v8;
	v8 =	vperm.xlane v6, v5;
	v9 =	vmax.f32 v7, v59  }
0x411: {  	v7 =	vsel vm2, v9, v7  }
0x412: {  	v60 =	vperm.xlane v6, v2;
	vm1 =	vne.s32 v6, v8;
	v8 =	vperm.xlane v7, v2  }
0x413: {  	vm1 =	vmor vm1, vm0  }
0x414: {  	vm3 =	veq.s32 v6, v60;
	v8 =	vmax.f32 v7, v8  }
0x415: {  	v7 =	vsel vm3, v8, v7  }
0x416: {  	v8 =	vperm.xlane v6, v4;
	v61 =	vperm.xlane v7, v4;
	_ =	sdelay $0x1  }
0x417: {  	vm12 =	veq.s32 v6, v8;
	v8 =	vmax.f32 v7, v61  }
0x418: {  	v7 =	vsel vm12, v8, v7;
	v8 =	vld.idx.msk [tilespmem:v6+s21+$0x0], vm1  }
0x419: {  	v62 =	vperm.xlane v6, v1;
	v63 =	vperm.xlane v7, v1;
	_ =	sdelay $0x1  }
0x41a: {  	vm13 =	veq.s32 v6, v62;
	v12 =	vmax.f32 v7, v63  }
0x41b: {  	v7 =	vsel vm13, v12, v7  }
0x41c: {  	v7 =	vmax.f32 v7, v8  }
0x41d: {  	[tilespmem:v6+s21+$0x0] =	vst.idx.msk vm1, v7  }
0x41e: {  	v7 =	vld [tilespmem:$0x1E0];
	_ =	sdelay $0x4  }
0x41f: {  	v8 =	vperm.xlane v7, v0;
	_ =	sdelay $0x1  }
0x420: {  	v8 =	vmax.f32 v7, v8  }
0x421: {  	v7 =	vsel vm2, v8, v7  }
0x422: {  	v8 =	vperm.xlane v7, v2;
	_ =	sdelay $0x1  }
0x423: {  	v13 =	vadd.s32 $0x88, v6;
	v8 =	vmax.f32 v7, v8  }
0x424: {  	v7 =	vsel vm3, v8, v7  }
0x425: {  	v8 =	vperm.xlane v7, v4;
	_ =	sdelay $0x1  }
0x426: {  	v8 =	vmax.f32 v7, v8  }
0x427: {  	v7 =	vsel vm12, v8, v7;
	v8 =	vld.idx.msk [tilespmem:v13+s21+$0x0], vm1  }
0x428: {  	v14 =	vperm.xlane v7, v1;
	_ =	sdelay $0x1  }
0x429: {  	v10 =	vmax.f32 v7, v14  }
0x42a: {  	v7 =	vsel vm13, v10, v7  }
0x42b: {  	v7 =	vmax.f32 v7, v8  }
0x42c: {  	[tilespmem:v13+s21+$0x0] =	vst.idx.msk vm1, v7  }
0x42d: {  	v7 =	vld [tilespmem:$0x320];
	_ =	sdelay $0x4  }
0x42e: {  	v8 =	vperm.xlane v7, v0;
	_ =	sdelay $0x1  }
0x42f: {  	v8 =	vmax.f32 v7, v8  }
0x430: {  	v7 =	vsel vm2, v8, v7  }
0x431: {  	v8 =	vperm.xlane v7, v2;
	_ =	sdelay $0x1  }
0x432: {  	v15 =	vadd.s32 $0x110, v6;
	v8 =	vmax.f32 v7, v8  }
0x433: {  	v7 =	vsel vm3, v8, v7  }
0x434: {  	v8 =	vperm.xlane v7, v4;
	_ =	sdelay $0x1  }
0x435: {  	v8 =	vmax.f32 v7, v8  }
0x436: {  	v7 =	vsel vm12, v8, v7;
	v8 =	vld.idx.msk [tilespmem:v15+s21+$0x0], vm1  }
0x437: {  	v16 =	vperm.xlane v7, v1;
	_ =	sdelay $0x1  }
0x438: {  	v10 =	vmax.f32 v7, v16  }
0x439: {  	v7 =	vsel vm13, v10, v7  }
0x43a: {  	v7 =	vmax.f32 v7, v8  }
0x43b: {  	[tilespmem:v15+s21+$0x0] =	vst.idx.msk vm1, v7  }
0x43c: {  	v7 =	vld [tilespmem:$0x460];
	_ =	sdelay $0x4  }
0x43d: {  	v8 =	vperm.xlane v7, v0;
	_ =	sdelay $0x1  }
0x43e: {  	v8 =	vmax.f32 v7, v8  }
0x43f: {  	v7 =	vsel vm2, v8, v7  }
0x440: {  	v8 =	vperm.xlane v7, v2;
	_ =	sdelay $0x1  }
0x441: {  	v6 =	vadd.s32 $0x198, v6;
	v8 =	vmax.f32 v7, v8  }
0x442: {  	v7 =	vsel vm3, v8, v7  }
0x443: {  	v8 =	vperm.xlane v7, v4;
	_ =	sdelay $0x1  }
0x444: {  	v8 =	vmax.f32 v7, v8  }
0x445: {  	v7 =	vsel vm12, v8, v7;
	v8 =	vld.idx.msk [tilespmem:v6+s21+$0x0], vm1  }
0x446: {  	v17 =	vperm.xlane v7, v1;
	_ =	sdelay $0x1  }
0x447: {  	v9 =	vmax.f32 v7, v17  }
0x448: {  	v7 =	vsel vm13, v9, v7  }
0x449: {  	v7 =	vmax.f32 v7, v8  }
0x44a: {  	[tilespmem:v6+s21+$0x0] =	vst.idx.msk vm1, v7  }
0x44b: {  	v6 =	vld [tilespmem:$0x5B0]  }
0x44c: {  	v7 =	vld [tilespmem:$0xB0];
	_ =	sdelay $0x4  }
0x44d: {  	v8 =	vperm.xlane v6, v0;
	v18 =	vperm.xlane v7, v0;
	_ =	sdelay $0x1  }
0x44e: {  	vm2 =	veq.s32 v6, v8;
	v8 =	vperm.xlane v6, v5;
	v9 =	vmax.f32 v7, v18  }
0x44f: {  	v7 =	vsel vm2, v9, v7  }
0x450: {  	v19 =	vperm.xlane v6, v2;
	vm1 =	vne.s32 v6, v8;
	v8 =	vperm.xlane v7, v2  }
0x451: {  	vm1 =	vmor vm1, vm0  }
0x452: {  	vm3 =	veq.s32 v6, v19;
	v8 =	vmax.f32 v7, v8  }
0x453: {  	v7 =	vsel vm3, v8, v7  }
0x454: {  	v8 =	vperm.xlane v6, v4;
	v20 =	vperm.xlane v7, v4;
	_ =	sdelay $0x1  }
0x455: {  	vm14 =	veq.s32 v6, v8;
	v8 =	vmax.f32 v7, v20  }
0x456: {  	v7 =	vsel vm14, v8, v7;
	v8 =	vld.idx.msk [tilespmem:v6+s21+$0x0], vm1  }
0x457: {  	v21 =	vperm.xlane v6, v1;
	v22 =	vperm.xlane v7, v1;
	_ =	sdelay $0x1  }
0x458: {  	vm15 =	veq.s32 v6, v21;
	v23 =	vmax.f32 v7, v22  }
0x459: {  	v7 =	vsel vm15, v23, v7  }
0x45a: {  	v7 =	vmax.f32 v7, v8  }
0x45b: {  	[tilespmem:v6+s21+$0x0] =	vst.idx.msk vm1, v7  }
0x45c: {  	v7 =	vld [tilespmem:$0x1F0];
	_ =	sdelay $0x4  }
0x45d: {  	v8 =	vperm.xlane v7, v0;
	_ =	sdelay $0x1  }
0x45e: {  	v8 =	vmax.f32 v7, v8  }
0x45f: {  	v7 =	vsel vm2, v8, v7  }
0x460: {  	v8 =	vperm.xlane v7, v2;
	_ =	sdelay $0x1  }
0x461: {  	v24 =	vadd.s32 $0x88, v6;
	v8 =	vmax.f32 v7, v8  }
0x462: {  	v7 =	vsel vm3, v8, v7  }
0x463: {  	v8 =	vperm.xlane v7, v4;
	_ =	sdelay $0x1  }
0x464: {  	v8 =	vmax.f32 v7, v8  }
0x465: {  	v7 =	vsel vm14, v8, v7;
	v8 =	vld.idx.msk [tilespmem:v24+s21+$0x0], vm1  }
0x466: {  	v25 =	vperm.xlane v7, v1;
	_ =	sdelay $0x1  }
0x467: {  	v10 =	vmax.f32 v7, v25  }
0x468: {  	v7 =	vsel vm15, v10, v7  }
0x469: {  	v7 =	vmax.f32 v7, v8  }
0x46a: {  	[tilespmem:v24+s21+$0x0] =	vst.idx.msk vm1, v7  }
0x46b: {  	v7 =	vld [tilespmem:$0x330];
	_ =	sdelay $0x4  }
0x46c: {  	v8 =	vperm.xlane v7, v0;
	_ =	sdelay $0x1  }
0x46d: {  	v8 =	vmax.f32 v7, v8  }
0x46e: {  	v7 =	vsel vm2, v8, v7  }
0x46f: {  	v8 =	vperm.xlane v7, v2;
	_ =	sdelay $0x1  }
0x470: {  	v26 =	vadd.s32 $0x110, v6;
	v8 =	vmax.f32 v7, v8  }
0x471: {  	v7 =	vsel vm3, v8, v7  }
0x472: {  	v8 =	vperm.xlane v7, v4;
	_ =	sdelay $0x1  }
0x473: {  	v8 =	vmax.f32 v7, v8  }
0x474: {  	v7 =	vsel vm14, v8, v7;
	v8 =	vld.idx.msk [tilespmem:v26+s21+$0x0], vm1  }
0x475: {  	v27 =	vperm.xlane v7, v1;
	_ =	sdelay $0x1  }
0x476: {  	v10 =	vmax.f32 v7, v27  }
0x477: {  	v7 =	vsel vm15, v10, v7  }
0x478: {  	v7 =	vmax.f32 v7, v8  }
0x479: {  	[tilespmem:v26+s21+$0x0] =	vst.idx.msk vm1, v7  }
0x47a: {  	v7 =	vld [tilespmem:$0x470];
	_ =	sdelay $0x4  }
0x47b: {  	v8 =	vperm.xlane v7, v0;
	_ =	sdelay $0x1  }
0x47c: {  	v8 =	vmax.f32 v7, v8  }
0x47d: {  	v7 =	vsel vm2, v8, v7  }
0x47e: {  	v8 =	vperm.xlane v7, v2;
	_ =	sdelay $0x1  }
0x47f: {  	v6 =	vadd.s32 $0x198, v6;
	v8 =	vmax.f32 v7, v8  }
0x480: {  	v7 =	vsel vm3, v8, v7  }
0x481: {  	v8 =	vperm.xlane v7, v4;
	_ =	sdelay $0x1  }
0x482: {  	v8 =	vmax.f32 v7, v8  }
0x483: {  	v7 =	vsel vm14, v8, v7;
	v8 =	vld.idx.msk [tilespmem:v6+s21+$0x0], vm1  }
0x484: {  	v28 =	vperm.xlane v7, v1;
	_ =	sdelay $0x1  }
0x485: {  	v9 =	vmax.f32 v7, v28  }
0x486: {  	v7 =	vsel vm15, v9, v7  }
0x487: {  	v7 =	vmax.f32 v7, v8  }
0x488: {  	[tilespmem:v6+s21+$0x0] =	vst.idx.msk vm1, v7  }
0x489: {  	v6 =	vld [tilespmem:$0x5C0]  }
0x48a: {  	v7 =	vld [tilespmem:$0xC0];
	_ =	sdelay $0x4  }
0x48b: {  	v8 =	vperm.xlane v6, v0;
	v29 =	vperm.xlane v7, v0;
	_ =	sdelay $0x1  }
0x48c: {  	vm2 =	veq.s32 v6, v8;
	v8 =	vperm.xlane v6, v5;
	v9 =	vmax.f32 v7, v29  }
0x48d: {  	v7 =	vsel vm2, v9, v7  }
0x48e: {  	v30 =	vperm.xlane v6, v2;
	vm1 =	vne.s32 v6, v8;
	v8 =	vperm.xlane v7, v2  }
0x48f: {  	vm1 =	vmor vm1, vm0  }
0x490: {  	vm3 =	veq.s32 v6, v30;
	v8 =	vmax.f32 v7, v8  }
0x491: {  	v7 =	vsel vm3, v8, v7  }
0x492: {  	v8 =	vperm.xlane v6, v4;
	v31 =	vperm.xlane v7, v4;
	_ =	sdelay $0x1  }
0x493: {  	vm8 =	veq.s32 v6, v8;
	v8 =	vmax.f32 v7, v31  }
0x494: {  	v7 =	vsel vm8, v8, v7;
	v8 =	vld.idx.msk [tilespmem:v6+s21+$0x0], vm1  }
0x495: {  	v32 =	vperm.xlane v6, v1;
	v33 =	vperm.xlane v7, v1;
	_ =	sdelay $0x1  }
0x496: {  	vm9 =	veq.s32 v6, v32;
	v34 =	vmax.f32 v7, v33  }
0x497: {  	v7 =	vsel vm9, v34, v7  }
0x498: {  	v7 =	vmax.f32 v7, v8  }
0x499: {  	[tilespmem:v6+s21+$0x0] =	vst.idx.msk vm1, v7  }
0x49a: {  	v7 =	vld [tilespmem:$0x200];
	_ =	sdelay $0x4  }
0x49b: {  	v8 =	vperm.xlane v7, v0;
	_ =	sdelay $0x1  }
0x49c: {  	v8 =	vmax.f32 v7, v8  }
0x49d: {  	v7 =	vsel vm2, v8, v7  }
0x49e: {  	v8 =	vperm.xlane v7, v2;
	_ =	sdelay $0x1  }
0x49f: {  	v35 =	vadd.s32 $0x88, v6;
	v8 =	vmax.f32 v7, v8  }
0x4a0: {  	v7 =	vsel vm3, v8, v7  }
0x4a1: {  	v8 =	vperm.xlane v7, v4;
	_ =	sdelay $0x1  }
0x4a2: {  	v8 =	vmax.f32 v7, v8  }
0x4a3: {  	v7 =	vsel vm8, v8, v7;
	v8 =	vld.idx.msk [tilespmem:v35+s21+$0x0], vm1  }
0x4a4: {  	v36 =	vperm.xlane v7, v1;
	_ =	sdelay $0x1  }
0x4a5: {  	v10 =	vmax.f32 v7, v36  }
0x4a6: {  	v7 =	vsel vm9, v10, v7  }
0x4a7: {  	v7 =	vmax.f32 v7, v8  }
0x4a8: {  	[tilespmem:v35+s21+$0x0] =	vst.idx.msk vm1, v7  }
0x4a9: {  	v7 =	vld [tilespmem:$0x340];
	_ =	sdelay $0x4  }
0x4aa: {  	v8 =	vperm.xlane v7, v0;
	_ =	sdelay $0x1  }
0x4ab: {  	v8 =	vmax.f32 v7, v8  }
0x4ac: {  	v7 =	vsel vm2, v8, v7  }
0x4ad: {  	v8 =	vperm.xlane v7, v2;
	_ =	sdelay $0x1  }
0x4ae: {  	v37 =	vadd.s32 $0x110, v6;
	v8 =	vmax.f32 v7, v8  }
0x4af: {  	v7 =	vsel vm3, v8, v7  }
0x4b0: {  	v8 =	vperm.xlane v7, v4;
	_ =	sdelay $0x1  }
0x4b1: {  	v8 =	vmax.f32 v7, v8  }
0x4b2: {  	v7 =	vsel vm8, v8, v7;
	v8 =	vld.idx.msk [tilespmem:v37+s21+$0x0], vm1  }
0x4b3: {  	v38 =	vperm.xlane v7, v1;
	_ =	sdelay $0x1  }
0x4b4: {  	v10 =	vmax.f32 v7, v38  }
0x4b5: {  	v7 =	vsel vm9, v10, v7  }
0x4b6: {  	v7 =	vmax.f32 v7, v8  }
0x4b7: {  	[tilespmem:v37+s21+$0x0] =	vst.idx.msk vm1, v7  }
0x4b8: {  	v7 =	vld [tilespmem:$0x480];
	_ =	sdelay $0x4  }
0x4b9: {  	v8 =	vperm.xlane v7, v0;
	_ =	sdelay $0x1  }
0x4ba: {  	v8 =	vmax.f32 v7, v8  }
0x4bb: {  	v7 =	vsel vm2, v8, v7  }
0x4bc: {  	v8 =	vperm.xlane v7, v2;
	_ =	sdelay $0x1  }
0x4bd: {  	v6 =	vadd.s32 $0x198, v6;
	v8 =	vmax.f32 v7, v8  }
0x4be: {  	v7 =	vsel vm3, v8, v7  }
0x4bf: {  	v8 =	vperm.xlane v7, v4;
	_ =	sdelay $0x1  }
0x4c0: {  	v8 =	vmax.f32 v7, v8  }
0x4c1: {  	v7 =	vsel vm8, v8, v7;
	v8 =	vld.idx.msk [tilespmem:v6+s21+$0x0], vm1  }
0x4c2: {  	v39 =	vperm.xlane v7, v1;
	_ =	sdelay $0x1  }
0x4c3: {  	v9 =	vmax.f32 v7, v39  }
0x4c4: {  	v7 =	vsel vm9, v9, v7  }
0x4c5: {  	v7 =	vmax.f32 v7, v8  }
0x4c6: {  	[tilespmem:v6+s21+$0x0] =	vst.idx.msk vm1, v7  }
0x4c7: {  	v6 =	vld [tilespmem:$0x5D0]  }
0x4c8: {  	v7 =	vld [tilespmem:$0xD0];
	_ =	sdelay $0x4  }
0x4c9: {  	v8 =	vperm.xlane v6, v0;
	v40 =	vperm.xlane v7, v0;
	_ =	sdelay $0x1  }
0x4ca: {  	vm2 =	veq.s32 v6, v8;
	v8 =	vperm.xlane v6, v5;
	v9 =	vmax.f32 v7, v40  }
0x4cb: {  	v7 =	vsel vm2, v9, v7  }
0x4cc: {  	v41 =	vperm.xlane v6, v2;
	vm1 =	vne.s32 v6, v8;
	v8 =	vperm.xlane v7, v2  }
0x4cd: {  	vm1 =	vmor vm1, vm0  }
0x4ce: {  	vm3 =	veq.s32 v6, v41;
	v8 =	vmax.f32 v7, v8  }
0x4cf: {  	v7 =	vsel vm3, v8, v7  }
0x4d0: {  	v8 =	vperm.xlane v6, v4;
	v42 =	vperm.xlane v7, v4;
	_ =	sdelay $0x1  }
0x4d1: {  	vm10 =	veq.s32 v6, v8;
	v8 =	vmax.f32 v7, v42  }
0x4d2: {  	v7 =	vsel vm10, v8, v7;
	v8 =	vld.idx.msk [tilespmem:v6+s21+$0x0], vm1  }
0x4d3: {  	v43 =	vperm.xlane v6, v1;
	v44 =	vperm.xlane v7, v1;
	_ =	sdelay $0x1  }
0x4d4: {  	vm11 =	veq.s32 v6, v43;
	v45 =	vmax.f32 v7, v44  }
0x4d5: {  	v7 =	vsel vm11, v45, v7  }
0x4d6: {  	v7 =	vmax.f32 v7, v8  }
0x4d7: {  	[tilespmem:v6+s21+$0x0] =	vst.idx.msk vm1, v7  }
0x4d8: {  	v7 =	vld [tilespmem:$0x210];
	_ =	sdelay $0x4  }
0x4d9: {  	v8 =	vperm.xlane v7, v0;
	_ =	sdelay $0x1  }
0x4da: {  	v8 =	vmax.f32 v7, v8  }
0x4db: {  	v7 =	vsel vm2, v8, v7  }
0x4dc: {  	v8 =	vperm.xlane v7, v2;
	_ =	sdelay $0x1  }
0x4dd: {  	v46 =	vadd.s32 $0x88, v6;
	v8 =	vmax.f32 v7, v8  }
0x4de: {  	v7 =	vsel vm3, v8, v7  }
0x4df: {  	v8 =	vperm.xlane v7, v4;
	_ =	sdelay $0x1  }
0x4e0: {  	v8 =	vmax.f32 v7, v8  }
0x4e1: {  	v7 =	vsel vm10, v8, v7;
	v8 =	vld.idx.msk [tilespmem:v46+s21+$0x0], vm1  }
0x4e2: {  	v47 =	vperm.xlane v7, v1;
	_ =	sdelay $0x1  }
0x4e3: {  	v10 =	vmax.f32 v7, v47  }
0x4e4: {  	v7 =	vsel vm11, v10, v7  }
0x4e5: {  	v7 =	vmax.f32 v7, v8  }
0x4e6: {  	[tilespmem:v46+s21+$0x0] =	vst.idx.msk vm1, v7  }
0x4e7: {  	v7 =	vld [tilespmem:$0x350];
	_ =	sdelay $0x4  }
0x4e8: {  	v8 =	vperm.xlane v7, v0;
	_ =	sdelay $0x1  }
0x4e9: {  	v8 =	vmax.f32 v7, v8  }
0x4ea: {  	v7 =	vsel vm2, v8, v7  }
0x4eb: {  	v8 =	vperm.xlane v7, v2;
	_ =	sdelay $0x1  }
0x4ec: {  	v48 =	vadd.s32 $0x110, v6;
	v8 =	vmax.f32 v7, v8  }
0x4ed: {  	v7 =	vsel vm3, v8, v7  }
0x4ee: {  	v8 =	vperm.xlane v7, v4;
	_ =	sdelay $0x1  }
0x4ef: {  	v8 =	vmax.f32 v7, v8  }
0x4f0: {  	v7 =	vsel vm10, v8, v7;
	v8 =	vld.idx.msk [tilespmem:v48+s21+$0x0], vm1  }
0x4f1: {  	v49 =	vperm.xlane v7, v1;
	_ =	sdelay $0x1  }
0x4f2: {  	v10 =	vmax.f32 v7, v49  }
0x4f3: {  	v7 =	vsel vm11, v10, v7  }
0x4f4: {  	v7 =	vmax.f32 v7, v8  }
0x4f5: {  	[tilespmem:v48+s21+$0x0] =	vst.idx.msk vm1, v7  }
0x4f6: {  	v7 =	vld [tilespmem:$0x490];
	_ =	sdelay $0x4  }
0x4f7: {  	v8 =	vperm.xlane v7, v0;
	_ =	sdelay $0x1  }
0x4f8: {  	v8 =	vmax.f32 v7, v8  }
0x4f9: {  	v7 =	vsel vm2, v8, v7  }
0x4fa: {  	v8 =	vperm.xlane v7, v2;
	_ =	sdelay $0x1  }
0x4fb: {  	v6 =	vadd.s32 $0x198, v6;
	v8 =	vmax.f32 v7, v8  }
0x4fc: {  	v7 =	vsel vm3, v8, v7  }
0x4fd: {  	v8 =	vperm.xlane v7, v4;
	_ =	sdelay $0x1  }
0x4fe: {  	v8 =	vmax.f32 v7, v8  }
0x4ff: {  	v7 =	vsel vm10, v8, v7;
	v8 =	vld.idx.msk [tilespmem:v6+s21+$0x0], vm1  }
0x500: {  	v50 =	vperm.xlane v7, v1;
	_ =	sdelay $0x1  }
0x501: {  	v9 =	vmax.f32 v7, v50  }
0x502: {  	v7 =	vsel vm11, v9, v7  }
0x503: {  	v7 =	vmax.f32 v7, v8  }
0x504: {  	[tilespmem:v6+s21+$0x0] =	vst.idx.msk vm1, v7  }
0x505: {  	v6 =	vld [tilespmem:$0x5E0]  }
0x506: {  	v7 =	vld [tilespmem:$0xE0];
	_ =	sdelay $0x4  }
0x507: {  	v8 =	vperm.xlane v6, v0;
	v51 =	vperm.xlane v7, v0;
	_ =	sdelay $0x1  }
0x508: {  	vm2 =	veq.s32 v6, v8;
	v8 =	vperm.xlane v6, v5;
	v9 =	vmax.f32 v7, v51  }
0x509: {  	v7 =	vsel vm2, v9, v7  }
0x50a: {  	v52 =	vperm.xlane v6, v2;
	vm1 =	vne.s32 v6, v8;
	v8 =	vperm.xlane v7, v2  }
0x50b: {  	vm1 =	vmor vm1, vm0  }
0x50c: {  	vm3 =	veq.s32 v6, v52;
	v8 =	vmax.f32 v7, v8  }
0x50d: {  	v7 =	vsel vm3, v8, v7  }
0x50e: {  	v8 =	vperm.xlane v6, v4;
	v53 =	vperm.xlane v7, v4;
	_ =	sdelay $0x1  }
0x50f: {  	vm12 =	veq.s32 v6, v8;
	v8 =	vmax.f32 v7, v53  }
0x510: {  	v7 =	vsel vm12, v8, v7;
	v8 =	vld.idx.msk [tilespmem:v6+s21+$0x0], vm1  }
0x511: {  	v54 =	vperm.xlane v6, v1;
	v55 =	vperm.xlane v7, v1;
	_ =	sdelay $0x1  }
0x512: {  	vm13 =	veq.s32 v6, v54;
	v56 =	vmax.f32 v7, v55  }
0x513: {  	v7 =	vsel vm13, v56, v7  }
0x514: {  	v7 =	vmax.f32 v7, v8  }
0x515: {  	[tilespmem:v6+s21+$0x0] =	vst.idx.msk vm1, v7  }
0x516: {  	v7 =	vld [tilespmem:$0x220];
	_ =	sdelay $0x4  }
0x517: {  	v8 =	vperm.xlane v7, v0;
	_ =	sdelay $0x1  }
0x518: {  	v8 =	vmax.f32 v7, v8  }
0x519: {  	v7 =	vsel vm2, v8, v7  }
0x51a: {  	v8 =	vperm.xlane v7, v2;
	_ =	sdelay $0x1  }
0x51b: {  	v57 =	vadd.s32 $0x88, v6;
	v8 =	vmax.f32 v7, v8  }
0x51c: {  	v7 =	vsel vm3, v8, v7  }
0x51d: {  	v8 =	vperm.xlane v7, v4;
	_ =	sdelay $0x1  }
0x51e: {  	v8 =	vmax.f32 v7, v8  }
0x51f: {  	v7 =	vsel vm12, v8, v7;
	v8 =	vld.idx.msk [tilespmem:v57+s21+$0x0], vm1  }
0x520: {  	v58 =	vperm.xlane v7, v1;
	_ =	sdelay $0x1  }
0x521: {  	v10 =	vmax.f32 v7, v58  }
0x522: {  	v7 =	vsel vm13, v10, v7  }
0x523: {  	v7 =	vmax.f32 v7, v8  }
0x524: {  	[tilespmem:v57+s21+$0x0] =	vst.idx.msk vm1, v7  }
0x525: {  	v7 =	vld [tilespmem:$0x360];
	_ =	sdelay $0x4  }
0x526: {  	v8 =	vperm.xlane v7, v0;
	_ =	sdelay $0x1  }
0x527: {  	v8 =	vmax.f32 v7, v8  }
0x528: {  	v7 =	vsel vm2, v8, v7  }
0x529: {  	v8 =	vperm.xlane v7, v2;
	_ =	sdelay $0x1  }
0x52a: {  	v59 =	vadd.s32 $0x110, v6;
	v8 =	vmax.f32 v7, v8  }
0x52b: {  	v7 =	vsel vm3, v8, v7  }
0x52c: {  	v8 =	vperm.xlane v7, v4;
	_ =	sdelay $0x1  }
0x52d: {  	v8 =	vmax.f32 v7, v8  }
0x52e: {  	v7 =	vsel vm12, v8, v7;
	v8 =	vld.idx.msk [tilespmem:v59+s21+$0x0], vm1  }
0x52f: {  	v60 =	vperm.xlane v7, v1;
	_ =	sdelay $0x1  }
0x530: {  	v10 =	vmax.f32 v7, v60  }
0x531: {  	v7 =	vsel vm13, v10, v7  }
0x532: {  	v7 =	vmax.f32 v7, v8  }
0x533: {  	[tilespmem:v59+s21+$0x0] =	vst.idx.msk vm1, v7  }
0x534: {  	v7 =	vld [tilespmem:$0x4A0];
	_ =	sdelay $0x4  }
0x535: {  	v8 =	vperm.xlane v7, v0;
	_ =	sdelay $0x1  }
0x536: {  	v8 =	vmax.f32 v7, v8  }
0x537: {  	v7 =	vsel vm2, v8, v7  }
0x538: {  	v8 =	vperm.xlane v7, v2;
	_ =	sdelay $0x1  }
0x539: {  	v6 =	vadd.s32 $0x198, v6;
	v8 =	vmax.f32 v7, v8  }
0x53a: {  	v7 =	vsel vm3, v8, v7  }
0x53b: {  	v8 =	vperm.xlane v7, v4;
	_ =	sdelay $0x1  }
0x53c: {  	v8 =	vmax.f32 v7, v8  }
0x53d: {  	v7 =	vsel vm12, v8, v7;
	v8 =	vld.idx.msk [tilespmem:v6+s21+$0x0], vm1  }
0x53e: {  	v61 =	vperm.xlane v7, v1;
	_ =	sdelay $0x1  }
0x53f: {  	v9 =	vmax.f32 v7, v61  }
0x540: {  	v7 =	vsel vm13, v9, v7  }
0x541: {  	v7 =	vmax.f32 v7, v8  }
0x542: {  	[tilespmem:v6+s21+$0x0] =	vst.idx.msk vm1, v7  }
0x543: {  	v6 =	vld [tilespmem:$0x5F0]  }
0x544: {  	v7 =	vld [tilespmem:$0xF0];
	_ =	sdelay $0x4  }
0x545: {  	v8 =	vperm.xlane v6, v0;
	v62 =	vperm.xlane v7, v0;
	_ =	sdelay $0x1  }
0x546: {  	vm2 =	veq.s32 v6, v8;
	v8 =	vperm.xlane v6, v5;
	v9 =	vmax.f32 v7, v62  }
0x547: {  	v7 =	vsel vm2, v9, v7  }
0x548: {  	v63 =	vperm.xlane v6, v2;
	vm1 =	vne.s32 v6, v8;
	v8 =	vperm.xlane v7, v2  }
0x549: {  	vm1 =	vmor vm1, vm0  }
0x54a: {  	vm3 =	veq.s32 v6, v63;
	v8 =	vmax.f32 v7, v8  }
0x54b: {  	v7 =	vsel vm3, v8, v7  }
0x54c: {  	v8 =	vperm.xlane v6, v4;
	v12 =	vperm.xlane v7, v4;
	_ =	sdelay $0x1  }
0x54d: {  	vm14 =	veq.s32 v6, v8;
	v8 =	vmax.f32 v7, v12  }
0x54e: {  	v7 =	vsel vm14, v8, v7;
	v8 =	vld.idx.msk [tilespmem:v6+s21+$0x0], vm1  }
0x54f: {  	v13 =	vperm.xlane v6, v1;
	v14 =	vperm.xlane v7, v1;
	_ =	sdelay $0x1  }
0x550: {  	vm15 =	veq.s32 v6, v13;
	v15 =	vmax.f32 v7, v14  }
0x551: {  	v7 =	vsel vm15, v15, v7  }
0x552: {  	v7 =	vmax.f32 v7, v8  }
0x553: {  	[tilespmem:v6+s21+$0x0] =	vst.idx.msk vm1, v7  }
0x554: {  	v7 =	vld [tilespmem:$0x230];
	_ =	sdelay $0x4  }
0x555: {  	v8 =	vperm.xlane v7, v0;
	_ =	sdelay $0x1  }
0x556: {  	v8 =	vmax.f32 v7, v8  }
0x557: {  	v7 =	vsel vm2, v8, v7  }
0x558: {  	v8 =	vperm.xlane v7, v2;
	_ =	sdelay $0x1  }
0x559: {  	v16 =	vadd.s32 $0x88, v6;
	v8 =	vmax.f32 v7, v8  }
0x55a: {  	v7 =	vsel vm3, v8, v7  }
0x55b: {  	v8 =	vperm.xlane v7, v4;
	_ =	sdelay $0x1  }
0x55c: {  	v8 =	vmax.f32 v7, v8  }
0x55d: {  	v7 =	vsel vm14, v8, v7;
	v8 =	vld.idx.msk [tilespmem:v16+s21+$0x0], vm1  }
0x55e: {  	v17 =	vperm.xlane v7, v1;
	_ =	sdelay $0x1  }
0x55f: {  	v10 =	vmax.f32 v7, v17  }
0x560: {  	v7 =	vsel vm15, v10, v7  }
0x561: {  	v7 =	vmax.f32 v7, v8  }
0x562: {  	[tilespmem:v16+s21+$0x0] =	vst.idx.msk vm1, v7  }
0x563: {  	v7 =	vld [tilespmem:$0x370];
	_ =	sdelay $0x4  }
0x564: {  	v8 =	vperm.xlane v7, v0;
	_ =	sdelay $0x1  }
0x565: {  	v8 =	vmax.f32 v7, v8  }
0x566: {  	v7 =	vsel vm2, v8, v7  }
0x567: {  	v8 =	vperm.xlane v7, v2;
	_ =	sdelay $0x1  }
0x568: {  	v18 =	vadd.s32 $0x110, v6;
	v8 =	vmax.f32 v7, v8  }
0x569: {  	v7 =	vsel vm3, v8, v7  }
0x56a: {  	v8 =	vperm.xlane v7, v4;
	_ =	sdelay $0x1  }
0x56b: {  	v8 =	vmax.f32 v7, v8  }
0x56c: {  	v7 =	vsel vm14, v8, v7;
	v8 =	vld.idx.msk [tilespmem:v18+s21+$0x0], vm1  }
0x56d: {  	v19 =	vperm.xlane v7, v1;
	_ =	sdelay $0x1  }
0x56e: {  	v10 =	vmax.f32 v7, v19  }
0x56f: {  	v7 =	vsel vm15, v10, v7  }
0x570: {  	v7 =	vmax.f32 v7, v8  }
0x571: {  	[tilespmem:v18+s21+$0x0] =	vst.idx.msk vm1, v7  }
0x572: {  	v7 =	vld [tilespmem:$0x4B0];
	_ =	sdelay $0x4  }
0x573: {  	v8 =	vperm.xlane v7, v0;
	_ =	sdelay $0x1  }
0x574: {  	v8 =	vmax.f32 v7, v8  }
0x575: {  	v7 =	vsel vm2, v8, v7  }
0x576: {  	v8 =	vperm.xlane v7, v2;
	_ =	sdelay $0x1  }
0x577: {  	v6 =	vadd.s32 $0x198, v6;
	v8 =	vmax.f32 v7, v8  }
0x578: {  	v7 =	vsel vm3, v8, v7  }
0x579: {  	v8 =	vperm.xlane v7, v4;
	_ =	sdelay $0x1  }
0x57a: {  	v8 =	vmax.f32 v7, v8  }
0x57b: {  	v7 =	vsel vm14, v8, v7;
	v8 =	vld.idx.msk [tilespmem:v6+s21+$0x0], vm1  }
0x57c: {  	v20 =	vperm.xlane v7, v1;
	_ =	sdelay $0x1  }
0x57d: {  	v9 =	vmax.f32 v7, v20  }
0x57e: {  	v7 =	vsel vm15, v9, v7  }
0x57f: {  	v7 =	vmax.f32 v7, v8  }
0x580: {  	[tilespmem:v6+s21+$0x0] =	vst.idx.msk vm1, v7  }
0x581: {  	v6 =	vld [tilespmem:$0x600]  }
0x582: {  	v7 =	vld [tilespmem:$0x100];
	_ =	sdelay $0x4  }
0x583: {  	v8 =	vperm.xlane v6, v0;
	v21 =	vperm.xlane v7, v0;
	_ =	sdelay $0x1  }
0x584: {  	vm2 =	veq.s32 v6, v8;
	v8 =	vperm.xlane v6, v5;
	v9 =	vmax.f32 v7, v21  }
0x585: {  	v7 =	vsel vm2, v9, v7  }
0x586: {  	v22 =	vperm.xlane v6, v2;
	vm1 =	vne.s32 v6, v8;
	v8 =	vperm.xlane v7, v2  }
0x587: {  	vm1 =	vmor vm1, vm0  }
0x588: {  	vm3 =	veq.s32 v6, v22;
	v8 =	vmax.f32 v7, v8  }
0x589: {  	v7 =	vsel vm3, v8, v7  }
0x58a: {  	v8 =	vperm.xlane v6, v4;
	v23 =	vperm.xlane v7, v4;
	_ =	sdelay $0x1  }
0x58b: {  	vm8 =	veq.s32 v6, v8;
	v8 =	vmax.f32 v7, v23  }
0x58c: {  	v7 =	vsel vm8, v8, v7;
	v8 =	vld.idx.msk [tilespmem:v6+s21+$0x0], vm1  }
0x58d: {  	v24 =	vperm.xlane v6, v1;
	v25 =	vperm.xlane v7, v1;
	_ =	sdelay $0x1  }
0x58e: {  	vm9 =	veq.s32 v6, v24;
	v26 =	vmax.f32 v7, v25  }
0x58f: {  	v7 =	vsel vm9, v26, v7  }
0x590: {  	v7 =	vmax.f32 v7, v8  }
0x591: {  	[tilespmem:v6+s21+$0x0] =	vst.idx.msk vm1, v7  }
0x592: {  	v7 =	vld [tilespmem:$0x240];
	_ =	sdelay $0x4  }
0x593: {  	v8 =	vperm.xlane v7, v0;
	_ =	sdelay $0x1  }
0x594: {  	v8 =	vmax.f32 v7, v8  }
0x595: {  	v7 =	vsel vm2, v8, v7  }
0x596: {  	v8 =	vperm.xlane v7, v2;
	_ =	sdelay $0x1  }
0x597: {  	v27 =	vadd.s32 $0x88, v6;
	v8 =	vmax.f32 v7, v8  }
0x598: {  	v7 =	vsel vm3, v8, v7  }
0x599: {  	v8 =	vperm.xlane v7, v4;
	_ =	sdelay $0x1  }
0x59a: {  	v8 =	vmax.f32 v7, v8  }
0x59b: {  	v7 =	vsel vm8, v8, v7;
	v8 =	vld.idx.msk [tilespmem:v27+s21+$0x0], vm1  }
0x59c: {  	v28 =	vperm.xlane v7, v1;
	_ =	sdelay $0x1  }
0x59d: {  	v10 =	vmax.f32 v7, v28  }
0x59e: {  	v7 =	vsel vm9, v10, v7  }
0x59f: {  	v7 =	vmax.f32 v7, v8  }
0x5a0: {  	[tilespmem:v27+s21+$0x0] =	vst.idx.msk vm1, v7  }
0x5a1: {  	v7 =	vld [tilespmem:$0x380];
	_ =	sdelay $0x4  }
0x5a2: {  	v8 =	vperm.xlane v7, v0;
	_ =	sdelay $0x1  }
0x5a3: {  	v8 =	vmax.f32 v7, v8  }
0x5a4: {  	v7 =	vsel vm2, v8, v7  }
0x5a5: {  	v8 =	vperm.xlane v7, v2;
	_ =	sdelay $0x1  }
0x5a6: {  	v29 =	vadd.s32 $0x110, v6;
	v8 =	vmax.f32 v7, v8  }
0x5a7: {  	v7 =	vsel vm3, v8, v7  }
0x5a8: {  	v8 =	vperm.xlane v7, v4;
	_ =	sdelay $0x1  }
0x5a9: {  	v8 =	vmax.f32 v7, v8  }
0x5aa: {  	v7 =	vsel vm8, v8, v7;
	v8 =	vld.idx.msk [tilespmem:v29+s21+$0x0], vm1  }
0x5ab: {  	v30 =	vperm.xlane v7, v1;
	_ =	sdelay $0x1  }
0x5ac: {  	v10 =	vmax.f32 v7, v30  }
0x5ad: {  	v7 =	vsel vm9, v10, v7  }
0x5ae: {  	v7 =	vmax.f32 v7, v8  }
0x5af: {  	[tilespmem:v29+s21+$0x0] =	vst.idx.msk vm1, v7  }
0x5b0: {  	v7 =	vld [tilespmem:$0x4C0];
	_ =	sdelay $0x4  }
0x5b1: {  	v8 =	vperm.xlane v7, v0;
	_ =	sdelay $0x1  }
0x5b2: {  	v8 =	vmax.f32 v7, v8  }
0x5b3: {  	v7 =	vsel vm2, v8, v7  }
0x5b4: {  	v8 =	vperm.xlane v7, v2;
	_ =	sdelay $0x1  }
0x5b5: {  	v6 =	vadd.s32 $0x198, v6;
	v8 =	vmax.f32 v7, v8  }
0x5b6: {  	v7 =	vsel vm3, v8, v7  }
0x5b7: {  	v8 =	vperm.xlane v7, v4;
	_ =	sdelay $0x1  }
0x5b8: {  	v8 =	vmax.f32 v7, v8  }
0x5b9: {  	v7 =	vsel vm8, v8, v7;
	v8 =	vld.idx.msk [tilespmem:v6+s21+$0x0], vm1  }
0x5ba: {  	v31 =	vperm.xlane v7, v1;
	_ =	sdelay $0x1  }
0x5bb: {  	v9 =	vmax.f32 v7, v31  }
0x5bc: {  	v7 =	vsel vm9, v9, v7  }
0x5bd: {  	v7 =	vmax.f32 v7, v8  }
0x5be: {  	[tilespmem:v6+s21+$0x0] =	vst.idx.msk vm1, v7  }
0x5bf: {  	v6 =	vld [tilespmem:$0x610]  }
0x5c0: {  	v7 =	vld [tilespmem:$0x110];
	_ =	sdelay $0x4  }
0x5c1: {  	v8 =	vperm.xlane v6, v0;
	v32 =	vperm.xlane v7, v0;
	_ =	sdelay $0x1  }
0x5c2: {  	vm2 =	veq.s32 v6, v8;
	v8 =	vperm.xlane v6, v5;
	v9 =	vmax.f32 v7, v32  }
0x5c3: {  	v7 =	vsel vm2, v9, v7  }
0x5c4: {  	v33 =	vperm.xlane v6, v2;
	vm1 =	vne.s32 v6, v8;
	v8 =	vperm.xlane v7, v2  }
0x5c5: {  	vm1 =	vmor vm1, vm0  }
0x5c6: {  	vm3 =	veq.s32 v6, v33;
	v8 =	vmax.f32 v7, v8  }
0x5c7: {  	v7 =	vsel vm3, v8, v7  }
0x5c8: {  	v8 =	vperm.xlane v6, v4;
	v34 =	vperm.xlane v7, v4;
	_ =	sdelay $0x1  }
0x5c9: {  	vm10 =	veq.s32 v6, v8;
	v8 =	vmax.f32 v7, v34  }
0x5ca: {  	v7 =	vsel vm10, v8, v7;
	v8 =	vld.idx.msk [tilespmem:v6+s21+$0x0], vm1  }
0x5cb: {  	v35 =	vperm.xlane v6, v1;
	v36 =	vperm.xlane v7, v1;
	_ =	sdelay $0x1  }
0x5cc: {  	vm11 =	veq.s32 v6, v35;
	v37 =	vmax.f32 v7, v36  }
0x5cd: {  	v7 =	vsel vm11, v37, v7  }
0x5ce: {  	v7 =	vmax.f32 v7, v8  }
0x5cf: {  	[tilespmem:v6+s21+$0x0] =	vst.idx.msk vm1, v7  }
0x5d0: {  	v7 =	vld [tilespmem:$0x250];
	_ =	sdelay $0x4  }
0x5d1: {  	v8 =	vperm.xlane v7, v0;
	_ =	sdelay $0x1  }
0x5d2: {  	v8 =	vmax.f32 v7, v8  }
0x5d3: {  	v7 =	vsel vm2, v8, v7  }
0x5d4: {  	v8 =	vperm.xlane v7, v2;
	_ =	sdelay $0x1  }
0x5d5: {  	v38 =	vadd.s32 $0x88, v6;
	v8 =	vmax.f32 v7, v8  }
0x5d6: {  	v7 =	vsel vm3, v8, v7  }
0x5d7: {  	v8 =	vperm.xlane v7, v4;
	_ =	sdelay $0x1  }
0x5d8: {  	v8 =	vmax.f32 v7, v8  }
0x5d9: {  	v7 =	vsel vm10, v8, v7;
	v8 =	vld.idx.msk [tilespmem:v38+s21+$0x0], vm1  }
0x5da: {  	v39 =	vperm.xlane v7, v1;
	_ =	sdelay $0x1  }
0x5db: {  	v10 =	vmax.f32 v7, v39  }
0x5dc: {  	v7 =	vsel vm11, v10, v7  }
0x5dd: {  	v7 =	vmax.f32 v7, v8  }
0x5de: {  	[tilespmem:v38+s21+$0x0] =	vst.idx.msk vm1, v7  }
0x5df: {  	v7 =	vld [tilespmem:$0x390];
	_ =	sdelay $0x4  }
0x5e0: {  	v8 =	vperm.xlane v7, v0;
	_ =	sdelay $0x1  }
0x5e1: {  	v8 =	vmax.f32 v7, v8  }
0x5e2: {  	v7 =	vsel vm2, v8, v7  }
0x5e3: {  	v8 =	vperm.xlane v7, v2;
	_ =	sdelay $0x1  }
0x5e4: {  	v40 =	vadd.s32 $0x110, v6;
	v8 =	vmax.f32 v7, v8  }
0x5e5: {  	v7 =	vsel vm3, v8, v7  }
0x5e6: {  	v8 =	vperm.xlane v7, v4;
	_ =	sdelay $0x1  }
0x5e7: {  	v8 =	vmax.f32 v7, v8  }
0x5e8: {  	v7 =	vsel vm10, v8, v7;
	v8 =	vld.idx.msk [tilespmem:v40+s21+$0x0], vm1  }
0x5e9: {  	v41 =	vperm.xlane v7, v1;
	_ =	sdelay $0x1  }
0x5ea: {  	v10 =	vmax.f32 v7, v41  }
0x5eb: {  	v7 =	vsel vm11, v10, v7  }
0x5ec: {  	v7 =	vmax.f32 v7, v8  }
0x5ed: {  	[tilespmem:v40+s21+$0x0] =	vst.idx.msk vm1, v7  }
0x5ee: {  	v7 =	vld [tilespmem:$0x4D0];
	_ =	sdelay $0x4  }
0x5ef: {  	v8 =	vperm.xlane v7, v0;
	_ =	sdelay $0x1  }
0x5f0: {  	v8 =	vmax.f32 v7, v8  }
0x5f1: {  	v7 =	vsel vm2, v8, v7  }
0x5f2: {  	v8 =	vperm.xlane v7, v2;
	_ =	sdelay $0x1  }
0x5f3: {  	v6 =	vadd.s32 $0x198, v6;
	v8 =	vmax.f32 v7, v8  }
0x5f4: {  	v7 =	vsel vm3, v8, v7  }
0x5f5: {  	v8 =	vperm.xlane v7, v4;
	_ =	sdelay $0x1  }
0x5f6: {  	v8 =	vmax.f32 v7, v8  }
0x5f7: {  	v7 =	vsel vm10, v8, v7;
	v8 =	vld.idx.msk [tilespmem:v6+s21+$0x0], vm1  }
0x5f8: {  	v42 =	vperm.xlane v7, v1;
	_ =	sdelay $0x1  }
0x5f9: {  	v9 =	vmax.f32 v7, v42  }
0x5fa: {  	v7 =	vsel vm11, v9, v7  }
0x5fb: {  	v7 =	vmax.f32 v7, v8  }
0x5fc: {  	[tilespmem:v6+s21+$0x0] =	vst.idx.msk vm1, v7  }
0x5fd: {  	v6 =	vld [tilespmem:$0x620]  }
0x5fe: {  	v7 =	vld [tilespmem:$0x120];
	_ =	sdelay $0x4  }
0x5ff: {  	v8 =	vperm.xlane v6, v0;
	v43 =	vperm.xlane v7, v0;
	_ =	sdelay $0x1  }
0x600: {  	vm2 =	veq.s32 v6, v8;
	v8 =	vperm.xlane v6, v5;
	v9 =	vmax.f32 v7, v43  }
0x601: {  	v7 =	vsel vm2, v9, v7  }
0x602: {  	v44 =	vperm.xlane v6, v2;
	vm1 =	vne.s32 v6, v8;
	v8 =	vperm.xlane v7, v2  }
0x603: {  	vm1 =	vmor vm1, vm0  }
0x604: {  	vm3 =	veq.s32 v6, v44;
	v8 =	vmax.f32 v7, v8  }
0x605: {  	v7 =	vsel vm3, v8, v7  }
0x606: {  	v8 =	vperm.xlane v6, v4;
	v45 =	vperm.xlane v7, v4;
	_ =	sdelay $0x1  }
0x607: {  	vm12 =	veq.s32 v6, v8;
	v8 =	vmax.f32 v7, v45  }
0x608: {  	v7 =	vsel vm12, v8, v7;
	v8 =	vld.idx.msk [tilespmem:v6+s21+$0x0], vm1  }
0x609: {  	v46 =	vperm.xlane v6, v1;
	v47 =	vperm.xlane v7, v1;
	_ =	sdelay $0x1  }
0x60a: {  	vm13 =	veq.s32 v6, v46;
	v48 =	vmax.f32 v7, v47  }
0x60b: {  	v7 =	vsel vm13, v48, v7  }
0x60c: {  	v7 =	vmax.f32 v7, v8  }
0x60d: {  	[tilespmem:v6+s21+$0x0] =	vst.idx.msk vm1, v7  }
0x60e: {  	v7 =	vld [tilespmem:$0x260];
	_ =	sdelay $0x4  }
0x60f: {  	v8 =	vperm.xlane v7, v0;
	_ =	sdelay $0x1  }
0x610: {  	v8 =	vmax.f32 v7, v8  }
0x611: {  	v7 =	vsel vm2, v8, v7  }
0x612: {  	v8 =	vperm.xlane v7, v2;
	_ =	sdelay $0x1  }
0x613: {  	v49 =	vadd.s32 $0x88, v6;
	v8 =	vmax.f32 v7, v8  }
0x614: {  	v7 =	vsel vm3, v8, v7  }
0x615: {  	v8 =	vperm.xlane v7, v4;
	_ =	sdelay $0x1  }
0x616: {  	v8 =	vmax.f32 v7, v8  }
0x617: {  	v7 =	vsel vm12, v8, v7;
	v8 =	vld.idx.msk [tilespmem:v49+s21+$0x0], vm1  }
0x618: {  	v50 =	vperm.xlane v7, v1;
	_ =	sdelay $0x1  }
0x619: {  	v10 =	vmax.f32 v7, v50  }
0x61a: {  	v7 =	vsel vm13, v10, v7  }
0x61b: {  	v7 =	vmax.f32 v7, v8  }
0x61c: {  	[tilespmem:v49+s21+$0x0] =	vst.idx.msk vm1, v7  }
0x61d: {  	v7 =	vld [tilespmem:$0x3A0];
	_ =	sdelay $0x4  }
0x61e: {  	v8 =	vperm.xlane v7, v0;
	_ =	sdelay $0x1  }
0x61f: {  	v8 =	vmax.f32 v7, v8  }
0x620: {  	v7 =	vsel vm2, v8, v7  }
0x621: {  	v8 =	vperm.xlane v7, v2;
	_ =	sdelay $0x1  }
0x622: {  	v51 =	vadd.s32 $0x110, v6;
	v8 =	vmax.f32 v7, v8  }
0x623: {  	v7 =	vsel vm3, v8, v7  }
0x624: {  	v8 =	vperm.xlane v7, v4;
	_ =	sdelay $0x1  }
0x625: {  	v8 =	vmax.f32 v7, v8  }
0x626: {  	v7 =	vsel vm12, v8, v7;
	v8 =	vld.idx.msk [tilespmem:v51+s21+$0x0], vm1  }
0x627: {  	v52 =	vperm.xlane v7, v1;
	_ =	sdelay $0x1  }
0x628: {  	v10 =	vmax.f32 v7, v52  }
0x629: {  	v7 =	vsel vm13, v10, v7  }
0x62a: {  	v7 =	vmax.f32 v7, v8  }
0x62b: {  	[tilespmem:v51+s21+$0x0] =	vst.idx.msk vm1, v7  }
0x62c: {  	v7 =	vld [tilespmem:$0x4E0];
	_ =	sdelay $0x4  }
0x62d: {  	v8 =	vperm.xlane v7, v0;
	_ =	sdelay $0x1  }
0x62e: {  	v8 =	vmax.f32 v7, v8  }
0x62f: {  	v7 =	vsel vm2, v8, v7  }
0x630: {  	v8 =	vperm.xlane v7, v2;
	_ =	sdelay $0x1  }
0x631: {  	v6 =	vadd.s32 $0x198, v6;
	v8 =	vmax.f32 v7, v8  }
0x632: {  	v7 =	vsel vm3, v8, v7  }
0x633: {  	v8 =	vperm.xlane v7, v4;
	_ =	sdelay $0x1  }
0x634: {  	v8 =	vmax.f32 v7, v8  }
0x635: {  	v7 =	vsel vm12, v8, v7;
	v8 =	vld.idx.msk [tilespmem:v6+s21+$0x0], vm1  }
0x636: {  	v53 =	vperm.xlane v7, v1;
	_ =	sdelay $0x1  }
0x637: {  	v9 =	vmax.f32 v7, v53  }
0x638: {  	v7 =	vsel vm13, v9, v7  }
0x639: {  	v7 =	vmax.f32 v7, v8  }
0x63a: {  	[tilespmem:v6+s21+$0x0] =	vst.idx.msk vm1, v7  }
0x63b: {  	v6 =	vld [tilespmem:$0x630]  }
0x63c: {  	v7 =	vld [tilespmem:$0x130];
	_ =	sdelay $0x4  }
0x63d: {  	v8 =	vperm.xlane v6, v0;
	v54 =	vperm.xlane v7, v0;
	_ =	sdelay $0x1  }
0x63e: {  	vm2 =	veq.s32 v6, v8;
	v8 =	vperm.xlane v6, v5;
	v9 =	vmax.f32 v7, v54  }
0x63f: {  	v7 =	vsel vm2, v9, v7  }
0x640: {  	v55 =	vperm.xlane v6, v2;
	vm1 =	vne.s32 v6, v8;
	v8 =	vperm.xlane v7, v2  }
0x641: {  	vm1 =	vmor vm1, vm0  }
0x642: {  	vm3 =	veq.s32 v6, v55;
	v8 =	vmax.f32 v7, v8  }
0x643: {  	v7 =	vsel vm3, v8, v7  }
0x644: {  	v8 =	vperm.xlane v6, v4;
	v56 =	vperm.xlane v7, v4;
	_ =	sdelay $0x1  }
0x645: {  	vm14 =	veq.s32 v6, v8;
	v8 =	vmax.f32 v7, v56  }
0x646: {  	v7 =	vsel vm14, v8, v7;
	v8 =	vld.idx.msk [tilespmem:v6+s21+$0x0], vm1  }
0x647: {  	v57 =	vperm.xlane v6, v1;
	v58 =	vperm.xlane v7, v1;
	_ =	sdelay $0x1  }
0x648: {  	vm15 =	veq.s32 v6, v57;
	v59 =	vmax.f32 v7, v58  }
0x649: {  	v7 =	vsel vm15, v59, v7  }
0x64a: {  	v7 =	vmax.f32 v7, v8  }
0x64b: {  	[tilespmem:v6+s21+$0x0] =	vst.idx.msk vm1, v7  }
0x64c: {  	v7 =	vld [tilespmem:$0x270];
	_ =	sdelay $0x4  }
0x64d: {  	v8 =	vperm.xlane v7, v0;
	_ =	sdelay $0x1  }
0x64e: {  	v8 =	vmax.f32 v7, v8  }
0x64f: {  	v7 =	vsel vm2, v8, v7  }
0x650: {  	v8 =	vperm.xlane v7, v2;
	_ =	sdelay $0x1  }
0x651: {  	v60 =	vadd.s32 $0x88, v6;
	v8 =	vmax.f32 v7, v8  }
0x652: {  	v7 =	vsel vm3, v8, v7  }
0x653: {  	v8 =	vperm.xlane v7, v4;
	_ =	sdelay $0x1  }
0x654: {  	v8 =	vmax.f32 v7, v8  }
0x655: {  	v7 =	vsel vm14, v8, v7;
	v8 =	vld.idx.msk [tilespmem:v60+s21+$0x0], vm1  }
0x656: {  	v61 =	vperm.xlane v7, v1;
	_ =	sdelay $0x1  }
0x657: {  	v10 =	vmax.f32 v7, v61  }
0x658: {  	v7 =	vsel vm15, v10, v7  }
0x659: {  	v7 =	vmax.f32 v7, v8  }
0x65a: {  	[tilespmem:v60+s21+$0x0] =	vst.idx.msk vm1, v7  }
0x65b: {  	v7 =	vld [tilespmem:$0x3B0];
	_ =	sdelay $0x4  }
0x65c: {  	v8 =	vperm.xlane v7, v0;
	_ =	sdelay $0x1  }
0x65d: {  	v8 =	vmax.f32 v7, v8  }
0x65e: {  	v7 =	vsel vm2, v8, v7  }
0x65f: {  	v8 =	vperm.xlane v7, v2;
	_ =	sdelay $0x1  }
0x660: {  	v62 =	vadd.s32 $0x110, v6;
	v8 =	vmax.f32 v7, v8  }
0x661: {  	v7 =	vsel vm3, v8, v7  }
0x662: {  	v8 =	vperm.xlane v7, v4;
	_ =	sdelay $0x1  }
0x663: {  	v8 =	vmax.f32 v7, v8  }
0x664: {  	v7 =	vsel vm14, v8, v7;
	v8 =	vld.idx.msk [tilespmem:v62+s21+$0x0], vm1  }
0x665: {  	v63 =	vperm.xlane v7, v1;
	_ =	sdelay $0x1  }
0x666: {  	v10 =	vmax.f32 v7, v63  }
0x667: {  	v7 =	vsel vm15, v10, v7  }
0x668: {  	v7 =	vmax.f32 v7, v8  }
0x669: {  	[tilespmem:v62+s21+$0x0] =	vst.idx.msk vm1, v7  }
0x66a: {  	v7 =	vld [tilespmem:$0x4F0];
	_ =	sdelay $0x4  }
0x66b: {  	v8 =	vperm.xlane v7, v0;
	_ =	sdelay $0x1  }
0x66c: {  	v8 =	vmax.f32 v7, v8  }
0x66d: {  	v7 =	vsel vm2, v8, v7  }
0x66e: {  	v8 =	vperm.xlane v7, v2;
	_ =	sdelay $0x1  }
0x66f: {  	v8 =	vmax.f32 v7, v8  }
0x670: {  	v7 =	vsel vm3, v8, v7  }
0x671: {  	v8 =	vperm.xlane v7, v4;
	_ =	sdelay $0x1  }
0x672: {  	v8 =	vmax.f32 v7, v8  }
.Ltmp3:
0x673: {  	v7 =	vsel vm14, v8, v7;
	(pc) =	sbr.rel .LBB2_4-.Ltmp3, $3  }
0x674: {  	v8 =	vperm.xlane v7, v1;
	_ =	sdelay $0x1  }
0x675: {  	v8 =	vmax.f32 v7, v8  }
0x676: {  	v7 =	vsel vm15, v8, v7  }
.LBB2_5:
0x677: {  	_ =	sfence.sel $0x180000  }
0x678: {  	[bflag:$0x0] =	sbarrier.arrive $0xFFFF  }
0x679: {  	p0 =	sne.s32 s0, $0x0;
	_ =	strace $0x90000047  }
0x67a: {  	s0 =	sadd.s32 @!p0 $0x100000, s1;
	[bflag:$0x2] =	sbarrier.arrive $0xFFFF  }
0x67b: {  	[sflag:s0] =	ssyncadd.tile.s32 @!p0 $0x1;
	_ =	shalt  }
.Lfunc_end2:
_tile_overlayer_lowered:
.L_overlay_start_2:
0x67c: {  	(tag) =	ssettag $0x2  }
0x67d: {  	s0 =	rddreg [dreg:$0x0];
	s2 =	stileid.u32  }
0x67e: {  	s1 =	rddreg [dreg:$0x1];
	p0 =	sne.s32 s2, $0x0  }
0x67f: {  	s3 =	rddreg [dreg:$0x2];
	[bflag:$0x3] =	sbarrier.arrive $0xFFFF;
	s2 =	simm.s32 @!p0 $0x1C03  }
0x680: {  	[timem:s3], [sflag:s2] =	dma.local @!p0 [hbm:s0], s1  }
0x681: {  	s0 =	simm.s32 @!p0 $0x3  }
0x682: {  	_ =	swait.ge @!p0 [sflag:s0], s1  }
0x683: {  	s1 =	ssub.s32 @!p0 $0x0, s1;
	[sflag:s0] =	ssyncset.done @!p0 $0x0  }
0x684: {  	[sflag:s0] =	ssyncadd.s32 @!p0 s1  }
0x685: {  	[bflag:$0x3] =	sbarrier.arrive $0xFFFF  }
0x686: {  	_ =	shalt  }

</sc_bundles>
